<compile_context>
chip_gen: v7x
topology: tpu7x:2x2x1
jax: 0.10.2.dev20260603
libtpu: 0.0.44.dev20260713+nightly
codegen_flags: <defaults>
</compile_context>

<pallas_src>
import jax
import jax.numpy as jnp
from jax import lax
from jax.experimental import pallas as pl
from jax.experimental.pallas import tpu as pltpu
from jax.experimental.pallas import tpu_sc as plsc

NC = 2
NS = 16
CH = 128


def _make_seg_kernel(n_acc, n_src_rows, e_pad, d, with_counts):
  rpt = n_acc // NS
  ept = e_pad // NS
  nch = ept // CH
  npair = nch // 2

  out_type = [jax.ShapeDtypeStruct((n_acc, d), jnp.float32)] * 2
  scratch = [
      pltpu.VMEM_SHARED((n_acc, d), jnp.float32),
      pltpu.VMEM((CH,), jnp.int32),
      pltpu.VMEM((CH,), jnp.int32),
      pltpu.VMEM((CH,), jnp.int32),
      pltpu.VMEM((CH,), jnp.int32),
      pltpu.VMEM((2, CH, d), jnp.float32),
      pltpu.SemaphoreType.DMA,
      pltpu.SemaphoreType.DMA,
      pltpu.SemaphoreType.DMA,
      pltpu.SemaphoreType.DMA,
      pltpu.SemaphoreType.DMA,
      pltpu.SemaphoreType.DMA,
  ]
  if with_counts:
    out_type += [jax.ShapeDtypeStruct((NS, n_acc), jnp.float32)] * 2
    scratch += [
        pltpu.VMEM((n_acc,), jnp.float32),
    ]

  mesh = plsc.VectorSubcoreMesh(core_axis_name="c", subcore_axis_name="s",
                                num_cores=NC, num_subcores=NS)

  def body(*refs):
    if with_counts:
      (x0, x1, s0, d0, s1, d1,
       sum0, sum1, cnt0, cnt1, acc, sidxa, sidxb, didxa, didxb, rows,
       g0, g1, is0, is1, id0, id1, cntl) = refs
    else:
      (x0, x1, s0, d0, s1, d1,
       sum0, sum1, acc, sidxa, sidxb, didxa, didxb, rows,
       g0, g1, is0, is1, id0, id1) = refs
    cid = lax.axis_index("c")
    sid = lax.axis_index("s")
    r0 = sid * rpt
    e0 = sid * ept
    ones16 = jnp.ones((16,), jnp.float32)
    zero16 = jnp.zeros((16,), jnp.float32)

    def fill(buf, value):
      v = jnp.full((16,), value, jnp.float32)

      def fr(r, carry):
        for k in range(d // 16):
          buf[r, pl.ds(k * 16, 16)] = v
        return carry
      lax.fori_loop(0, CH, fr, 0)

    def zero_acc():
      fill(rows.at[1], 0.0)
      for j in range(rpt // CH):
        pltpu.sync_copy(rows.at[1], acc.at[pl.ds(r0 + j * CH, CH)])

    def writeout(o_ref):
      for j in range(rpt // CH):
        pltpu.sync_copy(acc.at[pl.ds(r0 + j * CH, CH)], rows.at[0])
        pltpu.sync_copy(rows.at[0], o_ref.at[pl.ds(r0 + j * CH, CH)])

    def wait_gather(x_hbm, b, sem):
      pltpu.make_async_copy(x_hbm.at[sidxa], rows.at[b], sem).wait()

    zero_acc()
    if with_counts:
      def zc(i, carry):
        cntl[pl.ds(i * 16, 16)] = zero16
        return carry
      lax.fori_loop(0, n_acc // 16, zc, 0)
    plsc.subcore_barrier()

    def count_chunk(didx):
      for k in range(CH // 16):
        iv = didx[pl.ds(k * 16, 16)]
        plsc.addupdate_scatter(cntl, [iv], ones16)

    def wait_idx(i_hbm, buf, sem):
      pltpu.make_async_copy(i_hbm.at[pl.ds(0, CH)], buf, sem).wait()

    def do_edges(x_hbm, s_hbm, d_hbm):
      pltpu.sync_copy(s_hbm.at[pl.ds(e0, CH)], sidxa)
      pltpu.async_copy(x_hbm.at[sidxa], rows.at[0], g0)
      pltpu.async_copy(s_hbm.at[pl.ds(e0 + CH, CH)], sidxb, is1)
      pltpu.async_copy(d_hbm.at[pl.ds(e0, CH)], didxa, id0)

      def half(b, sa, sb, da, db, ga, gb, isb, isa2, ida, idb):
        wait_idx(s_hbm, sb, isb)
        wait_gather(x_hbm, 0 if ga is g0 else 1, ga)
        pltpu.async_copy(x_hbm.at[sb], rows.at[1 if ga is g0 else 0], gb)
        pltpu.async_copy(s_hbm.at[pl.ds(b + 2 * CH, CH)], sa, isa2)
        wait_idx(d_hbm, da, ida)
        pltpu.async_copy(d_hbm.at[pl.ds(b + CH, CH)], db, idb)
        pltpu.sync_copy(rows.at[0 if ga is g0 else 1], acc.at[da], add=True)
        if with_counts:
          count_chunk(da)

      def pair(p, carry):
        b = e0 + 2 * p * CH
        half(b, sidxa, sidxb, didxa, didxb, g0, g1, is1, is0, id0, id1)
        half(b + CH, sidxb, sidxa, didxb, didxa, g1, g0, is0, is1, id1, id0)
        return carry
      lax.fori_loop(0, npair, pair, 0)
      wait_gather(x_hbm, 0, g0)
      wait_idx(s_hbm, sidxb, is1)
      wait_idx(d_hbm, didxa, id0)

    pl.when(cid == 0)(lambda: do_edges(x0, s0, d0))
    pl.when(cid == 1)(lambda: do_edges(x1, s1, d1))
    plsc.subcore_barrier()
    pl.when(cid == 0)(lambda: writeout(sum0))
    pl.when(cid == 1)(lambda: writeout(sum1))

    if with_counts:
      pl.when(cid == 0)(lambda: pltpu.sync_copy(cntl, cnt0.at[sid]))
      pl.when(cid == 1)(lambda: pltpu.sync_copy(cntl, cnt1.at[sid]))

  return pl.kernel(
      body, out_type=out_type, mesh=mesh, scratch_types=scratch,
      compiler_params=pltpu.CompilerParams(needs_layout_passes=False))


def _make_dense_kernel(n, n_acc, d, out_rows):

  def one(s_ref, c_ref, x_ref, wl_ref, bl_ref, wr_ref, g_ref, be_ref, o_ref):
    cnt = jnp.reshape(jnp.sum(c_ref[...], axis=0), (n_acc, 1))[0:n]
    cnt = jnp.maximum(cnt, 1.0)
    mean = s_ref[0:n, :] / cnt
    h = jnp.dot(mean, wl_ref[...], preferred_element_type=jnp.float32)
    h = h + bl_ref[...]
    h = h + jnp.dot(x_ref[...], wr_ref[...], preferred_element_type=jnp.float32)
    mu = jnp.mean(h, axis=0, keepdims=True)
    var = jnp.mean(jnp.square(h - mu), axis=0, keepdims=True)
    y = (h - mu) * lax.rsqrt(var + 1e-5) * g_ref[...] + be_ref[...]
    y = jnp.where(y > 0, y, jnp.exp(jnp.minimum(y, 0.0)) - 1.0)
    o_ref[0:n, :] = y
    if out_rows > n:
      o_ref[n:out_rows, :] = jnp.zeros((out_rows - n, d), jnp.float32)

  def body(s0, c0, x0, wl0, bl0, wr0, g0, be0,
           s1, c1, x1, wl1, bl1, wr1, g1, be1, o0, o1):
    one(s0, c0, x0, wl0, bl0, wr0, g0, be0, o0)
    one(s1, c1, x1, wl1, bl1, wr1, g1, be1, o1)

  return pl.pallas_call(
      body,
      out_shape=[jax.ShapeDtypeStruct((out_rows, d), jnp.float32)] * 2,
  )


def kernel(x_user, x_item, edge_index_ui, edge_index_iu,
           Wl0_ui, bl0_ui, Wr0_ui, Wl0_iu, bl0_iu, Wr0_iu,
           g0_u, be0_u, g0_i, be0_i,
           Wl1_ui, bl1_ui, Wr1_ui, Wl1_iu, bl1_iu, Wr1_iu,
           g1_u, be1_u, g1_i, be1_i):
  n, d = x_user.shape
  e = edge_index_ui.shape[1]

  n_acc = -(-(n + 1) // (NS * CH)) * (NS * CH)
  n_src = n + 8
  e_pad = -(-e // (NS * CH * 2)) * (NS * CH * 2)

  i32 = jnp.int32
  pad_s = jnp.full((e_pad + 2 * CH - e,), n, i32)
  pad_d = jnp.full((e_pad + CH - e,), n, i32)
  s_ui = jnp.concatenate([edge_index_ui[0].astype(i32), pad_s])
  d_ui = jnp.concatenate([edge_index_ui[1].astype(i32), pad_d])
  s_iu = jnp.concatenate([edge_index_iu[0].astype(i32), pad_s])
  d_iu = jnp.concatenate([edge_index_iu[1].astype(i32), pad_d])

  zrow = jnp.zeros((n_src - n, d), jnp.float32)
  xu_pad = jnp.concatenate([x_user, zrow])
  xi_pad = jnp.concatenate([x_item, zrow])

  seg_c = _make_seg_kernel(n_acc, n_src, e_pad, d, with_counts=True)
  seg_n = _make_seg_kernel(n_acc, n_src, e_pad, d, with_counts=False)
  dense_pad = _make_dense_kernel(n, n_acc, d, n_src)
  dense_fin = _make_dense_kernel(n, n_acc, d, n)

  r2 = lambda v: v.reshape(1, d)

  sum_i0, sum_u0, cnt_i, cnt_u = seg_c(
      xu_pad, xi_pad, s_ui, d_ui, s_iu, d_iu)
  i1_pad, u1_pad = dense_pad(
      sum_i0, cnt_i, x_item, Wl0_ui, r2(bl0_ui), Wr0_ui, r2(g0_i), r2(be0_i),
      sum_u0, cnt_u, x_user, Wl0_iu, r2(bl0_iu), Wr0_iu, r2(g0_u), r2(be0_u))

  sum_i1, sum_u1 = seg_n(u1_pad, i1_pad, s_ui, d_ui, s_iu, d_iu)
  i2, u2 = dense_fin(
      sum_i1, cnt_i, i1_pad[0:n], Wl1_ui, r2(bl1_ui), Wr1_ui,
      r2(g1_i), r2(be1_i),
      sum_u1, cnt_u, u1_pad[0:n], Wl1_iu, r2(bl1_iu), Wr1_iu,
      r2(g1_u), r2(be1_u))

  return (x_user, x_item, u1_pad[0:n], i1_pad[0:n], u2, i2)

# --- scband reference (transcript-rebuilt; emitter-appended) ---
"""Pipeline reference for scband-hetero-gnnencoder-71751723647676 (READ-ONLY COPY).

The authoritative reference and input builder live on the scoring server;
editing this copy changes nothing except your own understanding.
"""

import jax, jax.numpy as jnp
import numpy as np

N = 10000
D = 128
E = 320000

def _sage(x_src, x_dst, edge_index, Wl, bl, Wr):
    # PyG SAGEConv with mean aggregation (bipartite): lin_l(mean_aggr(x_src[src] -> dst)) + lin_r(x_dst)
    src = edge_index[0]
    dst = edge_index[1]
    msgs = x_src[src]
    summed = jax.ops.segment_sum(msgs, dst, num_segments=x_dst.shape[0])
    cnt = jax.ops.segment_sum(jnp.ones((edge_index.shape[1],), x_src.dtype), dst, num_segments=x_dst.shape[0])
    mean = summed / jnp.clip(cnt, 1.0, None)[:, None]
    return mean @ Wl + bl + x_dst @ Wr

def _bn(x, g, b, eps=1e-5):
    # BatchNorm1d in training mode (batch statistics, biased variance)
    m = jnp.mean(x, axis=0)
    v = jnp.var(x, axis=0)
    return (x - m) / jnp.sqrt(v + eps) * g + b

def setup_inputs(seed: int = 0) -> dict:
    key = jax.random.key(seed)
    ks = jax.random.split(key, 32)
    s = 1.0 / np.sqrt(D)
    inp = {}
    inp['x_user'] = jax.random.normal(ks[0], (N, D), dtype=jnp.float32)
    inp['x_item'] = jax.random.normal(ks[1], (N, D), dtype=jnp.float32)
    inp['edge_index_ui'] = jax.random.randint(ks[2], (2, E), 0, N, dtype=jnp.int64)
    inp['edge_index_iu'] = jax.random.randint(ks[3], (2, E), 0, N, dtype=jnp.int64)
    # layer 0 SAGE params per edge type
    inp['Wl0_ui'] = jax.random.uniform(ks[4], (D, D), jnp.float32, -s, s)
    inp['bl0_ui'] = jnp.zeros((D,), jnp.float32)
    inp['Wr0_ui'] = jax.random.uniform(ks[5], (D, D), jnp.float32, -s, s)
    inp['Wl0_iu'] = jax.random.uniform(ks[6], (D, D), jnp.float32, -s, s)
    inp['bl0_iu'] = jnp.zeros((D,), jnp.float32)
    inp['Wr0_iu'] = jax.random.uniform(ks[7], (D, D), jnp.float32, -s, s)
    # layer 0 BN params per node type
    inp['g0_u'] = jnp.ones((D,), jnp.float32)
    inp['be0_u'] = jnp.zeros((D,), jnp.float32)
    inp['g0_i'] = jnp.ones((D,), jnp.float32)
    inp['be0_i'] = jnp.zeros((D,), jnp.float32)
    # layer 1 SAGE params per edge type
    inp['Wl1_ui'] = jax.random.uniform(ks[8], (D, D), jnp.float32, -s, s)
    inp['bl1_ui'] = jnp.zeros((D,), jnp.float32)
    inp['Wr1_ui'] = jax.random.uniform(ks[9], (D, D), jnp.float32, -s, s)
    inp['Wl1_iu'] = jax.random.uniform(ks[10], (D, D), jnp.float32, -s, s)
    inp['bl1_iu'] = jnp.zeros((D,), jnp.float32)
    inp['Wr1_iu'] = jax.random.uniform(ks[11], (D, D), jnp.float32, -s, s)
    # layer 1 BN params per node type
    inp['g1_u'] = jnp.ones((D,), jnp.float32)
    inp['be1_u'] = jnp.zeros((D,), jnp.float32)
    inp['g1_i'] = jnp.ones((D,), jnp.float32)
    inp['be1_i'] = jnp.zeros((D,), jnp.float32)
    return inp

def reference(x_user, x_item, edge_index_ui, edge_index_iu,
              Wl0_ui, bl0_ui, Wr0_ui, Wl0_iu, bl0_iu, Wr0_iu,
              g0_u, be0_u, g0_i, be0_i,
              Wl1_ui, bl1_ui, Wr1_ui, Wl1_iu, bl1_iu, Wr1_iu,
              g1_u, be1_u, g1_i, be1_i):
    elu = jax.nn.elu
    # layer 0: HeteroConv over two edge types (sum aggr; one edge type per dst here)
    item_h = _sage(x_user, x_item, edge_index_ui, Wl0_ui, bl0_ui, Wr0_ui)
    user_h = _sage(x_item, x_user, edge_index_iu, Wl0_iu, bl0_iu, Wr0_iu)
    u1 = elu(_bn(user_h, g0_u, be0_u))
    i1 = elu(_bn(item_h, g0_i, be0_i))
    # layer 1
    item_h2 = _sage(u1, i1, edge_index_ui, Wl1_ui, bl1_ui, Wr1_ui)
    user_h2 = _sage(i1, u1, edge_index_iu, Wl1_iu, bl1_iu, Wr1_iu)
    u2 = elu(_bn(user_h2, g1_u, be1_u))
    i2 = elu(_bn(item_h2, g1_i, be1_i))
    # xs = [input x_dict, layer1 x_dict, layer2 x_dict]
    return (x_user, x_item, u1, i1, u2, i2)

if __name__ == "__main__":
    import jax
    _d = setup_inputs()
    print(jax.jit(kernel)(*tuple(_d.values())))

</pallas_src>

<mosaic_0001>
#map = affine_map<(d0, d1) -> (0, 0)>
#map1 = affine_map<(d0, d1) -> (0)>
module attributes {stable_mosaic.version = 14 : i64} {
  func.func @body(%arg0: i32, %arg1: i32, %arg2: memref<10008x128xf32, #tpu.memory_space<hbm>>, %arg3: memref<10008x128xf32, #tpu.memory_space<hbm>>, %arg4: memref<323840xi32, #tpu.memory_space<hbm>>, %arg5: memref<323712xi32, #tpu.memory_space<hbm>>, %arg6: memref<323840xi32, #tpu.memory_space<hbm>>, %arg7: memref<323712xi32, #tpu.memory_space<hbm>>, %arg8: memref<10240x128xf32, #tpu.memory_space<hbm>>, %arg9: memref<10240x128xf32, #tpu.memory_space<hbm>>, %arg10: memref<16x10240xf32, #tpu.memory_space<hbm>>, %arg11: memref<16x10240xf32, #tpu.memory_space<hbm>>, %arg12: memref<10240x128xf32, #tpu.memory_space<vmem_shared>>, %arg13: memref<128xi32, #tpu.memory_space<vmem>>, %arg14: memref<128xi32, #tpu.memory_space<vmem>>, %arg15: memref<128xi32, #tpu.memory_space<vmem>>, %arg16: memref<128xi32, #tpu.memory_space<vmem>>, %arg17: memref<2x128x128xf32, #tpu.memory_space<vmem>>, %arg18: memref<!tpu.dma_semaphore, #tpu.memory_space<semaphore_mem>>, %arg19: memref<!tpu.dma_semaphore, #tpu.memory_space<semaphore_mem>>, %arg20: memref<!tpu.dma_semaphore, #tpu.memory_space<semaphore_mem>>, %arg21: memref<!tpu.dma_semaphore, #tpu.memory_space<semaphore_mem>>, %arg22: memref<!tpu.dma_semaphore, #tpu.memory_space<semaphore_mem>>, %arg23: memref<!tpu.dma_semaphore, #tpu.memory_space<semaphore_mem>>, %arg24: memref<10240xf32, #tpu.memory_space<vmem>>) attributes {dimension_semantics = [#tpu.dimension_semantics<core_parallel>, #tpu.dimension_semantics<subcore_parallel>], iteration_bounds = array<i64: 2, 16>, scalar_prefetch = 0 : i64, scratch_operands = 13 : i64, tpu.core_type = #tpu.core_type<sc_vector_subcore>, window_params = [{transform_indices = #map}, {transform_indices = #map}, {transform_indices = #map1}, {transform_indices = #map1}, {transform_indices = #map1}, {transform_indices = #map1}, {transform_indices = #map}, {transform_indices = #map}, {transform_indices = #map}, {transform_indices = #map}]} {
    %mul3A = arith.constant 640 : i32
    %mul3A_0 = arith.muli %arg1, %mul3A : i32
    %mul3A_1 = arith.constant 20224 : i32
    %mul3A_2 = arith.muli %arg1, %mul3A_1 : i32
    %broadcast_in_dim3A = arith.constant 1.000000e+00 : f32
    %broadcast_in_dim3A_3 = vector.broadcast %broadcast_in_dim3A : f32 to vector<16xf32>
    %broadcast_in_dim3A_4 = arith.constant 0.000000e+00 : f32
    %broadcast_in_dim3A_5 = vector.broadcast %broadcast_in_dim3A_4 : f32 to vector<16xf32>
    %broadcast_in_dim3A_6 = arith.constant 0.000000e+00 : f32
    %broadcast_in_dim3A_7 = vector.broadcast %broadcast_in_dim3A_6 : f32 to vector<16xf32>
    %scan3A = arith.constant 0 : i32
    %scan3A_8 = arith.constant 1 : i32
    %scan3A_9 = arith.constant 0 : i32
    %scan3A_10 = arith.constant 128 : i32
    %scan3A_11 = arith.addi %scan3A_9, %scan3A_10 : i32
    %scan3A_12 = arith.constant 1 : i32
    scf.for %scan3A_61 = %scan3A_9 to %scan3A_11 step %scan3A_12  : i32 {
      %swap3A = arith.constant 0 : i32
      %swap3A_62 = arith.constant 0 : i32
      %swap3A_63 = tpu.memref_slice %arg17[%scan3A_8, %swap3A, %swap3A_62] : memref<2x128x128xf32, #tpu.memory_space<vmem>> -> memref<1x128x128xf32, #tpu.memory_space<vmem>>
      %swap3A_64 = tpu.memref_squeeze %swap3A_63 : memref<1x128x128xf32, #tpu.memory_space<vmem>> -> memref<128x128xf32, #tpu.memory_space<vmem>>
      %swap3A_65 = arith.index_cast %scan3A_61 : i32 to index
      %swap3A_66 = arith.constant 0 : index
      %swap3A_67 = tpu.vector_load %swap3A_64[%swap3A_65, %swap3A_66] {strides = array<i32>} : memref<128x128xf32, #tpu.memory_space<vmem>>, vector<16xf32>,
      tpu.vector_store %swap3A_64[%swap3A_65, %swap3A_66], %broadcast_in_dim3A_7 {strides = array<i32>} : memref<128x128xf32, #tpu.memory_space<vmem>>, vector<16xf32>,
      %swap3A_68 = arith.constant 0 : i32
      %swap3A_69 = arith.constant 0 : i32
      %swap3A_70 = tpu.memref_slice %arg17[%scan3A_8, %swap3A_68, %swap3A_69] : memref<2x128x128xf32, #tpu.memory_space<vmem>> -> memref<1x128x128xf32, #tpu.memory_space<vmem>>
      %swap3A_71 = tpu.memref_squeeze %swap3A_70 : memref<1x128x128xf32, #tpu.memory_space<vmem>> -> memref<128x128xf32, #tpu.memory_space<vmem>>
      %swap3A_72 = arith.index_cast %scan3A_61 : i32 to index
      %swap3A_73 = arith.constant 16 : index
      %swap3A_74 = tpu.vector_load %swap3A_71[%swap3A_72, %swap3A_73] {strides = array<i32>} : memref<128x128xf32, #tpu.memory_space<vmem>>, vector<16xf32>,
      tpu.vector_store %swap3A_71[%swap3A_72, %swap3A_73], %broadcast_in_dim3A_7 {strides = array<i32>} : memref<128x128xf32, #tpu.memory_space<vmem>>, vector<16xf32>,
      %swap3A_75 = arith.constant 0 : i32
      %swap3A_76 = arith.constant 0 : i32
      %swap3A_77 = tpu.memref_slice %arg17[%scan3A_8, %swap3A_75, %swap3A_76] : memref<2x128x128xf32, #tpu.memory_space<vmem>> -> memref<1x128x128xf32, #tpu.memory_space<vmem>>
      %swap3A_78 = tpu.memref_squeeze %swap3A_77 : memref<1x128x128xf32, #tpu.memory_space<vmem>> -> memref<128x128xf32, #tpu.memory_space<vmem>>
      %swap3A_79 = arith.index_cast %scan3A_61 : i32 to index
      %swap3A_80 = arith.constant 32 : index
      %swap3A_81 = tpu.vector_load %swap3A_78[%swap3A_79, %swap3A_80] {strides = array<i32>} : memref<128x128xf32, #tpu.memory_space<vmem>>, vector<16xf32>,
      tpu.vector_store %swap3A_78[%swap3A_79, %swap3A_80], %broadcast_in_dim3A_7 {strides = array<i32>} : memref<128x128xf32, #tpu.memory_space<vmem>>, vector<16xf32>,
      %swap3A_82 = arith.constant 0 : i32
      %swap3A_83 = arith.constant 0 : i32
      %swap3A_84 = tpu.memref_slice %arg17[%scan3A_8, %swap3A_82, %swap3A_83] : memref<2x128x128xf32, #tpu.memory_space<vmem>> -> memref<1x128x128xf32, #tpu.memory_space<vmem>>
      %swap3A_85 = tpu.memref_squeeze %swap3A_84 : memref<1x128x128xf32, #tpu.memory_space<vmem>> -> memref<128x128xf32, #tpu.memory_space<vmem>>
      %swap3A_86 = arith.index_cast %scan3A_61 : i32 to index
      %swap3A_87 = arith.constant 48 : index
      %swap3A_88 = tpu.vector_load %swap3A_85[%swap3A_86, %swap3A_87] {strides = array<i32>} : memref<128x128xf32, #tpu.memory_space<vmem>>, vector<16xf32>,
      tpu.vector_store %swap3A_85[%swap3A_86, %swap3A_87], %broadcast_in_dim3A_7 {strides = array<i32>} : memref<128x128xf32, #tpu.memory_space<vmem>>, vector<16xf32>,
      %swap3A_89 = arith.constant 0 : i32
      %swap3A_90 = arith.constant 0 : i32
      %swap3A_91 = tpu.memref_slice %arg17[%scan3A_8, %swap3A_89, %swap3A_90] : memref<2x128x128xf32, #tpu.memory_space<vmem>> -> memref<1x128x128xf32, #tpu.memory_space<vmem>>
      %swap3A_92 = tpu.memref_squeeze %swap3A_91 : memref<1x128x128xf32, #tpu.memory_space<vmem>> -> memref<128x128xf32, #tpu.memory_space<vmem>>
      %swap3A_93 = arith.index_cast %scan3A_61 : i32 to index
      %swap3A_94 = arith.constant 64 : index
      %swap3A_95 = tpu.vector_load %swap3A_92[%swap3A_93, %swap3A_94] {strides = array<i32>} : memref<128x128xf32, #tpu.memory_space<vmem>>, vector<16xf32>,
      tpu.vector_store %swap3A_92[%swap3A_93, %swap3A_94], %broadcast_in_dim3A_7 {strides = array<i32>} : memref<128x128xf32, #tpu.memory_space<vmem>>, vector<16xf32>,
      %swap3A_96 = arith.constant 0 : i32
      %swap3A_97 = arith.constant 0 : i32
      %swap3A_98 = tpu.memref_slice %arg17[%scan3A_8, %swap3A_96, %swap3A_97] : memref<2x128x128xf32, #tpu.memory_space<vmem>> -> memref<1x128x128xf32, #tpu.memory_space<vmem>>
      %swap3A_99 = tpu.memref_squeeze %swap3A_98 : memref<1x128x128xf32, #tpu.memory_space<vmem>> -> memref<128x128xf32, #tpu.memory_space<vmem>>
      %swap3A_100 = arith.index_cast %scan3A_61 : i32 to index
      %swap3A_101 = arith.constant 80 : index
      %swap3A_102 = tpu.vector_load %swap3A_99[%swap3A_100, %swap3A_101] {strides = array<i32>} : memref<128x128xf32, #tpu.memory_space<vmem>>, vector<16xf32>,
      tpu.vector_store %swap3A_99[%swap3A_100, %swap3A_101], %broadcast_in_dim3A_7 {strides = array<i32>} : memref<128x128xf32, #tpu.memory_space<vmem>>, vector<16xf32>,
      %swap3A_103 = arith.constant 0 : i32
      %swap3A_104 = arith.constant 0 : i32
      %swap3A_105 = tpu.memref_slice %arg17[%scan3A_8, %swap3A_103, %swap3A_104] : memref<2x128x128xf32, #tpu.memory_space<vmem>> -> memref<1x128x128xf32, #tpu.memory_space<vmem>>
      %swap3A_106 = tpu.memref_squeeze %swap3A_105 : memref<1x128x128xf32, #tpu.memory_space<vmem>> -> memref<128x128xf32, #tpu.memory_space<vmem>>
      %swap3A_107 = arith.index_cast %scan3A_61 : i32 to index
      %swap3A_108 = arith.constant 96 : index
      %swap3A_109 = tpu.vector_load %swap3A_106[%swap3A_107, %swap3A_108] {strides = array<i32>} : memref<128x128xf32, #tpu.memory_space<vmem>>, vector<16xf32>,
      tpu.vector_store %swap3A_106[%swap3A_107, %swap3A_108], %broadcast_in_dim3A_7 {strides = array<i32>} : memref<128x128xf32, #tpu.memory_space<vmem>>, vector<16xf32>,
      %swap3A_110 = arith.constant 0 : i32
      %swap3A_111 = arith.constant 0 : i32
      %swap3A_112 = tpu.memref_slice %arg17[%scan3A_8, %swap3A_110, %swap3A_111] : memref<2x128x128xf32, #tpu.memory_space<vmem>> -> memref<1x128x128xf32, #tpu.memory_space<vmem>>
      %swap3A_113 = tpu.memref_squeeze %swap3A_112 : memref<1x128x128xf32, #tpu.memory_space<vmem>> -> memref<128x128xf32, #tpu.memory_space<vmem>>
      %swap3A_114 = arith.index_cast %scan3A_61 : i32 to index
      %swap3A_115 = arith.constant 112 : index
      %swap3A_116 = tpu.vector_load %swap3A_113[%swap3A_114, %swap3A_115] {strides = array<i32>} : memref<128x128xf32, #tpu.memory_space<vmem>>, vector<16xf32>,
      tpu.vector_store %swap3A_113[%swap3A_114, %swap3A_115], %broadcast_in_dim3A_7 {strides = array<i32>} : memref<128x128xf32, #tpu.memory_space<vmem>>, vector<16xf32>,
    }
    %scan3A_13 = arith.constant 128 : i32
    %add3A = arith.constant 0 : i32
    %add3A_14 = arith.addi %mul3A_0, %add3A : i32
    %run_scoped3A = arith.constant 1 : i32
    "tpu.region"() ({
      %run_scoped3A_61 = tpu.sem_alloc : memref<!tpu.dma_semaphore, #tpu.memory_space<semaphore_mem>>
      %dma_start3A = arith.constant 0 : i32
      %dma_start3A_62 = arith.constant 0 : i32
      %dma_start3A_63 = tpu.memref_slice %arg17[%run_scoped3A, %dma_start3A, %dma_start3A_62] : memref<2x128x128xf32, #tpu.memory_space<vmem>> -> memref<1x128x128xf32, #tpu.memory_space<vmem>>
      %dma_start3A_64 = tpu.memref_squeeze %dma_start3A_63 : memref<1x128x128xf32, #tpu.memory_space<vmem>> -> memref<128x128xf32, #tpu.memory_space<vmem>>
      %dma_start3A_65 = arith.constant 0 : i32
      %dma_start3A_66 = tpu.memref_slice %arg12[%add3A_14, %dma_start3A_65] : memref<10240x128xf32, #tpu.memory_space<vmem_shared>> -> memref<128x128xf32, #tpu.memory_space<vmem_shared>>
      %dma_start3A_67 = arith.constant 0 : i32
      %dma_start3A_68 = tpu.memref_slice %arg12[%add3A_14, %dma_start3A_67] : memref<10240x128xf32, #tpu.memory_space<vmem_shared>> -> memref<128x128xf32, #tpu.memory_space<vmem_shared>>
      %dma_start3A_69 = arith.constant 0 : i32
      %dma_start3A_70 = arith.constant 0 : i32
      %dma_start3A_71 = tpu.memref_slice %arg17[%run_scoped3A, %dma_start3A_69, %dma_start3A_70] : memref<2x128x128xf32, #tpu.memory_space<vmem>> -> memref<1x128x128xf32, #tpu.memory_space<vmem>>
      %dma_start3A_72 = tpu.memref_squeeze %dma_start3A_71 : memref<1x128x128xf32, #tpu.memory_space<vmem>> -> memref<128x128xf32, #tpu.memory_space<vmem>>
      tpu.enqueue_dma source(%dma_start3A_72 : memref<128x128xf32, #tpu.memory_space<vmem>>) target(%dma_start3A_68 : memref<128x128xf32, #tpu.memory_space<vmem_shared>>) target_semaphore(%run_scoped3A_61 : memref<!tpu.dma_semaphore, #tpu.memory_space<semaphore_mem>>)
      %dma_wait3A = arith.constant 0 : i32
      %dma_wait3A_73 = arith.constant 0 : i32
      %dma_wait3A_74 = tpu.memref_slice %arg17[%run_scoped3A, %dma_wait3A, %dma_wait3A_73] : memref<2x128x128xf32, #tpu.memory_space<vmem>> -> memref<1x128x128xf32, #tpu.memory_space<vmem>>
      %dma_wait3A_75 = tpu.memref_squeeze %dma_wait3A_74 : memref<1x128x128xf32, #tpu.memory_space<vmem>> -> memref<128x128xf32, #tpu.memory_space<vmem>>
      %dma_wait3A_76 = arith.constant 0 : i32
      %dma_wait3A_77 = tpu.memref_slice %arg12[%add3A_14, %dma_wait3A_76] : memref<10240x128xf32, #tpu.memory_space<vmem_shared>> -> memref<128x128xf32, #tpu.memory_space<vmem_shared>>
      %dma_wait3A_78 = arith.constant 0 : i32
      %dma_wait3A_79 = tpu.memref_slice %arg12[%add3A_14, %dma_wait3A_78] : memref<10240x128xf32, #tpu.memory_space<vmem_shared>> -> memref<128x128xf32, #tpu.memory_space<vmem_shared>>
      %dma_wait3A_80 = arith.constant 0 : i32
      %dma_wait3A_81 = arith.constant 0 : i32
      %dma_wait3A_82 = tpu.memref_slice %arg17[%run_scoped3A, %dma_wait3A_80, %dma_wait3A_81] : memref<2x128x128xf32, #tpu.memory_space<vmem>> -> memref<1x128x128xf32, #tpu.memory_space<vmem>>
      %dma_wait3A_83 = tpu.memref_squeeze %dma_wait3A_82 : memref<1x128x128xf32, #tpu.memory_space<vmem>> -> memref<128x128xf32, #tpu.memory_space<vmem>>
      tpu.wait_dma2 semaphore(%run_scoped3A_61 : memref<!tpu.dma_semaphore, #tpu.memory_space<semaphore_mem>>) src(%dma_wait3A_83 : memref<128x128xf32, #tpu.memory_space<vmem>>) dst(%dma_wait3A_79 : memref<128x128xf32, #tpu.memory_space<vmem_shared>>)
      tpu.yield
    }) : () -> ()
    %add3A_15 = arith.constant 128 : i32
    %add3A_16 = arith.addi %mul3A_0, %add3A_15 : i32
    %run_scoped3A_17 = arith.constant 1 : i32
    "tpu.region"() ({
      %run_scoped3A_61 = tpu.sem_alloc : memref<!tpu.dma_semaphore, #tpu.memory_space<semaphore_mem>>
      %dma_start3A = arith.constant 0 : i32
      %dma_start3A_62 = arith.constant 0 : i32
      %dma_start3A_63 = tpu.memref_slice %arg17[%run_scoped3A_17, %dma_start3A, %dma_start3A_62] : memref<2x128x128xf32, #tpu.memory_space<vmem>> -> memref<1x128x128xf32, #tpu.memory_space<vmem>>
      %dma_start3A_64 = tpu.memref_squeeze %dma_start3A_63 : memref<1x128x128xf32, #tpu.memory_space<vmem>> -> memref<128x128xf32, #tpu.memory_space<vmem>>
      %dma_start3A_65 = arith.constant 0 : i32
      %dma_start3A_66 = tpu.memref_slice %arg12[%add3A_16, %dma_start3A_65] : memref<10240x128xf32, #tpu.memory_space<vmem_shared>> -> memref<128x128xf32, #tpu.memory_space<vmem_shared>>
      %dma_start3A_67 = arith.constant 0 : i32
      %dma_start3A_68 = tpu.memref_slice %arg12[%add3A_16, %dma_start3A_67] : memref<10240x128xf32, #tpu.memory_space<vmem_shared>> -> memref<128x128xf32, #tpu.memory_space<vmem_shared>>
      %dma_start3A_69 = arith.constant 0 : i32
      %dma_start3A_70 = arith.constant 0 : i32
      %dma_start3A_71 = tpu.memref_slice %arg17[%run_scoped3A_17, %dma_start3A_69, %dma_start3A_70] : memref<2x128x128xf32, #tpu.memory_space<vmem>> -> memref<1x128x128xf32, #tpu.memory_space<vmem>>
      %dma_start3A_72 = tpu.memref_squeeze %dma_start3A_71 : memref<1x128x128xf32, #tpu.memory_space<vmem>> -> memref<128x128xf32, #tpu.memory_space<vmem>>
      tpu.enqueue_dma source(%dma_start3A_72 : memref<128x128xf32, #tpu.memory_space<vmem>>) target(%dma_start3A_68 : memref<128x128xf32, #tpu.memory_space<vmem_shared>>) target_semaphore(%run_scoped3A_61 : memref<!tpu.dma_semaphore, #tpu.memory_space<semaphore_mem>>)
      %dma_wait3A = arith.constant 0 : i32
      %dma_wait3A_73 = arith.constant 0 : i32
      %dma_wait3A_74 = tpu.memref_slice %arg17[%run_scoped3A_17, %dma_wait3A, %dma_wait3A_73] : memref<2x128x128xf32, #tpu.memory_space<vmem>> -> memref<1x128x128xf32, #tpu.memory_space<vmem>>
      %dma_wait3A_75 = tpu.memref_squeeze %dma_wait3A_74 : memref<1x128x128xf32, #tpu.memory_space<vmem>> -> memref<128x128xf32, #tpu.memory_space<vmem>>
      %dma_wait3A_76 = arith.constant 0 : i32
      %dma_wait3A_77 = tpu.memref_slice %arg12[%add3A_16, %dma_wait3A_76] : memref<10240x128xf32, #tpu.memory_space<vmem_shared>> -> memref<128x128xf32, #tpu.memory_space<vmem_shared>>
      %dma_wait3A_78 = arith.constant 0 : i32
      %dma_wait3A_79 = tpu.memref_slice %arg12[%add3A_16, %dma_wait3A_78] : memref<10240x128xf32, #tpu.memory_space<vmem_shared>> -> memref<128x128xf32, #tpu.memory_space<vmem_shared>>
      %dma_wait3A_80 = arith.constant 0 : i32
      %dma_wait3A_81 = arith.constant 0 : i32
      %dma_wait3A_82 = tpu.memref_slice %arg17[%run_scoped3A_17, %dma_wait3A_80, %dma_wait3A_81] : memref<2x128x128xf32, #tpu.memory_space<vmem>> -> memref<1x128x128xf32, #tpu.memory_space<vmem>>
      %dma_wait3A_83 = tpu.memref_squeeze %dma_wait3A_82 : memref<1x128x128xf32, #tpu.memory_space<vmem>> -> memref<128x128xf32, #tpu.memory_space<vmem>>
      tpu.wait_dma2 semaphore(%run_scoped3A_61 : memref<!tpu.dma_semaphore, #tpu.memory_space<semaphore_mem>>) src(%dma_wait3A_83 : memref<128x128xf32, #tpu.memory_space<vmem>>) dst(%dma_wait3A_79 : memref<128x128xf32, #tpu.memory_space<vmem_shared>>)
      tpu.yield
    }) : () -> ()
    %add3A_18 = arith.constant 256 : i32
    %add3A_19 = arith.addi %mul3A_0, %add3A_18 : i32
    %run_scoped3A_20 = arith.constant 1 : i32
    "tpu.region"() ({
      %run_scoped3A_61 = tpu.sem_alloc : memref<!tpu.dma_semaphore, #tpu.memory_space<semaphore_mem>>
      %dma_start3A = arith.constant 0 : i32
      %dma_start3A_62 = arith.constant 0 : i32
      %dma_start3A_63 = tpu.memref_slice %arg17[%run_scoped3A_20, %dma_start3A, %dma_start3A_62] : memref<2x128x128xf32, #tpu.memory_space<vmem>> -> memref<1x128x128xf32, #tpu.memory_space<vmem>>
      %dma_start3A_64 = tpu.memref_squeeze %dma_start3A_63 : memref<1x128x128xf32, #tpu.memory_space<vmem>> -> memref<128x128xf32, #tpu.memory_space<vmem>>
      %dma_start3A_65 = arith.constant 0 : i32
      %dma_start3A_66 = tpu.memref_slice %arg12[%add3A_19, %dma_start3A_65] : memref<10240x128xf32, #tpu.memory_space<vmem_shared>> -> memref<128x128xf32, #tpu.memory_space<vmem_shared>>
      %dma_start3A_67 = arith.constant 0 : i32
      %dma_start3A_68 = tpu.memref_slice %arg12[%add3A_19, %dma_start3A_67] : memref<10240x128xf32, #tpu.memory_space<vmem_shared>> -> memref<128x128xf32, #tpu.memory_space<vmem_shared>>
      %dma_start3A_69 = arith.constant 0 : i32
      %dma_start3A_70 = arith.constant 0 : i32
      %dma_start3A_71 = tpu.memref_slice %arg17[%run_scoped3A_20, %dma_start3A_69, %dma_start3A_70] : memref<2x128x128xf32, #tpu.memory_space<vmem>> -> memref<1x128x128xf32, #tpu.memory_space<vmem>>
      %dma_start3A_72 = tpu.memref_squeeze %dma_start3A_71 : memref<1x128x128xf32, #tpu.memory_space<vmem>> -> memref<128x128xf32, #tpu.memory_space<vmem>>
      tpu.enqueue_dma source(%dma_start3A_72 : memref<128x128xf32, #tpu.memory_space<vmem>>) target(%dma_start3A_68 : memref<128x128xf32, #tpu.memory_space<vmem_shared>>) target_semaphore(%run_scoped3A_61 : memref<!tpu.dma_semaphore, #tpu.memory_space<semaphore_mem>>)
      %dma_wait3A = arith.constant 0 : i32
      %dma_wait3A_73 = arith.constant 0 : i32
      %dma_wait3A_74 = tpu.memref_slice %arg17[%run_scoped3A_20, %dma_wait3A, %dma_wait3A_73] : memref<2x128x128xf32, #tpu.memory_space<vmem>> -> memref<1x128x128xf32, #tpu.memory_space<vmem>>
      %dma_wait3A_75 = tpu.memref_squeeze %dma_wait3A_74 : memref<1x128x128xf32, #tpu.memory_space<vmem>> -> memref<128x128xf32, #tpu.memory_space<vmem>>
      %dma_wait3A_76 = arith.constant 0 : i32
      %dma_wait3A_77 = tpu.memref_slice %arg12[%add3A_19, %dma_wait3A_76] : memref<10240x128xf32, #tpu.memory_space<vmem_shared>> -> memref<128x128xf32, #tpu.memory_space<vmem_shared>>
      %dma_wait3A_78 = arith.constant 0 : i32
      %dma_wait3A_79 = tpu.memref_slice %arg12[%add3A_19, %dma_wait3A_78] : memref<10240x128xf32, #tpu.memory_space<vmem_shared>> -> memref<128x128xf32, #tpu.memory_space<vmem_shared>>
      %dma_wait3A_80 = arith.constant 0 : i32
      %dma_wait3A_81 = arith.constant 0 : i32
      %dma_wait3A_82 = tpu.memref_slice %arg17[%run_scoped3A_20, %dma_wait3A_80, %dma_wait3A_81] : memref<2x128x128xf32, #tpu.memory_space<vmem>> -> memref<1x128x128xf32, #tpu.memory_space<vmem>>
      %dma_wait3A_83 = tpu.memref_squeeze %dma_wait3A_82 : memref<1x128x128xf32, #tpu.memory_space<vmem>> -> memref<128x128xf32, #tpu.memory_space<vmem>>
      tpu.wait_dma2 semaphore(%run_scoped3A_61 : memref<!tpu.dma_semaphore, #tpu.memory_space<semaphore_mem>>) src(%dma_wait3A_83 : memref<128x128xf32, #tpu.memory_space<vmem>>) dst(%dma_wait3A_79 : memref<128x128xf32, #tpu.memory_space<vmem_shared>>)
      tpu.yield
    }) : () -> ()
    %add3A_21 = arith.constant 384 : i32
    %add3A_22 = arith.addi %mul3A_0, %add3A_21 : i32
    %run_scoped3A_23 = arith.constant 1 : i32
    "tpu.region"() ({
      %run_scoped3A_61 = tpu.sem_alloc : memref<!tpu.dma_semaphore, #tpu.memory_space<semaphore_mem>>
      %dma_start3A = arith.constant 0 : i32
      %dma_start3A_62 = arith.constant 0 : i32
      %dma_start3A_63 = tpu.memref_slice %arg17[%run_scoped3A_23, %dma_start3A, %dma_start3A_62] : memref<2x128x128xf32, #tpu.memory_space<vmem>> -> memref<1x128x128xf32, #tpu.memory_space<vmem>>
      %dma_start3A_64 = tpu.memref_squeeze %dma_start3A_63 : memref<1x128x128xf32, #tpu.memory_space<vmem>> -> memref<128x128xf32, #tpu.memory_space<vmem>>
      %dma_start3A_65 = arith.constant 0 : i32
      %dma_start3A_66 = tpu.memref_slice %arg12[%add3A_22, %dma_start3A_65] : memref<10240x128xf32, #tpu.memory_space<vmem_shared>> -> memref<128x128xf32, #tpu.memory_space<vmem_shared>>
      %dma_start3A_67 = arith.constant 0 : i32
      %dma_start3A_68 = tpu.memref_slice %arg12[%add3A_22, %dma_start3A_67] : memref<10240x128xf32, #tpu.memory_space<vmem_shared>> -> memref<128x128xf32, #tpu.memory_space<vmem_shared>>
      %dma_start3A_69 = arith.constant 0 : i32
      %dma_start3A_70 = arith.constant 0 : i32
      %dma_start3A_71 = tpu.memref_slice %arg17[%run_scoped3A_23, %dma_start3A_69, %dma_start3A_70] : memref<2x128x128xf32, #tpu.memory_space<vmem>> -> memref<1x128x128xf32, #tpu.memory_space<vmem>>
      %dma_start3A_72 = tpu.memref_squeeze %dma_start3A_71 : memref<1x128x128xf32, #tpu.memory_space<vmem>> -> memref<128x128xf32, #tpu.memory_space<vmem>>
      tpu.enqueue_dma source(%dma_start3A_72 : memref<128x128xf32, #tpu.memory_space<vmem>>) target(%dma_start3A_68 : memref<128x128xf32, #tpu.memory_space<vmem_shared>>) target_semaphore(%run_scoped3A_61 : memref<!tpu.dma_semaphore, #tpu.memory_space<semaphore_mem>>)
      %dma_wait3A = arith.constant 0 : i32
      %dma_wait3A_73 = arith.constant 0 : i32
      %dma_wait3A_74 = tpu.memref_slice %arg17[%run_scoped3A_23, %dma_wait3A, %dma_wait3A_73] : memref<2x128x128xf32, #tpu.memory_space<vmem>> -> memref<1x128x128xf32, #tpu.memory_space<vmem>>
      %dma_wait3A_75 = tpu.memref_squeeze %dma_wait3A_74 : memref<1x128x128xf32, #tpu.memory_space<vmem>> -> memref<128x128xf32, #tpu.memory_space<vmem>>
      %dma_wait3A_76 = arith.constant 0 : i32
      %dma_wait3A_77 = tpu.memref_slice %arg12[%add3A_22, %dma_wait3A_76] : memref<10240x128xf32, #tpu.memory_space<vmem_shared>> -> memref<128x128xf32, #tpu.memory_space<vmem_shared>>
      %dma_wait3A_78 = arith.constant 0 : i32
      %dma_wait3A_79 = tpu.memref_slice %arg12[%add3A_22, %dma_wait3A_78] : memref<10240x128xf32, #tpu.memory_space<vmem_shared>> -> memref<128x128xf32, #tpu.memory_space<vmem_shared>>
      %dma_wait3A_80 = arith.constant 0 : i32
      %dma_wait3A_81 = arith.constant 0 : i32
      %dma_wait3A_82 = tpu.memref_slice %arg17[%run_scoped3A_23, %dma_wait3A_80, %dma_wait3A_81] : memref<2x128x128xf32, #tpu.memory_space<vmem>> -> memref<1x128x128xf32, #tpu.memory_space<vmem>>
      %dma_wait3A_83 = tpu.memref_squeeze %dma_wait3A_82 : memref<1x128x128xf32, #tpu.memory_space<vmem>> -> memref<128x128xf32, #tpu.memory_space<vmem>>
      tpu.wait_dma2 semaphore(%run_scoped3A_61 : memref<!tpu.dma_semaphore, #tpu.memory_space<semaphore_mem>>) src(%dma_wait3A_83 : memref<128x128xf32, #tpu.memory_space<vmem>>) dst(%dma_wait3A_79 : memref<128x128xf32, #tpu.memory_space<vmem_shared>>)
      tpu.yield
    }) : () -> ()
    %add3A_24 = arith.constant 512 : i32
    %add3A_25 = arith.addi %mul3A_0, %add3A_24 : i32
    %run_scoped3A_26 = arith.constant 1 : i32
    "tpu.region"() ({
      %run_scoped3A_61 = tpu.sem_alloc : memref<!tpu.dma_semaphore, #tpu.memory_space<semaphore_mem>>
      %dma_start3A = arith.constant 0 : i32
      %dma_start3A_62 = arith.constant 0 : i32
      %dma_start3A_63 = tpu.memref_slice %arg17[%run_scoped3A_26, %dma_start3A, %dma_start3A_62] : memref<2x128x128xf32, #tpu.memory_space<vmem>> -> memref<1x128x128xf32, #tpu.memory_space<vmem>>
      %dma_start3A_64 = tpu.memref_squeeze %dma_start3A_63 : memref<1x128x128xf32, #tpu.memory_space<vmem>> -> memref<128x128xf32, #tpu.memory_space<vmem>>
      %dma_start3A_65 = arith.constant 0 : i32
      %dma_start3A_66 = tpu.memref_slice %arg12[%add3A_25, %dma_start3A_65] : memref<10240x128xf32, #tpu.memory_space<vmem_shared>> -> memref<128x128xf32, #tpu.memory_space<vmem_shared>>
      %dma_start3A_67 = arith.constant 0 : i32
      %dma_start3A_68 = tpu.memref_slice %arg12[%add3A_25, %dma_start3A_67] : memref<10240x128xf32, #tpu.memory_space<vmem_shared>> -> memref<128x128xf32, #tpu.memory_space<vmem_shared>>
      %dma_start3A_69 = arith.constant 0 : i32
      %dma_start3A_70 = arith.constant 0 : i32
      %dma_start3A_71 = tpu.memref_slice %arg17[%run_scoped3A_26, %dma_start3A_69, %dma_start3A_70] : memref<2x128x128xf32, #tpu.memory_space<vmem>> -> memref<1x128x128xf32, #tpu.memory_space<vmem>>
      %dma_start3A_72 = tpu.memref_squeeze %dma_start3A_71 : memref<1x128x128xf32, #tpu.memory_space<vmem>> -> memref<128x128xf32, #tpu.memory_space<vmem>>
      tpu.enqueue_dma source(%dma_start3A_72 : memref<128x128xf32, #tpu.memory_space<vmem>>) target(%dma_start3A_68 : memref<128x128xf32, #tpu.memory_space<vmem_shared>>) target_semaphore(%run_scoped3A_61 : memref<!tpu.dma_semaphore, #tpu.memory_space<semaphore_mem>>)
      %dma_wait3A = arith.constant 0 : i32
      %dma_wait3A_73 = arith.constant 0 : i32
      %dma_wait3A_74 = tpu.memref_slice %arg17[%run_scoped3A_26, %dma_wait3A, %dma_wait3A_73] : memref<2x128x128xf32, #tpu.memory_space<vmem>> -> memref<1x128x128xf32, #tpu.memory_space<vmem>>
      %dma_wait3A_75 = tpu.memref_squeeze %dma_wait3A_74 : memref<1x128x128xf32, #tpu.memory_space<vmem>> -> memref<128x128xf32, #tpu.memory_space<vmem>>
      %dma_wait3A_76 = arith.constant 0 : i32
      %dma_wait3A_77 = tpu.memref_slice %arg12[%add3A_25, %dma_wait3A_76] : memref<10240x128xf32, #tpu.memory_space<vmem_shared>> -> memref<128x128xf32, #tpu.memory_space<vmem_shared>>
      %dma_wait3A_78 = arith.constant 0 : i32
      %dma_wait3A_79 = tpu.memref_slice %arg12[%add3A_25, %dma_wait3A_78] : memref<10240x128xf32, #tpu.memory_space<vmem_shared>> -> memref<128x128xf32, #tpu.memory_space<vmem_shared>>
      %dma_wait3A_80 = arith.constant 0 : i32
      %dma_wait3A_81 = arith.constant 0 : i32
      %dma_wait3A_82 = tpu.memref_slice %arg17[%run_scoped3A_26, %dma_wait3A_80, %dma_wait3A_81] : memref<2x128x128xf32, #tpu.memory_space<vmem>> -> memref<1x128x128xf32, #tpu.memory_space<vmem>>
      %dma_wait3A_83 = tpu.memref_squeeze %dma_wait3A_82 : memref<1x128x128xf32, #tpu.memory_space<vmem>> -> memref<128x128xf32, #tpu.memory_space<vmem>>
      tpu.wait_dma2 semaphore(%run_scoped3A_61 : memref<!tpu.dma_semaphore, #tpu.memory_space<semaphore_mem>>) src(%dma_wait3A_83 : memref<128x128xf32, #tpu.memory_space<vmem>>) dst(%dma_wait3A_79 : memref<128x128xf32, #tpu.memory_space<vmem_shared>>)
      tpu.yield
    }) : () -> ()
    %scan3A_27 = arith.constant 0 : i32
    %scan3A_28 = arith.constant 0 : i32
    %scan3A_29 = arith.constant 640 : i32
    %scan3A_30 = arith.addi %scan3A_28, %scan3A_29 : i32
    %scan3A_31 = arith.constant 1 : i32
    scf.for %scan3A_61 = %scan3A_28 to %scan3A_30 step %scan3A_31  : i32 {
      %mul3A_62 = arith.constant 16 : i32
      %mul3A_63 = arith.muli %scan3A_61, %mul3A_62 : i32
      %swap3A = arith.index_cast %mul3A_63 : i32 to index
      %swap3A_64 = tpu.vector_load %arg24[%swap3A] {strides = array<i32>} : memref<10240xf32, #tpu.memory_space<vmem>>, vector<16xf32>,
      tpu.vector_store %arg24[%swap3A], %broadcast_in_dim3A_5 {strides = array<i32>} : memref<10240xf32, #tpu.memory_space<vmem>>, vector<16xf32>,
    }
    %scan3A_32 = arith.constant 640 : i32
    %barrier3A = arith.constant 0 : index
    tpu.barrier barrier_id(%barrier3A)
    %eq3A = arith.constant 0 : i32
    %eq3A_33 = arith.cmpi eq, %arg0, %eq3A : i32
    %convert_element_type3A = arith.extui %eq3A_33 : i1 to i32
    %cond3A = arith.constant 0 : i32
    %cond3A_34 = arith.cmpi ne, %convert_element_type3A, %cond3A : i32
    scf.if %cond3A_34 {
      "tpu.region"() ({
        %run_scoped3A_95 = tpu.sem_alloc : memref<!tpu.dma_semaphore, #tpu.memory_space<semaphore_mem>>
        %dma_start3A_96 = tpu.memref_slice %arg4[%mul3A_2] : memref<323840xi32, #tpu.memory_space<hbm>> -> memref<128xi32, #tpu.memory_space<hbm>>
        %dma_start3A_97 = tpu.memref_slice %arg4[%mul3A_2] : memref<323840xi32, #tpu.memory_space<hbm>> -> memref<128xi32, #tpu.memory_space<hbm>>
        tpu.enqueue_dma source(%dma_start3A_97 : memref<128xi32, #tpu.memory_space<hbm>>) target(%arg13 : memref<128xi32, #tpu.memory_space<vmem>>) target_semaphore(%run_scoped3A_95 : memref<!tpu.dma_semaphore, #tpu.memory_space<semaphore_mem>>)
        %dma_wait3A_98 = tpu.memref_slice %arg4[%mul3A_2] : memref<323840xi32, #tpu.memory_space<hbm>> -> memref<128xi32, #tpu.memory_space<hbm>>
        %dma_wait3A_99 = tpu.memref_slice %arg4[%mul3A_2] : memref<323840xi32, #tpu.memory_space<hbm>> -> memref<128xi32, #tpu.memory_space<hbm>>
        tpu.wait_dma2 semaphore(%run_scoped3A_95 : memref<!tpu.dma_semaphore, #tpu.memory_space<semaphore_mem>>) src(%dma_wait3A_99 : memref<128xi32, #tpu.memory_space<hbm>>) dst(%arg13 : memref<128xi32, #tpu.memory_space<vmem>>)
        tpu.yield
      }) : () -> ()
      %dma_start3A = arith.constant 0 : i32
      %dma_start3A_61 = arith.constant 0 : i32
      %dma_start3A_62 = arith.constant 0 : i32
      %dma_start3A_63 = tpu.memref_slice %arg17[%dma_start3A, %dma_start3A_61, %dma_start3A_62] : memref<2x128x128xf32, #tpu.memory_space<vmem>> -> memref<1x128x128xf32, #tpu.memory_space<vmem>>
      %dma_start3A_64 = tpu.memref_squeeze %dma_start3A_63 : memref<1x128x128xf32, #tpu.memory_space<vmem>> -> memref<128x128xf32, #tpu.memory_space<vmem>>
      %dma_start3A_65 = arith.constant 0 : i32
      %dma_start3A_66 = arith.constant 0 : i32
      %dma_start3A_67 = tpu.memref_slice %arg2[%dma_start3A_65, %dma_start3A_66] : memref<10008x128xf32, #tpu.memory_space<hbm>> -> memref<10008x128xf32, #tpu.memory_space<hbm>>
      tpu.enqueue_indirect_dma source(%dma_start3A_67 : memref<10008x128xf32, #tpu.memory_space<hbm>>) target(%dma_start3A_64 : memref<128x128xf32, #tpu.memory_space<vmem>>) offsets(%arg13 : memref<128xi32, #tpu.memory_space<vmem>>) semaphore(%arg18 : memref<!tpu.dma_semaphore, #tpu.memory_space<semaphore_mem>>)
      %add3A_68 = arith.constant 128 : i32
      %add3A_69 = arith.addi %mul3A_2, %add3A_68 : i32
      %dma_start3A_70 = tpu.memref_slice %arg4[%add3A_69] : memref<323840xi32, #tpu.memory_space<hbm>> -> memref<128xi32, #tpu.memory_space<hbm>>
      %dma_start3A_71 = tpu.memref_slice %arg4[%add3A_69] : memref<323840xi32, #tpu.memory_space<hbm>> -> memref<128xi32, #tpu.memory_space<hbm>>
      tpu.enqueue_dma source(%dma_start3A_71 : memref<128xi32, #tpu.memory_space<hbm>>) target(%arg14 : memref<128xi32, #tpu.memory_space<vmem>>) target_semaphore(%arg21 : memref<!tpu.dma_semaphore, #tpu.memory_space<semaphore_mem>>)
      %dma_start3A_72 = tpu.memref_slice %arg5[%mul3A_2] : memref<323712xi32, #tpu.memory_space<hbm>> -> memref<128xi32, #tpu.memory_space<hbm>>
      %dma_start3A_73 = tpu.memref_slice %arg5[%mul3A_2] : memref<323712xi32, #tpu.memory_space<hbm>> -> memref<128xi32, #tpu.memory_space<hbm>>
      tpu.enqueue_dma source(%dma_start3A_73 : memref<128xi32, #tpu.memory_space<hbm>>) target(%arg15 : memref<128xi32, #tpu.memory_space<vmem>>) target_semaphore(%arg22 : memref<!tpu.dma_semaphore, #tpu.memory_space<semaphore_mem>>)
      %scan3A_74 = arith.constant 0 : i32
      %scan3A_75 = arith.constant 0 : i32
      %scan3A_76 = arith.constant 79 : i32
      %scan3A_77 = arith.addi %scan3A_75, %scan3A_76 : i32
      %scan3A_78 = arith.constant 1 : i32
      scf.for %scan3A_95 = %scan3A_75 to %scan3A_77 step %scan3A_78  : i32 {
        %mul3A_96 = arith.constant 2 : i32
        %mul3A_97 = arith.muli %mul3A_96, %scan3A_95 : i32
        %mul3A_98 = arith.constant 128 : i32
        %mul3A_99 = arith.muli %mul3A_97, %mul3A_98 : i32
        %add3A_100 = arith.addi %mul3A_2, %mul3A_99 : i32
        %dma_wait3A_101 = arith.constant 0 : i32
        %dma_wait3A_102 = tpu.memref_slice %arg4[%dma_wait3A_101] : memref<323840xi32, #tpu.memory_space<hbm>> -> memref<128xi32, #tpu.memory_space<hbm>>
        %dma_wait3A_103 = arith.constant 0 : i32
        %dma_wait3A_104 = tpu.memref_slice %arg4[%dma_wait3A_103] : memref<323840xi32, #tpu.memory_space<hbm>> -> memref<128xi32, #tpu.memory_space<hbm>>
        tpu.wait_dma2 semaphore(%arg21 : memref<!tpu.dma_semaphore, #tpu.memory_space<semaphore_mem>>) src(%dma_wait3A_104 : memref<128xi32, #tpu.memory_space<hbm>>) dst(%arg14 : memref<128xi32, #tpu.memory_space<vmem>>)
        %dma_wait3A_105 = arith.constant 0 : i32
        %dma_wait3A_106 = arith.constant 0 : i32
        %dma_wait3A_107 = arith.constant 0 : i32
        %dma_wait3A_108 = tpu.memref_slice %arg17[%dma_wait3A_105, %dma_wait3A_106, %dma_wait3A_107] : memref<2x128x128xf32, #tpu.memory_space<vmem>> -> memref<1x128x128xf32, #tpu.memory_space<vmem>>
        %dma_wait3A_109 = tpu.memref_squeeze %dma_wait3A_108 : memref<1x128x128xf32, #tpu.memory_space<vmem>> -> memref<128x128xf32, #tpu.memory_space<vmem>>
        %dma_wait3A_110 = arith.constant 0 : i32
        %dma_wait3A_111 = arith.constant 0 : i32
        %dma_wait3A_112 = tpu.memref_slice %arg2[%dma_wait3A_110, %dma_wait3A_111] : memref<10008x128xf32, #tpu.memory_space<hbm>> -> memref<10008x128xf32, #tpu.memory_space<hbm>>
        tpu.wait_indirect_dma semaphore(%arg18 : memref<!tpu.dma_semaphore, #tpu.memory_space<semaphore_mem>>) src(%dma_wait3A_112 : memref<10008x128xf32, #tpu.memory_space<hbm>>) dst(%dma_wait3A_109 : memref<128x128xf32, #tpu.memory_space<vmem>>)
        %dma_start3A_113 = arith.constant 1 : i32
        %dma_start3A_114 = arith.constant 0 : i32
        %dma_start3A_115 = arith.constant 0 : i32
        %dma_start3A_116 = tpu.memref_slice %arg17[%dma_start3A_113, %dma_start3A_114, %dma_start3A_115] : memref<2x128x128xf32, #tpu.memory_space<vmem>> -> memref<1x128x128xf32, #tpu.memory_space<vmem>>
        %dma_start3A_117 = tpu.memref_squeeze %dma_start3A_116 : memref<1x128x128xf32, #tpu.memory_space<vmem>> -> memref<128x128xf32, #tpu.memory_space<vmem>>
        %dma_start3A_118 = arith.constant 0 : i32
        %dma_start3A_119 = arith.constant 0 : i32
        %dma_start3A_120 = tpu.memref_slice %arg2[%dma_start3A_118, %dma_start3A_119] : memref<10008x128xf32, #tpu.memory_space<hbm>> -> memref<10008x128xf32, #tpu.memory_space<hbm>>
        tpu.enqueue_indirect_dma source(%dma_start3A_120 : memref<10008x128xf32, #tpu.memory_space<hbm>>) target(%dma_start3A_117 : memref<128x128xf32, #tpu.memory_space<vmem>>) offsets(%arg14 : memref<128xi32, #tpu.memory_space<vmem>>) semaphore(%arg19 : memref<!tpu.dma_semaphore, #tpu.memory_space<semaphore_mem>>)
        %add3A_121 = arith.constant 256 : i32
        %add3A_122 = arith.addi %add3A_100, %add3A_121 : i32
        %dma_start3A_123 = tpu.memref_slice %arg4[%add3A_122] : memref<323840xi32, #tpu.memory_space<hbm>> -> memref<128xi32, #tpu.memory_space<hbm>>
        %dma_start3A_124 = tpu.memref_slice %arg4[%add3A_122] : memref<323840xi32, #tpu.memory_space<hbm>> -> memref<128xi32, #tpu.memory_space<hbm>>
        tpu.enqueue_dma source(%dma_start3A_124 : memref<128xi32, #tpu.memory_space<hbm>>) target(%arg13 : memref<128xi32, #tpu.memory_space<vmem>>) target_semaphore(%arg20 : memref<!tpu.dma_semaphore, #tpu.memory_space<semaphore_mem>>)
        %dma_wait3A_125 = arith.constant 0 : i32
        %dma_wait3A_126 = tpu.memref_slice %arg5[%dma_wait3A_125] : memref<323712xi32, #tpu.memory_space<hbm>> -> memref<128xi32, #tpu.memory_space<hbm>>
        %dma_wait3A_127 = arith.constant 0 : i32
        %dma_wait3A_128 = tpu.memref_slice %arg5[%dma_wait3A_127] : memref<323712xi32, #tpu.memory_space<hbm>> -> memref<128xi32, #tpu.memory_space<hbm>>
        tpu.wait_dma2 semaphore(%arg22 : memref<!tpu.dma_semaphore, #tpu.memory_space<semaphore_mem>>) src(%dma_wait3A_128 : memref<128xi32, #tpu.memory_space<hbm>>) dst(%arg15 : memref<128xi32, #tpu.memory_space<vmem>>)
        %add3A_129 = arith.constant 128 : i32
        %add3A_130 = arith.addi %add3A_100, %add3A_129 : i32
        %dma_start3A_131 = tpu.memref_slice %arg5[%add3A_130] : memref<323712xi32, #tpu.memory_space<hbm>> -> memref<128xi32, #tpu.memory_space<hbm>>
        %dma_start3A_132 = tpu.memref_slice %arg5[%add3A_130] : memref<323712xi32, #tpu.memory_space<hbm>> -> memref<128xi32, #tpu.memory_space<hbm>>
        tpu.enqueue_dma source(%dma_start3A_132 : memref<128xi32, #tpu.memory_space<hbm>>) target(%arg16 : memref<128xi32, #tpu.memory_space<vmem>>) target_semaphore(%arg23 : memref<!tpu.dma_semaphore, #tpu.memory_space<semaphore_mem>>)
        %run_scoped3A_133 = arith.constant 0 : i32
        "tpu.region"() ({
          %run_scoped3A_200 = tpu.sem_alloc : memref<!tpu.dma_semaphore, #tpu.memory_space<semaphore_mem>>
          %dma_start3A_201 = arith.constant 0 : i32
          %dma_start3A_202 = arith.constant 0 : i32
          %dma_start3A_203 = tpu.memref_slice %arg17[%run_scoped3A_133, %dma_start3A_201, %dma_start3A_202] : memref<2x128x128xf32, #tpu.memory_space<vmem>> -> memref<1x128x128xf32, #tpu.memory_space<vmem>>
          %dma_start3A_204 = tpu.memref_squeeze %dma_start3A_203 : memref<1x128x128xf32, #tpu.memory_space<vmem>> -> memref<128x128xf32, #tpu.memory_space<vmem>>
          %dma_start3A_205 = arith.constant 0 : i32
          %dma_start3A_206 = arith.constant 0 : i32
          %dma_start3A_207 = tpu.memref_slice %arg12[%dma_start3A_205, %dma_start3A_206] : memref<10240x128xf32, #tpu.memory_space<vmem_shared>> -> memref<10240x128xf32, #tpu.memory_space<vmem_shared>>
          tpu.enqueue_indirect_dma source(%dma_start3A_204 : memref<128x128xf32, #tpu.memory_space<vmem>>) target(%dma_start3A_207 : memref<10240x128xf32, #tpu.memory_space<vmem_shared>>) offsets(%arg15 : memref<128xi32, #tpu.memory_space<vmem>>) semaphore(%run_scoped3A_200 : memref<!tpu.dma_semaphore, #tpu.memory_space<semaphore_mem>>) {add = true}
          %dma_wait3A_208 = arith.constant 0 : i32
          %dma_wait3A_209 = arith.constant 0 : i32
          %dma_wait3A_210 = tpu.memref_slice %arg17[%run_scoped3A_133, %dma_wait3A_208, %dma_wait3A_209] : memref<2x128x128xf32, #tpu.memory_space<vmem>> -> memref<1x128x128xf32, #tpu.memory_space<vmem>>
          %dma_wait3A_211 = tpu.memref_squeeze %dma_wait3A_210 : memref<1x128x128xf32, #tpu.memory_space<vmem>> -> memref<128x128xf32, #tpu.memory_space<vmem>>
          %dma_wait3A_212 = arith.constant 0 : i32
          %dma_wait3A_213 = arith.constant 0 : i32
          %dma_wait3A_214 = tpu.memref_slice %arg12[%dma_wait3A_212, %dma_wait3A_213] : memref<10240x128xf32, #tpu.memory_space<vmem_shared>> -> memref<10240x128xf32, #tpu.memory_space<vmem_shared>>
          tpu.wait_indirect_dma semaphore(%run_scoped3A_200 : memref<!tpu.dma_semaphore, #tpu.memory_space<semaphore_mem>>) src(%dma_wait3A_211 : memref<128x128xf32, #tpu.memory_space<vmem>>) dst(%dma_wait3A_214 : memref<10240x128xf32, #tpu.memory_space<vmem_shared>>)
          tpu.yield
        }) : () -> ()
        %get3A = arith.constant 0 : index
        %get3A_134 = tpu.vector_load %arg15[%get3A] {strides = array<i32>} : memref<128xi32, #tpu.memory_space<vmem>>, vector<16xi32>,
        tpu.vector_store_idx %arg24[%get3A_134], %broadcast_in_dim3A_3 {add = true} : memref<10240xf32, #tpu.memory_space<vmem>>[vector<16xi32>], vector<16xf32>,
        %get3A_135 = arith.constant 16 : index
        %get3A_136 = tpu.vector_load %arg15[%get3A_135] {strides = array<i32>} : memref<128xi32, #tpu.memory_space<vmem>>, vector<16xi32>,
        tpu.vector_store_idx %arg24[%get3A_136], %broadcast_in_dim3A_3 {add = true} : memref<10240xf32, #tpu.memory_space<vmem>>[vector<16xi32>], vector<16xf32>,
        %get3A_137 = arith.constant 32 : index
        %get3A_138 = tpu.vector_load %arg15[%get3A_137] {strides = array<i32>} : memref<128xi32, #tpu.memory_space<vmem>>, vector<16xi32>,
        tpu.vector_store_idx %arg24[%get3A_138], %broadcast_in_dim3A_3 {add = true} : memref<10240xf32, #tpu.memory_space<vmem>>[vector<16xi32>], vector<16xf32>,
        %get3A_139 = arith.constant 48 : index
        %get3A_140 = tpu.vector_load %arg15[%get3A_139] {strides = array<i32>} : memref<128xi32, #tpu.memory_space<vmem>>, vector<16xi32>,
        tpu.vector_store_idx %arg24[%get3A_140], %broadcast_in_dim3A_3 {add = true} : memref<10240xf32, #tpu.memory_space<vmem>>[vector<16xi32>], vector<16xf32>,
        %get3A_141 = arith.constant 64 : index
        %get3A_142 = tpu.vector_load %arg15[%get3A_141] {strides = array<i32>} : memref<128xi32, #tpu.memory_space<vmem>>, vector<16xi32>,
        tpu.vector_store_idx %arg24[%get3A_142], %broadcast_in_dim3A_3 {add = true} : memref<10240xf32, #tpu.memory_space<vmem>>[vector<16xi32>], vector<16xf32>,
        %get3A_143 = arith.constant 80 : index
        %get3A_144 = tpu.vector_load %arg15[%get3A_143] {strides = array<i32>} : memref<128xi32, #tpu.memory_space<vmem>>, vector<16xi32>,
        tpu.vector_store_idx %arg24[%get3A_144], %broadcast_in_dim3A_3 {add = true} : memref<10240xf32, #tpu.memory_space<vmem>>[vector<16xi32>], vector<16xf32>,
        %get3A_145 = arith.constant 96 : index
        %get3A_146 = tpu.vector_load %arg15[%get3A_145] {strides = array<i32>} : memref<128xi32, #tpu.memory_space<vmem>>, vector<16xi32>,
        tpu.vector_store_idx %arg24[%get3A_146], %broadcast_in_dim3A_3 {add = true} : memref<10240xf32, #tpu.memory_space<vmem>>[vector<16xi32>], vector<16xf32>,
        %get3A_147 = arith.constant 112 : index
        %get3A_148 = tpu.vector_load %arg15[%get3A_147] {strides = array<i32>} : memref<128xi32, #tpu.memory_space<vmem>>, vector<16xi32>,
        tpu.vector_store_idx %arg24[%get3A_148], %broadcast_in_dim3A_3 {add = true} : memref<10240xf32, #tpu.memory_space<vmem>>[vector<16xi32>], vector<16xf32>,
        %add3A_149 = arith.constant 128 : i32
        %add3A_150 = arith.addi %add3A_100, %add3A_149 : i32
        %dma_wait3A_151 = arith.constant 0 : i32
        %dma_wait3A_152 = tpu.memref_slice %arg4[%dma_wait3A_151] : memref<323840xi32, #tpu.memory_space<hbm>> -> memref<128xi32, #tpu.memory_space<hbm>>
        %dma_wait3A_153 = arith.constant 0 : i32
        %dma_wait3A_154 = tpu.memref_slice %arg4[%dma_wait3A_153] : memref<323840xi32, #tpu.memory_space<hbm>> -> memref<128xi32, #tpu.memory_space<hbm>>
        tpu.wait_dma2 semaphore(%arg20 : memref<!tpu.dma_semaphore, #tpu.memory_space<semaphore_mem>>) src(%dma_wait3A_154 : memref<128xi32, #tpu.memory_space<hbm>>) dst(%arg13 : memref<128xi32, #tpu.memory_space<vmem>>)
        %dma_wait3A_155 = arith.constant 1 : i32
        %dma_wait3A_156 = arith.constant 0 : i32
        %dma_wait3A_157 = arith.constant 0 : i32
        %dma_wait3A_158 = tpu.memref_slice %arg17[%dma_wait3A_155, %dma_wait3A_156, %dma_wait3A_157] : memref<2x128x128xf32, #tpu.memory_space<vmem>> -> memref<1x128x128xf32, #tpu.memory_space<vmem>>
        %dma_wait3A_159 = tpu.memref_squeeze %dma_wait3A_158 : memref<1x128x128xf32, #tpu.memory_space<vmem>> -> memref<128x128xf32, #tpu.memory_space<vmem>>
        %dma_wait3A_160 = arith.constant 0 : i32
        %dma_wait3A_161 = arith.constant 0 : i32
        %dma_wait3A_162 = tpu.memref_slice %arg2[%dma_wait3A_160, %dma_wait3A_161] : memref<10008x128xf32, #tpu.memory_space<hbm>> -> memref<10008x128xf32, #tpu.memory_space<hbm>>
        tpu.wait_indirect_dma semaphore(%arg19 : memref<!tpu.dma_semaphore, #tpu.memory_space<semaphore_mem>>) src(%dma_wait3A_162 : memref<10008x128xf32, #tpu.memory_space<hbm>>) dst(%dma_wait3A_159 : memref<128x128xf32, #tpu.memory_space<vmem>>)
        %dma_start3A_163 = arith.constant 0 : i32
        %dma_start3A_164 = arith.constant 0 : i32
        %dma_start3A_165 = arith.constant 0 : i32
        %dma_start3A_166 = tpu.memref_slice %arg17[%dma_start3A_163, %dma_start3A_164, %dma_start3A_165] : memref<2x128x128xf32, #tpu.memory_space<vmem>> -> memref<1x128x128xf32, #tpu.memory_space<vmem>>
        %dma_start3A_167 = tpu.memref_squeeze %dma_start3A_166 : memref<1x128x128xf32, #tpu.memory_space<vmem>> -> memref<128x128xf32, #tpu.memory_space<vmem>>
        %dma_start3A_168 = arith.constant 0 : i32
        %dma_start3A_169 = arith.constant 0 : i32
        %dma_start3A_170 = tpu.memref_slice %arg2[%dma_start3A_168, %dma_start3A_169] : memref<10008x128xf32, #tpu.memory_space<hbm>> -> memref<10008x128xf32, #tpu.memory_space<hbm>>
        tpu.enqueue_indirect_dma source(%dma_start3A_170 : memref<10008x128xf32, #tpu.memory_space<hbm>>) target(%dma_start3A_167 : memref<128x128xf32, #tpu.memory_space<vmem>>) offsets(%arg13 : memref<128xi32, #tpu.memory_space<vmem>>) semaphore(%arg18 : memref<!tpu.dma_semaphore, #tpu.memory_space<semaphore_mem>>)
        %add3A_171 = arith.constant 256 : i32
        %add3A_172 = arith.addi %add3A_150, %add3A_171 : i32
        %dma_start3A_173 = tpu.memref_slice %arg4[%add3A_172] : memref<323840xi32, #tpu.memory_space<hbm>> -> memref<128xi32, #tpu.memory_space<hbm>>
        %dma_start3A_174 = tpu.memref_slice %arg4[%add3A_172] : memref<323840xi32, #tpu.memory_space<hbm>> -> memref<128xi32, #tpu.memory_space<hbm>>
        tpu.enqueue_dma source(%dma_start3A_174 : memref<128xi32, #tpu.memory_space<hbm>>) target(%arg14 : memref<128xi32, #tpu.memory_space<vmem>>) target_semaphore(%arg21 : memref<!tpu.dma_semaphore, #tpu.memory_space<semaphore_mem>>)
        %dma_wait3A_175 = arith.constant 0 : i32
        %dma_wait3A_176 = tpu.memref_slice %arg5[%dma_wait3A_175] : memref<323712xi32, #tpu.memory_space<hbm>> -> memref<128xi32, #tpu.memory_space<hbm>>
        %dma_wait3A_177 = arith.constant 0 : i32
        %dma_wait3A_178 = tpu.memref_slice %arg5[%dma_wait3A_177] : memref<323712xi32, #tpu.memory_space<hbm>> -> memref<128xi32, #tpu.memory_space<hbm>>
        tpu.wait_dma2 semaphore(%arg23 : memref<!tpu.dma_semaphore, #tpu.memory_space<semaphore_mem>>) src(%dma_wait3A_178 : memref<128xi32, #tpu.memory_space<hbm>>) dst(%arg16 : memref<128xi32, #tpu.memory_space<vmem>>)
        %add3A_179 = arith.constant 128 : i32
        %add3A_180 = arith.addi %add3A_150, %add3A_179 : i32
        %dma_start3A_181 = tpu.memref_slice %arg5[%add3A_180] : memref<323712xi32, #tpu.memory_space<hbm>> -> memref<128xi32, #tpu.memory_space<hbm>>
        %dma_start3A_182 = tpu.memref_slice %arg5[%add3A_180] : memref<323712xi32, #tpu.memory_space<hbm>> -> memref<128xi32, #tpu.memory_space<hbm>>
        tpu.enqueue_dma source(%dma_start3A_182 : memref<128xi32, #tpu.memory_space<hbm>>) target(%arg15 : memref<128xi32, #tpu.memory_space<vmem>>) target_semaphore(%arg22 : memref<!tpu.dma_semaphore, #tpu.memory_space<semaphore_mem>>)
        %run_scoped3A_183 = arith.constant 1 : i32
        "tpu.region"() ({
          %run_scoped3A_200 = tpu.sem_alloc : memref<!tpu.dma_semaphore, #tpu.memory_space<semaphore_mem>>
          %dma_start3A_201 = arith.constant 0 : i32
          %dma_start3A_202 = arith.constant 0 : i32
          %dma_start3A_203 = tpu.memref_slice %arg17[%run_scoped3A_183, %dma_start3A_201, %dma_start3A_202] : memref<2x128x128xf32, #tpu.memory_space<vmem>> -> memref<1x128x128xf32, #tpu.memory_space<vmem>>
          %dma_start3A_204 = tpu.memref_squeeze %dma_start3A_203 : memref<1x128x128xf32, #tpu.memory_space<vmem>> -> memref<128x128xf32, #tpu.memory_space<vmem>>
          %dma_start3A_205 = arith.constant 0 : i32
          %dma_start3A_206 = arith.constant 0 : i32
          %dma_start3A_207 = tpu.memref_slice %arg12[%dma_start3A_205, %dma_start3A_206] : memref<10240x128xf32, #tpu.memory_space<vmem_shared>> -> memref<10240x128xf32, #tpu.memory_space<vmem_shared>>
          tpu.enqueue_indirect_dma source(%dma_start3A_204 : memref<128x128xf32, #tpu.memory_space<vmem>>) target(%dma_start3A_207 : memref<10240x128xf32, #tpu.memory_space<vmem_shared>>) offsets(%arg16 : memref<128xi32, #tpu.memory_space<vmem>>) semaphore(%run_scoped3A_200 : memref<!tpu.dma_semaphore, #tpu.memory_space<semaphore_mem>>) {add = true}
          %dma_wait3A_208 = arith.constant 0 : i32
          %dma_wait3A_209 = arith.constant 0 : i32
          %dma_wait3A_210 = tpu.memref_slice %arg17[%run_scoped3A_183, %dma_wait3A_208, %dma_wait3A_209] : memref<2x128x128xf32, #tpu.memory_space<vmem>> -> memref<1x128x128xf32, #tpu.memory_space<vmem>>
          %dma_wait3A_211 = tpu.memref_squeeze %dma_wait3A_210 : memref<1x128x128xf32, #tpu.memory_space<vmem>> -> memref<128x128xf32, #tpu.memory_space<vmem>>
          %dma_wait3A_212 = arith.constant 0 : i32
          %dma_wait3A_213 = arith.constant 0 : i32
          %dma_wait3A_214 = tpu.memref_slice %arg12[%dma_wait3A_212, %dma_wait3A_213] : memref<10240x128xf32, #tpu.memory_space<vmem_shared>> -> memref<10240x128xf32, #tpu.memory_space<vmem_shared>>
          tpu.wait_indirect_dma semaphore(%run_scoped3A_200 : memref<!tpu.dma_semaphore, #tpu.memory_space<semaphore_mem>>) src(%dma_wait3A_211 : memref<128x128xf32, #tpu.memory_space<vmem>>) dst(%dma_wait3A_214 : memref<10240x128xf32, #tpu.memory_space<vmem_shared>>)
          tpu.yield
        }) : () -> ()
        %get3A_184 = arith.constant 0 : index
        %get3A_185 = tpu.vector_load %arg16[%get3A_184] {strides = array<i32>} : memref<128xi32, #tpu.memory_space<vmem>>, vector<16xi32>,
        tpu.vector_store_idx %arg24[%get3A_185], %broadcast_in_dim3A_3 {add = true} : memref<10240xf32, #tpu.memory_space<vmem>>[vector<16xi32>], vector<16xf32>,
        %get3A_186 = arith.constant 16 : index
        %get3A_187 = tpu.vector_load %arg16[%get3A_186] {strides = array<i32>} : memref<128xi32, #tpu.memory_space<vmem>>, vector<16xi32>,
        tpu.vector_store_idx %arg24[%get3A_187], %broadcast_in_dim3A_3 {add = true} : memref<10240xf32, #tpu.memory_space<vmem>>[vector<16xi32>], vector<16xf32>,
        %get3A_188 = arith.constant 32 : index
        %get3A_189 = tpu.vector_load %arg16[%get3A_188] {strides = array<i32>} : memref<128xi32, #tpu.memory_space<vmem>>, vector<16xi32>,
        tpu.vector_store_idx %arg24[%get3A_189], %broadcast_in_dim3A_3 {add = true} : memref<10240xf32, #tpu.memory_space<vmem>>[vector<16xi32>], vector<16xf32>,
        %get3A_190 = arith.constant 48 : index
        %get3A_191 = tpu.vector_load %arg16[%get3A_190] {strides = array<i32>} : memref<128xi32, #tpu.memory_space<vmem>>, vector<16xi32>,
        tpu.vector_store_idx %arg24[%get3A_191], %broadcast_in_dim3A_3 {add = true} : memref<10240xf32, #tpu.memory_space<vmem>>[vector<16xi32>], vector<16xf32>,
        %get3A_192 = arith.constant 64 : index
        %get3A_193 = tpu.vector_load %arg16[%get3A_192] {strides = array<i32>} : memref<128xi32, #tpu.memory_space<vmem>>, vector<16xi32>,
        tpu.vector_store_idx %arg24[%get3A_193], %broadcast_in_dim3A_3 {add = true} : memref<10240xf32, #tpu.memory_space<vmem>>[vector<16xi32>], vector<16xf32>,
        %get3A_194 = arith.constant 80 : index
        %get3A_195 = tpu.vector_load %arg16[%get3A_194] {strides = array<i32>} : memref<128xi32, #tpu.memory_space<vmem>>, vector<16xi32>,
        tpu.vector_store_idx %arg24[%get3A_195], %broadcast_in_dim3A_3 {add = true} : memref<10240xf32, #tpu.memory_space<vmem>>[vector<16xi32>], vector<16xf32>,
        %get3A_196 = arith.constant 96 : index
        %get3A_197 = tpu.vector_load %arg16[%get3A_196] {strides = array<i32>} : memref<128xi32, #tpu.memory_space<vmem>>, vector<16xi32>,
        tpu.vector_store_idx %arg24[%get3A_197], %broadcast_in_dim3A_3 {add = true} : memref<10240xf32, #tpu.memory_space<vmem>>[vector<16xi32>], vector<16xf32>,
        %get3A_198 = arith.constant 112 : index
        %get3A_199 = tpu.vector_load %arg16[%get3A_198] {strides = array<i32>} : memref<128xi32, #tpu.memory_space<vmem>>, vector<16xi32>,
        tpu.vector_store_idx %arg24[%get3A_199], %broadcast_in_dim3A_3 {add = true} : memref<10240xf32, #tpu.memory_space<vmem>>[vector<16xi32>], vector<16xf32>,
      }
      %scan3A_79 = arith.constant 79 : i32
      %dma_wait3A = arith.constant 0 : i32
      %dma_wait3A_80 = arith.constant 0 : i32
      %dma_wait3A_81 = arith.constant 0 : i32
      %dma_wait3A_82 = tpu.memref_slice %arg17[%dma_wait3A, %dma_wait3A_80, %dma_wait3A_81] : memref<2x128x128xf32, #tpu.memory_space<vmem>> -> memref<1x128x128xf32, #tpu.memory_space<vmem>>
      %dma_wait3A_83 = tpu.memref_squeeze %dma_wait3A_82 : memref<1x128x128xf32, #tpu.memory_space<vmem>> -> memref<128x128xf32, #tpu.memory_space<vmem>>
      %dma_wait3A_84 = arith.constant 0 : i32
      %dma_wait3A_85 = arith.constant 0 : i32
      %dma_wait3A_86 = tpu.memref_slice %arg2[%dma_wait3A_84, %dma_wait3A_85] : memref<10008x128xf32, #tpu.memory_space<hbm>> -> memref<10008x128xf32, #tpu.memory_space<hbm>>
      tpu.wait_indirect_dma semaphore(%arg18 : memref<!tpu.dma_semaphore, #tpu.memory_space<semaphore_mem>>) src(%dma_wait3A_86 : memref<10008x128xf32, #tpu.memory_space<hbm>>) dst(%dma_wait3A_83 : memref<128x128xf32, #tpu.memory_space<vmem>>)
      %dma_wait3A_87 = arith.constant 0 : i32
      %dma_wait3A_88 = tpu.memref_slice %arg4[%dma_wait3A_87] : memref<323840xi32, #tpu.memory_space<hbm>> -> memref<128xi32, #tpu.memory_space<hbm>>
      %dma_wait3A_89 = arith.constant 0 : i32
      %dma_wait3A_90 = tpu.memref_slice %arg4[%dma_wait3A_89] : memref<323840xi32, #tpu.memory_space<hbm>> -> memref<128xi32, #tpu.memory_space<hbm>>
      tpu.wait_dma2 semaphore(%arg21 : memref<!tpu.dma_semaphore, #tpu.memory_space<semaphore_mem>>) src(%dma_wait3A_90 : memref<128xi32, #tpu.memory_space<hbm>>) dst(%arg14 : memref<128xi32, #tpu.memory_space<vmem>>)
      %dma_wait3A_91 = arith.constant 0 : i32
      %dma_wait3A_92 = tpu.memref_slice %arg5[%dma_wait3A_91] : memref<323712xi32, #tpu.memory_space<hbm>> -> memref<128xi32, #tpu.memory_space<hbm>>
      %dma_wait3A_93 = arith.constant 0 : i32
      %dma_wait3A_94 = tpu.memref_slice %arg5[%dma_wait3A_93] : memref<323712xi32, #tpu.memory_space<hbm>> -> memref<128xi32, #tpu.memory_space<hbm>>
      tpu.wait_dma2 semaphore(%arg22 : memref<!tpu.dma_semaphore, #tpu.memory_space<semaphore_mem>>) src(%dma_wait3A_94 : memref<128xi32, #tpu.memory_space<hbm>>) dst(%arg15 : memref<128xi32, #tpu.memory_space<vmem>>)
    } else {
    }
    %eq3A_35 = arith.constant 1 : i32
    %eq3A_36 = arith.cmpi eq, %arg0, %eq3A_35 : i32
    %convert_element_type3A_37 = arith.extui %eq3A_36 : i1 to i32
    %cond3A_38 = arith.constant 0 : i32
    %cond3A_39 = arith.cmpi ne, %convert_element_type3A_37, %cond3A_38 : i32
    scf.if %cond3A_39 {
      "tpu.region"() ({
        %run_scoped3A_95 = tpu.sem_alloc : memref<!tpu.dma_semaphore, #tpu.memory_space<semaphore_mem>>
        %dma_start3A_96 = tpu.memref_slice %arg6[%mul3A_2] : memref<323840xi32, #tpu.memory_space<hbm>> -> memref<128xi32, #tpu.memory_space<hbm>>
        %dma_start3A_97 = tpu.memref_slice %arg6[%mul3A_2] : memref<323840xi32, #tpu.memory_space<hbm>> -> memref<128xi32, #tpu.memory_space<hbm>>
        tpu.enqueue_dma source(%dma_start3A_97 : memref<128xi32, #tpu.memory_space<hbm>>) target(%arg13 : memref<128xi32, #tpu.memory_space<vmem>>) target_semaphore(%run_scoped3A_95 : memref<!tpu.dma_semaphore, #tpu.memory_space<semaphore_mem>>)
        %dma_wait3A_98 = tpu.memref_slice %arg6[%mul3A_2] : memref<323840xi32, #tpu.memory_space<hbm>> -> memref<128xi32, #tpu.memory_space<hbm>>
        %dma_wait3A_99 = tpu.memref_slice %arg6[%mul3A_2] : memref<323840xi32, #tpu.memory_space<hbm>> -> memref<128xi32, #tpu.memory_space<hbm>>
        tpu.wait_dma2 semaphore(%run_scoped3A_95 : memref<!tpu.dma_semaphore, #tpu.memory_space<semaphore_mem>>) src(%dma_wait3A_99 : memref<128xi32, #tpu.memory_space<hbm>>) dst(%arg13 : memref<128xi32, #tpu.memory_space<vmem>>)
        tpu.yield
      }) : () -> ()
      %dma_start3A = arith.constant 0 : i32
      %dma_start3A_61 = arith.constant 0 : i32
      %dma_start3A_62 = arith.constant 0 : i32
      %dma_start3A_63 = tpu.memref_slice %arg17[%dma_start3A, %dma_start3A_61, %dma_start3A_62] : memref<2x128x128xf32, #tpu.memory_space<vmem>> -> memref<1x128x128xf32, #tpu.memory_space<vmem>>
      %dma_start3A_64 = tpu.memref_squeeze %dma_start3A_63 : memref<1x128x128xf32, #tpu.memory_space<vmem>> -> memref<128x128xf32, #tpu.memory_space<vmem>>
      %dma_start3A_65 = arith.constant 0 : i32
      %dma_start3A_66 = arith.constant 0 : i32
      %dma_start3A_67 = tpu.memref_slice %arg3[%dma_start3A_65, %dma_start3A_66] : memref<10008x128xf32, #tpu.memory_space<hbm>> -> memref<10008x128xf32, #tpu.memory_space<hbm>>
      tpu.enqueue_indirect_dma source(%dma_start3A_67 : memref<10008x128xf32, #tpu.memory_space<hbm>>) target(%dma_start3A_64 : memref<128x128xf32, #tpu.memory_space<vmem>>) offsets(%arg13 : memref<128xi32, #tpu.memory_space<vmem>>) semaphore(%arg18 : memref<!tpu.dma_semaphore, #tpu.memory_space<semaphore_mem>>)
      %add3A_68 = arith.constant 128 : i32
      %add3A_69 = arith.addi %mul3A_2, %add3A_68 : i32
      %dma_start3A_70 = tpu.memref_slice %arg6[%add3A_69] : memref<323840xi32, #tpu.memory_space<hbm>> -> memref<128xi32, #tpu.memory_space<hbm>>
      %dma_start3A_71 = tpu.memref_slice %arg6[%add3A_69] : memref<323840xi32, #tpu.memory_space<hbm>> -> memref<128xi32, #tpu.memory_space<hbm>>
      tpu.enqueue_dma source(%dma_start3A_71 : memref<128xi32, #tpu.memory_space<hbm>>) target(%arg14 : memref<128xi32, #tpu.memory_space<vmem>>) target_semaphore(%arg21 : memref<!tpu.dma_semaphore, #tpu.memory_space<semaphore_mem>>)
      %dma_start3A_72 = tpu.memref_slice %arg7[%mul3A_2] : memref<323712xi32, #tpu.memory_space<hbm>> -> memref<128xi32, #tpu.memory_space<hbm>>
      %dma_start3A_73 = tpu.memref_slice %arg7[%mul3A_2] : memref<323712xi32, #tpu.memory_space<hbm>> -> memref<128xi32, #tpu.memory_space<hbm>>
      tpu.enqueue_dma source(%dma_start3A_73 : memref<128xi32, #tpu.memory_space<hbm>>) target(%arg15 : memref<128xi32, #tpu.memory_space<vmem>>) target_semaphore(%arg22 : memref<!tpu.dma_semaphore, #tpu.memory_space<semaphore_mem>>)
      %scan3A_74 = arith.constant 0 : i32
      %scan3A_75 = arith.constant 0 : i32
      %scan3A_76 = arith.constant 79 : i32
      %scan3A_77 = arith.addi %scan3A_75, %scan3A_76 : i32
      %scan3A_78 = arith.constant 1 : i32
      scf.for %scan3A_95 = %scan3A_75 to %scan3A_77 step %scan3A_78  : i32 {
        %mul3A_96 = arith.constant 2 : i32
        %mul3A_97 = arith.muli %mul3A_96, %scan3A_95 : i32
        %mul3A_98 = arith.constant 128 : i32
        %mul3A_99 = arith.muli %mul3A_97, %mul3A_98 : i32
        %add3A_100 = arith.addi %mul3A_2, %mul3A_99 : i32
        %dma_wait3A_101 = arith.constant 0 : i32
        %dma_wait3A_102 = tpu.memref_slice %arg6[%dma_wait3A_101] : memref<323840xi32, #tpu.memory_space<hbm>> -> memref<128xi32, #tpu.memory_space<hbm>>
        %dma_wait3A_103 = arith.constant 0 : i32
        %dma_wait3A_104 = tpu.memref_slice %arg6[%dma_wait3A_103] : memref<323840xi32, #tpu.memory_space<hbm>> -> memref<128xi32, #tpu.memory_space<hbm>>
        tpu.wait_dma2 semaphore(%arg21 : memref<!tpu.dma_semaphore, #tpu.memory_space<semaphore_mem>>) src(%dma_wait3A_104 : memref<128xi32, #tpu.memory_space<hbm>>) dst(%arg14 : memref<128xi32, #tpu.memory_space<vmem>>)
        %dma_wait3A_105 = arith.constant 0 : i32
        %dma_wait3A_106 = arith.constant 0 : i32
        %dma_wait3A_107 = arith.constant 0 : i32
        %dma_wait3A_108 = tpu.memref_slice %arg17[%dma_wait3A_105, %dma_wait3A_106, %dma_wait3A_107] : memref<2x128x128xf32, #tpu.memory_space<vmem>> -> memref<1x128x128xf32, #tpu.memory_space<vmem>>
        %dma_wait3A_109 = tpu.memref_squeeze %dma_wait3A_108 : memref<1x128x128xf32, #tpu.memory_space<vmem>> -> memref<128x128xf32, #tpu.memory_space<vmem>>
        %dma_wait3A_110 = arith.constant 0 : i32
        %dma_wait3A_111 = arith.constant 0 : i32
        %dma_wait3A_112 = tpu.memref_slice %arg3[%dma_wait3A_110, %dma_wait3A_111] : memref<10008x128xf32, #tpu.memory_space<hbm>> -> memref<10008x128xf32, #tpu.memory_space<hbm>>
        tpu.wait_indirect_dma semaphore(%arg18 : memref<!tpu.dma_semaphore, #tpu.memory_space<semaphore_mem>>) src(%dma_wait3A_112 : memref<10008x128xf32, #tpu.memory_space<hbm>>) dst(%dma_wait3A_109 : memref<128x128xf32, #tpu.memory_space<vmem>>)
        %dma_start3A_113 = arith.constant 1 : i32
        %dma_start3A_114 = arith.constant 0 : i32
        %dma_start3A_115 = arith.constant 0 : i32
        %dma_start3A_116 = tpu.memref_slice %arg17[%dma_start3A_113, %dma_start3A_114, %dma_start3A_115] : memref<2x128x128xf32, #tpu.memory_space<vmem>> -> memref<1x128x128xf32, #tpu.memory_space<vmem>>
        %dma_start3A_117 = tpu.memref_squeeze %dma_start3A_116 : memref<1x128x128xf32, #tpu.memory_space<vmem>> -> memref<128x128xf32, #tpu.memory_space<vmem>>
        %dma_start3A_118 = arith.constant 0 : i32
        %dma_start3A_119 = arith.constant 0 : i32
        %dma_start3A_120 = tpu.memref_slice %arg3[%dma_start3A_118, %dma_start3A_119] : memref<10008x128xf32, #tpu.memory_space<hbm>> -> memref<10008x128xf32, #tpu.memory_space<hbm>>
        tpu.enqueue_indirect_dma source(%dma_start3A_120 : memref<10008x128xf32, #tpu.memory_space<hbm>>) target(%dma_start3A_117 : memref<128x128xf32, #tpu.memory_space<vmem>>) offsets(%arg14 : memref<128xi32, #tpu.memory_space<vmem>>) semaphore(%arg19 : memref<!tpu.dma_semaphore, #tpu.memory_space<semaphore_mem>>)
        %add3A_121 = arith.constant 256 : i32
        %add3A_122 = arith.addi %add3A_100, %add3A_121 : i32
        %dma_start3A_123 = tpu.memref_slice %arg6[%add3A_122] : memref<323840xi32, #tpu.memory_space<hbm>> -> memref<128xi32, #tpu.memory_space<hbm>>
        %dma_start3A_124 = tpu.memref_slice %arg6[%add3A_122] : memref<323840xi32, #tpu.memory_space<hbm>> -> memref<128xi32, #tpu.memory_space<hbm>>
        tpu.enqueue_dma source(%dma_start3A_124 : memref<128xi32, #tpu.memory_space<hbm>>) target(%arg13 : memref<128xi32, #tpu.memory_space<vmem>>) target_semaphore(%arg20 : memref<!tpu.dma_semaphore, #tpu.memory_space<semaphore_mem>>)
        %dma_wait3A_125 = arith.constant 0 : i32
        %dma_wait3A_126 = tpu.memref_slice %arg7[%dma_wait3A_125] : memref<323712xi32, #tpu.memory_space<hbm>> -> memref<128xi32, #tpu.memory_space<hbm>>
        %dma_wait3A_127 = arith.constant 0 : i32
        %dma_wait3A_128 = tpu.memref_slice %arg7[%dma_wait3A_127] : memref<323712xi32, #tpu.memory_space<hbm>> -> memref<128xi32, #tpu.memory_space<hbm>>
        tpu.wait_dma2 semaphore(%arg22 : memref<!tpu.dma_semaphore, #tpu.memory_space<semaphore_mem>>) src(%dma_wait3A_128 : memref<128xi32, #tpu.memory_space<hbm>>) dst(%arg15 : memref<128xi32, #tpu.memory_space<vmem>>)
        %add3A_129 = arith.constant 128 : i32
        %add3A_130 = arith.addi %add3A_100, %add3A_129 : i32
        %dma_start3A_131 = tpu.memref_slice %arg7[%add3A_130] : memref<323712xi32, #tpu.memory_space<hbm>> -> memref<128xi32, #tpu.memory_space<hbm>>
        %dma_start3A_132 = tpu.memref_slice %arg7[%add3A_130] : memref<323712xi32, #tpu.memory_space<hbm>> -> memref<128xi32, #tpu.memory_space<hbm>>
        tpu.enqueue_dma source(%dma_start3A_132 : memref<128xi32, #tpu.memory_space<hbm>>) target(%arg16 : memref<128xi32, #tpu.memory_space<vmem>>) target_semaphore(%arg23 : memref<!tpu.dma_semaphore, #tpu.memory_space<semaphore_mem>>)
        %run_scoped3A_133 = arith.constant 0 : i32
        "tpu.region"() ({
          %run_scoped3A_200 = tpu.sem_alloc : memref<!tpu.dma_semaphore, #tpu.memory_space<semaphore_mem>>
          %dma_start3A_201 = arith.constant 0 : i32
          %dma_start3A_202 = arith.constant 0 : i32
          %dma_start3A_203 = tpu.memref_slice %arg17[%run_scoped3A_133, %dma_start3A_201, %dma_start3A_202] : memref<2x128x128xf32, #tpu.memory_space<vmem>> -> memref<1x128x128xf32, #tpu.memory_space<vmem>>
          %dma_start3A_204 = tpu.memref_squeeze %dma_start3A_203 : memref<1x128x128xf32, #tpu.memory_space<vmem>> -> memref<128x128xf32, #tpu.memory_space<vmem>>
          %dma_start3A_205 = arith.constant 0 : i32
          %dma_start3A_206 = arith.constant 0 : i32
          %dma_start3A_207 = tpu.memref_slice %arg12[%dma_start3A_205, %dma_start3A_206] : memref<10240x128xf32, #tpu.memory_space<vmem_shared>> -> memref<10240x128xf32, #tpu.memory_space<vmem_shared>>
          tpu.enqueue_indirect_dma source(%dma_start3A_204 : memref<128x128xf32, #tpu.memory_space<vmem>>) target(%dma_start3A_207 : memref<10240x128xf32, #tpu.memory_space<vmem_shared>>) offsets(%arg15 : memref<128xi32, #tpu.memory_space<vmem>>) semaphore(%run_scoped3A_200 : memref<!tpu.dma_semaphore, #tpu.memory_space<semaphore_mem>>) {add = true}
          %dma_wait3A_208 = arith.constant 0 : i32
          %dma_wait3A_209 = arith.constant 0 : i32
          %dma_wait3A_210 = tpu.memref_slice %arg17[%run_scoped3A_133, %dma_wait3A_208, %dma_wait3A_209] : memref<2x128x128xf32, #tpu.memory_space<vmem>> -> memref<1x128x128xf32, #tpu.memory_space<vmem>>
          %dma_wait3A_211 = tpu.memref_squeeze %dma_wait3A_210 : memref<1x128x128xf32, #tpu.memory_space<vmem>> -> memref<128x128xf32, #tpu.memory_space<vmem>>
          %dma_wait3A_212 = arith.constant 0 : i32
          %dma_wait3A_213 = arith.constant 0 : i32
          %dma_wait3A_214 = tpu.memref_slice %arg12[%dma_wait3A_212, %dma_wait3A_213] : memref<10240x128xf32, #tpu.memory_space<vmem_shared>> -> memref<10240x128xf32, #tpu.memory_space<vmem_shared>>
          tpu.wait_indirect_dma semaphore(%run_scoped3A_200 : memref<!tpu.dma_semaphore, #tpu.memory_space<semaphore_mem>>) src(%dma_wait3A_211 : memref<128x128xf32, #tpu.memory_space<vmem>>) dst(%dma_wait3A_214 : memref<10240x128xf32, #tpu.memory_space<vmem_shared>>)
          tpu.yield
        }) : () -> ()
        %get3A = arith.constant 0 : index
        %get3A_134 = tpu.vector_load %arg15[%get3A] {strides = array<i32>} : memref<128xi32, #tpu.memory_space<vmem>>, vector<16xi32>,
        tpu.vector_store_idx %arg24[%get3A_134], %broadcast_in_dim3A_3 {add = true} : memref<10240xf32, #tpu.memory_space<vmem>>[vector<16xi32>], vector<16xf32>,
        %get3A_135 = arith.constant 16 : index
        %get3A_136 = tpu.vector_load %arg15[%get3A_135] {strides = array<i32>} : memref<128xi32, #tpu.memory_space<vmem>>, vector<16xi32>,
        tpu.vector_store_idx %arg24[%get3A_136], %broadcast_in_dim3A_3 {add = true} : memref<10240xf32, #tpu.memory_space<vmem>>[vector<16xi32>], vector<16xf32>,
        %get3A_137 = arith.constant 32 : index
        %get3A_138 = tpu.vector_load %arg15[%get3A_137] {strides = array<i32>} : memref<128xi32, #tpu.memory_space<vmem>>, vector<16xi32>,
        tpu.vector_store_idx %arg24[%get3A_138], %broadcast_in_dim3A_3 {add = true} : memref<10240xf32, #tpu.memory_space<vmem>>[vector<16xi32>], vector<16xf32>,
        %get3A_139 = arith.constant 48 : index
        %get3A_140 = tpu.vector_load %arg15[%get3A_139] {strides = array<i32>} : memref<128xi32, #tpu.memory_space<vmem>>, vector<16xi32>,
        tpu.vector_store_idx %arg24[%get3A_140], %broadcast_in_dim3A_3 {add = true} : memref<10240xf32, #tpu.memory_space<vmem>>[vector<16xi32>], vector<16xf32>,
        %get3A_141 = arith.constant 64 : index
        %get3A_142 = tpu.vector_load %arg15[%get3A_141] {strides = array<i32>} : memref<128xi32, #tpu.memory_space<vmem>>, vector<16xi32>,
        tpu.vector_store_idx %arg24[%get3A_142], %broadcast_in_dim3A_3 {add = true} : memref<10240xf32, #tpu.memory_space<vmem>>[vector<16xi32>], vector<16xf32>,
        %get3A_143 = arith.constant 80 : index
        %get3A_144 = tpu.vector_load %arg15[%get3A_143] {strides = array<i32>} : memref<128xi32, #tpu.memory_space<vmem>>, vector<16xi32>,
        tpu.vector_store_idx %arg24[%get3A_144], %broadcast_in_dim3A_3 {add = true} : memref<10240xf32, #tpu.memory_space<vmem>>[vector<16xi32>], vector<16xf32>,
        %get3A_145 = arith.constant 96 : index
        %get3A_146 = tpu.vector_load %arg15[%get3A_145] {strides = array<i32>} : memref<128xi32, #tpu.memory_space<vmem>>, vector<16xi32>,
        tpu.vector_store_idx %arg24[%get3A_146], %broadcast_in_dim3A_3 {add = true} : memref<10240xf32, #tpu.memory_space<vmem>>[vector<16xi32>], vector<16xf32>,
        %get3A_147 = arith.constant 112 : index
        %get3A_148 = tpu.vector_load %arg15[%get3A_147] {strides = array<i32>} : memref<128xi32, #tpu.memory_space<vmem>>, vector<16xi32>,
        tpu.vector_store_idx %arg24[%get3A_148], %broadcast_in_dim3A_3 {add = true} : memref<10240xf32, #tpu.memory_space<vmem>>[vector<16xi32>], vector<16xf32>,
        %add3A_149 = arith.constant 128 : i32
        %add3A_150 = arith.addi %add3A_100, %add3A_149 : i32
        %dma_wait3A_151 = arith.constant 0 : i32
        %dma_wait3A_152 = tpu.memref_slice %arg6[%dma_wait3A_151] : memref<323840xi32, #tpu.memory_space<hbm>> -> memref<128xi32, #tpu.memory_space<hbm>>
        %dma_wait3A_153 = arith.constant 0 : i32
        %dma_wait3A_154 = tpu.memref_slice %arg6[%dma_wait3A_153] : memref<323840xi32, #tpu.memory_space<hbm>> -> memref<128xi32, #tpu.memory_space<hbm>>
        tpu.wait_dma2 semaphore(%arg20 : memref<!tpu.dma_semaphore, #tpu.memory_space<semaphore_mem>>) src(%dma_wait3A_154 : memref<128xi32, #tpu.memory_space<hbm>>) dst(%arg13 : memref<128xi32, #tpu.memory_space<vmem>>)
        %dma_wait3A_155 = arith.constant 1 : i32
        %dma_wait3A_156 = arith.constant 0 : i32
        %dma_wait3A_157 = arith.constant 0 : i32
        %dma_wait3A_158 = tpu.memref_slice %arg17[%dma_wait3A_155, %dma_wait3A_156, %dma_wait3A_157] : memref<2x128x128xf32, #tpu.memory_space<vmem>> -> memref<1x128x128xf32, #tpu.memory_space<vmem>>
        %dma_wait3A_159 = tpu.memref_squeeze %dma_wait3A_158 : memref<1x128x128xf32, #tpu.memory_space<vmem>> -> memref<128x128xf32, #tpu.memory_space<vmem>>
        %dma_wait3A_160 = arith.constant 0 : i32
        %dma_wait3A_161 = arith.constant 0 : i32
        %dma_wait3A_162 = tpu.memref_slice %arg3[%dma_wait3A_160, %dma_wait3A_161] : memref<10008x128xf32, #tpu.memory_space<hbm>> -> memref<10008x128xf32, #tpu.memory_space<hbm>>
        tpu.wait_indirect_dma semaphore(%arg19 : memref<!tpu.dma_semaphore, #tpu.memory_space<semaphore_mem>>) src(%dma_wait3A_162 : memref<10008x128xf32, #tpu.memory_space<hbm>>) dst(%dma_wait3A_159 : memref<128x128xf32, #tpu.memory_space<vmem>>)
        %dma_start3A_163 = arith.constant 0 : i32
        %dma_start3A_164 = arith.constant 0 : i32
        %dma_start3A_165 = arith.constant 0 : i32
        %dma_start3A_166 = tpu.memref_slice %arg17[%dma_start3A_163, %dma_start3A_164, %dma_start3A_165] : memref<2x128x128xf32, #tpu.memory_space<vmem>> -> memref<1x128x128xf32, #tpu.memory_space<vmem>>
        %dma_start3A_167 = tpu.memref_squeeze %dma_start3A_166 : memref<1x128x128xf32, #tpu.memory_space<vmem>> -> memref<128x128xf32, #tpu.memory_space<vmem>>
        %dma_start3A_168 = arith.constant 0 : i32
        %dma_start3A_169 = arith.constant 0 : i32
        %dma_start3A_170 = tpu.memref_slice %arg3[%dma_start3A_168, %dma_start3A_169] : memref<10008x128xf32, #tpu.memory_space<hbm>> -> memref<10008x128xf32, #tpu.memory_space<hbm>>
        tpu.enqueue_indirect_dma source(%dma_start3A_170 : memref<10008x128xf32, #tpu.memory_space<hbm>>) target(%dma_start3A_167 : memref<128x128xf32, #tpu.memory_space<vmem>>) offsets(%arg13 : memref<128xi32, #tpu.memory_space<vmem>>) semaphore(%arg18 : memref<!tpu.dma_semaphore, #tpu.memory_space<semaphore_mem>>)
        %add3A_171 = arith.constant 256 : i32
        %add3A_172 = arith.addi %add3A_150, %add3A_171 : i32
        %dma_start3A_173 = tpu.memref_slice %arg6[%add3A_172] : memref<323840xi32, #tpu.memory_space<hbm>> -> memref<128xi32, #tpu.memory_space<hbm>>
        %dma_start3A_174 = tpu.memref_slice %arg6[%add3A_172] : memref<323840xi32, #tpu.memory_space<hbm>> -> memref<128xi32, #tpu.memory_space<hbm>>
        tpu.enqueue_dma source(%dma_start3A_174 : memref<128xi32, #tpu.memory_space<hbm>>) target(%arg14 : memref<128xi32, #tpu.memory_space<vmem>>) target_semaphore(%arg21 : memref<!tpu.dma_semaphore, #tpu.memory_space<semaphore_mem>>)
        %dma_wait3A_175 = arith.constant 0 : i32
        %dma_wait3A_176 = tpu.memref_slice %arg7[%dma_wait3A_175] : memref<323712xi32, #tpu.memory_space<hbm>> -> memref<128xi32, #tpu.memory_space<hbm>>
        %dma_wait3A_177 = arith.constant 0 : i32
        %dma_wait3A_178 = tpu.memref_slice %arg7[%dma_wait3A_177] : memref<323712xi32, #tpu.memory_space<hbm>> -> memref<128xi32, #tpu.memory_space<hbm>>
        tpu.wait_dma2 semaphore(%arg23 : memref<!tpu.dma_semaphore, #tpu.memory_space<semaphore_mem>>) src(%dma_wait3A_178 : memref<128xi32, #tpu.memory_space<hbm>>) dst(%arg16 : memref<128xi32, #tpu.memory_space<vmem>>)
        %add3A_179 = arith.constant 128 : i32
        %add3A_180 = arith.addi %add3A_150, %add3A_179 : i32
        %dma_start3A_181 = tpu.memref_slice %arg7[%add3A_180] : memref<323712xi32, #tpu.memory_space<hbm>> -> memref<128xi32, #tpu.memory_space<hbm>>
        %dma_start3A_182 = tpu.memref_slice %arg7[%add3A_180] : memref<323712xi32, #tpu.memory_space<hbm>> -> memref<128xi32, #tpu.memory_space<hbm>>
        tpu.enqueue_dma source(%dma_start3A_182 : memref<128xi32, #tpu.memory_space<hbm>>) target(%arg15 : memref<128xi32, #tpu.memory_space<vmem>>) target_semaphore(%arg22 : memref<!tpu.dma_semaphore, #tpu.memory_space<semaphore_mem>>)
        %run_scoped3A_183 = arith.constant 1 : i32
        "tpu.region"() ({
          %run_scoped3A_200 = tpu.sem_alloc : memref<!tpu.dma_semaphore, #tpu.memory_space<semaphore_mem>>
          %dma_start3A_201 = arith.constant 0 : i32
          %dma_start3A_202 = arith.constant 0 : i32
          %dma_start3A_203 = tpu.memref_slice %arg17[%run_scoped3A_183, %dma_start3A_201, %dma_start3A_202] : memref<2x128x128xf32, #tpu.memory_space<vmem>> -> memref<1x128x128xf32, #tpu.memory_space<vmem>>
          %dma_start3A_204 = tpu.memref_squeeze %dma_start3A_203 : memref<1x128x128xf32, #tpu.memory_space<vmem>> -> memref<128x128xf32, #tpu.memory_space<vmem>>
          %dma_start3A_205 = arith.constant 0 : i32
          %dma_start3A_206 = arith.constant 0 : i32
          %dma_start3A_207 = tpu.memref_slice %arg12[%dma_start3A_205, %dma_start3A_206] : memref<10240x128xf32, #tpu.memory_space<vmem_shared>> -> memref<10240x128xf32, #tpu.memory_space<vmem_shared>>
          tpu.enqueue_indirect_dma source(%dma_start3A_204 : memref<128x128xf32, #tpu.memory_space<vmem>>) target(%dma_start3A_207 : memref<10240x128xf32, #tpu.memory_space<vmem_shared>>) offsets(%arg16 : memref<128xi32, #tpu.memory_space<vmem>>) semaphore(%run_scoped3A_200 : memref<!tpu.dma_semaphore, #tpu.memory_space<semaphore_mem>>) {add = true}
          %dma_wait3A_208 = arith.constant 0 : i32
          %dma_wait3A_209 = arith.constant 0 : i32
          %dma_wait3A_210 = tpu.memref_slice %arg17[%run_scoped3A_183, %dma_wait3A_208, %dma_wait3A_209] : memref<2x128x128xf32, #tpu.memory_space<vmem>> -> memref<1x128x128xf32, #tpu.memory_space<vmem>>
          %dma_wait3A_211 = tpu.memref_squeeze %dma_wait3A_210 : memref<1x128x128xf32, #tpu.memory_space<vmem>> -> memref<128x128xf32, #tpu.memory_space<vmem>>
          %dma_wait3A_212 = arith.constant 0 : i32
          %dma_wait3A_213 = arith.constant 0 : i32
          %dma_wait3A_214 = tpu.memref_slice %arg12[%dma_wait3A_212, %dma_wait3A_213] : memref<10240x128xf32, #tpu.memory_space<vmem_shared>> -> memref<10240x128xf32, #tpu.memory_space<vmem_shared>>
          tpu.wait_indirect_dma semaphore(%run_scoped3A_200 : memref<!tpu.dma_semaphore, #tpu.memory_space<semaphore_mem>>) src(%dma_wait3A_211 : memref<128x128xf32, #tpu.memory_space<vmem>>) dst(%dma_wait3A_214 : memref<10240x128xf32, #tpu.memory_space<vmem_shared>>)
          tpu.yield
        }) : () -> ()
        %get3A_184 = arith.constant 0 : index
        %get3A_185 = tpu.vector_load %arg16[%get3A_184] {strides = array<i32>} : memref<128xi32, #tpu.memory_space<vmem>>, vector<16xi32>,
        tpu.vector_store_idx %arg24[%get3A_185], %broadcast_in_dim3A_3 {add = true} : memref<10240xf32, #tpu.memory_space<vmem>>[vector<16xi32>], vector<16xf32>,
        %get3A_186 = arith.constant 16 : index
        %get3A_187 = tpu.vector_load %arg16[%get3A_186] {strides = array<i32>} : memref<128xi32, #tpu.memory_space<vmem>>, vector<16xi32>,
        tpu.vector_store_idx %arg24[%get3A_187], %broadcast_in_dim3A_3 {add = true} : memref<10240xf32, #tpu.memory_space<vmem>>[vector<16xi32>], vector<16xf32>,
        %get3A_188 = arith.constant 32 : index
        %get3A_189 = tpu.vector_load %arg16[%get3A_188] {strides = array<i32>} : memref<128xi32, #tpu.memory_space<vmem>>, vector<16xi32>,
        tpu.vector_store_idx %arg24[%get3A_189], %broadcast_in_dim3A_3 {add = true} : memref<10240xf32, #tpu.memory_space<vmem>>[vector<16xi32>], vector<16xf32>,
        %get3A_190 = arith.constant 48 : index
        %get3A_191 = tpu.vector_load %arg16[%get3A_190] {strides = array<i32>} : memref<128xi32, #tpu.memory_space<vmem>>, vector<16xi32>,
        tpu.vector_store_idx %arg24[%get3A_191], %broadcast_in_dim3A_3 {add = true} : memref<10240xf32, #tpu.memory_space<vmem>>[vector<16xi32>], vector<16xf32>,
        %get3A_192 = arith.constant 64 : index
        %get3A_193 = tpu.vector_load %arg16[%get3A_192] {strides = array<i32>} : memref<128xi32, #tpu.memory_space<vmem>>, vector<16xi32>,
        tpu.vector_store_idx %arg24[%get3A_193], %broadcast_in_dim3A_3 {add = true} : memref<10240xf32, #tpu.memory_space<vmem>>[vector<16xi32>], vector<16xf32>,
        %get3A_194 = arith.constant 80 : index
        %get3A_195 = tpu.vector_load %arg16[%get3A_194] {strides = array<i32>} : memref<128xi32, #tpu.memory_space<vmem>>, vector<16xi32>,
        tpu.vector_store_idx %arg24[%get3A_195], %broadcast_in_dim3A_3 {add = true} : memref<10240xf32, #tpu.memory_space<vmem>>[vector<16xi32>], vector<16xf32>,
        %get3A_196 = arith.constant 96 : index
        %get3A_197 = tpu.vector_load %arg16[%get3A_196] {strides = array<i32>} : memref<128xi32, #tpu.memory_space<vmem>>, vector<16xi32>,
        tpu.vector_store_idx %arg24[%get3A_197], %broadcast_in_dim3A_3 {add = true} : memref<10240xf32, #tpu.memory_space<vmem>>[vector<16xi32>], vector<16xf32>,
        %get3A_198 = arith.constant 112 : index
        %get3A_199 = tpu.vector_load %arg16[%get3A_198] {strides = array<i32>} : memref<128xi32, #tpu.memory_space<vmem>>, vector<16xi32>,
        tpu.vector_store_idx %arg24[%get3A_199], %broadcast_in_dim3A_3 {add = true} : memref<10240xf32, #tpu.memory_space<vmem>>[vector<16xi32>], vector<16xf32>,
      }
      %scan3A_79 = arith.constant 79 : i32
      %dma_wait3A = arith.constant 0 : i32
      %dma_wait3A_80 = arith.constant 0 : i32
      %dma_wait3A_81 = arith.constant 0 : i32
      %dma_wait3A_82 = tpu.memref_slice %arg17[%dma_wait3A, %dma_wait3A_80, %dma_wait3A_81] : memref<2x128x128xf32, #tpu.memory_space<vmem>> -> memref<1x128x128xf32, #tpu.memory_space<vmem>>
      %dma_wait3A_83 = tpu.memref_squeeze %dma_wait3A_82 : memref<1x128x128xf32, #tpu.memory_space<vmem>> -> memref<128x128xf32, #tpu.memory_space<vmem>>
      %dma_wait3A_84 = arith.constant 0 : i32
      %dma_wait3A_85 = arith.constant 0 : i32
      %dma_wait3A_86 = tpu.memref_slice %arg3[%dma_wait3A_84, %dma_wait3A_85] : memref<10008x128xf32, #tpu.memory_space<hbm>> -> memref<10008x128xf32, #tpu.memory_space<hbm>>
      tpu.wait_indirect_dma semaphore(%arg18 : memref<!tpu.dma_semaphore, #tpu.memory_space<semaphore_mem>>) src(%dma_wait3A_86 : memref<10008x128xf32, #tpu.memory_space<hbm>>) dst(%dma_wait3A_83 : memref<128x128xf32, #tpu.memory_space<vmem>>)
      %dma_wait3A_87 = arith.constant 0 : i32
      %dma_wait3A_88 = tpu.memref_slice %arg6[%dma_wait3A_87] : memref<323840xi32, #tpu.memory_space<hbm>> -> memref<128xi32, #tpu.memory_space<hbm>>
      %dma_wait3A_89 = arith.constant 0 : i32
      %dma_wait3A_90 = tpu.memref_slice %arg6[%dma_wait3A_89] : memref<323840xi32, #tpu.memory_space<hbm>> -> memref<128xi32, #tpu.memory_space<hbm>>
      tpu.wait_dma2 semaphore(%arg21 : memref<!tpu.dma_semaphore, #tpu.memory_space<semaphore_mem>>) src(%dma_wait3A_90 : memref<128xi32, #tpu.memory_space<hbm>>) dst(%arg14 : memref<128xi32, #tpu.memory_space<vmem>>)
      %dma_wait3A_91 = arith.constant 0 : i32
      %dma_wait3A_92 = tpu.memref_slice %arg7[%dma_wait3A_91] : memref<323712xi32, #tpu.memory_space<hbm>> -> memref<128xi32, #tpu.memory_space<hbm>>
      %dma_wait3A_93 = arith.constant 0 : i32
      %dma_wait3A_94 = tpu.memref_slice %arg7[%dma_wait3A_93] : memref<323712xi32, #tpu.memory_space<hbm>> -> memref<128xi32, #tpu.memory_space<hbm>>
      tpu.wait_dma2 semaphore(%arg22 : memref<!tpu.dma_semaphore, #tpu.memory_space<semaphore_mem>>) src(%dma_wait3A_94 : memref<128xi32, #tpu.memory_space<hbm>>) dst(%arg15 : memref<128xi32, #tpu.memory_space<vmem>>)
    } else {
    }
    %barrier3A_40 = arith.constant 0 : index
    tpu.barrier barrier_id(%barrier3A_40)
    %eq3A_41 = arith.constant 0 : i32
    %eq3A_42 = arith.cmpi eq, %arg0, %eq3A_41 : i32
    %convert_element_type3A_43 = arith.extui %eq3A_42 : i1 to i32
    %cond3A_44 = arith.constant 0 : i32
    %cond3A_45 = arith.cmpi ne, %convert_element_type3A_43, %cond3A_44 : i32
    scf.if %cond3A_45 {
      %add3A_61 = arith.constant 0 : i32
      %add3A_62 = arith.addi %mul3A_0, %add3A_61 : i32
      %run_scoped3A_63 = arith.constant 0 : i32
      "tpu.region"() ({
        %run_scoped3A_91 = tpu.sem_alloc : memref<!tpu.dma_semaphore, #tpu.memory_space<semaphore_mem>>
        %dma_start3A = arith.constant 0 : i32
        %dma_start3A_92 = arith.constant 0 : i32
        %dma_start3A_93 = tpu.memref_slice %arg17[%run_scoped3A_63, %dma_start3A, %dma_start3A_92] : memref<2x128x128xf32, #tpu.memory_space<vmem>> -> memref<1x128x128xf32, #tpu.memory_space<vmem>>
        %dma_start3A_94 = tpu.memref_squeeze %dma_start3A_93 : memref<1x128x128xf32, #tpu.memory_space<vmem>> -> memref<128x128xf32, #tpu.memory_space<vmem>>
        %dma_start3A_95 = arith.constant 0 : i32
        %dma_start3A_96 = tpu.memref_slice %arg12[%add3A_62, %dma_start3A_95] : memref<10240x128xf32, #tpu.memory_space<vmem_shared>> -> memref<128x128xf32, #tpu.memory_space<vmem_shared>>
        %dma_start3A_97 = arith.constant 0 : i32
        %dma_start3A_98 = arith.constant 0 : i32
        %dma_start3A_99 = tpu.memref_slice %arg17[%run_scoped3A_63, %dma_start3A_97, %dma_start3A_98] : memref<2x128x128xf32, #tpu.memory_space<vmem>> -> memref<1x128x128xf32, #tpu.memory_space<vmem>>
        %dma_start3A_100 = tpu.memref_squeeze %dma_start3A_99 : memref<1x128x128xf32, #tpu.memory_space<vmem>> -> memref<128x128xf32, #tpu.memory_space<vmem>>
        %dma_start3A_101 = arith.constant 0 : i32
        %dma_start3A_102 = tpu.memref_slice %arg12[%add3A_62, %dma_start3A_101] : memref<10240x128xf32, #tpu.memory_space<vmem_shared>> -> memref<128x128xf32, #tpu.memory_space<vmem_shared>>
        tpu.enqueue_dma source(%dma_start3A_102 : memref<128x128xf32, #tpu.memory_space<vmem_shared>>) target(%dma_start3A_100 : memref<128x128xf32, #tpu.memory_space<vmem>>) target_semaphore(%run_scoped3A_91 : memref<!tpu.dma_semaphore, #tpu.memory_space<semaphore_mem>>)
        %dma_wait3A = arith.constant 0 : i32
        %dma_wait3A_103 = arith.constant 0 : i32
        %dma_wait3A_104 = tpu.memref_slice %arg17[%run_scoped3A_63, %dma_wait3A, %dma_wait3A_103] : memref<2x128x128xf32, #tpu.memory_space<vmem>> -> memref<1x128x128xf32, #tpu.memory_space<vmem>>
        %dma_wait3A_105 = tpu.memref_squeeze %dma_wait3A_104 : memref<1x128x128xf32, #tpu.memory_space<vmem>> -> memref<128x128xf32, #tpu.memory_space<vmem>>
        %dma_wait3A_106 = arith.constant 0 : i32
        %dma_wait3A_107 = tpu.memref_slice %arg12[%add3A_62, %dma_wait3A_106] : memref<10240x128xf32, #tpu.memory_space<vmem_shared>> -> memref<128x128xf32, #tpu.memory_space<vmem_shared>>
        %dma_wait3A_108 = arith.constant 0 : i32
        %dma_wait3A_109 = arith.constant 0 : i32
        %dma_wait3A_110 = tpu.memref_slice %arg17[%run_scoped3A_63, %dma_wait3A_108, %dma_wait3A_109] : memref<2x128x128xf32, #tpu.memory_space<vmem>> -> memref<1x128x128xf32, #tpu.memory_space<vmem>>
        %dma_wait3A_111 = tpu.memref_squeeze %dma_wait3A_110 : memref<1x128x128xf32, #tpu.memory_space<vmem>> -> memref<128x128xf32, #tpu.memory_space<vmem>>
        %dma_wait3A_112 = arith.constant 0 : i32
        %dma_wait3A_113 = tpu.memref_slice %arg12[%add3A_62, %dma_wait3A_112] : memref<10240x128xf32, #tpu.memory_space<vmem_shared>> -> memref<128x128xf32, #tpu.memory_space<vmem_shared>>
        tpu.wait_dma2 semaphore(%run_scoped3A_91 : memref<!tpu.dma_semaphore, #tpu.memory_space<semaphore_mem>>) src(%dma_wait3A_113 : memref<128x128xf32, #tpu.memory_space<vmem_shared>>) dst(%dma_wait3A_111 : memref<128x128xf32, #tpu.memory_space<vmem>>)
        tpu.yield
      }) : () -> ()
      %add3A_64 = arith.constant 0 : i32
      %add3A_65 = arith.addi %mul3A_0, %add3A_64 : i32
      %run_scoped3A_66 = arith.constant 0 : i32
      "tpu.region"() ({
        %run_scoped3A_91 = tpu.sem_alloc : memref<!tpu.dma_semaphore, #tpu.memory_space<semaphore_mem>>
        %dma_start3A = arith.constant 0 : i32
        %dma_start3A_92 = arith.constant 0 : i32
        %dma_start3A_93 = tpu.memref_slice %arg17[%run_scoped3A_66, %dma_start3A, %dma_start3A_92] : memref<2x128x128xf32, #tpu.memory_space<vmem>> -> memref<1x128x128xf32, #tpu.memory_space<vmem>>
        %dma_start3A_94 = tpu.memref_squeeze %dma_start3A_93 : memref<1x128x128xf32, #tpu.memory_space<vmem>> -> memref<128x128xf32, #tpu.memory_space<vmem>>
        %dma_start3A_95 = arith.constant 0 : i32
        %dma_start3A_96 = tpu.memref_slice %arg8[%add3A_65, %dma_start3A_95] : memref<10240x128xf32, #tpu.memory_space<hbm>> -> memref<128x128xf32, #tpu.memory_space<hbm>>
        %dma_start3A_97 = arith.constant 0 : i32
        %dma_start3A_98 = tpu.memref_slice %arg8[%add3A_65, %dma_start3A_97] : memref<10240x128xf32, #tpu.memory_space<hbm>> -> memref<128x128xf32, #tpu.memory_space<hbm>>
        %dma_start3A_99 = arith.constant 0 : i32
        %dma_start3A_100 = arith.constant 0 : i32
        %dma_start3A_101 = tpu.memref_slice %arg17[%run_scoped3A_66, %dma_start3A_99, %dma_start3A_100] : memref<2x128x128xf32, #tpu.memory_space<vmem>> -> memref<1x128x128xf32, #tpu.memory_space<vmem>>
        %dma_start3A_102 = tpu.memref_squeeze %dma_start3A_101 : memref<1x128x128xf32, #tpu.memory_space<vmem>> -> memref<128x128xf32, #tpu.memory_space<vmem>>
        tpu.enqueue_dma source(%dma_start3A_102 : memref<128x128xf32, #tpu.memory_space<vmem>>) target(%dma_start3A_98 : memref<128x128xf32, #tpu.memory_space<hbm>>) target_semaphore(%run_scoped3A_91 : memref<!tpu.dma_semaphore, #tpu.memory_space<semaphore_mem>>)
        %dma_wait3A = arith.constant 0 : i32
        %dma_wait3A_103 = arith.constant 0 : i32
        %dma_wait3A_104 = tpu.memref_slice %arg17[%run_scoped3A_66, %dma_wait3A, %dma_wait3A_103] : memref<2x128x128xf32, #tpu.memory_space<vmem>> -> memref<1x128x128xf32, #tpu.memory_space<vmem>>
        %dma_wait3A_105 = tpu.memref_squeeze %dma_wait3A_104 : memref<1x128x128xf32, #tpu.memory_space<vmem>> -> memref<128x128xf32, #tpu.memory_space<vmem>>
        %dma_wait3A_106 = arith.constant 0 : i32
        %dma_wait3A_107 = tpu.memref_slice %arg8[%add3A_65, %dma_wait3A_106] : memref<10240x128xf32, #tpu.memory_space<hbm>> -> memref<128x128xf32, #tpu.memory_space<hbm>>
        %dma_wait3A_108 = arith.constant 0 : i32
        %dma_wait3A_109 = tpu.memref_slice %arg8[%add3A_65, %dma_wait3A_108] : memref<10240x128xf32, #tpu.memory_space<hbm>> -> memref<128x128xf32, #tpu.memory_space<hbm>>
        %dma_wait3A_110 = arith.constant 0 : i32
        %dma_wait3A_111 = arith.constant 0 : i32
        %dma_wait3A_112 = tpu.memref_slice %arg17[%run_scoped3A_66, %dma_wait3A_110, %dma_wait3A_111] : memref<2x128x128xf32, #tpu.memory_space<vmem>> -> memref<1x128x128xf32, #tpu.memory_space<vmem>>
        %dma_wait3A_113 = tpu.memref_squeeze %dma_wait3A_112 : memref<1x128x128xf32, #tpu.memory_space<vmem>> -> memref<128x128xf32, #tpu.memory_space<vmem>>
        tpu.wait_dma2 semaphore(%run_scoped3A_91 : memref<!tpu.dma_semaphore, #tpu.memory_space<semaphore_mem>>) src(%dma_wait3A_113 : memref<128x128xf32, #tpu.memory_space<vmem>>) dst(%dma_wait3A_109 : memref<128x128xf32, #tpu.memory_space<hbm>>)
        tpu.yield
      }) : () -> ()
      %add3A_67 = arith.constant 128 : i32
      %add3A_68 = arith.addi %mul3A_0, %add3A_67 : i32
      %run_scoped3A_69 = arith.constant 0 : i32
      "tpu.region"() ({
        %run_scoped3A_91 = tpu.sem_alloc : memref<!tpu.dma_semaphore, #tpu.memory_space<semaphore_mem>>
        %dma_start3A = arith.constant 0 : i32
        %dma_start3A_92 = arith.constant 0 : i32
        %dma_start3A_93 = tpu.memref_slice %arg17[%run_scoped3A_69, %dma_start3A, %dma_start3A_92] : memref<2x128x128xf32, #tpu.memory_space<vmem>> -> memref<1x128x128xf32, #tpu.memory_space<vmem>>
        %dma_start3A_94 = tpu.memref_squeeze %dma_start3A_93 : memref<1x128x128xf32, #tpu.memory_space<vmem>> -> memref<128x128xf32, #tpu.memory_space<vmem>>
        %dma_start3A_95 = arith.constant 0 : i32
        %dma_start3A_96 = tpu.memref_slice %arg12[%add3A_68, %dma_start3A_95] : memref<10240x128xf32, #tpu.memory_space<vmem_shared>> -> memref<128x128xf32, #tpu.memory_space<vmem_shared>>
        %dma_start3A_97 = arith.constant 0 : i32
        %dma_start3A_98 = arith.constant 0 : i32
        %dma_start3A_99 = tpu.memref_slice %arg17[%run_scoped3A_69, %dma_start3A_97, %dma_start3A_98] : memref<2x128x128xf32, #tpu.memory_space<vmem>> -> memref<1x128x128xf32, #tpu.memory_space<vmem>>
        %dma_start3A_100 = tpu.memref_squeeze %dma_start3A_99 : memref<1x128x128xf32, #tpu.memory_space<vmem>> -> memref<128x128xf32, #tpu.memory_space<vmem>>
        %dma_start3A_101 = arith.constant 0 : i32
        %dma_start3A_102 = tpu.memref_slice %arg12[%add3A_68, %dma_start3A_101] : memref<10240x128xf32, #tpu.memory_space<vmem_shared>> -> memref<128x128xf32, #tpu.memory_space<vmem_shared>>
        tpu.enqueue_dma source(%dma_start3A_102 : memref<128x128xf32, #tpu.memory_space<vmem_shared>>) target(%dma_start3A_100 : memref<128x128xf32, #tpu.memory_space<vmem>>) target_semaphore(%run_scoped3A_91 : memref<!tpu.dma_semaphore, #tpu.memory_space<semaphore_mem>>)
        %dma_wait3A = arith.constant 0 : i32
        %dma_wait3A_103 = arith.constant 0 : i32
        %dma_wait3A_104 = tpu.memref_slice %arg17[%run_scoped3A_69, %dma_wait3A, %dma_wait3A_103] : memref<2x128x128xf32, #tpu.memory_space<vmem>> -> memref<1x128x128xf32, #tpu.memory_space<vmem>>
        %dma_wait3A_105 = tpu.memref_squeeze %dma_wait3A_104 : memref<1x128x128xf32, #tpu.memory_space<vmem>> -> memref<128x128xf32, #tpu.memory_space<vmem>>
        %dma_wait3A_106 = arith.constant 0 : i32
        %dma_wait3A_107 = tpu.memref_slice %arg12[%add3A_68, %dma_wait3A_106] : memref<10240x128xf32, #tpu.memory_space<vmem_shared>> -> memref<128x128xf32, #tpu.memory_space<vmem_shared>>
        %dma_wait3A_108 = arith.constant 0 : i32
        %dma_wait3A_109 = arith.constant 0 : i32
        %dma_wait3A_110 = tpu.memref_slice %arg17[%run_scoped3A_69, %dma_wait3A_108, %dma_wait3A_109] : memref<2x128x128xf32, #tpu.memory_space<vmem>> -> memref<1x128x128xf32, #tpu.memory_space<vmem>>
        %dma_wait3A_111 = tpu.memref_squeeze %dma_wait3A_110 : memref<1x128x128xf32, #tpu.memory_space<vmem>> -> memref<128x128xf32, #tpu.memory_space<vmem>>
        %dma_wait3A_112 = arith.constant 0 : i32
        %dma_wait3A_113 = tpu.memref_slice %arg12[%add3A_68, %dma_wait3A_112] : memref<10240x128xf32, #tpu.memory_space<vmem_shared>> -> memref<128x128xf32, #tpu.memory_space<vmem_shared>>
        tpu.wait_dma2 semaphore(%run_scoped3A_91 : memref<!tpu.dma_semaphore, #tpu.memory_space<semaphore_mem>>) src(%dma_wait3A_113 : memref<128x128xf32, #tpu.memory_space<vmem_shared>>) dst(%dma_wait3A_111 : memref<128x128xf32, #tpu.memory_space<vmem>>)
        tpu.yield
      }) : () -> ()
      %add3A_70 = arith.constant 128 : i32
      %add3A_71 = arith.addi %mul3A_0, %add3A_70 : i32
      %run_scoped3A_72 = arith.constant 0 : i32
      "tpu.region"() ({
        %run_scoped3A_91 = tpu.sem_alloc : memref<!tpu.dma_semaphore, #tpu.memory_space<semaphore_mem>>
        %dma_start3A = arith.constant 0 : i32
        %dma_start3A_92 = arith.constant 0 : i32
        %dma_start3A_93 = tpu.memref_slice %arg17[%run_scoped3A_72, %dma_start3A, %dma_start3A_92] : memref<2x128x128xf32, #tpu.memory_space<vmem>> -> memref<1x128x128xf32, #tpu.memory_space<vmem>>
        %dma_start3A_94 = tpu.memref_squeeze %dma_start3A_93 : memref<1x128x128xf32, #tpu.memory_space<vmem>> -> memref<128x128xf32, #tpu.memory_space<vmem>>
        %dma_start3A_95 = arith.constant 0 : i32
        %dma_start3A_96 = tpu.memref_slice %arg8[%add3A_71, %dma_start3A_95] : memref<10240x128xf32, #tpu.memory_space<hbm>> -> memref<128x128xf32, #tpu.memory_space<hbm>>
        %dma_start3A_97 = arith.constant 0 : i32
        %dma_start3A_98 = tpu.memref_slice %arg8[%add3A_71, %dma_start3A_97] : memref<10240x128xf32, #tpu.memory_space<hbm>> -> memref<128x128xf32, #tpu.memory_space<hbm>>
        %dma_start3A_99 = arith.constant 0 : i32
        %dma_start3A_100 = arith.constant 0 : i32
        %dma_start3A_101 = tpu.memref_slice %arg17[%run_scoped3A_72, %dma_start3A_99, %dma_start3A_100] : memref<2x128x128xf32, #tpu.memory_space<vmem>> -> memref<1x128x128xf32, #tpu.memory_space<vmem>>
        %dma_start3A_102 = tpu.memref_squeeze %dma_start3A_101 : memref<1x128x128xf32, #tpu.memory_space<vmem>> -> memref<128x128xf32, #tpu.memory_space<vmem>>
        tpu.enqueue_dma source(%dma_start3A_102 : memref<128x128xf32, #tpu.memory_space<vmem>>) target(%dma_start3A_98 : memref<128x128xf32, #tpu.memory_space<hbm>>) target_semaphore(%run_scoped3A_91 : memref<!tpu.dma_semaphore, #tpu.memory_space<semaphore_mem>>)
        %dma_wait3A = arith.constant 0 : i32
        %dma_wait3A_103 = arith.constant 0 : i32
        %dma_wait3A_104 = tpu.memref_slice %arg17[%run_scoped3A_72, %dma_wait3A, %dma_wait3A_103] : memref<2x128x128xf32, #tpu.memory_space<vmem>> -> memref<1x128x128xf32, #tpu.memory_space<vmem>>
        %dma_wait3A_105 = tpu.memref_squeeze %dma_wait3A_104 : memref<1x128x128xf32, #tpu.memory_space<vmem>> -> memref<128x128xf32, #tpu.memory_space<vmem>>
        %dma_wait3A_106 = arith.constant 0 : i32
        %dma_wait3A_107 = tpu.memref_slice %arg8[%add3A_71, %dma_wait3A_106] : memref<10240x128xf32, #tpu.memory_space<hbm>> -> memref<128x128xf32, #tpu.memory_space<hbm>>
        %dma_wait3A_108 = arith.constant 0 : i32
        %dma_wait3A_109 = tpu.memref_slice %arg8[%add3A_71, %dma_wait3A_108] : memref<10240x128xf32, #tpu.memory_space<hbm>> -> memref<128x128xf32, #tpu.memory_space<hbm>>
        %dma_wait3A_110 = arith.constant 0 : i32
        %dma_wait3A_111 = arith.constant 0 : i32
        %dma_wait3A_112 = tpu.memref_slice %arg17[%run_scoped3A_72, %dma_wait3A_110, %dma_wait3A_111] : memref<2x128x128xf32, #tpu.memory_space<vmem>> -> memref<1x128x128xf32, #tpu.memory_space<vmem>>
        %dma_wait3A_113 = tpu.memref_squeeze %dma_wait3A_112 : memref<1x128x128xf32, #tpu.memory_space<vmem>> -> memref<128x128xf32, #tpu.memory_space<vmem>>
        tpu.wait_dma2 semaphore(%run_scoped3A_91 : memref<!tpu.dma_semaphore, #tpu.memory_space<semaphore_mem>>) src(%dma_wait3A_113 : memref<128x128xf32, #tpu.memory_space<vmem>>) dst(%dma_wait3A_109 : memref<128x128xf32, #tpu.memory_space<hbm>>)
        tpu.yield
      }) : () -> ()
      %add3A_73 = arith.constant 256 : i32
      %add3A_74 = arith.addi %mul3A_0, %add3A_73 : i32
      %run_scoped3A_75 = arith.constant 0 : i32
      "tpu.region"() ({
        %run_scoped3A_91 = tpu.sem_alloc : memref<!tpu.dma_semaphore, #tpu.memory_space<semaphore_mem>>
        %dma_start3A = arith.constant 0 : i32
        %dma_start3A_92 = arith.constant 0 : i32
        %dma_start3A_93 = tpu.memref_slice %arg17[%run_scoped3A_75, %dma_start3A, %dma_start3A_92] : memref<2x128x128xf32, #tpu.memory_space<vmem>> -> memref<1x128x128xf32, #tpu.memory_space<vmem>>
        %dma_start3A_94 = tpu.memref_squeeze %dma_start3A_93 : memref<1x128x128xf32, #tpu.memory_space<vmem>> -> memref<128x128xf32, #tpu.memory_space<vmem>>
        %dma_start3A_95 = arith.constant 0 : i32
        %dma_start3A_96 = tpu.memref_slice %arg12[%add3A_74, %dma_start3A_95] : memref<10240x128xf32, #tpu.memory_space<vmem_shared>> -> memref<128x128xf32, #tpu.memory_space<vmem_shared>>
        %dma_start3A_97 = arith.constant 0 : i32
        %dma_start3A_98 = arith.constant 0 : i32
        %dma_start3A_99 = tpu.memref_slice %arg17[%run_scoped3A_75, %dma_start3A_97, %dma_start3A_98] : memref<2x128x128xf32, #tpu.memory_space<vmem>> -> memref<1x128x128xf32, #tpu.memory_space<vmem>>
        %dma_start3A_100 = tpu.memref_squeeze %dma_start3A_99 : memref<1x128x128xf32, #tpu.memory_space<vmem>> -> memref<128x128xf32, #tpu.memory_space<vmem>>
        %dma_start3A_101 = arith.constant 0 : i32
        %dma_start3A_102 = tpu.memref_slice %arg12[%add3A_74, %dma_start3A_101] : memref<10240x128xf32, #tpu.memory_space<vmem_shared>> -> memref<128x128xf32, #tpu.memory_space<vmem_shared>>
        tpu.enqueue_dma source(%dma_start3A_102 : memref<128x128xf32, #tpu.memory_space<vmem_shared>>) target(%dma_start3A_100 : memref<128x128xf32, #tpu.memory_space<vmem>>) target_semaphore(%run_scoped3A_91 : memref<!tpu.dma_semaphore, #tpu.memory_space<semaphore_mem>>)
        %dma_wait3A = arith.constant 0 : i32
        %dma_wait3A_103 = arith.constant 0 : i32
        %dma_wait3A_104 = tpu.memref_slice %arg17[%run_scoped3A_75, %dma_wait3A, %dma_wait3A_103] : memref<2x128x128xf32, #tpu.memory_space<vmem>> -> memref<1x128x128xf32, #tpu.memory_space<vmem>>
        %dma_wait3A_105 = tpu.memref_squeeze %dma_wait3A_104 : memref<1x128x128xf32, #tpu.memory_space<vmem>> -> memref<128x128xf32, #tpu.memory_space<vmem>>
        %dma_wait3A_106 = arith.constant 0 : i32
        %dma_wait3A_107 = tpu.memref_slice %arg12[%add3A_74, %dma_wait3A_106] : memref<10240x128xf32, #tpu.memory_space<vmem_shared>> -> memref<128x128xf32, #tpu.memory_space<vmem_shared>>
        %dma_wait3A_108 = arith.constant 0 : i32
        %dma_wait3A_109 = arith.constant 0 : i32
        %dma_wait3A_110 = tpu.memref_slice %arg17[%run_scoped3A_75, %dma_wait3A_108, %dma_wait3A_109] : memref<2x128x128xf32, #tpu.memory_space<vmem>> -> memref<1x128x128xf32, #tpu.memory_space<vmem>>
        %dma_wait3A_111 = tpu.memref_squeeze %dma_wait3A_110 : memref<1x128x128xf32, #tpu.memory_space<vmem>> -> memref<128x128xf32, #tpu.memory_space<vmem>>
        %dma_wait3A_112 = arith.constant 0 : i32
        %dma_wait3A_113 = tpu.memref_slice %arg12[%add3A_74, %dma_wait3A_112] : memref<10240x128xf32, #tpu.memory_space<vmem_shared>> -> memref<128x128xf32, #tpu.memory_space<vmem_shared>>
        tpu.wait_dma2 semaphore(%run_scoped3A_91 : memref<!tpu.dma_semaphore, #tpu.memory_space<semaphore_mem>>) src(%dma_wait3A_113 : memref<128x128xf32, #tpu.memory_space<vmem_shared>>) dst(%dma_wait3A_111 : memref<128x128xf32, #tpu.memory_space<vmem>>)
        tpu.yield
      }) : () -> ()
      %add3A_76 = arith.constant 256 : i32
      %add3A_77 = arith.addi %mul3A_0, %add3A_76 : i32
      %run_scoped3A_78 = arith.constant 0 : i32
      "tpu.region"() ({
        %run_scoped3A_91 = tpu.sem_alloc : memref<!tpu.dma_semaphore, #tpu.memory_space<semaphore_mem>>
        %dma_start3A = arith.constant 0 : i32
        %dma_start3A_92 = arith.constant 0 : i32
        %dma_start3A_93 = tpu.memref_slice %arg17[%run_scoped3A_78, %dma_start3A, %dma_start3A_92] : memref<2x128x128xf32, #tpu.memory_space<vmem>> -> memref<1x128x128xf32, #tpu.memory_space<vmem>>
        %dma_start3A_94 = tpu.memref_squeeze %dma_start3A_93 : memref<1x128x128xf32, #tpu.memory_space<vmem>> -> memref<128x128xf32, #tpu.memory_space<vmem>>
        %dma_start3A_95 = arith.constant 0 : i32
        %dma_start3A_96 = tpu.memref_slice %arg8[%add3A_77, %dma_start3A_95] : memref<10240x128xf32, #tpu.memory_space<hbm>> -> memref<128x128xf32, #tpu.memory_space<hbm>>
        %dma_start3A_97 = arith.constant 0 : i32
        %dma_start3A_98 = tpu.memref_slice %arg8[%add3A_77, %dma_start3A_97] : memref<10240x128xf32, #tpu.memory_space<hbm>> -> memref<128x128xf32, #tpu.memory_space<hbm>>
        %dma_start3A_99 = arith.constant 0 : i32
        %dma_start3A_100 = arith.constant 0 : i32
        %dma_start3A_101 = tpu.memref_slice %arg17[%run_scoped3A_78, %dma_start3A_99, %dma_start3A_100] : memref<2x128x128xf32, #tpu.memory_space<vmem>> -> memref<1x128x128xf32, #tpu.memory_space<vmem>>
        %dma_start3A_102 = tpu.memref_squeeze %dma_start3A_101 : memref<1x128x128xf32, #tpu.memory_space<vmem>> -> memref<128x128xf32, #tpu.memory_space<vmem>>
        tpu.enqueue_dma source(%dma_start3A_102 : memref<128x128xf32, #tpu.memory_space<vmem>>) target(%dma_start3A_98 : memref<128x128xf32, #tpu.memory_space<hbm>>) target_semaphore(%run_scoped3A_91 : memref<!tpu.dma_semaphore, #tpu.memory_space<semaphore_mem>>)
        %dma_wait3A = arith.constant 0 : i32
        %dma_wait3A_103 = arith.constant 0 : i32
        %dma_wait3A_104 = tpu.memref_slice %arg17[%run_scoped3A_78, %dma_wait3A, %dma_wait3A_103] : memref<2x128x128xf32, #tpu.memory_space<vmem>> -> memref<1x128x128xf32, #tpu.memory_space<vmem>>
        %dma_wait3A_105 = tpu.memref_squeeze %dma_wait3A_104 : memref<1x128x128xf32, #tpu.memory_space<vmem>> -> memref<128x128xf32, #tpu.memory_space<vmem>>
        %dma_wait3A_106 = arith.constant 0 : i32
        %dma_wait3A_107 = tpu.memref_slice %arg8[%add3A_77, %dma_wait3A_106] : memref<10240x128xf32, #tpu.memory_space<hbm>> -> memref<128x128xf32, #tpu.memory_space<hbm>>
        %dma_wait3A_108 = arith.constant 0 : i32
        %dma_wait3A_109 = tpu.memref_slice %arg8[%add3A_77, %dma_wait3A_108] : memref<10240x128xf32, #tpu.memory_space<hbm>> -> memref<128x128xf32, #tpu.memory_space<hbm>>
        %dma_wait3A_110 = arith.constant 0 : i32
        %dma_wait3A_111 = arith.constant 0 : i32
        %dma_wait3A_112 = tpu.memref_slice %arg17[%run_scoped3A_78, %dma_wait3A_110, %dma_wait3A_111] : memref<2x128x128xf32, #tpu.memory_space<vmem>> -> memref<1x128x128xf32, #tpu.memory_space<vmem>>
        %dma_wait3A_113 = tpu.memref_squeeze %dma_wait3A_112 : memref<1x128x128xf32, #tpu.memory_space<vmem>> -> memref<128x128xf32, #tpu.memory_space<vmem>>
        tpu.wait_dma2 semaphore(%run_scoped3A_91 : memref<!tpu.dma_semaphore, #tpu.memory_space<semaphore_mem>>) src(%dma_wait3A_113 : memref<128x128xf32, #tpu.memory_space<vmem>>) dst(%dma_wait3A_109 : memref<128x128xf32, #tpu.memory_space<hbm>>)
        tpu.yield
      }) : () -> ()
      %add3A_79 = arith.constant 384 : i32
      %add3A_80 = arith.addi %mul3A_0, %add3A_79 : i32
      %run_scoped3A_81 = arith.constant 0 : i32
      "tpu.region"() ({
        %run_scoped3A_91 = tpu.sem_alloc : memref<!tpu.dma_semaphore, #tpu.memory_space<semaphore_mem>>
        %dma_start3A = arith.constant 0 : i32
        %dma_start3A_92 = arith.constant 0 : i32
        %dma_start3A_93 = tpu.memref_slice %arg17[%run_scoped3A_81, %dma_start3A, %dma_start3A_92] : memref<2x128x128xf32, #tpu.memory_space<vmem>> -> memref<1x128x128xf32, #tpu.memory_space<vmem>>
        %dma_start3A_94 = tpu.memref_squeeze %dma_start3A_93 : memref<1x128x128xf32, #tpu.memory_space<vmem>> -> memref<128x128xf32, #tpu.memory_space<vmem>>
        %dma_start3A_95 = arith.constant 0 : i32
        %dma_start3A_96 = tpu.memref_slice %arg12[%add3A_80, %dma_start3A_95] : memref<10240x128xf32, #tpu.memory_space<vmem_shared>> -> memref<128x128xf32, #tpu.memory_space<vmem_shared>>
        %dma_start3A_97 = arith.constant 0 : i32
        %dma_start3A_98 = arith.constant 0 : i32
        %dma_start3A_99 = tpu.memref_slice %arg17[%run_scoped3A_81, %dma_start3A_97, %dma_start3A_98] : memref<2x128x128xf32, #tpu.memory_space<vmem>> -> memref<1x128x128xf32, #tpu.memory_space<vmem>>
        %dma_start3A_100 = tpu.memref_squeeze %dma_start3A_99 : memref<1x128x128xf32, #tpu.memory_space<vmem>> -> memref<128x128xf32, #tpu.memory_space<vmem>>
        %dma_start3A_101 = arith.constant 0 : i32
        %dma_start3A_102 = tpu.memref_slice %arg12[%add3A_80, %dma_start3A_101] : memref<10240x128xf32, #tpu.memory_space<vmem_shared>> -> memref<128x128xf32, #tpu.memory_space<vmem_shared>>
        tpu.enqueue_dma source(%dma_start3A_102 : memref<128x128xf32, #tpu.memory_space<vmem_shared>>) target(%dma_start3A_100 : memref<128x128xf32, #tpu.memory_space<vmem>>) target_semaphore(%run_scoped3A_91 : memref<!tpu.dma_semaphore, #tpu.memory_space<semaphore_mem>>)
        %dma_wait3A = arith.constant 0 : i32
        %dma_wait3A_103 = arith.constant 0 : i32
        %dma_wait3A_104 = tpu.memref_slice %arg17[%run_scoped3A_81, %dma_wait3A, %dma_wait3A_103] : memref<2x128x128xf32, #tpu.memory_space<vmem>> -> memref<1x128x128xf32, #tpu.memory_space<vmem>>
        %dma_wait3A_105 = tpu.memref_squeeze %dma_wait3A_104 : memref<1x128x128xf32, #tpu.memory_space<vmem>> -> memref<128x128xf32, #tpu.memory_space<vmem>>
        %dma_wait3A_106 = arith.constant 0 : i32
        %dma_wait3A_107 = tpu.memref_slice %arg12[%add3A_80, %dma_wait3A_106] : memref<10240x128xf32, #tpu.memory_space<vmem_shared>> -> memref<128x128xf32, #tpu.memory_space<vmem_shared>>
        %dma_wait3A_108 = arith.constant 0 : i32
        %dma_wait3A_109 = arith.constant 0 : i32
        %dma_wait3A_110 = tpu.memref_slice %arg17[%run_scoped3A_81, %dma_wait3A_108, %dma_wait3A_109] : memref<2x128x128xf32, #tpu.memory_space<vmem>> -> memref<1x128x128xf32, #tpu.memory_space<vmem>>
        %dma_wait3A_111 = tpu.memref_squeeze %dma_wait3A_110 : memref<1x128x128xf32, #tpu.memory_space<vmem>> -> memref<128x128xf32, #tpu.memory_space<vmem>>
        %dma_wait3A_112 = arith.constant 0 : i32
        %dma_wait3A_113 = tpu.memref_slice %arg12[%add3A_80, %dma_wait3A_112] : memref<10240x128xf32, #tpu.memory_space<vmem_shared>> -> memref<128x128xf32, #tpu.memory_space<vmem_shared>>
        tpu.wait_dma2 semaphore(%run_scoped3A_91 : memref<!tpu.dma_semaphore, #tpu.memory_space<semaphore_mem>>) src(%dma_wait3A_113 : memref<128x128xf32, #tpu.memory_space<vmem_shared>>) dst(%dma_wait3A_111 : memref<128x128xf32, #tpu.memory_space<vmem>>)
        tpu.yield
      }) : () -> ()
      %add3A_82 = arith.constant 384 : i32
      %add3A_83 = arith.addi %mul3A_0, %add3A_82 : i32
      %run_scoped3A_84 = arith.constant 0 : i32
      "tpu.region"() ({
        %run_scoped3A_91 = tpu.sem_alloc : memref<!tpu.dma_semaphore, #tpu.memory_space<semaphore_mem>>
        %dma_start3A = arith.constant 0 : i32
        %dma_start3A_92 = arith.constant 0 : i32
        %dma_start3A_93 = tpu.memref_slice %arg17[%run_scoped3A_84, %dma_start3A, %dma_start3A_92] : memref<2x128x128xf32, #tpu.memory_space<vmem>> -> memref<1x128x128xf32, #tpu.memory_space<vmem>>
        %dma_start3A_94 = tpu.memref_squeeze %dma_start3A_93 : memref<1x128x128xf32, #tpu.memory_space<vmem>> -> memref<128x128xf32, #tpu.memory_space<vmem>>
        %dma_start3A_95 = arith.constant 0 : i32
        %dma_start3A_96 = tpu.memref_slice %arg8[%add3A_83, %dma_start3A_95] : memref<10240x128xf32, #tpu.memory_space<hbm>> -> memref<128x128xf32, #tpu.memory_space<hbm>>
        %dma_start3A_97 = arith.constant 0 : i32
        %dma_start3A_98 = tpu.memref_slice %arg8[%add3A_83, %dma_start3A_97] : memref<10240x128xf32, #tpu.memory_space<hbm>> -> memref<128x128xf32, #tpu.memory_space<hbm>>
        %dma_start3A_99 = arith.constant 0 : i32
        %dma_start3A_100 = arith.constant 0 : i32
        %dma_start3A_101 = tpu.memref_slice %arg17[%run_scoped3A_84, %dma_start3A_99, %dma_start3A_100] : memref<2x128x128xf32, #tpu.memory_space<vmem>> -> memref<1x128x128xf32, #tpu.memory_space<vmem>>
        %dma_start3A_102 = tpu.memref_squeeze %dma_start3A_101 : memref<1x128x128xf32, #tpu.memory_space<vmem>> -> memref<128x128xf32, #tpu.memory_space<vmem>>
        tpu.enqueue_dma source(%dma_start3A_102 : memref<128x128xf32, #tpu.memory_space<vmem>>) target(%dma_start3A_98 : memref<128x128xf32, #tpu.memory_space<hbm>>) target_semaphore(%run_scoped3A_91 : memref<!tpu.dma_semaphore, #tpu.memory_space<semaphore_mem>>)
        %dma_wait3A = arith.constant 0 : i32
        %dma_wait3A_103 = arith.constant 0 : i32
        %dma_wait3A_104 = tpu.memref_slice %arg17[%run_scoped3A_84, %dma_wait3A, %dma_wait3A_103] : memref<2x128x128xf32, #tpu.memory_space<vmem>> -> memref<1x128x128xf32, #tpu.memory_space<vmem>>
        %dma_wait3A_105 = tpu.memref_squeeze %dma_wait3A_104 : memref<1x128x128xf32, #tpu.memory_space<vmem>> -> memref<128x128xf32, #tpu.memory_space<vmem>>
        %dma_wait3A_106 = arith.constant 0 : i32
        %dma_wait3A_107 = tpu.memref_slice %arg8[%add3A_83, %dma_wait3A_106] : memref<10240x128xf32, #tpu.memory_space<hbm>> -> memref<128x128xf32, #tpu.memory_space<hbm>>
        %dma_wait3A_108 = arith.constant 0 : i32
        %dma_wait3A_109 = tpu.memref_slice %arg8[%add3A_83, %dma_wait3A_108] : memref<10240x128xf32, #tpu.memory_space<hbm>> -> memref<128x128xf32, #tpu.memory_space<hbm>>
        %dma_wait3A_110 = arith.constant 0 : i32
        %dma_wait3A_111 = arith.constant 0 : i32
        %dma_wait3A_112 = tpu.memref_slice %arg17[%run_scoped3A_84, %dma_wait3A_110, %dma_wait3A_111] : memref<2x128x128xf32, #tpu.memory_space<vmem>> -> memref<1x128x128xf32, #tpu.memory_space<vmem>>
        %dma_wait3A_113 = tpu.memref_squeeze %dma_wait3A_112 : memref<1x128x128xf32, #tpu.memory_space<vmem>> -> memref<128x128xf32, #tpu.memory_space<vmem>>
        tpu.wait_dma2 semaphore(%run_scoped3A_91 : memref<!tpu.dma_semaphore, #tpu.memory_space<semaphore_mem>>) src(%dma_wait3A_113 : memref<128x128xf32, #tpu.memory_space<vmem>>) dst(%dma_wait3A_109 : memref<128x128xf32, #tpu.memory_space<hbm>>)
        tpu.yield
      }) : () -> ()
      %add3A_85 = arith.constant 512 : i32
      %add3A_86 = arith.addi %mul3A_0, %add3A_85 : i32
      %run_scoped3A_87 = arith.constant 0 : i32
      "tpu.region"() ({
        %run_scoped3A_91 = tpu.sem_alloc : memref<!tpu.dma_semaphore, #tpu.memory_space<semaphore_mem>>
        %dma_start3A = arith.constant 0 : i32
        %dma_start3A_92 = arith.constant 0 : i32
        %dma_start3A_93 = tpu.memref_slice %arg17[%run_scoped3A_87, %dma_start3A, %dma_start3A_92] : memref<2x128x128xf32, #tpu.memory_space<vmem>> -> memref<1x128x128xf32, #tpu.memory_space<vmem>>
        %dma_start3A_94 = tpu.memref_squeeze %dma_start3A_93 : memref<1x128x128xf32, #tpu.memory_space<vmem>> -> memref<128x128xf32, #tpu.memory_space<vmem>>
        %dma_start3A_95 = arith.constant 0 : i32
        %dma_start3A_96 = tpu.memref_slice %arg12[%add3A_86, %dma_start3A_95] : memref<10240x128xf32, #tpu.memory_space<vmem_shared>> -> memref<128x128xf32, #tpu.memory_space<vmem_shared>>
        %dma_start3A_97 = arith.constant 0 : i32
        %dma_start3A_98 = arith.constant 0 : i32
        %dma_start3A_99 = tpu.memref_slice %arg17[%run_scoped3A_87, %dma_start3A_97, %dma_start3A_98] : memref<2x128x128xf32, #tpu.memory_space<vmem>> -> memref<1x128x128xf32, #tpu.memory_space<vmem>>
        %dma_start3A_100 = tpu.memref_squeeze %dma_start3A_99 : memref<1x128x128xf32, #tpu.memory_space<vmem>> -> memref<128x128xf32, #tpu.memory_space<vmem>>
        %dma_start3A_101 = arith.constant 0 : i32
        %dma_start3A_102 = tpu.memref_slice %arg12[%add3A_86, %dma_start3A_101] : memref<10240x128xf32, #tpu.memory_space<vmem_shared>> -> memref<128x128xf32, #tpu.memory_space<vmem_shared>>
        tpu.enqueue_dma source(%dma_start3A_102 : memref<128x128xf32, #tpu.memory_space<vmem_shared>>) target(%dma_start3A_100 : memref<128x128xf32, #tpu.memory_space<vmem>>) target_semaphore(%run_scoped3A_91 : memref<!tpu.dma_semaphore, #tpu.memory_space<semaphore_mem>>)
        %dma_wait3A = arith.constant 0 : i32
        %dma_wait3A_103 = arith.constant 0 : i32
        %dma_wait3A_104 = tpu.memref_slice %arg17[%run_scoped3A_87, %dma_wait3A, %dma_wait3A_103] : memref<2x128x128xf32, #tpu.memory_space<vmem>> -> memref<1x128x128xf32, #tpu.memory_space<vmem>>
        %dma_wait3A_105 = tpu.memref_squeeze %dma_wait3A_104 : memref<1x128x128xf32, #tpu.memory_space<vmem>> -> memref<128x128xf32, #tpu.memory_space<vmem>>
        %dma_wait3A_106 = arith.constant 0 : i32
        %dma_wait3A_107 = tpu.memref_slice %arg12[%add3A_86, %dma_wait3A_106] : memref<10240x128xf32, #tpu.memory_space<vmem_shared>> -> memref<128x128xf32, #tpu.memory_space<vmem_shared>>
        %dma_wait3A_108 = arith.constant 0 : i32
        %dma_wait3A_109 = arith.constant 0 : i32
        %dma_wait3A_110 = tpu.memref_slice %arg17[%run_scoped3A_87, %dma_wait3A_108, %dma_wait3A_109] : memref<2x128x128xf32, #tpu.memory_space<vmem>> -> memref<1x128x128xf32, #tpu.memory_space<vmem>>
        %dma_wait3A_111 = tpu.memref_squeeze %dma_wait3A_110 : memref<1x128x128xf32, #tpu.memory_space<vmem>> -> memref<128x128xf32, #tpu.memory_space<vmem>>
        %dma_wait3A_112 = arith.constant 0 : i32
        %dma_wait3A_113 = tpu.memref_slice %arg12[%add3A_86, %dma_wait3A_112] : memref<10240x128xf32, #tpu.memory_space<vmem_shared>> -> memref<128x128xf32, #tpu.memory_space<vmem_shared>>
        tpu.wait_dma2 semaphore(%run_scoped3A_91 : memref<!tpu.dma_semaphore, #tpu.memory_space<semaphore_mem>>) src(%dma_wait3A_113 : memref<128x128xf32, #tpu.memory_space<vmem_shared>>) dst(%dma_wait3A_111 : memref<128x128xf32, #tpu.memory_space<vmem>>)
        tpu.yield
      }) : () -> ()
      %add3A_88 = arith.constant 512 : i32
      %add3A_89 = arith.addi %mul3A_0, %add3A_88 : i32
      %run_scoped3A_90 = arith.constant 0 : i32
      "tpu.region"() ({
        %run_scoped3A_91 = tpu.sem_alloc : memref<!tpu.dma_semaphore, #tpu.memory_space<semaphore_mem>>
        %dma_start3A = arith.constant 0 : i32
        %dma_start3A_92 = arith.constant 0 : i32
        %dma_start3A_93 = tpu.memref_slice %arg17[%run_scoped3A_90, %dma_start3A, %dma_start3A_92] : memref<2x128x128xf32, #tpu.memory_space<vmem>> -> memref<1x128x128xf32, #tpu.memory_space<vmem>>
        %dma_start3A_94 = tpu.memref_squeeze %dma_start3A_93 : memref<1x128x128xf32, #tpu.memory_space<vmem>> -> memref<128x128xf32, #tpu.memory_space<vmem>>
        %dma_start3A_95 = arith.constant 0 : i32
        %dma_start3A_96 = tpu.memref_slice %arg8[%add3A_89, %dma_start3A_95] : memref<10240x128xf32, #tpu.memory_space<hbm>> -> memref<128x128xf32, #tpu.memory_space<hbm>>
        %dma_start3A_97 = arith.constant 0 : i32
        %dma_start3A_98 = tpu.memref_slice %arg8[%add3A_89, %dma_start3A_97] : memref<10240x128xf32, #tpu.memory_space<hbm>> -> memref<128x128xf32, #tpu.memory_space<hbm>>
        %dma_start3A_99 = arith.constant 0 : i32
        %dma_start3A_100 = arith.constant 0 : i32
        %dma_start3A_101 = tpu.memref_slice %arg17[%run_scoped3A_90, %dma_start3A_99, %dma_start3A_100] : memref<2x128x128xf32, #tpu.memory_space<vmem>> -> memref<1x128x128xf32, #tpu.memory_space<vmem>>
        %dma_start3A_102 = tpu.memref_squeeze %dma_start3A_101 : memref<1x128x128xf32, #tpu.memory_space<vmem>> -> memref<128x128xf32, #tpu.memory_space<vmem>>
        tpu.enqueue_dma source(%dma_start3A_102 : memref<128x128xf32, #tpu.memory_space<vmem>>) target(%dma_start3A_98 : memref<128x128xf32, #tpu.memory_space<hbm>>) target_semaphore(%run_scoped3A_91 : memref<!tpu.dma_semaphore, #tpu.memory_space<semaphore_mem>>)
        %dma_wait3A = arith.constant 0 : i32
        %dma_wait3A_103 = arith.constant 0 : i32
        %dma_wait3A_104 = tpu.memref_slice %arg17[%run_scoped3A_90, %dma_wait3A, %dma_wait3A_103] : memref<2x128x128xf32, #tpu.memory_space<vmem>> -> memref<1x128x128xf32, #tpu.memory_space<vmem>>
        %dma_wait3A_105 = tpu.memref_squeeze %dma_wait3A_104 : memref<1x128x128xf32, #tpu.memory_space<vmem>> -> memref<128x128xf32, #tpu.memory_space<vmem>>
        %dma_wait3A_106 = arith.constant 0 : i32
        %dma_wait3A_107 = tpu.memref_slice %arg8[%add3A_89, %dma_wait3A_106] : memref<10240x128xf32, #tpu.memory_space<hbm>> -> memref<128x128xf32, #tpu.memory_space<hbm>>
        %dma_wait3A_108 = arith.constant 0 : i32
        %dma_wait3A_109 = tpu.memref_slice %arg8[%add3A_89, %dma_wait3A_108] : memref<10240x128xf32, #tpu.memory_space<hbm>> -> memref<128x128xf32, #tpu.memory_space<hbm>>
        %dma_wait3A_110 = arith.constant 0 : i32
        %dma_wait3A_111 = arith.constant 0 : i32
        %dma_wait3A_112 = tpu.memref_slice %arg17[%run_scoped3A_90, %dma_wait3A_110, %dma_wait3A_111] : memref<2x128x128xf32, #tpu.memory_space<vmem>> -> memref<1x128x128xf32, #tpu.memory_space<vmem>>
        %dma_wait3A_113 = tpu.memref_squeeze %dma_wait3A_112 : memref<1x128x128xf32, #tpu.memory_space<vmem>> -> memref<128x128xf32, #tpu.memory_space<vmem>>
        tpu.wait_dma2 semaphore(%run_scoped3A_91 : memref<!tpu.dma_semaphore, #tpu.memory_space<semaphore_mem>>) src(%dma_wait3A_113 : memref<128x128xf32, #tpu.memory_space<vmem>>) dst(%dma_wait3A_109 : memref<128x128xf32, #tpu.memory_space<hbm>>)
        tpu.yield
      }) : () -> ()
    } else {
    }
    %eq3A_46 = arith.constant 1 : i32
    %eq3A_47 = arith.cmpi eq, %arg0, %eq3A_46 : i32
    %convert_element_type3A_48 = arith.extui %eq3A_47 : i1 to i32
    %cond3A_49 = arith.constant 0 : i32
    %cond3A_50 = arith.cmpi ne, %convert_element_type3A_48, %cond3A_49 : i32
    scf.if %cond3A_50 {
      %add3A_61 = arith.constant 0 : i32
      %add3A_62 = arith.addi %mul3A_0, %add3A_61 : i32
      %run_scoped3A_63 = arith.constant 0 : i32
      "tpu.region"() ({
        %run_scoped3A_91 = tpu.sem_alloc : memref<!tpu.dma_semaphore, #tpu.memory_space<semaphore_mem>>
        %dma_start3A = arith.constant 0 : i32
        %dma_start3A_92 = arith.constant 0 : i32
        %dma_start3A_93 = tpu.memref_slice %arg17[%run_scoped3A_63, %dma_start3A, %dma_start3A_92] : memref<2x128x128xf32, #tpu.memory_space<vmem>> -> memref<1x128x128xf32, #tpu.memory_space<vmem>>
        %dma_start3A_94 = tpu.memref_squeeze %dma_start3A_93 : memref<1x128x128xf32, #tpu.memory_space<vmem>> -> memref<128x128xf32, #tpu.memory_space<vmem>>
        %dma_start3A_95 = arith.constant 0 : i32
        %dma_start3A_96 = tpu.memref_slice %arg12[%add3A_62, %dma_start3A_95] : memref<10240x128xf32, #tpu.memory_space<vmem_shared>> -> memref<128x128xf32, #tpu.memory_space<vmem_shared>>
        %dma_start3A_97 = arith.constant 0 : i32
        %dma_start3A_98 = arith.constant 0 : i32
        %dma_start3A_99 = tpu.memref_slice %arg17[%run_scoped3A_63, %dma_start3A_97, %dma_start3A_98] : memref<2x128x128xf32, #tpu.memory_space<vmem>> -> memref<1x128x128xf32, #tpu.memory_space<vmem>>
        %dma_start3A_100 = tpu.memref_squeeze %dma_start3A_99 : memref<1x128x128xf32, #tpu.memory_space<vmem>> -> memref<128x128xf32, #tpu.memory_space<vmem>>
        %dma_start3A_101 = arith.constant 0 : i32
        %dma_start3A_102 = tpu.memref_slice %arg12[%add3A_62, %dma_start3A_101] : memref<10240x128xf32, #tpu.memory_space<vmem_shared>> -> memref<128x128xf32, #tpu.memory_space<vmem_shared>>
        tpu.enqueue_dma source(%dma_start3A_102 : memref<128x128xf32, #tpu.memory_space<vmem_shared>>) target(%dma_start3A_100 : memref<128x128xf32, #tpu.memory_space<vmem>>) target_semaphore(%run_scoped3A_91 : memref<!tpu.dma_semaphore, #tpu.memory_space<semaphore_mem>>)
        %dma_wait3A = arith.constant 0 : i32
        %dma_wait3A_103 = arith.constant 0 : i32
        %dma_wait3A_104 = tpu.memref_slice %arg17[%run_scoped3A_63, %dma_wait3A, %dma_wait3A_103] : memref<2x128x128xf32, #tpu.memory_space<vmem>> -> memref<1x128x128xf32, #tpu.memory_space<vmem>>
        %dma_wait3A_105 = tpu.memref_squeeze %dma_wait3A_104 : memref<1x128x128xf32, #tpu.memory_space<vmem>> -> memref<128x128xf32, #tpu.memory_space<vmem>>
        %dma_wait3A_106 = arith.constant 0 : i32
        %dma_wait3A_107 = tpu.memref_slice %arg12[%add3A_62, %dma_wait3A_106] : memref<10240x128xf32, #tpu.memory_space<vmem_shared>> -> memref<128x128xf32, #tpu.memory_space<vmem_shared>>
        %dma_wait3A_108 = arith.constant 0 : i32
        %dma_wait3A_109 = arith.constant 0 : i32
        %dma_wait3A_110 = tpu.memref_slice %arg17[%run_scoped3A_63, %dma_wait3A_108, %dma_wait3A_109] : memref<2x128x128xf32, #tpu.memory_space<vmem>> -> memref<1x128x128xf32, #tpu.memory_space<vmem>>
        %dma_wait3A_111 = tpu.memref_squeeze %dma_wait3A_110 : memref<1x128x128xf32, #tpu.memory_space<vmem>> -> memref<128x128xf32, #tpu.memory_space<vmem>>
        %dma_wait3A_112 = arith.constant 0 : i32
        %dma_wait3A_113 = tpu.memref_slice %arg12[%add3A_62, %dma_wait3A_112] : memref<10240x128xf32, #tpu.memory_space<vmem_shared>> -> memref<128x128xf32, #tpu.memory_space<vmem_shared>>
        tpu.wait_dma2 semaphore(%run_scoped3A_91 : memref<!tpu.dma_semaphore, #tpu.memory_space<semaphore_mem>>) src(%dma_wait3A_113 : memref<128x128xf32, #tpu.memory_space<vmem_shared>>) dst(%dma_wait3A_111 : memref<128x128xf32, #tpu.memory_space<vmem>>)
        tpu.yield
      }) : () -> ()
      %add3A_64 = arith.constant 0 : i32
      %add3A_65 = arith.addi %mul3A_0, %add3A_64 : i32
      %run_scoped3A_66 = arith.constant 0 : i32
      "tpu.region"() ({
        %run_scoped3A_91 = tpu.sem_alloc : memref<!tpu.dma_semaphore, #tpu.memory_space<semaphore_mem>>
        %dma_start3A = arith.constant 0 : i32
        %dma_start3A_92 = arith.constant 0 : i32
        %dma_start3A_93 = tpu.memref_slice %arg17[%run_scoped3A_66, %dma_start3A, %dma_start3A_92] : memref<2x128x128xf32, #tpu.memory_space<vmem>> -> memref<1x128x128xf32, #tpu.memory_space<vmem>>
        %dma_start3A_94 = tpu.memref_squeeze %dma_start3A_93 : memref<1x128x128xf32, #tpu.memory_space<vmem>> -> memref<128x128xf32, #tpu.memory_space<vmem>>
        %dma_start3A_95 = arith.constant 0 : i32
        %dma_start3A_96 = tpu.memref_slice %arg9[%add3A_65, %dma_start3A_95] : memref<10240x128xf32, #tpu.memory_space<hbm>> -> memref<128x128xf32, #tpu.memory_space<hbm>>
        %dma_start3A_97 = arith.constant 0 : i32
        %dma_start3A_98 = tpu.memref_slice %arg9[%add3A_65, %dma_start3A_97] : memref<10240x128xf32, #tpu.memory_space<hbm>> -> memref<128x128xf32, #tpu.memory_space<hbm>>
        %dma_start3A_99 = arith.constant 0 : i32
        %dma_start3A_100 = arith.constant 0 : i32
        %dma_start3A_101 = tpu.memref_slice %arg17[%run_scoped3A_66, %dma_start3A_99, %dma_start3A_100] : memref<2x128x128xf32, #tpu.memory_space<vmem>> -> memref<1x128x128xf32, #tpu.memory_space<vmem>>
        %dma_start3A_102 = tpu.memref_squeeze %dma_start3A_101 : memref<1x128x128xf32, #tpu.memory_space<vmem>> -> memref<128x128xf32, #tpu.memory_space<vmem>>
        tpu.enqueue_dma source(%dma_start3A_102 : memref<128x128xf32, #tpu.memory_space<vmem>>) target(%dma_start3A_98 : memref<128x128xf32, #tpu.memory_space<hbm>>) target_semaphore(%run_scoped3A_91 : memref<!tpu.dma_semaphore, #tpu.memory_space<semaphore_mem>>)
        %dma_wait3A = arith.constant 0 : i32
        %dma_wait3A_103 = arith.constant 0 : i32
        %dma_wait3A_104 = tpu.memref_slice %arg17[%run_scoped3A_66, %dma_wait3A, %dma_wait3A_103] : memref<2x128x128xf32, #tpu.memory_space<vmem>> -> memref<1x128x128xf32, #tpu.memory_space<vmem>>
        %dma_wait3A_105 = tpu.memref_squeeze %dma_wait3A_104 : memref<1x128x128xf32, #tpu.memory_space<vmem>> -> memref<128x128xf32, #tpu.memory_space<vmem>>
        %dma_wait3A_106 = arith.constant 0 : i32
        %dma_wait3A_107 = tpu.memref_slice %arg9[%add3A_65, %dma_wait3A_106] : memref<10240x128xf32, #tpu.memory_space<hbm>> -> memref<128x128xf32, #tpu.memory_space<hbm>>
        %dma_wait3A_108 = arith.constant 0 : i32
        %dma_wait3A_109 = tpu.memref_slice %arg9[%add3A_65, %dma_wait3A_108] : memref<10240x128xf32, #tpu.memory_space<hbm>> -> memref<128x128xf32, #tpu.memory_space<hbm>>
        %dma_wait3A_110 = arith.constant 0 : i32
        %dma_wait3A_111 = arith.constant 0 : i32
        %dma_wait3A_112 = tpu.memref_slice %arg17[%run_scoped3A_66, %dma_wait3A_110, %dma_wait3A_111] : memref<2x128x128xf32, #tpu.memory_space<vmem>> -> memref<1x128x128xf32, #tpu.memory_space<vmem>>
        %dma_wait3A_113 = tpu.memref_squeeze %dma_wait3A_112 : memref<1x128x128xf32, #tpu.memory_space<vmem>> -> memref<128x128xf32, #tpu.memory_space<vmem>>
        tpu.wait_dma2 semaphore(%run_scoped3A_91 : memref<!tpu.dma_semaphore, #tpu.memory_space<semaphore_mem>>) src(%dma_wait3A_113 : memref<128x128xf32, #tpu.memory_space<vmem>>) dst(%dma_wait3A_109 : memref<128x128xf32, #tpu.memory_space<hbm>>)
        tpu.yield
      }) : () -> ()
      %add3A_67 = arith.constant 128 : i32
      %add3A_68 = arith.addi %mul3A_0, %add3A_67 : i32
      %run_scoped3A_69 = arith.constant 0 : i32
      "tpu.region"() ({
        %run_scoped3A_91 = tpu.sem_alloc : memref<!tpu.dma_semaphore, #tpu.memory_space<semaphore_mem>>
        %dma_start3A = arith.constant 0 : i32
        %dma_start3A_92 = arith.constant 0 : i32
        %dma_start3A_93 = tpu.memref_slice %arg17[%run_scoped3A_69, %dma_start3A, %dma_start3A_92] : memref<2x128x128xf32, #tpu.memory_space<vmem>> -> memref<1x128x128xf32, #tpu.memory_space<vmem>>
        %dma_start3A_94 = tpu.memref_squeeze %dma_start3A_93 : memref<1x128x128xf32, #tpu.memory_space<vmem>> -> memref<128x128xf32, #tpu.memory_space<vmem>>
        %dma_start3A_95 = arith.constant 0 : i32
        %dma_start3A_96 = tpu.memref_slice %arg12[%add3A_68, %dma_start3A_95] : memref<10240x128xf32, #tpu.memory_space<vmem_shared>> -> memref<128x128xf32, #tpu.memory_space<vmem_shared>>
        %dma_start3A_97 = arith.constant 0 : i32
        %dma_start3A_98 = arith.constant 0 : i32
        %dma_start3A_99 = tpu.memref_slice %arg17[%run_scoped3A_69, %dma_start3A_97, %dma_start3A_98] : memref<2x128x128xf32, #tpu.memory_space<vmem>> -> memref<1x128x128xf32, #tpu.memory_space<vmem>>
        %dma_start3A_100 = tpu.memref_squeeze %dma_start3A_99 : memref<1x128x128xf32, #tpu.memory_space<vmem>> -> memref<128x128xf32, #tpu.memory_space<vmem>>
        %dma_start3A_101 = arith.constant 0 : i32
        %dma_start3A_102 = tpu.memref_slice %arg12[%add3A_68, %dma_start3A_101] : memref<10240x128xf32, #tpu.memory_space<vmem_shared>> -> memref<128x128xf32, #tpu.memory_space<vmem_shared>>
        tpu.enqueue_dma source(%dma_start3A_102 : memref<128x128xf32, #tpu.memory_space<vmem_shared>>) target(%dma_start3A_100 : memref<128x128xf32, #tpu.memory_space<vmem>>) target_semaphore(%run_scoped3A_91 : memref<!tpu.dma_semaphore, #tpu.memory_space<semaphore_mem>>)
        %dma_wait3A = arith.constant 0 : i32
        %dma_wait3A_103 = arith.constant 0 : i32
        %dma_wait3A_104 = tpu.memref_slice %arg17[%run_scoped3A_69, %dma_wait3A, %dma_wait3A_103] : memref<2x128x128xf32, #tpu.memory_space<vmem>> -> memref<1x128x128xf32, #tpu.memory_space<vmem>>
        %dma_wait3A_105 = tpu.memref_squeeze %dma_wait3A_104 : memref<1x128x128xf32, #tpu.memory_space<vmem>> -> memref<128x128xf32, #tpu.memory_space<vmem>>
        %dma_wait3A_106 = arith.constant 0 : i32
        %dma_wait3A_107 = tpu.memref_slice %arg12[%add3A_68, %dma_wait3A_106] : memref<10240x128xf32, #tpu.memory_space<vmem_shared>> -> memref<128x128xf32, #tpu.memory_space<vmem_shared>>
        %dma_wait3A_108 = arith.constant 0 : i32
        %dma_wait3A_109 = arith.constant 0 : i32
        %dma_wait3A_110 = tpu.memref_slice %arg17[%run_scoped3A_69, %dma_wait3A_108, %dma_wait3A_109] : memref<2x128x128xf32, #tpu.memory_space<vmem>> -> memref<1x128x128xf32, #tpu.memory_space<vmem>>
        %dma_wait3A_111 = tpu.memref_squeeze %dma_wait3A_110 : memref<1x128x128xf32, #tpu.memory_space<vmem>> -> memref<128x128xf32, #tpu.memory_space<vmem>>
        %dma_wait3A_112 = arith.constant 0 : i32
        %dma_wait3A_113 = tpu.memref_slice %arg12[%add3A_68, %dma_wait3A_112] : memref<10240x128xf32, #tpu.memory_space<vmem_shared>> -> memref<128x128xf32, #tpu.memory_space<vmem_shared>>
        tpu.wait_dma2 semaphore(%run_scoped3A_91 : memref<!tpu.dma_semaphore, #tpu.memory_space<semaphore_mem>>) src(%dma_wait3A_113 : memref<128x128xf32, #tpu.memory_space<vmem_shared>>) dst(%dma_wait3A_111 : memref<128x128xf32, #tpu.memory_space<vmem>>)
        tpu.yield
      }) : () -> ()
      %add3A_70 = arith.constant 128 : i32
      %add3A_71 = arith.addi %mul3A_0, %add3A_70 : i32
      %run_scoped3A_72 = arith.constant 0 : i32
      "tpu.region"() ({
        %run_scoped3A_91 = tpu.sem_alloc : memref<!tpu.dma_semaphore, #tpu.memory_space<semaphore_mem>>
        %dma_start3A = arith.constant 0 : i32
        %dma_start3A_92 = arith.constant 0 : i32
        %dma_start3A_93 = tpu.memref_slice %arg17[%run_scoped3A_72, %dma_start3A, %dma_start3A_92] : memref<2x128x128xf32, #tpu.memory_space<vmem>> -> memref<1x128x128xf32, #tpu.memory_space<vmem>>
        %dma_start3A_94 = tpu.memref_squeeze %dma_start3A_93 : memref<1x128x128xf32, #tpu.memory_space<vmem>> -> memref<128x128xf32, #tpu.memory_space<vmem>>
        %dma_start3A_95 = arith.constant 0 : i32
        %dma_start3A_96 = tpu.memref_slice %arg9[%add3A_71, %dma_start3A_95] : memref<10240x128xf32, #tpu.memory_space<hbm>> -> memref<128x128xf32, #tpu.memory_space<hbm>>
        %dma_start3A_97 = arith.constant 0 : i32
        %dma_start3A_98 = tpu.memref_slice %arg9[%add3A_71, %dma_start3A_97] : memref<10240x128xf32, #tpu.memory_space<hbm>> -> memref<128x128xf32, #tpu.memory_space<hbm>>
        %dma_start3A_99 = arith.constant 0 : i32
        %dma_start3A_100 = arith.constant 0 : i32
        %dma_start3A_101 = tpu.memref_slice %arg17[%run_scoped3A_72, %dma_start3A_99, %dma_start3A_100] : memref<2x128x128xf32, #tpu.memory_space<vmem>> -> memref<1x128x128xf32, #tpu.memory_space<vmem>>
        %dma_start3A_102 = tpu.memref_squeeze %dma_start3A_101 : memref<1x128x128xf32, #tpu.memory_space<vmem>> -> memref<128x128xf32, #tpu.memory_space<vmem>>
        tpu.enqueue_dma source(%dma_start3A_102 : memref<128x128xf32, #tpu.memory_space<vmem>>) target(%dma_start3A_98 : memref<128x128xf32, #tpu.memory_space<hbm>>) target_semaphore(%run_scoped3A_91 : memref<!tpu.dma_semaphore, #tpu.memory_space<semaphore_mem>>)
        %dma_wait3A = arith.constant 0 : i32
        %dma_wait3A_103 = arith.constant 0 : i32
        %dma_wait3A_104 = tpu.memref_slice %arg17[%run_scoped3A_72, %dma_wait3A, %dma_wait3A_103] : memref<2x128x128xf32, #tpu.memory_space<vmem>> -> memref<1x128x128xf32, #tpu.memory_space<vmem>>
        %dma_wait3A_105 = tpu.memref_squeeze %dma_wait3A_104 : memref<1x128x128xf32, #tpu.memory_space<vmem>> -> memref<128x128xf32, #tpu.memory_space<vmem>>
        %dma_wait3A_106 = arith.constant 0 : i32
        %dma_wait3A_107 = tpu.memref_slice %arg9[%add3A_71, %dma_wait3A_106] : memref<10240x128xf32, #tpu.memory_space<hbm>> -> memref<128x128xf32, #tpu.memory_space<hbm>>
        %dma_wait3A_108 = arith.constant 0 : i32
        %dma_wait3A_109 = tpu.memref_slice %arg9[%add3A_71, %dma_wait3A_108] : memref<10240x128xf32, #tpu.memory_space<hbm>> -> memref<128x128xf32, #tpu.memory_space<hbm>>
        %dma_wait3A_110 = arith.constant 0 : i32
        %dma_wait3A_111 = arith.constant 0 : i32
        %dma_wait3A_112 = tpu.memref_slice %arg17[%run_scoped3A_72, %dma_wait3A_110, %dma_wait3A_111] : memref<2x128x128xf32, #tpu.memory_space<vmem>> -> memref<1x128x128xf32, #tpu.memory_space<vmem>>
        %dma_wait3A_113 = tpu.memref_squeeze %dma_wait3A_112 : memref<1x128x128xf32, #tpu.memory_space<vmem>> -> memref<128x128xf32, #tpu.memory_space<vmem>>
        tpu.wait_dma2 semaphore(%run_scoped3A_91 : memref<!tpu.dma_semaphore, #tpu.memory_space<semaphore_mem>>) src(%dma_wait3A_113 : memref<128x128xf32, #tpu.memory_space<vmem>>) dst(%dma_wait3A_109 : memref<128x128xf32, #tpu.memory_space<hbm>>)
        tpu.yield
      }) : () -> ()
      %add3A_73 = arith.constant 256 : i32
      %add3A_74 = arith.addi %mul3A_0, %add3A_73 : i32
      %run_scoped3A_75 = arith.constant 0 : i32
      "tpu.region"() ({
        %run_scoped3A_91 = tpu.sem_alloc : memref<!tpu.dma_semaphore, #tpu.memory_space<semaphore_mem>>
        %dma_start3A = arith.constant 0 : i32
        %dma_start3A_92 = arith.constant 0 : i32
        %dma_start3A_93 = tpu.memref_slice %arg17[%run_scoped3A_75, %dma_start3A, %dma_start3A_92] : memref<2x128x128xf32, #tpu.memory_space<vmem>> -> memref<1x128x128xf32, #tpu.memory_space<vmem>>
        %dma_start3A_94 = tpu.memref_squeeze %dma_start3A_93 : memref<1x128x128xf32, #tpu.memory_space<vmem>> -> memref<128x128xf32, #tpu.memory_space<vmem>>
        %dma_start3A_95 = arith.constant 0 : i32
        %dma_start3A_96 = tpu.memref_slice %arg12[%add3A_74, %dma_start3A_95] : memref<10240x128xf32, #tpu.memory_space<vmem_shared>> -> memref<128x128xf32, #tpu.memory_space<vmem_shared>>
        %dma_start3A_97 = arith.constant 0 : i32
        %dma_start3A_98 = arith.constant 0 : i32
        %dma_start3A_99 = tpu.memref_slice %arg17[%run_scoped3A_75, %dma_start3A_97, %dma_start3A_98] : memref<2x128x128xf32, #tpu.memory_space<vmem>> -> memref<1x128x128xf32, #tpu.memory_space<vmem>>
        %dma_start3A_100 = tpu.memref_squeeze %dma_start3A_99 : memref<1x128x128xf32, #tpu.memory_space<vmem>> -> memref<128x128xf32, #tpu.memory_space<vmem>>
        %dma_start3A_101 = arith.constant 0 : i32
        %dma_start3A_102 = tpu.memref_slice %arg12[%add3A_74, %dma_start3A_101] : memref<10240x128xf32, #tpu.memory_space<vmem_shared>> -> memref<128x128xf32, #tpu.memory_space<vmem_shared>>
        tpu.enqueue_dma source(%dma_start3A_102 : memref<128x128xf32, #tpu.memory_space<vmem_shared>>) target(%dma_start3A_100 : memref<128x128xf32, #tpu.memory_space<vmem>>) target_semaphore(%run_scoped3A_91 : memref<!tpu.dma_semaphore, #tpu.memory_space<semaphore_mem>>)
        %dma_wait3A = arith.constant 0 : i32
        %dma_wait3A_103 = arith.constant 0 : i32
        %dma_wait3A_104 = tpu.memref_slice %arg17[%run_scoped3A_75, %dma_wait3A, %dma_wait3A_103] : memref<2x128x128xf32, #tpu.memory_space<vmem>> -> memref<1x128x128xf32, #tpu.memory_space<vmem>>
        %dma_wait3A_105 = tpu.memref_squeeze %dma_wait3A_104 : memref<1x128x128xf32, #tpu.memory_space<vmem>> -> memref<128x128xf32, #tpu.memory_space<vmem>>
        %dma_wait3A_106 = arith.constant 0 : i32
        %dma_wait3A_107 = tpu.memref_slice %arg12[%add3A_74, %dma_wait3A_106] : memref<10240x128xf32, #tpu.memory_space<vmem_shared>> -> memref<128x128xf32, #tpu.memory_space<vmem_shared>>
        %dma_wait3A_108 = arith.constant 0 : i32
        %dma_wait3A_109 = arith.constant 0 : i32
        %dma_wait3A_110 = tpu.memref_slice %arg17[%run_scoped3A_75, %dma_wait3A_108, %dma_wait3A_109] : memref<2x128x128xf32, #tpu.memory_space<vmem>> -> memref<1x128x128xf32, #tpu.memory_space<vmem>>
        %dma_wait3A_111 = tpu.memref_squeeze %dma_wait3A_110 : memref<1x128x128xf32, #tpu.memory_space<vmem>> -> memref<128x128xf32, #tpu.memory_space<vmem>>
        %dma_wait3A_112 = arith.constant 0 : i32
        %dma_wait3A_113 = tpu.memref_slice %arg12[%add3A_74, %dma_wait3A_112] : memref<10240x128xf32, #tpu.memory_space<vmem_shared>> -> memref<128x128xf32, #tpu.memory_space<vmem_shared>>
        tpu.wait_dma2 semaphore(%run_scoped3A_91 : memref<!tpu.dma_semaphore, #tpu.memory_space<semaphore_mem>>) src(%dma_wait3A_113 : memref<128x128xf32, #tpu.memory_space<vmem_shared>>) dst(%dma_wait3A_111 : memref<128x128xf32, #tpu.memory_space<vmem>>)
        tpu.yield
      }) : () -> ()
      %add3A_76 = arith.constant 256 : i32
      %add3A_77 = arith.addi %mul3A_0, %add3A_76 : i32
      %run_scoped3A_78 = arith.constant 0 : i32
      "tpu.region"() ({
        %run_scoped3A_91 = tpu.sem_alloc : memref<!tpu.dma_semaphore, #tpu.memory_space<semaphore_mem>>
        %dma_start3A = arith.constant 0 : i32
        %dma_start3A_92 = arith.constant 0 : i32
        %dma_start3A_93 = tpu.memref_slice %arg17[%run_scoped3A_78, %dma_start3A, %dma_start3A_92] : memref<2x128x128xf32, #tpu.memory_space<vmem>> -> memref<1x128x128xf32, #tpu.memory_space<vmem>>
        %dma_start3A_94 = tpu.memref_squeeze %dma_start3A_93 : memref<1x128x128xf32, #tpu.memory_space<vmem>> -> memref<128x128xf32, #tpu.memory_space<vmem>>
        %dma_start3A_95 = arith.constant 0 : i32
        %dma_start3A_96 = tpu.memref_slice %arg9[%add3A_77, %dma_start3A_95] : memref<10240x128xf32, #tpu.memory_space<hbm>> -> memref<128x128xf32, #tpu.memory_space<hbm>>
        %dma_start3A_97 = arith.constant 0 : i32
        %dma_start3A_98 = tpu.memref_slice %arg9[%add3A_77, %dma_start3A_97] : memref<10240x128xf32, #tpu.memory_space<hbm>> -> memref<128x128xf32, #tpu.memory_space<hbm>>
        %dma_start3A_99 = arith.constant 0 : i32
        %dma_start3A_100 = arith.constant 0 : i32
        %dma_start3A_101 = tpu.memref_slice %arg17[%run_scoped3A_78, %dma_start3A_99, %dma_start3A_100] : memref<2x128x128xf32, #tpu.memory_space<vmem>> -> memref<1x128x128xf32, #tpu.memory_space<vmem>>
        %dma_start3A_102 = tpu.memref_squeeze %dma_start3A_101 : memref<1x128x128xf32, #tpu.memory_space<vmem>> -> memref<128x128xf32, #tpu.memory_space<vmem>>
        tpu.enqueue_dma source(%dma_start3A_102 : memref<128x128xf32, #tpu.memory_space<vmem>>) target(%dma_start3A_98 : memref<128x128xf32, #tpu.memory_space<hbm>>) target_semaphore(%run_scoped3A_91 : memref<!tpu.dma_semaphore, #tpu.memory_space<semaphore_mem>>)
        %dma_wait3A = arith.constant 0 : i32
        %dma_wait3A_103 = arith.constant 0 : i32
        %dma_wait3A_104 = tpu.memref_slice %arg17[%run_scoped3A_78, %dma_wait3A, %dma_wait3A_103] : memref<2x128x128xf32, #tpu.memory_space<vmem>> -> memref<1x128x128xf32, #tpu.memory_space<vmem>>
        %dma_wait3A_105 = tpu.memref_squeeze %dma_wait3A_104 : memref<1x128x128xf32, #tpu.memory_space<vmem>> -> memref<128x128xf32, #tpu.memory_space<vmem>>
        %dma_wait3A_106 = arith.constant 0 : i32
        %dma_wait3A_107 = tpu.memref_slice %arg9[%add3A_77, %dma_wait3A_106] : memref<10240x128xf32, #tpu.memory_space<hbm>> -> memref<128x128xf32, #tpu.memory_space<hbm>>
        %dma_wait3A_108 = arith.constant 0 : i32
        %dma_wait3A_109 = tpu.memref_slice %arg9[%add3A_77, %dma_wait3A_108] : memref<10240x128xf32, #tpu.memory_space<hbm>> -> memref<128x128xf32, #tpu.memory_space<hbm>>
        %dma_wait3A_110 = arith.constant 0 : i32
        %dma_wait3A_111 = arith.constant 0 : i32
        %dma_wait3A_112 = tpu.memref_slice %arg17[%run_scoped3A_78, %dma_wait3A_110, %dma_wait3A_111] : memref<2x128x128xf32, #tpu.memory_space<vmem>> -> memref<1x128x128xf32, #tpu.memory_space<vmem>>
        %dma_wait3A_113 = tpu.memref_squeeze %dma_wait3A_112 : memref<1x128x128xf32, #tpu.memory_space<vmem>> -> memref<128x128xf32, #tpu.memory_space<vmem>>
        tpu.wait_dma2 semaphore(%run_scoped3A_91 : memref<!tpu.dma_semaphore, #tpu.memory_space<semaphore_mem>>) src(%dma_wait3A_113 : memref<128x128xf32, #tpu.memory_space<vmem>>) dst(%dma_wait3A_109 : memref<128x128xf32, #tpu.memory_space<hbm>>)
        tpu.yield
      }) : () -> ()
      %add3A_79 = arith.constant 384 : i32
      %add3A_80 = arith.addi %mul3A_0, %add3A_79 : i32
      %run_scoped3A_81 = arith.constant 0 : i32
      "tpu.region"() ({
        %run_scoped3A_91 = tpu.sem_alloc : memref<!tpu.dma_semaphore, #tpu.memory_space<semaphore_mem>>
        %dma_start3A = arith.constant 0 : i32
        %dma_start3A_92 = arith.constant 0 : i32
        %dma_start3A_93 = tpu.memref_slice %arg17[%run_scoped3A_81, %dma_start3A, %dma_start3A_92] : memref<2x128x128xf32, #tpu.memory_space<vmem>> -> memref<1x128x128xf32, #tpu.memory_space<vmem>>
        %dma_start3A_94 = tpu.memref_squeeze %dma_start3A_93 : memref<1x128x128xf32, #tpu.memory_space<vmem>> -> memref<128x128xf32, #tpu.memory_space<vmem>>
        %dma_start3A_95 = arith.constant 0 : i32
        %dma_start3A_96 = tpu.memref_slice %arg12[%add3A_80, %dma_start3A_95] : memref<10240x128xf32, #tpu.memory_space<vmem_shared>> -> memref<128x128xf32, #tpu.memory_space<vmem_shared>>
        %dma_start3A_97 = arith.constant 0 : i32
        %dma_start3A_98 = arith.constant 0 : i32
        %dma_start3A_99 = tpu.memref_slice %arg17[%run_scoped3A_81, %dma_start3A_97, %dma_start3A_98] : memref<2x128x128xf32, #tpu.memory_space<vmem>> -> memref<1x128x128xf32, #tpu.memory_space<vmem>>
        %dma_start3A_100 = tpu.memref_squeeze %dma_start3A_99 : memref<1x128x128xf32, #tpu.memory_space<vmem>> -> memref<128x128xf32, #tpu.memory_space<vmem>>
        %dma_start3A_101 = arith.constant 0 : i32
        %dma_start3A_102 = tpu.memref_slice %arg12[%add3A_80, %dma_start3A_101] : memref<10240x128xf32, #tpu.memory_space<vmem_shared>> -> memref<128x128xf32, #tpu.memory_space<vmem_shared>>
        tpu.enqueue_dma source(%dma_start3A_102 : memref<128x128xf32, #tpu.memory_space<vmem_shared>>) target(%dma_start3A_100 : memref<128x128xf32, #tpu.memory_space<vmem>>) target_semaphore(%run_scoped3A_91 : memref<!tpu.dma_semaphore, #tpu.memory_space<semaphore_mem>>)
        %dma_wait3A = arith.constant 0 : i32
        %dma_wait3A_103 = arith.constant 0 : i32
        %dma_wait3A_104 = tpu.memref_slice %arg17[%run_scoped3A_81, %dma_wait3A, %dma_wait3A_103] : memref<2x128x128xf32, #tpu.memory_space<vmem>> -> memref<1x128x128xf32, #tpu.memory_space<vmem>>
        %dma_wait3A_105 = tpu.memref_squeeze %dma_wait3A_104 : memref<1x128x128xf32, #tpu.memory_space<vmem>> -> memref<128x128xf32, #tpu.memory_space<vmem>>
        %dma_wait3A_106 = arith.constant 0 : i32
        %dma_wait3A_107 = tpu.memref_slice %arg12[%add3A_80, %dma_wait3A_106] : memref<10240x128xf32, #tpu.memory_space<vmem_shared>> -> memref<128x128xf32, #tpu.memory_space<vmem_shared>>
        %dma_wait3A_108 = arith.constant 0 : i32
        %dma_wait3A_109 = arith.constant 0 : i32
        %dma_wait3A_110 = tpu.memref_slice %arg17[%run_scoped3A_81, %dma_wait3A_108, %dma_wait3A_109] : memref<2x128x128xf32, #tpu.memory_space<vmem>> -> memref<1x128x128xf32, #tpu.memory_space<vmem>>
        %dma_wait3A_111 = tpu.memref_squeeze %dma_wait3A_110 : memref<1x128x128xf32, #tpu.memory_space<vmem>> -> memref<128x128xf32, #tpu.memory_space<vmem>>
        %dma_wait3A_112 = arith.constant 0 : i32
        %dma_wait3A_113 = tpu.memref_slice %arg12[%add3A_80, %dma_wait3A_112] : memref<10240x128xf32, #tpu.memory_space<vmem_shared>> -> memref<128x128xf32, #tpu.memory_space<vmem_shared>>
        tpu.wait_dma2 semaphore(%run_scoped3A_91 : memref<!tpu.dma_semaphore, #tpu.memory_space<semaphore_mem>>) src(%dma_wait3A_113 : memref<128x128xf32, #tpu.memory_space<vmem_shared>>) dst(%dma_wait3A_111 : memref<128x128xf32, #tpu.memory_space<vmem>>)
        tpu.yield
      }) : () -> ()
      %add3A_82 = arith.constant 384 : i32
      %add3A_83 = arith.addi %mul3A_0, %add3A_82 : i32
      %run_scoped3A_84 = arith.constant 0 : i32
      "tpu.region"() ({
        %run_scoped3A_91 = tpu.sem_alloc : memref<!tpu.dma_semaphore, #tpu.memory_space<semaphore_mem>>
        %dma_start3A = arith.constant 0 : i32
        %dma_start3A_92 = arith.constant 0 : i32
        %dma_start3A_93 = tpu.memref_slice %arg17[%run_scoped3A_84, %dma_start3A, %dma_start3A_92] : memref<2x128x128xf32, #tpu.memory_space<vmem>> -> memref<1x128x128xf32, #tpu.memory_space<vmem>>
        %dma_start3A_94 = tpu.memref_squeeze %dma_start3A_93 : memref<1x128x128xf32, #tpu.memory_space<vmem>> -> memref<128x128xf32, #tpu.memory_space<vmem>>
        %dma_start3A_95 = arith.constant 0 : i32
        %dma_start3A_96 = tpu.memref_slice %arg9[%add3A_83, %dma_start3A_95] : memref<10240x128xf32, #tpu.memory_space<hbm>> -> memref<128x128xf32, #tpu.memory_space<hbm>>
        %dma_start3A_97 = arith.constant 0 : i32
        %dma_start3A_98 = tpu.memref_slice %arg9[%add3A_83, %dma_start3A_97] : memref<10240x128xf32, #tpu.memory_space<hbm>> -> memref<128x128xf32, #tpu.memory_space<hbm>>
        %dma_start3A_99 = arith.constant 0 : i32
        %dma_start3A_100 = arith.constant 0 : i32
        %dma_start3A_101 = tpu.memref_slice %arg17[%run_scoped3A_84, %dma_start3A_99, %dma_start3A_100] : memref<2x128x128xf32, #tpu.memory_space<vmem>> -> memref<1x128x128xf32, #tpu.memory_space<vmem>>
        %dma_start3A_102 = tpu.memref_squeeze %dma_start3A_101 : memref<1x128x128xf32, #tpu.memory_space<vmem>> -> memref<128x128xf32, #tpu.memory_space<vmem>>
        tpu.enqueue_dma source(%dma_start3A_102 : memref<128x128xf32, #tpu.memory_space<vmem>>) target(%dma_start3A_98 : memref<128x128xf32, #tpu.memory_space<hbm>>) target_semaphore(%run_scoped3A_91 : memref<!tpu.dma_semaphore, #tpu.memory_space<semaphore_mem>>)
        %dma_wait3A = arith.constant 0 : i32
        %dma_wait3A_103 = arith.constant 0 : i32
        %dma_wait3A_104 = tpu.memref_slice %arg17[%run_scoped3A_84, %dma_wait3A, %dma_wait3A_103] : memref<2x128x128xf32, #tpu.memory_space<vmem>> -> memref<1x128x128xf32, #tpu.memory_space<vmem>>
        %dma_wait3A_105 = tpu.memref_squeeze %dma_wait3A_104 : memref<1x128x128xf32, #tpu.memory_space<vmem>> -> memref<128x128xf32, #tpu.memory_space<vmem>>
        %dma_wait3A_106 = arith.constant 0 : i32
        %dma_wait3A_107 = tpu.memref_slice %arg9[%add3A_83, %dma_wait3A_106] : memref<10240x128xf32, #tpu.memory_space<hbm>> -> memref<128x128xf32, #tpu.memory_space<hbm>>
        %dma_wait3A_108 = arith.constant 0 : i32
        %dma_wait3A_109 = tpu.memref_slice %arg9[%add3A_83, %dma_wait3A_108] : memref<10240x128xf32, #tpu.memory_space<hbm>> -> memref<128x128xf32, #tpu.memory_space<hbm>>
        %dma_wait3A_110 = arith.constant 0 : i32
        %dma_wait3A_111 = arith.constant 0 : i32
        %dma_wait3A_112 = tpu.memref_slice %arg17[%run_scoped3A_84, %dma_wait3A_110, %dma_wait3A_111] : memref<2x128x128xf32, #tpu.memory_space<vmem>> -> memref<1x128x128xf32, #tpu.memory_space<vmem>>
        %dma_wait3A_113 = tpu.memref_squeeze %dma_wait3A_112 : memref<1x128x128xf32, #tpu.memory_space<vmem>> -> memref<128x128xf32, #tpu.memory_space<vmem>>
        tpu.wait_dma2 semaphore(%run_scoped3A_91 : memref<!tpu.dma_semaphore, #tpu.memory_space<semaphore_mem>>) src(%dma_wait3A_113 : memref<128x128xf32, #tpu.memory_space<vmem>>) dst(%dma_wait3A_109 : memref<128x128xf32, #tpu.memory_space<hbm>>)
        tpu.yield
      }) : () -> ()
      %add3A_85 = arith.constant 512 : i32
      %add3A_86 = arith.addi %mul3A_0, %add3A_85 : i32
      %run_scoped3A_87 = arith.constant 0 : i32
      "tpu.region"() ({
        %run_scoped3A_91 = tpu.sem_alloc : memref<!tpu.dma_semaphore, #tpu.memory_space<semaphore_mem>>
        %dma_start3A = arith.constant 0 : i32
        %dma_start3A_92 = arith.constant 0 : i32
        %dma_start3A_93 = tpu.memref_slice %arg17[%run_scoped3A_87, %dma_start3A, %dma_start3A_92] : memref<2x128x128xf32, #tpu.memory_space<vmem>> -> memref<1x128x128xf32, #tpu.memory_space<vmem>>
        %dma_start3A_94 = tpu.memref_squeeze %dma_start3A_93 : memref<1x128x128xf32, #tpu.memory_space<vmem>> -> memref<128x128xf32, #tpu.memory_space<vmem>>
        %dma_start3A_95 = arith.constant 0 : i32
        %dma_start3A_96 = tpu.memref_slice %arg12[%add3A_86, %dma_start3A_95] : memref<10240x128xf32, #tpu.memory_space<vmem_shared>> -> memref<128x128xf32, #tpu.memory_space<vmem_shared>>
        %dma_start3A_97 = arith.constant 0 : i32
        %dma_start3A_98 = arith.constant 0 : i32
        %dma_start3A_99 = tpu.memref_slice %arg17[%run_scoped3A_87, %dma_start3A_97, %dma_start3A_98] : memref<2x128x128xf32, #tpu.memory_space<vmem>> -> memref<1x128x128xf32, #tpu.memory_space<vmem>>
        %dma_start3A_100 = tpu.memref_squeeze %dma_start3A_99 : memref<1x128x128xf32, #tpu.memory_space<vmem>> -> memref<128x128xf32, #tpu.memory_space<vmem>>
        %dma_start3A_101 = arith.constant 0 : i32
        %dma_start3A_102 = tpu.memref_slice %arg12[%add3A_86, %dma_start3A_101] : memref<10240x128xf32, #tpu.memory_space<vmem_shared>> -> memref<128x128xf32, #tpu.memory_space<vmem_shared>>
        tpu.enqueue_dma source(%dma_start3A_102 : memref<128x128xf32, #tpu.memory_space<vmem_shared>>) target(%dma_start3A_100 : memref<128x128xf32, #tpu.memory_space<vmem>>) target_semaphore(%run_scoped3A_91 : memref<!tpu.dma_semaphore, #tpu.memory_space<semaphore_mem>>)
        %dma_wait3A = arith.constant 0 : i32
        %dma_wait3A_103 = arith.constant 0 : i32
        %dma_wait3A_104 = tpu.memref_slice %arg17[%run_scoped3A_87, %dma_wait3A, %dma_wait3A_103] : memref<2x128x128xf32, #tpu.memory_space<vmem>> -> memref<1x128x128xf32, #tpu.memory_space<vmem>>
        %dma_wait3A_105 = tpu.memref_squeeze %dma_wait3A_104 : memref<1x128x128xf32, #tpu.memory_space<vmem>> -> memref<128x128xf32, #tpu.memory_space<vmem>>
        %dma_wait3A_106 = arith.constant 0 : i32
        %dma_wait3A_107 = tpu.memref_slice %arg12[%add3A_86, %dma_wait3A_106] : memref<10240x128xf32, #tpu.memory_space<vmem_shared>> -> memref<128x128xf32, #tpu.memory_space<vmem_shared>>
        %dma_wait3A_108 = arith.constant 0 : i32
        %dma_wait3A_109 = arith.constant 0 : i32
        %dma_wait3A_110 = tpu.memref_slice %arg17[%run_scoped3A_87, %dma_wait3A_108, %dma_wait3A_109] : memref<2x128x128xf32, #tpu.memory_space<vmem>> -> memref<1x128x128xf32, #tpu.memory_space<vmem>>
        %dma_wait3A_111 = tpu.memref_squeeze %dma_wait3A_110 : memref<1x128x128xf32, #tpu.memory_space<vmem>> -> memref<128x128xf32, #tpu.memory_space<vmem>>
        %dma_wait3A_112 = arith.constant 0 : i32
        %dma_wait3A_113 = tpu.memref_slice %arg12[%add3A_86, %dma_wait3A_112] : memref<10240x128xf32, #tpu.memory_space<vmem_shared>> -> memref<128x128xf32, #tpu.memory_space<vmem_shared>>
        tpu.wait_dma2 semaphore(%run_scoped3A_91 : memref<!tpu.dma_semaphore, #tpu.memory_space<semaphore_mem>>) src(%dma_wait3A_113 : memref<128x128xf32, #tpu.memory_space<vmem_shared>>) dst(%dma_wait3A_111 : memref<128x128xf32, #tpu.memory_space<vmem>>)
        tpu.yield
      }) : () -> ()
      %add3A_88 = arith.constant 512 : i32
      %add3A_89 = arith.addi %mul3A_0, %add3A_88 : i32
      %run_scoped3A_90 = arith.constant 0 : i32
      "tpu.region"() ({
        %run_scoped3A_91 = tpu.sem_alloc : memref<!tpu.dma_semaphore, #tpu.memory_space<semaphore_mem>>
        %dma_start3A = arith.constant 0 : i32
        %dma_start3A_92 = arith.constant 0 : i32
        %dma_start3A_93 = tpu.memref_slice %arg17[%run_scoped3A_90, %dma_start3A, %dma_start3A_92] : memref<2x128x128xf32, #tpu.memory_space<vmem>> -> memref<1x128x128xf32, #tpu.memory_space<vmem>>
        %dma_start3A_94 = tpu.memref_squeeze %dma_start3A_93 : memref<1x128x128xf32, #tpu.memory_space<vmem>> -> memref<128x128xf32, #tpu.memory_space<vmem>>
        %dma_start3A_95 = arith.constant 0 : i32
        %dma_start3A_96 = tpu.memref_slice %arg9[%add3A_89, %dma_start3A_95] : memref<10240x128xf32, #tpu.memory_space<hbm>> -> memref<128x128xf32, #tpu.memory_space<hbm>>
        %dma_start3A_97 = arith.constant 0 : i32
        %dma_start3A_98 = tpu.memref_slice %arg9[%add3A_89, %dma_start3A_97] : memref<10240x128xf32, #tpu.memory_space<hbm>> -> memref<128x128xf32, #tpu.memory_space<hbm>>
        %dma_start3A_99 = arith.constant 0 : i32
        %dma_start3A_100 = arith.constant 0 : i32
        %dma_start3A_101 = tpu.memref_slice %arg17[%run_scoped3A_90, %dma_start3A_99, %dma_start3A_100] : memref<2x128x128xf32, #tpu.memory_space<vmem>> -> memref<1x128x128xf32, #tpu.memory_space<vmem>>
        %dma_start3A_102 = tpu.memref_squeeze %dma_start3A_101 : memref<1x128x128xf32, #tpu.memory_space<vmem>> -> memref<128x128xf32, #tpu.memory_space<vmem>>
        tpu.enqueue_dma source(%dma_start3A_102 : memref<128x128xf32, #tpu.memory_space<vmem>>) target(%dma_start3A_98 : memref<128x128xf32, #tpu.memory_space<hbm>>) target_semaphore(%run_scoped3A_91 : memref<!tpu.dma_semaphore, #tpu.memory_space<semaphore_mem>>)
        %dma_wait3A = arith.constant 0 : i32
        %dma_wait3A_103 = arith.constant 0 : i32
        %dma_wait3A_104 = tpu.memref_slice %arg17[%run_scoped3A_90, %dma_wait3A, %dma_wait3A_103] : memref<2x128x128xf32, #tpu.memory_space<vmem>> -> memref<1x128x128xf32, #tpu.memory_space<vmem>>
        %dma_wait3A_105 = tpu.memref_squeeze %dma_wait3A_104 : memref<1x128x128xf32, #tpu.memory_space<vmem>> -> memref<128x128xf32, #tpu.memory_space<vmem>>
        %dma_wait3A_106 = arith.constant 0 : i32
        %dma_wait3A_107 = tpu.memref_slice %arg9[%add3A_89, %dma_wait3A_106] : memref<10240x128xf32, #tpu.memory_space<hbm>> -> memref<128x128xf32, #tpu.memory_space<hbm>>
        %dma_wait3A_108 = arith.constant 0 : i32
        %dma_wait3A_109 = tpu.memref_slice %arg9[%add3A_89, %dma_wait3A_108] : memref<10240x128xf32, #tpu.memory_space<hbm>> -> memref<128x128xf32, #tpu.memory_space<hbm>>
        %dma_wait3A_110 = arith.constant 0 : i32
        %dma_wait3A_111 = arith.constant 0 : i32
        %dma_wait3A_112 = tpu.memref_slice %arg17[%run_scoped3A_90, %dma_wait3A_110, %dma_wait3A_111] : memref<2x128x128xf32, #tpu.memory_space<vmem>> -> memref<1x128x128xf32, #tpu.memory_space<vmem>>
        %dma_wait3A_113 = tpu.memref_squeeze %dma_wait3A_112 : memref<1x128x128xf32, #tpu.memory_space<vmem>> -> memref<128x128xf32, #tpu.memory_space<vmem>>
        tpu.wait_dma2 semaphore(%run_scoped3A_91 : memref<!tpu.dma_semaphore, #tpu.memory_space<semaphore_mem>>) src(%dma_wait3A_113 : memref<128x128xf32, #tpu.memory_space<vmem>>) dst(%dma_wait3A_109 : memref<128x128xf32, #tpu.memory_space<hbm>>)
        tpu.yield
      }) : () -> ()
    } else {
    }
    %eq3A_51 = arith.constant 0 : i32
    %eq3A_52 = arith.cmpi eq, %arg0, %eq3A_51 : i32
    %convert_element_type3A_53 = arith.extui %eq3A_52 : i1 to i32
    %cond3A_54 = arith.constant 0 : i32
    %cond3A_55 = arith.cmpi ne, %convert_element_type3A_53, %cond3A_54 : i32
    scf.if %cond3A_55 {
      "tpu.region"() ({
        %run_scoped3A_61 = tpu.sem_alloc : memref<!tpu.dma_semaphore, #tpu.memory_space<semaphore_mem>>
        %dma_start3A = arith.constant 0 : i32
        %dma_start3A_62 = tpu.memref_slice %arg10[%arg1, %dma_start3A] : memref<16x10240xf32, #tpu.memory_space<hbm>> -> memref<1x10240xf32, #tpu.memory_space<hbm>>
        %dma_start3A_63 = tpu.memref_squeeze %dma_start3A_62 : memref<1x10240xf32, #tpu.memory_space<hbm>> -> memref<10240xf32, #tpu.memory_space<hbm>>
        %dma_start3A_64 = arith.constant 0 : i32
        %dma_start3A_65 = tpu.memref_slice %arg10[%arg1, %dma_start3A_64] : memref<16x10240xf32, #tpu.memory_space<hbm>> -> memref<1x10240xf32, #tpu.memory_space<hbm>>
        %dma_start3A_66 = tpu.memref_squeeze %dma_start3A_65 : memref<1x10240xf32, #tpu.memory_space<hbm>> -> memref<10240xf32, #tpu.memory_space<hbm>>
        tpu.enqueue_dma source(%arg24 : memref<10240xf32, #tpu.memory_space<vmem>>) target(%dma_start3A_66 : memref<10240xf32, #tpu.memory_space<hbm>>) target_semaphore(%run_scoped3A_61 : memref<!tpu.dma_semaphore, #tpu.memory_space<semaphore_mem>>)
        %dma_wait3A = arith.constant 0 : i32
        %dma_wait3A_67 = tpu.memref_slice %arg10[%arg1, %dma_wait3A] : memref<16x10240xf32, #tpu.memory_space<hbm>> -> memref<1x10240xf32, #tpu.memory_space<hbm>>
        %dma_wait3A_68 = tpu.memref_squeeze %dma_wait3A_67 : memref<1x10240xf32, #tpu.memory_space<hbm>> -> memref<10240xf32, #tpu.memory_space<hbm>>
        %dma_wait3A_69 = arith.constant 0 : i32
        %dma_wait3A_70 = tpu.memref_slice %arg10[%arg1, %dma_wait3A_69] : memref<16x10240xf32, #tpu.memory_space<hbm>> -> memref<1x10240xf32, #tpu.memory_space<hbm>>
        %dma_wait3A_71 = tpu.memref_squeeze %dma_wait3A_70 : memref<1x10240xf32, #tpu.memory_space<hbm>> -> memref<10240xf32, #tpu.memory_space<hbm>>
        tpu.wait_dma2 semaphore(%run_scoped3A_61 : memref<!tpu.dma_semaphore, #tpu.memory_space<semaphore_mem>>) src(%arg24 : memref<10240xf32, #tpu.memory_space<vmem>>) dst(%dma_wait3A_71 : memref<10240xf32, #tpu.memory_space<hbm>>)
        tpu.yield
      }) : () -> ()
    } else {
    }
    %eq3A_56 = arith.constant 1 : i32
    %eq3A_57 = arith.cmpi eq, %arg0, %eq3A_56 : i32
    %convert_element_type3A_58 = arith.extui %eq3A_57 : i1 to i32
    %cond3A_59 = arith.constant 0 : i32
    %cond3A_60 = arith.cmpi ne, %convert_element_type3A_58, %cond3A_59 : i32
    scf.if %cond3A_60 {
      "tpu.region"() ({
        %run_scoped3A_61 = tpu.sem_alloc : memref<!tpu.dma_semaphore, #tpu.memory_space<semaphore_mem>>
        %dma_start3A = arith.constant 0 : i32
        %dma_start3A_62 = tpu.memref_slice %arg11[%arg1, %dma_start3A] : memref<16x10240xf32, #tpu.memory_space<hbm>> -> memref<1x10240xf32, #tpu.memory_space<hbm>>
        %dma_start3A_63 = tpu.memref_squeeze %dma_start3A_62 : memref<1x10240xf32, #tpu.memory_space<hbm>> -> memref<10240xf32, #tpu.memory_space<hbm>>
        %dma_start3A_64 = arith.constant 0 : i32
        %dma_start3A_65 = tpu.memref_slice %arg11[%arg1, %dma_start3A_64] : memref<16x10240xf32, #tpu.memory_space<hbm>> -> memref<1x10240xf32, #tpu.memory_space<hbm>>
        %dma_start3A_66 = tpu.memref_squeeze %dma_start3A_65 : memref<1x10240xf32, #tpu.memory_space<hbm>> -> memref<10240xf32, #tpu.memory_space<hbm>>
        tpu.enqueue_dma source(%arg24 : memref<10240xf32, #tpu.memory_space<vmem>>) target(%dma_start3A_66 : memref<10240xf32, #tpu.memory_space<hbm>>) target_semaphore(%run_scoped3A_61 : memref<!tpu.dma_semaphore, #tpu.memory_space<semaphore_mem>>)
        %dma_wait3A = arith.constant 0 : i32
        %dma_wait3A_67 = tpu.memref_slice %arg11[%arg1, %dma_wait3A] : memref<16x10240xf32, #tpu.memory_space<hbm>> -> memref<1x10240xf32, #tpu.memory_space<hbm>>
        %dma_wait3A_68 = tpu.memref_squeeze %dma_wait3A_67 : memref<1x10240xf32, #tpu.memory_space<hbm>> -> memref<10240xf32, #tpu.memory_space<hbm>>
        %dma_wait3A_69 = arith.constant 0 : i32
        %dma_wait3A_70 = tpu.memref_slice %arg11[%arg1, %dma_wait3A_69] : memref<16x10240xf32, #tpu.memory_space<hbm>> -> memref<1x10240xf32, #tpu.memory_space<hbm>>
        %dma_wait3A_71 = tpu.memref_squeeze %dma_wait3A_70 : memref<1x10240xf32, #tpu.memory_space<hbm>> -> memref<10240xf32, #tpu.memory_space<hbm>>
        tpu.wait_dma2 semaphore(%run_scoped3A_61 : memref<!tpu.dma_semaphore, #tpu.memory_space<semaphore_mem>>) src(%arg24 : memref<10240xf32, #tpu.memory_space<vmem>>) dst(%dma_wait3A_71 : memref<10240xf32, #tpu.memory_space<hbm>>)
        tpu.yield
      }) : () -> ()
    } else {
    }
    return
  }
}

#map = affine_map<(d0, d1) -> (0, 0)>
#map1 = affine_map<(d0, d1) -> (0)>
module attributes {stable_mosaic.version = 14 : i64} {
  func.func @body(%arg0: i32, %arg1: i32, %arg2: memref<10008x128xf32, #tpu.memory_space<hbm>>, %arg3: memref<10008x128xf32, #tpu.memory_space<hbm>>, %arg4: memref<323840xi32, #tpu.memory_space<hbm>>, %arg5: memref<323712xi32, #tpu.memory_space<hbm>>, %arg6: memref<323840xi32, #tpu.memory_space<hbm>>, %arg7: memref<323712xi32, #tpu.memory_space<hbm>>, %arg8: memref<10240x128xf32, #tpu.memory_space<hbm>>, %arg9: memref<10240x128xf32, #tpu.memory_space<hbm>>, %arg10: memref<10240x128xf32, #tpu.memory_space<vmem_shared>>, %arg11: memref<128xi32, #tpu.memory_space<vmem>>, %arg12: memref<128xi32, #tpu.memory_space<vmem>>, %arg13: memref<128xi32, #tpu.memory_space<vmem>>, %arg14: memref<128xi32, #tpu.memory_space<vmem>>, %arg15: memref<2x128x128xf32, #tpu.memory_space<vmem>>, %arg16: memref<!tpu.dma_semaphore, #tpu.memory_space<semaphore_mem>>, %arg17: memref<!tpu.dma_semaphore, #tpu.memory_space<semaphore_mem>>, %arg18: memref<!tpu.dma_semaphore, #tpu.memory_space<semaphore_mem>>, %arg19: memref<!tpu.dma_semaphore, #tpu.memory_space<semaphore_mem>>, %arg20: memref<!tpu.dma_semaphore, #tpu.memory_space<semaphore_mem>>, %arg21: memref<!tpu.dma_semaphore, #tpu.memory_space<semaphore_mem>>) attributes {dimension_semantics = [#tpu.dimension_semantics<core_parallel>, #tpu.dimension_semantics<subcore_parallel>], iteration_bounds = array<i64: 2, 16>, scalar_prefetch = 0 : i64, scratch_operands = 12 : i64, tpu.core_type = #tpu.core_type<sc_vector_subcore>, window_params = [{transform_indices = #map}, {transform_indices = #map}, {transform_indices = #map1}, {transform_indices = #map1}, {transform_indices = #map1}, {transform_indices = #map1}, {transform_indices = #map}, {transform_indices = #map}]} {
    %mul3A = arith.constant 640 : i32
    %mul3A_0 = arith.muli %arg1, %mul3A : i32
    %mul3A_1 = arith.constant 20224 : i32
    %mul3A_2 = arith.muli %arg1, %mul3A_1 : i32
    %broadcast_in_dim3A = arith.constant 1.000000e+00 : f32
    %broadcast_in_dim3A_3 = vector.broadcast %broadcast_in_dim3A : f32 to vector<16xf32>
    %broadcast_in_dim3A_4 = arith.constant 0.000000e+00 : f32
    %broadcast_in_dim3A_5 = vector.broadcast %broadcast_in_dim3A_4 : f32 to vector<16xf32>
    %broadcast_in_dim3A_6 = arith.constant 0.000000e+00 : f32
    %broadcast_in_dim3A_7 = vector.broadcast %broadcast_in_dim3A_6 : f32 to vector<16xf32>
    %scan3A = arith.constant 0 : i32
    %scan3A_8 = arith.constant 1 : i32
    %scan3A_9 = arith.constant 0 : i32
    %scan3A_10 = arith.constant 128 : i32
    %scan3A_11 = arith.addi %scan3A_9, %scan3A_10 : i32
    %scan3A_12 = arith.constant 1 : i32
    scf.for %scan3A_45 = %scan3A_9 to %scan3A_11 step %scan3A_12  : i32 {
      %swap3A = arith.constant 0 : i32
      %swap3A_46 = arith.constant 0 : i32
      %swap3A_47 = tpu.memref_slice %arg15[%scan3A_8, %swap3A, %swap3A_46] : memref<2x128x128xf32, #tpu.memory_space<vmem>> -> memref<1x128x128xf32, #tpu.memory_space<vmem>>
      %swap3A_48 = tpu.memref_squeeze %swap3A_47 : memref<1x128x128xf32, #tpu.memory_space<vmem>> -> memref<128x128xf32, #tpu.memory_space<vmem>>
      %swap3A_49 = arith.index_cast %scan3A_45 : i32 to index
      %swap3A_50 = arith.constant 0 : index
      %swap3A_51 = tpu.vector_load %swap3A_48[%swap3A_49, %swap3A_50] {strides = array<i32>} : memref<128x128xf32, #tpu.memory_space<vmem>>, vector<16xf32>,
      tpu.vector_store %swap3A_48[%swap3A_49, %swap3A_50], %broadcast_in_dim3A_7 {strides = array<i32>} : memref<128x128xf32, #tpu.memory_space<vmem>>, vector<16xf32>,
      %swap3A_52 = arith.constant 0 : i32
      %swap3A_53 = arith.constant 0 : i32
      %swap3A_54 = tpu.memref_slice %arg15[%scan3A_8, %swap3A_52, %swap3A_53] : memref<2x128x128xf32, #tpu.memory_space<vmem>> -> memref<1x128x128xf32, #tpu.memory_space<vmem>>
      %swap3A_55 = tpu.memref_squeeze %swap3A_54 : memref<1x128x128xf32, #tpu.memory_space<vmem>> -> memref<128x128xf32, #tpu.memory_space<vmem>>
      %swap3A_56 = arith.index_cast %scan3A_45 : i32 to index
      %swap3A_57 = arith.constant 16 : index
      %swap3A_58 = tpu.vector_load %swap3A_55[%swap3A_56, %swap3A_57] {strides = array<i32>} : memref<128x128xf32, #tpu.memory_space<vmem>>, vector<16xf32>,
      tpu.vector_store %swap3A_55[%swap3A_56, %swap3A_57], %broadcast_in_dim3A_7 {strides = array<i32>} : memref<128x128xf32, #tpu.memory_space<vmem>>, vector<16xf32>,
      %swap3A_59 = arith.constant 0 : i32
      %swap3A_60 = arith.constant 0 : i32
      %swap3A_61 = tpu.memref_slice %arg15[%scan3A_8, %swap3A_59, %swap3A_60] : memref<2x128x128xf32, #tpu.memory_space<vmem>> -> memref<1x128x128xf32, #tpu.memory_space<vmem>>
      %swap3A_62 = tpu.memref_squeeze %swap3A_61 : memref<1x128x128xf32, #tpu.memory_space<vmem>> -> memref<128x128xf32, #tpu.memory_space<vmem>>
      %swap3A_63 = arith.index_cast %scan3A_45 : i32 to index
      %swap3A_64 = arith.constant 32 : index
      %swap3A_65 = tpu.vector_load %swap3A_62[%swap3A_63, %swap3A_64] {strides = array<i32>} : memref<128x128xf32, #tpu.memory_space<vmem>>, vector<16xf32>,
      tpu.vector_store %swap3A_62[%swap3A_63, %swap3A_64], %broadcast_in_dim3A_7 {strides = array<i32>} : memref<128x128xf32, #tpu.memory_space<vmem>>, vector<16xf32>,
      %swap3A_66 = arith.constant 0 : i32
      %swap3A_67 = arith.constant 0 : i32
      %swap3A_68 = tpu.memref_slice %arg15[%scan3A_8, %swap3A_66, %swap3A_67] : memref<2x128x128xf32, #tpu.memory_space<vmem>> -> memref<1x128x128xf32, #tpu.memory_space<vmem>>
      %swap3A_69 = tpu.memref_squeeze %swap3A_68 : memref<1x128x128xf32, #tpu.memory_space<vmem>> -> memref<128x128xf32, #tpu.memory_space<vmem>>
      %swap3A_70 = arith.index_cast %scan3A_45 : i32 to index
      %swap3A_71 = arith.constant 48 : index
      %swap3A_72 = tpu.vector_load %swap3A_69[%swap3A_70, %swap3A_71] {strides = array<i32>} : memref<128x128xf32, #tpu.memory_space<vmem>>, vector<16xf32>,
      tpu.vector_store %swap3A_69[%swap3A_70, %swap3A_71], %broadcast_in_dim3A_7 {strides = array<i32>} : memref<128x128xf32, #tpu.memory_space<vmem>>, vector<16xf32>,
      %swap3A_73 = arith.constant 0 : i32
      %swap3A_74 = arith.constant 0 : i32
      %swap3A_75 = tpu.memref_slice %arg15[%scan3A_8, %swap3A_73, %swap3A_74] : memref<2x128x128xf32, #tpu.memory_space<vmem>> -> memref<1x128x128xf32, #tpu.memory_space<vmem>>
      %swap3A_76 = tpu.memref_squeeze %swap3A_75 : memref<1x128x128xf32, #tpu.memory_space<vmem>> -> memref<128x128xf32, #tpu.memory_space<vmem>>
      %swap3A_77 = arith.index_cast %scan3A_45 : i32 to index
      %swap3A_78 = arith.constant 64 : index
      %swap3A_79 = tpu.vector_load %swap3A_76[%swap3A_77, %swap3A_78] {strides = array<i32>} : memref<128x128xf32, #tpu.memory_space<vmem>>, vector<16xf32>,
      tpu.vector_store %swap3A_76[%swap3A_77, %swap3A_78], %broadcast_in_dim3A_7 {strides = array<i32>} : memref<128x128xf32, #tpu.memory_space<vmem>>, vector<16xf32>,
      %swap3A_80 = arith.constant 0 : i32
      %swap3A_81 = arith.constant 0 : i32
      %swap3A_82 = tpu.memref_slice %arg15[%scan3A_8, %swap3A_80, %swap3A_81] : memref<2x128x128xf32, #tpu.memory_space<vmem>> -> memref<1x128x128xf32, #tpu.memory_space<vmem>>
      %swap3A_83 = tpu.memref_squeeze %swap3A_82 : memref<1x128x128xf32, #tpu.memory_space<vmem>> -> memref<128x128xf32, #tpu.memory_space<vmem>>
      %swap3A_84 = arith.index_cast %scan3A_45 : i32 to index
      %swap3A_85 = arith.constant 80 : index
      %swap3A_86 = tpu.vector_load %swap3A_83[%swap3A_84, %swap3A_85] {strides = array<i32>} : memref<128x128xf32, #tpu.memory_space<vmem>>, vector<16xf32>,
      tpu.vector_store %swap3A_83[%swap3A_84, %swap3A_85], %broadcast_in_dim3A_7 {strides = array<i32>} : memref<128x128xf32, #tpu.memory_space<vmem>>, vector<16xf32>,
      %swap3A_87 = arith.constant 0 : i32
      %swap3A_88 = arith.constant 0 : i32
      %swap3A_89 = tpu.memref_slice %arg15[%scan3A_8, %swap3A_87, %swap3A_88] : memref<2x128x128xf32, #tpu.memory_space<vmem>> -> memref<1x128x128xf32, #tpu.memory_space<vmem>>
      %swap3A_90 = tpu.memref_squeeze %swap3A_89 : memref<1x128x128xf32, #tpu.memory_space<vmem>> -> memref<128x128xf32, #tpu.memory_space<vmem>>
      %swap3A_91 = arith.index_cast %scan3A_45 : i32 to index
      %swap3A_92 = arith.constant 96 : index
      %swap3A_93 = tpu.vector_load %swap3A_90[%swap3A_91, %swap3A_92] {strides = array<i32>} : memref<128x128xf32, #tpu.memory_space<vmem>>, vector<16xf32>,
      tpu.vector_store %swap3A_90[%swap3A_91, %swap3A_92], %broadcast_in_dim3A_7 {strides = array<i32>} : memref<128x128xf32, #tpu.memory_space<vmem>>, vector<16xf32>,
      %swap3A_94 = arith.constant 0 : i32
      %swap3A_95 = arith.constant 0 : i32
      %swap3A_96 = tpu.memref_slice %arg15[%scan3A_8, %swap3A_94, %swap3A_95] : memref<2x128x128xf32, #tpu.memory_space<vmem>> -> memref<1x128x128xf32, #tpu.memory_space<vmem>>
      %swap3A_97 = tpu.memref_squeeze %swap3A_96 : memref<1x128x128xf32, #tpu.memory_space<vmem>> -> memref<128x128xf32, #tpu.memory_space<vmem>>
      %swap3A_98 = arith.index_cast %scan3A_45 : i32 to index
      %swap3A_99 = arith.constant 112 : index
      %swap3A_100 = tpu.vector_load %swap3A_97[%swap3A_98, %swap3A_99] {strides = array<i32>} : memref<128x128xf32, #tpu.memory_space<vmem>>, vector<16xf32>,
      tpu.vector_store %swap3A_97[%swap3A_98, %swap3A_99], %broadcast_in_dim3A_7 {strides = array<i32>} : memref<128x128xf32, #tpu.memory_space<vmem>>, vector<16xf32>,
    }
    %scan3A_13 = arith.constant 128 : i32
    %add3A = arith.constant 0 : i32
    %add3A_14 = arith.addi %mul3A_0, %add3A : i32
    %run_scoped3A = arith.constant 1 : i32
    "tpu.region"() ({
      %run_scoped3A_45 = tpu.sem_alloc : memref<!tpu.dma_semaphore, #tpu.memory_space<semaphore_mem>>
      %dma_start3A = arith.constant 0 : i32
      %dma_start3A_46 = arith.constant 0 : i32
      %dma_start3A_47 = tpu.memref_slice %arg15[%run_scoped3A, %dma_start3A, %dma_start3A_46] : memref<2x128x128xf32, #tpu.memory_space<vmem>> -> memref<1x128x128xf32, #tpu.memory_space<vmem>>
      %dma_start3A_48 = tpu.memref_squeeze %dma_start3A_47 : memref<1x128x128xf32, #tpu.memory_space<vmem>> -> memref<128x128xf32, #tpu.memory_space<vmem>>
      %dma_start3A_49 = arith.constant 0 : i32
      %dma_start3A_50 = tpu.memref_slice %arg10[%add3A_14, %dma_start3A_49] : memref<10240x128xf32, #tpu.memory_space<vmem_shared>> -> memref<128x128xf32, #tpu.memory_space<vmem_shared>>
      %dma_start3A_51 = arith.constant 0 : i32
      %dma_start3A_52 = tpu.memref_slice %arg10[%add3A_14, %dma_start3A_51] : memref<10240x128xf32, #tpu.memory_space<vmem_shared>> -> memref<128x128xf32, #tpu.memory_space<vmem_shared>>
      %dma_start3A_53 = arith.constant 0 : i32
      %dma_start3A_54 = arith.constant 0 : i32
      %dma_start3A_55 = tpu.memref_slice %arg15[%run_scoped3A, %dma_start3A_53, %dma_start3A_54] : memref<2x128x128xf32, #tpu.memory_space<vmem>> -> memref<1x128x128xf32, #tpu.memory_space<vmem>>
      %dma_start3A_56 = tpu.memref_squeeze %dma_start3A_55 : memref<1x128x128xf32, #tpu.memory_space<vmem>> -> memref<128x128xf32, #tpu.memory_space<vmem>>
      tpu.enqueue_dma source(%dma_start3A_56 : memref<128x128xf32, #tpu.memory_space<vmem>>) target(%dma_start3A_52 : memref<128x128xf32, #tpu.memory_space<vmem_shared>>) target_semaphore(%run_scoped3A_45 : memref<!tpu.dma_semaphore, #tpu.memory_space<semaphore_mem>>)
      %dma_wait3A = arith.constant 0 : i32
      %dma_wait3A_57 = arith.constant 0 : i32
      %dma_wait3A_58 = tpu.memref_slice %arg15[%run_scoped3A, %dma_wait3A, %dma_wait3A_57] : memref<2x128x128xf32, #tpu.memory_space<vmem>> -> memref<1x128x128xf32, #tpu.memory_space<vmem>>
      %dma_wait3A_59 = tpu.memref_squeeze %dma_wait3A_58 : memref<1x128x128xf32, #tpu.memory_space<vmem>> -> memref<128x128xf32, #tpu.memory_space<vmem>>
      %dma_wait3A_60 = arith.constant 0 : i32
      %dma_wait3A_61 = tpu.memref_slice %arg10[%add3A_14, %dma_wait3A_60] : memref<10240x128xf32, #tpu.memory_space<vmem_shared>> -> memref<128x128xf32, #tpu.memory_space<vmem_shared>>
      %dma_wait3A_62 = arith.constant 0 : i32
      %dma_wait3A_63 = tpu.memref_slice %arg10[%add3A_14, %dma_wait3A_62] : memref<10240x128xf32, #tpu.memory_space<vmem_shared>> -> memref<128x128xf32, #tpu.memory_space<vmem_shared>>
      %dma_wait3A_64 = arith.constant 0 : i32
      %dma_wait3A_65 = arith.constant 0 : i32
      %dma_wait3A_66 = tpu.memref_slice %arg15[%run_scoped3A, %dma_wait3A_64, %dma_wait3A_65] : memref<2x128x128xf32, #tpu.memory_space<vmem>> -> memref<1x128x128xf32, #tpu.memory_space<vmem>>
      %dma_wait3A_67 = tpu.memref_squeeze %dma_wait3A_66 : memref<1x128x128xf32, #tpu.memory_space<vmem>> -> memref<128x128xf32, #tpu.memory_space<vmem>>
      tpu.wait_dma2 semaphore(%run_scoped3A_45 : memref<!tpu.dma_semaphore, #tpu.memory_space<semaphore_mem>>) src(%dma_wait3A_67 : memref<128x128xf32, #tpu.memory_space<vmem>>) dst(%dma_wait3A_63 : memref<128x128xf32, #tpu.memory_space<vmem_shared>>)
      tpu.yield
    }) : () -> ()
    %add3A_15 = arith.constant 128 : i32
    %add3A_16 = arith.addi %mul3A_0, %add3A_15 : i32
    %run_scoped3A_17 = arith.constant 1 : i32
    "tpu.region"() ({
      %run_scoped3A_45 = tpu.sem_alloc : memref<!tpu.dma_semaphore, #tpu.memory_space<semaphore_mem>>
      %dma_start3A = arith.constant 0 : i32
      %dma_start3A_46 = arith.constant 0 : i32
      %dma_start3A_47 = tpu.memref_slice %arg15[%run_scoped3A_17, %dma_start3A, %dma_start3A_46] : memref<2x128x128xf32, #tpu.memory_space<vmem>> -> memref<1x128x128xf32, #tpu.memory_space<vmem>>
      %dma_start3A_48 = tpu.memref_squeeze %dma_start3A_47 : memref<1x128x128xf32, #tpu.memory_space<vmem>> -> memref<128x128xf32, #tpu.memory_space<vmem>>
      %dma_start3A_49 = arith.constant 0 : i32
      %dma_start3A_50 = tpu.memref_slice %arg10[%add3A_16, %dma_start3A_49] : memref<10240x128xf32, #tpu.memory_space<vmem_shared>> -> memref<128x128xf32, #tpu.memory_space<vmem_shared>>
      %dma_start3A_51 = arith.constant 0 : i32
      %dma_start3A_52 = tpu.memref_slice %arg10[%add3A_16, %dma_start3A_51] : memref<10240x128xf32, #tpu.memory_space<vmem_shared>> -> memref<128x128xf32, #tpu.memory_space<vmem_shared>>
      %dma_start3A_53 = arith.constant 0 : i32
      %dma_start3A_54 = arith.constant 0 : i32
      %dma_start3A_55 = tpu.memref_slice %arg15[%run_scoped3A_17, %dma_start3A_53, %dma_start3A_54] : memref<2x128x128xf32, #tpu.memory_space<vmem>> -> memref<1x128x128xf32, #tpu.memory_space<vmem>>
      %dma_start3A_56 = tpu.memref_squeeze %dma_start3A_55 : memref<1x128x128xf32, #tpu.memory_space<vmem>> -> memref<128x128xf32, #tpu.memory_space<vmem>>
      tpu.enqueue_dma source(%dma_start3A_56 : memref<128x128xf32, #tpu.memory_space<vmem>>) target(%dma_start3A_52 : memref<128x128xf32, #tpu.memory_space<vmem_shared>>) target_semaphore(%run_scoped3A_45 : memref<!tpu.dma_semaphore, #tpu.memory_space<semaphore_mem>>)
      %dma_wait3A = arith.constant 0 : i32
      %dma_wait3A_57 = arith.constant 0 : i32
      %dma_wait3A_58 = tpu.memref_slice %arg15[%run_scoped3A_17, %dma_wait3A, %dma_wait3A_57] : memref<2x128x128xf32, #tpu.memory_space<vmem>> -> memref<1x128x128xf32, #tpu.memory_space<vmem>>
      %dma_wait3A_59 = tpu.memref_squeeze %dma_wait3A_58 : memref<1x128x128xf32, #tpu.memory_space<vmem>> -> memref<128x128xf32, #tpu.memory_space<vmem>>
      %dma_wait3A_60 = arith.constant 0 : i32
      %dma_wait3A_61 = tpu.memref_slice %arg10[%add3A_16, %dma_wait3A_60] : memref<10240x128xf32, #tpu.memory_space<vmem_shared>> -> memref<128x128xf32, #tpu.memory_space<vmem_shared>>
      %dma_wait3A_62 = arith.constant 0 : i32
      %dma_wait3A_63 = tpu.memref_slice %arg10[%add3A_16, %dma_wait3A_62] : memref<10240x128xf32, #tpu.memory_space<vmem_shared>> -> memref<128x128xf32, #tpu.memory_space<vmem_shared>>
      %dma_wait3A_64 = arith.constant 0 : i32
      %dma_wait3A_65 = arith.constant 0 : i32
      %dma_wait3A_66 = tpu.memref_slice %arg15[%run_scoped3A_17, %dma_wait3A_64, %dma_wait3A_65] : memref<2x128x128xf32, #tpu.memory_space<vmem>> -> memref<1x128x128xf32, #tpu.memory_space<vmem>>
      %dma_wait3A_67 = tpu.memref_squeeze %dma_wait3A_66 : memref<1x128x128xf32, #tpu.memory_space<vmem>> -> memref<128x128xf32, #tpu.memory_space<vmem>>
      tpu.wait_dma2 semaphore(%run_scoped3A_45 : memref<!tpu.dma_semaphore, #tpu.memory_space<semaphore_mem>>) src(%dma_wait3A_67 : memref<128x128xf32, #tpu.memory_space<vmem>>) dst(%dma_wait3A_63 : memref<128x128xf32, #tpu.memory_space<vmem_shared>>)
      tpu.yield
    }) : () -> ()
    %add3A_18 = arith.constant 256 : i32
    %add3A_19 = arith.addi %mul3A_0, %add3A_18 : i32
    %run_scoped3A_20 = arith.constant 1 : i32
    "tpu.region"() ({
      %run_scoped3A_45 = tpu.sem_alloc : memref<!tpu.dma_semaphore, #tpu.memory_space<semaphore_mem>>
      %dma_start3A = arith.constant 0 : i32
      %dma_start3A_46 = arith.constant 0 : i32
      %dma_start3A_47 = tpu.memref_slice %arg15[%run_scoped3A_20, %dma_start3A, %dma_start3A_46] : memref<2x128x128xf32, #tpu.memory_space<vmem>> -> memref<1x128x128xf32, #tpu.memory_space<vmem>>
      %dma_start3A_48 = tpu.memref_squeeze %dma_start3A_47 : memref<1x128x128xf32, #tpu.memory_space<vmem>> -> memref<128x128xf32, #tpu.memory_space<vmem>>
      %dma_start3A_49 = arith.constant 0 : i32
      %dma_start3A_50 = tpu.memref_slice %arg10[%add3A_19, %dma_start3A_49] : memref<10240x128xf32, #tpu.memory_space<vmem_shared>> -> memref<128x128xf32, #tpu.memory_space<vmem_shared>>
      %dma_start3A_51 = arith.constant 0 : i32
      %dma_start3A_52 = tpu.memref_slice %arg10[%add3A_19, %dma_start3A_51] : memref<10240x128xf32, #tpu.memory_space<vmem_shared>> -> memref<128x128xf32, #tpu.memory_space<vmem_shared>>
      %dma_start3A_53 = arith.constant 0 : i32
      %dma_start3A_54 = arith.constant 0 : i32
      %dma_start3A_55 = tpu.memref_slice %arg15[%run_scoped3A_20, %dma_start3A_53, %dma_start3A_54] : memref<2x128x128xf32, #tpu.memory_space<vmem>> -> memref<1x128x128xf32, #tpu.memory_space<vmem>>
      %dma_start3A_56 = tpu.memref_squeeze %dma_start3A_55 : memref<1x128x128xf32, #tpu.memory_space<vmem>> -> memref<128x128xf32, #tpu.memory_space<vmem>>
      tpu.enqueue_dma source(%dma_start3A_56 : memref<128x128xf32, #tpu.memory_space<vmem>>) target(%dma_start3A_52 : memref<128x128xf32, #tpu.memory_space<vmem_shared>>) target_semaphore(%run_scoped3A_45 : memref<!tpu.dma_semaphore, #tpu.memory_space<semaphore_mem>>)
      %dma_wait3A = arith.constant 0 : i32
      %dma_wait3A_57 = arith.constant 0 : i32
      %dma_wait3A_58 = tpu.memref_slice %arg15[%run_scoped3A_20, %dma_wait3A, %dma_wait3A_57] : memref<2x128x128xf32, #tpu.memory_space<vmem>> -> memref<1x128x128xf32, #tpu.memory_space<vmem>>
      %dma_wait3A_59 = tpu.memref_squeeze %dma_wait3A_58 : memref<1x128x128xf32, #tpu.memory_space<vmem>> -> memref<128x128xf32, #tpu.memory_space<vmem>>
      %dma_wait3A_60 = arith.constant 0 : i32
      %dma_wait3A_61 = tpu.memref_slice %arg10[%add3A_19, %dma_wait3A_60] : memref<10240x128xf32, #tpu.memory_space<vmem_shared>> -> memref<128x128xf32, #tpu.memory_space<vmem_shared>>
      %dma_wait3A_62 = arith.constant 0 : i32
      %dma_wait3A_63 = tpu.memref_slice %arg10[%add3A_19, %dma_wait3A_62] : memref<10240x128xf32, #tpu.memory_space<vmem_shared>> -> memref<128x128xf32, #tpu.memory_space<vmem_shared>>
      %dma_wait3A_64 = arith.constant 0 : i32
      %dma_wait3A_65 = arith.constant 0 : i32
      %dma_wait3A_66 = tpu.memref_slice %arg15[%run_scoped3A_20, %dma_wait3A_64, %dma_wait3A_65] : memref<2x128x128xf32, #tpu.memory_space<vmem>> -> memref<1x128x128xf32, #tpu.memory_space<vmem>>
      %dma_wait3A_67 = tpu.memref_squeeze %dma_wait3A_66 : memref<1x128x128xf32, #tpu.memory_space<vmem>> -> memref<128x128xf32, #tpu.memory_space<vmem>>
      tpu.wait_dma2 semaphore(%run_scoped3A_45 : memref<!tpu.dma_semaphore, #tpu.memory_space<semaphore_mem>>) src(%dma_wait3A_67 : memref<128x128xf32, #tpu.memory_space<vmem>>) dst(%dma_wait3A_63 : memref<128x128xf32, #tpu.memory_space<vmem_shared>>)
      tpu.yield
    }) : () -> ()
    %add3A_21 = arith.constant 384 : i32
    %add3A_22 = arith.addi %mul3A_0, %add3A_21 : i32
    %run_scoped3A_23 = arith.constant 1 : i32
    "tpu.region"() ({
      %run_scoped3A_45 = tpu.sem_alloc : memref<!tpu.dma_semaphore, #tpu.memory_space<semaphore_mem>>
      %dma_start3A = arith.constant 0 : i32
      %dma_start3A_46 = arith.constant 0 : i32
      %dma_start3A_47 = tpu.memref_slice %arg15[%run_scoped3A_23, %dma_start3A, %dma_start3A_46] : memref<2x128x128xf32, #tpu.memory_space<vmem>> -> memref<1x128x128xf32, #tpu.memory_space<vmem>>
      %dma_start3A_48 = tpu.memref_squeeze %dma_start3A_47 : memref<1x128x128xf32, #tpu.memory_space<vmem>> -> memref<128x128xf32, #tpu.memory_space<vmem>>
      %dma_start3A_49 = arith.constant 0 : i32
      %dma_start3A_50 = tpu.memref_slice %arg10[%add3A_22, %dma_start3A_49] : memref<10240x128xf32, #tpu.memory_space<vmem_shared>> -> memref<128x128xf32, #tpu.memory_space<vmem_shared>>
      %dma_start3A_51 = arith.constant 0 : i32
      %dma_start3A_52 = tpu.memref_slice %arg10[%add3A_22, %dma_start3A_51] : memref<10240x128xf32, #tpu.memory_space<vmem_shared>> -> memref<128x128xf32, #tpu.memory_space<vmem_shared>>
      %dma_start3A_53 = arith.constant 0 : i32
      %dma_start3A_54 = arith.constant 0 : i32
      %dma_start3A_55 = tpu.memref_slice %arg15[%run_scoped3A_23, %dma_start3A_53, %dma_start3A_54] : memref<2x128x128xf32, #tpu.memory_space<vmem>> -> memref<1x128x128xf32, #tpu.memory_space<vmem>>
      %dma_start3A_56 = tpu.memref_squeeze %dma_start3A_55 : memref<1x128x128xf32, #tpu.memory_space<vmem>> -> memref<128x128xf32, #tpu.memory_space<vmem>>
      tpu.enqueue_dma source(%dma_start3A_56 : memref<128x128xf32, #tpu.memory_space<vmem>>) target(%dma_start3A_52 : memref<128x128xf32, #tpu.memory_space<vmem_shared>>) target_semaphore(%run_scoped3A_45 : memref<!tpu.dma_semaphore, #tpu.memory_space<semaphore_mem>>)
      %dma_wait3A = arith.constant 0 : i32
      %dma_wait3A_57 = arith.constant 0 : i32
      %dma_wait3A_58 = tpu.memref_slice %arg15[%run_scoped3A_23, %dma_wait3A, %dma_wait3A_57] : memref<2x128x128xf32, #tpu.memory_space<vmem>> -> memref<1x128x128xf32, #tpu.memory_space<vmem>>
      %dma_wait3A_59 = tpu.memref_squeeze %dma_wait3A_58 : memref<1x128x128xf32, #tpu.memory_space<vmem>> -> memref<128x128xf32, #tpu.memory_space<vmem>>
      %dma_wait3A_60 = arith.constant 0 : i32
      %dma_wait3A_61 = tpu.memref_slice %arg10[%add3A_22, %dma_wait3A_60] : memref<10240x128xf32, #tpu.memory_space<vmem_shared>> -> memref<128x128xf32, #tpu.memory_space<vmem_shared>>
      %dma_wait3A_62 = arith.constant 0 : i32
      %dma_wait3A_63 = tpu.memref_slice %arg10[%add3A_22, %dma_wait3A_62] : memref<10240x128xf32, #tpu.memory_space<vmem_shared>> -> memref<128x128xf32, #tpu.memory_space<vmem_shared>>
      %dma_wait3A_64 = arith.constant 0 : i32
      %dma_wait3A_65 = arith.constant 0 : i32
      %dma_wait3A_66 = tpu.memref_slice %arg15[%run_scoped3A_23, %dma_wait3A_64, %dma_wait3A_65] : memref<2x128x128xf32, #tpu.memory_space<vmem>> -> memref<1x128x128xf32, #tpu.memory_space<vmem>>
      %dma_wait3A_67 = tpu.memref_squeeze %dma_wait3A_66 : memref<1x128x128xf32, #tpu.memory_space<vmem>> -> memref<128x128xf32, #tpu.memory_space<vmem>>
      tpu.wait_dma2 semaphore(%run_scoped3A_45 : memref<!tpu.dma_semaphore, #tpu.memory_space<semaphore_mem>>) src(%dma_wait3A_67 : memref<128x128xf32, #tpu.memory_space<vmem>>) dst(%dma_wait3A_63 : memref<128x128xf32, #tpu.memory_space<vmem_shared>>)
      tpu.yield
    }) : () -> ()
    %add3A_24 = arith.constant 512 : i32
    %add3A_25 = arith.addi %mul3A_0, %add3A_24 : i32
    %run_scoped3A_26 = arith.constant 1 : i32
    "tpu.region"() ({
      %run_scoped3A_45 = tpu.sem_alloc : memref<!tpu.dma_semaphore, #tpu.memory_space<semaphore_mem>>
      %dma_start3A = arith.constant 0 : i32
      %dma_start3A_46 = arith.constant 0 : i32
      %dma_start3A_47 = tpu.memref_slice %arg15[%run_scoped3A_26, %dma_start3A, %dma_start3A_46] : memref<2x128x128xf32, #tpu.memory_space<vmem>> -> memref<1x128x128xf32, #tpu.memory_space<vmem>>
      %dma_start3A_48 = tpu.memref_squeeze %dma_start3A_47 : memref<1x128x128xf32, #tpu.memory_space<vmem>> -> memref<128x128xf32, #tpu.memory_space<vmem>>
      %dma_start3A_49 = arith.constant 0 : i32
      %dma_start3A_50 = tpu.memref_slice %arg10[%add3A_25, %dma_start3A_49] : memref<10240x128xf32, #tpu.memory_space<vmem_shared>> -> memref<128x128xf32, #tpu.memory_space<vmem_shared>>
      %dma_start3A_51 = arith.constant 0 : i32
      %dma_start3A_52 = tpu.memref_slice %arg10[%add3A_25, %dma_start3A_51] : memref<10240x128xf32, #tpu.memory_space<vmem_shared>> -> memref<128x128xf32, #tpu.memory_space<vmem_shared>>
      %dma_start3A_53 = arith.constant 0 : i32
      %dma_start3A_54 = arith.constant 0 : i32
      %dma_start3A_55 = tpu.memref_slice %arg15[%run_scoped3A_26, %dma_start3A_53, %dma_start3A_54] : memref<2x128x128xf32, #tpu.memory_space<vmem>> -> memref<1x128x128xf32, #tpu.memory_space<vmem>>
      %dma_start3A_56 = tpu.memref_squeeze %dma_start3A_55 : memref<1x128x128xf32, #tpu.memory_space<vmem>> -> memref<128x128xf32, #tpu.memory_space<vmem>>
      tpu.enqueue_dma source(%dma_start3A_56 : memref<128x128xf32, #tpu.memory_space<vmem>>) target(%dma_start3A_52 : memref<128x128xf32, #tpu.memory_space<vmem_shared>>) target_semaphore(%run_scoped3A_45 : memref<!tpu.dma_semaphore, #tpu.memory_space<semaphore_mem>>)
      %dma_wait3A = arith.constant 0 : i32
      %dma_wait3A_57 = arith.constant 0 : i32
      %dma_wait3A_58 = tpu.memref_slice %arg15[%run_scoped3A_26, %dma_wait3A, %dma_wait3A_57] : memref<2x128x128xf32, #tpu.memory_space<vmem>> -> memref<1x128x128xf32, #tpu.memory_space<vmem>>
      %dma_wait3A_59 = tpu.memref_squeeze %dma_wait3A_58 : memref<1x128x128xf32, #tpu.memory_space<vmem>> -> memref<128x128xf32, #tpu.memory_space<vmem>>
      %dma_wait3A_60 = arith.constant 0 : i32
      %dma_wait3A_61 = tpu.memref_slice %arg10[%add3A_25, %dma_wait3A_60] : memref<10240x128xf32, #tpu.memory_space<vmem_shared>> -> memref<128x128xf32, #tpu.memory_space<vmem_shared>>
      %dma_wait3A_62 = arith.constant 0 : i32
      %dma_wait3A_63 = tpu.memref_slice %arg10[%add3A_25, %dma_wait3A_62] : memref<10240x128xf32, #tpu.memory_space<vmem_shared>> -> memref<128x128xf32, #tpu.memory_space<vmem_shared>>
      %dma_wait3A_64 = arith.constant 0 : i32
      %dma_wait3A_65 = arith.constant 0 : i32
      %dma_wait3A_66 = tpu.memref_slice %arg15[%run_scoped3A_26, %dma_wait3A_64, %dma_wait3A_65] : memref<2x128x128xf32, #tpu.memory_space<vmem>> -> memref<1x128x128xf32, #tpu.memory_space<vmem>>
      %dma_wait3A_67 = tpu.memref_squeeze %dma_wait3A_66 : memref<1x128x128xf32, #tpu.memory_space<vmem>> -> memref<128x128xf32, #tpu.memory_space<vmem>>
      tpu.wait_dma2 semaphore(%run_scoped3A_45 : memref<!tpu.dma_semaphore, #tpu.memory_space<semaphore_mem>>) src(%dma_wait3A_67 : memref<128x128xf32, #tpu.memory_space<vmem>>) dst(%dma_wait3A_63 : memref<128x128xf32, #tpu.memory_space<vmem_shared>>)
      tpu.yield
    }) : () -> ()
    %barrier3A = arith.constant 0 : index
    tpu.barrier barrier_id(%barrier3A)
    %eq3A = arith.constant 0 : i32
    %eq3A_27 = arith.cmpi eq, %arg0, %eq3A : i32
    %convert_element_type3A = arith.extui %eq3A_27 : i1 to i32
    %cond3A = arith.constant 0 : i32
    %cond3A_28 = arith.cmpi ne, %convert_element_type3A, %cond3A : i32
    scf.if %cond3A_28 {
      "tpu.region"() ({
        %run_scoped3A_79 = tpu.sem_alloc : memref<!tpu.dma_semaphore, #tpu.memory_space<semaphore_mem>>
        %dma_start3A_80 = tpu.memref_slice %arg4[%mul3A_2] : memref<323840xi32, #tpu.memory_space<hbm>> -> memref<128xi32, #tpu.memory_space<hbm>>
        %dma_start3A_81 = tpu.memref_slice %arg4[%mul3A_2] : memref<323840xi32, #tpu.memory_space<hbm>> -> memref<128xi32, #tpu.memory_space<hbm>>
        tpu.enqueue_dma source(%dma_start3A_81 : memref<128xi32, #tpu.memory_space<hbm>>) target(%arg11 : memref<128xi32, #tpu.memory_space<vmem>>) target_semaphore(%run_scoped3A_79 : memref<!tpu.dma_semaphore, #tpu.memory_space<semaphore_mem>>)
        %dma_wait3A_82 = tpu.memref_slice %arg4[%mul3A_2] : memref<323840xi32, #tpu.memory_space<hbm>> -> memref<128xi32, #tpu.memory_space<hbm>>
        %dma_wait3A_83 = tpu.memref_slice %arg4[%mul3A_2] : memref<323840xi32, #tpu.memory_space<hbm>> -> memref<128xi32, #tpu.memory_space<hbm>>
        tpu.wait_dma2 semaphore(%run_scoped3A_79 : memref<!tpu.dma_semaphore, #tpu.memory_space<semaphore_mem>>) src(%dma_wait3A_83 : memref<128xi32, #tpu.memory_space<hbm>>) dst(%arg11 : memref<128xi32, #tpu.memory_space<vmem>>)
        tpu.yield
      }) : () -> ()
      %dma_start3A = arith.constant 0 : i32
      %dma_start3A_45 = arith.constant 0 : i32
      %dma_start3A_46 = arith.constant 0 : i32
      %dma_start3A_47 = tpu.memref_slice %arg15[%dma_start3A, %dma_start3A_45, %dma_start3A_46] : memref<2x128x128xf32, #tpu.memory_space<vmem>> -> memref<1x128x128xf32, #tpu.memory_space<vmem>>
      %dma_start3A_48 = tpu.memref_squeeze %dma_start3A_47 : memref<1x128x128xf32, #tpu.memory_space<vmem>> -> memref<128x128xf32, #tpu.memory_space<vmem>>
      %dma_start3A_49 = arith.constant 0 : i32
      %dma_start3A_50 = arith.constant 0 : i32
      %dma_start3A_51 = tpu.memref_slice %arg2[%dma_start3A_49, %dma_start3A_50] : memref<10008x128xf32, #tpu.memory_space<hbm>> -> memref<10008x128xf32, #tpu.memory_space<hbm>>
      tpu.enqueue_indirect_dma source(%dma_start3A_51 : memref<10008x128xf32, #tpu.memory_space<hbm>>) target(%dma_start3A_48 : memref<128x128xf32, #tpu.memory_space<vmem>>) offsets(%arg11 : memref<128xi32, #tpu.memory_space<vmem>>) semaphore(%arg16 : memref<!tpu.dma_semaphore, #tpu.memory_space<semaphore_mem>>)
      %add3A_52 = arith.constant 128 : i32
      %add3A_53 = arith.addi %mul3A_2, %add3A_52 : i32
      %dma_start3A_54 = tpu.memref_slice %arg4[%add3A_53] : memref<323840xi32, #tpu.memory_space<hbm>> -> memref<128xi32, #tpu.memory_space<hbm>>
      %dma_start3A_55 = tpu.memref_slice %arg4[%add3A_53] : memref<323840xi32, #tpu.memory_space<hbm>> -> memref<128xi32, #tpu.memory_space<hbm>>
      tpu.enqueue_dma source(%dma_start3A_55 : memref<128xi32, #tpu.memory_space<hbm>>) target(%arg12 : memref<128xi32, #tpu.memory_space<vmem>>) target_semaphore(%arg19 : memref<!tpu.dma_semaphore, #tpu.memory_space<semaphore_mem>>)
      %dma_start3A_56 = tpu.memref_slice %arg5[%mul3A_2] : memref<323712xi32, #tpu.memory_space<hbm>> -> memref<128xi32, #tpu.memory_space<hbm>>
      %dma_start3A_57 = tpu.memref_slice %arg5[%mul3A_2] : memref<323712xi32, #tpu.memory_space<hbm>> -> memref<128xi32, #tpu.memory_space<hbm>>
      tpu.enqueue_dma source(%dma_start3A_57 : memref<128xi32, #tpu.memory_space<hbm>>) target(%arg13 : memref<128xi32, #tpu.memory_space<vmem>>) target_semaphore(%arg20 : memref<!tpu.dma_semaphore, #tpu.memory_space<semaphore_mem>>)
      %scan3A_58 = arith.constant 0 : i32
      %scan3A_59 = arith.constant 0 : i32
      %scan3A_60 = arith.constant 79 : i32
      %scan3A_61 = arith.addi %scan3A_59, %scan3A_60 : i32
      %scan3A_62 = arith.constant 1 : i32
      scf.for %scan3A_79 = %scan3A_59 to %scan3A_61 step %scan3A_62  : i32 {
        %mul3A_80 = arith.constant 2 : i32
        %mul3A_81 = arith.muli %mul3A_80, %scan3A_79 : i32
        %mul3A_82 = arith.constant 128 : i32
        %mul3A_83 = arith.muli %mul3A_81, %mul3A_82 : i32
        %add3A_84 = arith.addi %mul3A_2, %mul3A_83 : i32
        %dma_wait3A_85 = arith.constant 0 : i32
        %dma_wait3A_86 = tpu.memref_slice %arg4[%dma_wait3A_85] : memref<323840xi32, #tpu.memory_space<hbm>> -> memref<128xi32, #tpu.memory_space<hbm>>
        %dma_wait3A_87 = arith.constant 0 : i32
        %dma_wait3A_88 = tpu.memref_slice %arg4[%dma_wait3A_87] : memref<323840xi32, #tpu.memory_space<hbm>> -> memref<128xi32, #tpu.memory_space<hbm>>
        tpu.wait_dma2 semaphore(%arg19 : memref<!tpu.dma_semaphore, #tpu.memory_space<semaphore_mem>>) src(%dma_wait3A_88 : memref<128xi32, #tpu.memory_space<hbm>>) dst(%arg12 : memref<128xi32, #tpu.memory_space<vmem>>)
        %dma_wait3A_89 = arith.constant 0 : i32
        %dma_wait3A_90 = arith.constant 0 : i32
        %dma_wait3A_91 = arith.constant 0 : i32
        %dma_wait3A_92 = tpu.memref_slice %arg15[%dma_wait3A_89, %dma_wait3A_90, %dma_wait3A_91] : memref<2x128x128xf32, #tpu.memory_space<vmem>> -> memref<1x128x128xf32, #tpu.memory_space<vmem>>
        %dma_wait3A_93 = tpu.memref_squeeze %dma_wait3A_92 : memref<1x128x128xf32, #tpu.memory_space<vmem>> -> memref<128x128xf32, #tpu.memory_space<vmem>>
        %dma_wait3A_94 = arith.constant 0 : i32
        %dma_wait3A_95 = arith.constant 0 : i32
        %dma_wait3A_96 = tpu.memref_slice %arg2[%dma_wait3A_94, %dma_wait3A_95] : memref<10008x128xf32, #tpu.memory_space<hbm>> -> memref<10008x128xf32, #tpu.memory_space<hbm>>
        tpu.wait_indirect_dma semaphore(%arg16 : memref<!tpu.dma_semaphore, #tpu.memory_space<semaphore_mem>>) src(%dma_wait3A_96 : memref<10008x128xf32, #tpu.memory_space<hbm>>) dst(%dma_wait3A_93 : memref<128x128xf32, #tpu.memory_space<vmem>>)
        %dma_start3A_97 = arith.constant 1 : i32
        %dma_start3A_98 = arith.constant 0 : i32
        %dma_start3A_99 = arith.constant 0 : i32
        %dma_start3A_100 = tpu.memref_slice %arg15[%dma_start3A_97, %dma_start3A_98, %dma_start3A_99] : memref<2x128x128xf32, #tpu.memory_space<vmem>> -> memref<1x128x128xf32, #tpu.memory_space<vmem>>
        %dma_start3A_101 = tpu.memref_squeeze %dma_start3A_100 : memref<1x128x128xf32, #tpu.memory_space<vmem>> -> memref<128x128xf32, #tpu.memory_space<vmem>>
        %dma_start3A_102 = arith.constant 0 : i32
        %dma_start3A_103 = arith.constant 0 : i32
        %dma_start3A_104 = tpu.memref_slice %arg2[%dma_start3A_102, %dma_start3A_103] : memref<10008x128xf32, #tpu.memory_space<hbm>> -> memref<10008x128xf32, #tpu.memory_space<hbm>>
        tpu.enqueue_indirect_dma source(%dma_start3A_104 : memref<10008x128xf32, #tpu.memory_space<hbm>>) target(%dma_start3A_101 : memref<128x128xf32, #tpu.memory_space<vmem>>) offsets(%arg12 : memref<128xi32, #tpu.memory_space<vmem>>) semaphore(%arg17 : memref<!tpu.dma_semaphore, #tpu.memory_space<semaphore_mem>>)
        %add3A_105 = arith.constant 256 : i32
        %add3A_106 = arith.addi %add3A_84, %add3A_105 : i32
        %dma_start3A_107 = tpu.memref_slice %arg4[%add3A_106] : memref<323840xi32, #tpu.memory_space<hbm>> -> memref<128xi32, #tpu.memory_space<hbm>>
        %dma_start3A_108 = tpu.memref_slice %arg4[%add3A_106] : memref<323840xi32, #tpu.memory_space<hbm>> -> memref<128xi32, #tpu.memory_space<hbm>>
        tpu.enqueue_dma source(%dma_start3A_108 : memref<128xi32, #tpu.memory_space<hbm>>) target(%arg11 : memref<128xi32, #tpu.memory_space<vmem>>) target_semaphore(%arg18 : memref<!tpu.dma_semaphore, #tpu.memory_space<semaphore_mem>>)
        %dma_wait3A_109 = arith.constant 0 : i32
        %dma_wait3A_110 = tpu.memref_slice %arg5[%dma_wait3A_109] : memref<323712xi32, #tpu.memory_space<hbm>> -> memref<128xi32, #tpu.memory_space<hbm>>
        %dma_wait3A_111 = arith.constant 0 : i32
        %dma_wait3A_112 = tpu.memref_slice %arg5[%dma_wait3A_111] : memref<323712xi32, #tpu.memory_space<hbm>> -> memref<128xi32, #tpu.memory_space<hbm>>
        tpu.wait_dma2 semaphore(%arg20 : memref<!tpu.dma_semaphore, #tpu.memory_space<semaphore_mem>>) src(%dma_wait3A_112 : memref<128xi32, #tpu.memory_space<hbm>>) dst(%arg13 : memref<128xi32, #tpu.memory_space<vmem>>)
        %add3A_113 = arith.constant 128 : i32
        %add3A_114 = arith.addi %add3A_84, %add3A_113 : i32
        %dma_start3A_115 = tpu.memref_slice %arg5[%add3A_114] : memref<323712xi32, #tpu.memory_space<hbm>> -> memref<128xi32, #tpu.memory_space<hbm>>
        %dma_start3A_116 = tpu.memref_slice %arg5[%add3A_114] : memref<323712xi32, #tpu.memory_space<hbm>> -> memref<128xi32, #tpu.memory_space<hbm>>
        tpu.enqueue_dma source(%dma_start3A_116 : memref<128xi32, #tpu.memory_space<hbm>>) target(%arg14 : memref<128xi32, #tpu.memory_space<vmem>>) target_semaphore(%arg21 : memref<!tpu.dma_semaphore, #tpu.memory_space<semaphore_mem>>)
        %run_scoped3A_117 = arith.constant 0 : i32
        "tpu.region"() ({
          %run_scoped3A_153 = tpu.sem_alloc : memref<!tpu.dma_semaphore, #tpu.memory_space<semaphore_mem>>
          %dma_start3A_154 = arith.constant 0 : i32
          %dma_start3A_155 = arith.constant 0 : i32
          %dma_start3A_156 = tpu.memref_slice %arg15[%run_scoped3A_117, %dma_start3A_154, %dma_start3A_155] : memref<2x128x128xf32, #tpu.memory_space<vmem>> -> memref<1x128x128xf32, #tpu.memory_space<vmem>>
          %dma_start3A_157 = tpu.memref_squeeze %dma_start3A_156 : memref<1x128x128xf32, #tpu.memory_space<vmem>> -> memref<128x128xf32, #tpu.memory_space<vmem>>
          %dma_start3A_158 = arith.constant 0 : i32
          %dma_start3A_159 = arith.constant 0 : i32
          %dma_start3A_160 = tpu.memref_slice %arg10[%dma_start3A_158, %dma_start3A_159] : memref<10240x128xf32, #tpu.memory_space<vmem_shared>> -> memref<10240x128xf32, #tpu.memory_space<vmem_shared>>
          tpu.enqueue_indirect_dma source(%dma_start3A_157 : memref<128x128xf32, #tpu.memory_space<vmem>>) target(%dma_start3A_160 : memref<10240x128xf32, #tpu.memory_space<vmem_shared>>) offsets(%arg13 : memref<128xi32, #tpu.memory_space<vmem>>) semaphore(%run_scoped3A_153 : memref<!tpu.dma_semaphore, #tpu.memory_space<semaphore_mem>>) {add = true}
          %dma_wait3A_161 = arith.constant 0 : i32
          %dma_wait3A_162 = arith.constant 0 : i32
          %dma_wait3A_163 = tpu.memref_slice %arg15[%run_scoped3A_117, %dma_wait3A_161, %dma_wait3A_162] : memref<2x128x128xf32, #tpu.memory_space<vmem>> -> memref<1x128x128xf32, #tpu.memory_space<vmem>>
          %dma_wait3A_164 = tpu.memref_squeeze %dma_wait3A_163 : memref<1x128x128xf32, #tpu.memory_space<vmem>> -> memref<128x128xf32, #tpu.memory_space<vmem>>
          %dma_wait3A_165 = arith.constant 0 : i32
          %dma_wait3A_166 = arith.constant 0 : i32
          %dma_wait3A_167 = tpu.memref_slice %arg10[%dma_wait3A_165, %dma_wait3A_166] : memref<10240x128xf32, #tpu.memory_space<vmem_shared>> -> memref<10240x128xf32, #tpu.memory_space<vmem_shared>>
          tpu.wait_indirect_dma semaphore(%run_scoped3A_153 : memref<!tpu.dma_semaphore, #tpu.memory_space<semaphore_mem>>) src(%dma_wait3A_164 : memref<128x128xf32, #tpu.memory_space<vmem>>) dst(%dma_wait3A_167 : memref<10240x128xf32, #tpu.memory_space<vmem_shared>>)
          tpu.yield
        }) : () -> ()
        %add3A_118 = arith.constant 128 : i32
        %add3A_119 = arith.addi %add3A_84, %add3A_118 : i32
        %dma_wait3A_120 = arith.constant 0 : i32
        %dma_wait3A_121 = tpu.memref_slice %arg4[%dma_wait3A_120] : memref<323840xi32, #tpu.memory_space<hbm>> -> memref<128xi32, #tpu.memory_space<hbm>>
        %dma_wait3A_122 = arith.constant 0 : i32
        %dma_wait3A_123 = tpu.memref_slice %arg4[%dma_wait3A_122] : memref<323840xi32, #tpu.memory_space<hbm>> -> memref<128xi32, #tpu.memory_space<hbm>>
        tpu.wait_dma2 semaphore(%arg18 : memref<!tpu.dma_semaphore, #tpu.memory_space<semaphore_mem>>) src(%dma_wait3A_123 : memref<128xi32, #tpu.memory_space<hbm>>) dst(%arg11 : memref<128xi32, #tpu.memory_space<vmem>>)
        %dma_wait3A_124 = arith.constant 1 : i32
        %dma_wait3A_125 = arith.constant 0 : i32
        %dma_wait3A_126 = arith.constant 0 : i32
        %dma_wait3A_127 = tpu.memref_slice %arg15[%dma_wait3A_124, %dma_wait3A_125, %dma_wait3A_126] : memref<2x128x128xf32, #tpu.memory_space<vmem>> -> memref<1x128x128xf32, #tpu.memory_space<vmem>>
        %dma_wait3A_128 = tpu.memref_squeeze %dma_wait3A_127 : memref<1x128x128xf32, #tpu.memory_space<vmem>> -> memref<128x128xf32, #tpu.memory_space<vmem>>
        %dma_wait3A_129 = arith.constant 0 : i32
        %dma_wait3A_130 = arith.constant 0 : i32
        %dma_wait3A_131 = tpu.memref_slice %arg2[%dma_wait3A_129, %dma_wait3A_130] : memref<10008x128xf32, #tpu.memory_space<hbm>> -> memref<10008x128xf32, #tpu.memory_space<hbm>>
        tpu.wait_indirect_dma semaphore(%arg17 : memref<!tpu.dma_semaphore, #tpu.memory_space<semaphore_mem>>) src(%dma_wait3A_131 : memref<10008x128xf32, #tpu.memory_space<hbm>>) dst(%dma_wait3A_128 : memref<128x128xf32, #tpu.memory_space<vmem>>)
        %dma_start3A_132 = arith.constant 0 : i32
        %dma_start3A_133 = arith.constant 0 : i32
        %dma_start3A_134 = arith.constant 0 : i32
        %dma_start3A_135 = tpu.memref_slice %arg15[%dma_start3A_132, %dma_start3A_133, %dma_start3A_134] : memref<2x128x128xf32, #tpu.memory_space<vmem>> -> memref<1x128x128xf32, #tpu.memory_space<vmem>>
        %dma_start3A_136 = tpu.memref_squeeze %dma_start3A_135 : memref<1x128x128xf32, #tpu.memory_space<vmem>> -> memref<128x128xf32, #tpu.memory_space<vmem>>
        %dma_start3A_137 = arith.constant 0 : i32
        %dma_start3A_138 = arith.constant 0 : i32
        %dma_start3A_139 = tpu.memref_slice %arg2[%dma_start3A_137, %dma_start3A_138] : memref<10008x128xf32, #tpu.memory_space<hbm>> -> memref<10008x128xf32, #tpu.memory_space<hbm>>
        tpu.enqueue_indirect_dma source(%dma_start3A_139 : memref<10008x128xf32, #tpu.memory_space<hbm>>) target(%dma_start3A_136 : memref<128x128xf32, #tpu.memory_space<vmem>>) offsets(%arg11 : memref<128xi32, #tpu.memory_space<vmem>>) semaphore(%arg16 : memref<!tpu.dma_semaphore, #tpu.memory_space<semaphore_mem>>)
        %add3A_140 = arith.constant 256 : i32
        %add3A_141 = arith.addi %add3A_119, %add3A_140 : i32
        %dma_start3A_142 = tpu.memref_slice %arg4[%add3A_141] : memref<323840xi32, #tpu.memory_space<hbm>> -> memref<128xi32, #tpu.memory_space<hbm>>
        %dma_start3A_143 = tpu.memref_slice %arg4[%add3A_141] : memref<323840xi32, #tpu.memory_space<hbm>> -> memref<128xi32, #tpu.memory_space<hbm>>
        tpu.enqueue_dma source(%dma_start3A_143 : memref<128xi32, #tpu.memory_space<hbm>>) target(%arg12 : memref<128xi32, #tpu.memory_space<vmem>>) target_semaphore(%arg19 : memref<!tpu.dma_semaphore, #tpu.memory_space<semaphore_mem>>)
        %dma_wait3A_144 = arith.constant 0 : i32
        %dma_wait3A_145 = tpu.memref_slice %arg5[%dma_wait3A_144] : memref<323712xi32, #tpu.memory_space<hbm>> -> memref<128xi32, #tpu.memory_space<hbm>>
        %dma_wait3A_146 = arith.constant 0 : i32
        %dma_wait3A_147 = tpu.memref_slice %arg5[%dma_wait3A_146] : memref<323712xi32, #tpu.memory_space<hbm>> -> memref<128xi32, #tpu.memory_space<hbm>>
        tpu.wait_dma2 semaphore(%arg21 : memref<!tpu.dma_semaphore, #tpu.memory_space<semaphore_mem>>) src(%dma_wait3A_147 : memref<128xi32, #tpu.memory_space<hbm>>) dst(%arg14 : memref<128xi32, #tpu.memory_space<vmem>>)
        %add3A_148 = arith.constant 128 : i32
        %add3A_149 = arith.addi %add3A_119, %add3A_148 : i32
        %dma_start3A_150 = tpu.memref_slice %arg5[%add3A_149] : memref<323712xi32, #tpu.memory_space<hbm>> -> memref<128xi32, #tpu.memory_space<hbm>>
        %dma_start3A_151 = tpu.memref_slice %arg5[%add3A_149] : memref<323712xi32, #tpu.memory_space<hbm>> -> memref<128xi32, #tpu.memory_space<hbm>>
        tpu.enqueue_dma source(%dma_start3A_151 : memref<128xi32, #tpu.memory_space<hbm>>) target(%arg13 : memref<128xi32, #tpu.memory_space<vmem>>) target_semaphore(%arg20 : memref<!tpu.dma_semaphore, #tpu.memory_space<semaphore_mem>>)
        %run_scoped3A_152 = arith.constant 1 : i32
        "tpu.region"() ({
          %run_scoped3A_153 = tpu.sem_alloc : memref<!tpu.dma_semaphore, #tpu.memory_space<semaphore_mem>>
          %dma_start3A_154 = arith.constant 0 : i32
          %dma_start3A_155 = arith.constant 0 : i32
          %dma_start3A_156 = tpu.memref_slice %arg15[%run_scoped3A_152, %dma_start3A_154, %dma_start3A_155] : memref<2x128x128xf32, #tpu.memory_space<vmem>> -> memref<1x128x128xf32, #tpu.memory_space<vmem>>
          %dma_start3A_157 = tpu.memref_squeeze %dma_start3A_156 : memref<1x128x128xf32, #tpu.memory_space<vmem>> -> memref<128x128xf32, #tpu.memory_space<vmem>>
          %dma_start3A_158 = arith.constant 0 : i32
          %dma_start3A_159 = arith.constant 0 : i32
          %dma_start3A_160 = tpu.memref_slice %arg10[%dma_start3A_158, %dma_start3A_159] : memref<10240x128xf32, #tpu.memory_space<vmem_shared>> -> memref<10240x128xf32, #tpu.memory_space<vmem_shared>>
          tpu.enqueue_indirect_dma source(%dma_start3A_157 : memref<128x128xf32, #tpu.memory_space<vmem>>) target(%dma_start3A_160 : memref<10240x128xf32, #tpu.memory_space<vmem_shared>>) offsets(%arg14 : memref<128xi32, #tpu.memory_space<vmem>>) semaphore(%run_scoped3A_153 : memref<!tpu.dma_semaphore, #tpu.memory_space<semaphore_mem>>) {add = true}
          %dma_wait3A_161 = arith.constant 0 : i32
          %dma_wait3A_162 = arith.constant 0 : i32
          %dma_wait3A_163 = tpu.memref_slice %arg15[%run_scoped3A_152, %dma_wait3A_161, %dma_wait3A_162] : memref<2x128x128xf32, #tpu.memory_space<vmem>> -> memref<1x128x128xf32, #tpu.memory_space<vmem>>
          %dma_wait3A_164 = tpu.memref_squeeze %dma_wait3A_163 : memref<1x128x128xf32, #tpu.memory_space<vmem>> -> memref<128x128xf32, #tpu.memory_space<vmem>>
          %dma_wait3A_165 = arith.constant 0 : i32
          %dma_wait3A_166 = arith.constant 0 : i32
          %dma_wait3A_167 = tpu.memref_slice %arg10[%dma_wait3A_165, %dma_wait3A_166] : memref<10240x128xf32, #tpu.memory_space<vmem_shared>> -> memref<10240x128xf32, #tpu.memory_space<vmem_shared>>
          tpu.wait_indirect_dma semaphore(%run_scoped3A_153 : memref<!tpu.dma_semaphore, #tpu.memory_space<semaphore_mem>>) src(%dma_wait3A_164 : memref<128x128xf32, #tpu.memory_space<vmem>>) dst(%dma_wait3A_167 : memref<10240x128xf32, #tpu.memory_space<vmem_shared>>)
          tpu.yield
        }) : () -> ()
      }
      %scan3A_63 = arith.constant 79 : i32
      %dma_wait3A = arith.constant 0 : i32
      %dma_wait3A_64 = arith.constant 0 : i32
      %dma_wait3A_65 = arith.constant 0 : i32
      %dma_wait3A_66 = tpu.memref_slice %arg15[%dma_wait3A, %dma_wait3A_64, %dma_wait3A_65] : memref<2x128x128xf32, #tpu.memory_space<vmem>> -> memref<1x128x128xf32, #tpu.memory_space<vmem>>
      %dma_wait3A_67 = tpu.memref_squeeze %dma_wait3A_66 : memref<1x128x128xf32, #tpu.memory_space<vmem>> -> memref<128x128xf32, #tpu.memory_space<vmem>>
      %dma_wait3A_68 = arith.constant 0 : i32
      %dma_wait3A_69 = arith.constant 0 : i32
      %dma_wait3A_70 = tpu.memref_slice %arg2[%dma_wait3A_68, %dma_wait3A_69] : memref<10008x128xf32, #tpu.memory_space<hbm>> -> memref<10008x128xf32, #tpu.memory_space<hbm>>
      tpu.wait_indirect_dma semaphore(%arg16 : memref<!tpu.dma_semaphore, #tpu.memory_space<semaphore_mem>>) src(%dma_wait3A_70 : memref<10008x128xf32, #tpu.memory_space<hbm>>) dst(%dma_wait3A_67 : memref<128x128xf32, #tpu.memory_space<vmem>>)
      %dma_wait3A_71 = arith.constant 0 : i32
      %dma_wait3A_72 = tpu.memref_slice %arg4[%dma_wait3A_71] : memref<323840xi32, #tpu.memory_space<hbm>> -> memref<128xi32, #tpu.memory_space<hbm>>
      %dma_wait3A_73 = arith.constant 0 : i32
      %dma_wait3A_74 = tpu.memref_slice %arg4[%dma_wait3A_73] : memref<323840xi32, #tpu.memory_space<hbm>> -> memref<128xi32, #tpu.memory_space<hbm>>
      tpu.wait_dma2 semaphore(%arg19 : memref<!tpu.dma_semaphore, #tpu.memory_space<semaphore_mem>>) src(%dma_wait3A_74 : memref<128xi32, #tpu.memory_space<hbm>>) dst(%arg12 : memref<128xi32, #tpu.memory_space<vmem>>)
      %dma_wait3A_75 = arith.constant 0 : i32
      %dma_wait3A_76 = tpu.memref_slice %arg5[%dma_wait3A_75] : memref<323712xi32, #tpu.memory_space<hbm>> -> memref<128xi32, #tpu.memory_space<hbm>>
      %dma_wait3A_77 = arith.constant 0 : i32
      %dma_wait3A_78 = tpu.memref_slice %arg5[%dma_wait3A_77] : memref<323712xi32, #tpu.memory_space<hbm>> -> memref<128xi32, #tpu.memory_space<hbm>>
      tpu.wait_dma2 semaphore(%arg20 : memref<!tpu.dma_semaphore, #tpu.memory_space<semaphore_mem>>) src(%dma_wait3A_78 : memref<128xi32, #tpu.memory_space<hbm>>) dst(%arg13 : memref<128xi32, #tpu.memory_space<vmem>>)
    } else {
    }
    %eq3A_29 = arith.constant 1 : i32
    %eq3A_30 = arith.cmpi eq, %arg0, %eq3A_29 : i32
    %convert_element_type3A_31 = arith.extui %eq3A_30 : i1 to i32
    %cond3A_32 = arith.constant 0 : i32
    %cond3A_33 = arith.cmpi ne, %convert_element_type3A_31, %cond3A_32 : i32
    scf.if %cond3A_33 {
      "tpu.region"() ({
        %run_scoped3A_79 = tpu.sem_alloc : memref<!tpu.dma_semaphore, #tpu.memory_space<semaphore_mem>>
        %dma_start3A_80 = tpu.memref_slice %arg6[%mul3A_2] : memref<323840xi32, #tpu.memory_space<hbm>> -> memref<128xi32, #tpu.memory_space<hbm>>
        %dma_start3A_81 = tpu.memref_slice %arg6[%mul3A_2] : memref<323840xi32, #tpu.memory_space<hbm>> -> memref<128xi32, #tpu.memory_space<hbm>>
        tpu.enqueue_dma source(%dma_start3A_81 : memref<128xi32, #tpu.memory_space<hbm>>) target(%arg11 : memref<128xi32, #tpu.memory_space<vmem>>) target_semaphore(%run_scoped3A_79 : memref<!tpu.dma_semaphore, #tpu.memory_space<semaphore_mem>>)
        %dma_wait3A_82 = tpu.memref_slice %arg6[%mul3A_2] : memref<323840xi32, #tpu.memory_space<hbm>> -> memref<128xi32, #tpu.memory_space<hbm>>
        %dma_wait3A_83 = tpu.memref_slice %arg6[%mul3A_2] : memref<323840xi32, #tpu.memory_space<hbm>> -> memref<128xi32, #tpu.memory_space<hbm>>
        tpu.wait_dma2 semaphore(%run_scoped3A_79 : memref<!tpu.dma_semaphore, #tpu.memory_space<semaphore_mem>>) src(%dma_wait3A_83 : memref<128xi32, #tpu.memory_space<hbm>>) dst(%arg11 : memref<128xi32, #tpu.memory_space<vmem>>)
        tpu.yield
      }) : () -> ()
      %dma_start3A = arith.constant 0 : i32
      %dma_start3A_45 = arith.constant 0 : i32
      %dma_start3A_46 = arith.constant 0 : i32
      %dma_start3A_47 = tpu.memref_slice %arg15[%dma_start3A, %dma_start3A_45, %dma_start3A_46] : memref<2x128x128xf32, #tpu.memory_space<vmem>> -> memref<1x128x128xf32, #tpu.memory_space<vmem>>
      %dma_start3A_48 = tpu.memref_squeeze %dma_start3A_47 : memref<1x128x128xf32, #tpu.memory_space<vmem>> -> memref<128x128xf32, #tpu.memory_space<vmem>>
      %dma_start3A_49 = arith.constant 0 : i32
      %dma_start3A_50 = arith.constant 0 : i32
      %dma_start3A_51 = tpu.memref_slice %arg3[%dma_start3A_49, %dma_start3A_50] : memref<10008x128xf32, #tpu.memory_space<hbm>> -> memref<10008x128xf32, #tpu.memory_space<hbm>>
      tpu.enqueue_indirect_dma source(%dma_start3A_51 : memref<10008x128xf32, #tpu.memory_space<hbm>>) target(%dma_start3A_48 : memref<128x128xf32, #tpu.memory_space<vmem>>) offsets(%arg11 : memref<128xi32, #tpu.memory_space<vmem>>) semaphore(%arg16 : memref<!tpu.dma_semaphore, #tpu.memory_space<semaphore_mem>>)
      %add3A_52 = arith.constant 128 : i32
      %add3A_53 = arith.addi %mul3A_2, %add3A_52 : i32
      %dma_start3A_54 = tpu.memref_slice %arg6[%add3A_53] : memref<323840xi32, #tpu.memory_space<hbm>> -> memref<128xi32, #tpu.memory_space<hbm>>
      %dma_start3A_55 = tpu.memref_slice %arg6[%add3A_53] : memref<323840xi32, #tpu.memory_space<hbm>> -> memref<128xi32, #tpu.memory_space<hbm>>
      tpu.enqueue_dma source(%dma_start3A_55 : memref<128xi32, #tpu.memory_space<hbm>>) target(%arg12 : memref<128xi32, #tpu.memory_space<vmem>>) target_semaphore(%arg19 : memref<!tpu.dma_semaphore, #tpu.memory_space<semaphore_mem>>)
      %dma_start3A_56 = tpu.memref_slice %arg7[%mul3A_2] : memref<323712xi32, #tpu.memory_space<hbm>> -> memref<128xi32, #tpu.memory_space<hbm>>
      %dma_start3A_57 = tpu.memref_slice %arg7[%mul3A_2] : memref<323712xi32, #tpu.memory_space<hbm>> -> memref<128xi32, #tpu.memory_space<hbm>>
      tpu.enqueue_dma source(%dma_start3A_57 : memref<128xi32, #tpu.memory_space<hbm>>) target(%arg13 : memref<128xi32, #tpu.memory_space<vmem>>) target_semaphore(%arg20 : memref<!tpu.dma_semaphore, #tpu.memory_space<semaphore_mem>>)
      %scan3A_58 = arith.constant 0 : i32
      %scan3A_59 = arith.constant 0 : i32
      %scan3A_60 = arith.constant 79 : i32
      %scan3A_61 = arith.addi %scan3A_59, %scan3A_60 : i32
      %scan3A_62 = arith.constant 1 : i32
      scf.for %scan3A_79 = %scan3A_59 to %scan3A_61 step %scan3A_62  : i32 {
        %mul3A_80 = arith.constant 2 : i32
        %mul3A_81 = arith.muli %mul3A_80, %scan3A_79 : i32
        %mul3A_82 = arith.constant 128 : i32
        %mul3A_83 = arith.muli %mul3A_81, %mul3A_82 : i32
        %add3A_84 = arith.addi %mul3A_2, %mul3A_83 : i32
        %dma_wait3A_85 = arith.constant 0 : i32
        %dma_wait3A_86 = tpu.memref_slice %arg6[%dma_wait3A_85] : memref<323840xi32, #tpu.memory_space<hbm>> -> memref<128xi32, #tpu.memory_space<hbm>>
        %dma_wait3A_87 = arith.constant 0 : i32
        %dma_wait3A_88 = tpu.memref_slice %arg6[%dma_wait3A_87] : memref<323840xi32, #tpu.memory_space<hbm>> -> memref<128xi32, #tpu.memory_space<hbm>>
        tpu.wait_dma2 semaphore(%arg19 : memref<!tpu.dma_semaphore, #tpu.memory_space<semaphore_mem>>) src(%dma_wait3A_88 : memref<128xi32, #tpu.memory_space<hbm>>) dst(%arg12 : memref<128xi32, #tpu.memory_space<vmem>>)
        %dma_wait3A_89 = arith.constant 0 : i32
        %dma_wait3A_90 = arith.constant 0 : i32
        %dma_wait3A_91 = arith.constant 0 : i32
        %dma_wait3A_92 = tpu.memref_slice %arg15[%dma_wait3A_89, %dma_wait3A_90, %dma_wait3A_91] : memref<2x128x128xf32, #tpu.memory_space<vmem>> -> memref<1x128x128xf32, #tpu.memory_space<vmem>>
        %dma_wait3A_93 = tpu.memref_squeeze %dma_wait3A_92 : memref<1x128x128xf32, #tpu.memory_space<vmem>> -> memref<128x128xf32, #tpu.memory_space<vmem>>
        %dma_wait3A_94 = arith.constant 0 : i32
        %dma_wait3A_95 = arith.constant 0 : i32
        %dma_wait3A_96 = tpu.memref_slice %arg3[%dma_wait3A_94, %dma_wait3A_95] : memref<10008x128xf32, #tpu.memory_space<hbm>> -> memref<10008x128xf32, #tpu.memory_space<hbm>>
        tpu.wait_indirect_dma semaphore(%arg16 : memref<!tpu.dma_semaphore, #tpu.memory_space<semaphore_mem>>) src(%dma_wait3A_96 : memref<10008x128xf32, #tpu.memory_space<hbm>>) dst(%dma_wait3A_93 : memref<128x128xf32, #tpu.memory_space<vmem>>)
        %dma_start3A_97 = arith.constant 1 : i32
        %dma_start3A_98 = arith.constant 0 : i32
        %dma_start3A_99 = arith.constant 0 : i32
        %dma_start3A_100 = tpu.memref_slice %arg15[%dma_start3A_97, %dma_start3A_98, %dma_start3A_99] : memref<2x128x128xf32, #tpu.memory_space<vmem>> -> memref<1x128x128xf32, #tpu.memory_space<vmem>>
        %dma_start3A_101 = tpu.memref_squeeze %dma_start3A_100 : memref<1x128x128xf32, #tpu.memory_space<vmem>> -> memref<128x128xf32, #tpu.memory_space<vmem>>
        %dma_start3A_102 = arith.constant 0 : i32
        %dma_start3A_103 = arith.constant 0 : i32
        %dma_start3A_104 = tpu.memref_slice %arg3[%dma_start3A_102, %dma_start3A_103] : memref<10008x128xf32, #tpu.memory_space<hbm>> -> memref<10008x128xf32, #tpu.memory_space<hbm>>
        tpu.enqueue_indirect_dma source(%dma_start3A_104 : memref<10008x128xf32, #tpu.memory_space<hbm>>) target(%dma_start3A_101 : memref<128x128xf32, #tpu.memory_space<vmem>>) offsets(%arg12 : memref<128xi32, #tpu.memory_space<vmem>>) semaphore(%arg17 : memref<!tpu.dma_semaphore, #tpu.memory_space<semaphore_mem>>)
        %add3A_105 = arith.constant 256 : i32
        %add3A_106 = arith.addi %add3A_84, %add3A_105 : i32
        %dma_start3A_107 = tpu.memref_slice %arg6[%add3A_106] : memref<323840xi32, #tpu.memory_space<hbm>> -> memref<128xi32, #tpu.memory_space<hbm>>
        %dma_start3A_108 = tpu.memref_slice %arg6[%add3A_106] : memref<323840xi32, #tpu.memory_space<hbm>> -> memref<128xi32, #tpu.memory_space<hbm>>
        tpu.enqueue_dma source(%dma_start3A_108 : memref<128xi32, #tpu.memory_space<hbm>>) target(%arg11 : memref<128xi32, #tpu.memory_space<vmem>>) target_semaphore(%arg18 : memref<!tpu.dma_semaphore, #tpu.memory_space<semaphore_mem>>)
        %dma_wait3A_109 = arith.constant 0 : i32
        %dma_wait3A_110 = tpu.memref_slice %arg7[%dma_wait3A_109] : memref<323712xi32, #tpu.memory_space<hbm>> -> memref<128xi32, #tpu.memory_space<hbm>>
        %dma_wait3A_111 = arith.constant 0 : i32
        %dma_wait3A_112 = tpu.memref_slice %arg7[%dma_wait3A_111] : memref<323712xi32, #tpu.memory_space<hbm>> -> memref<128xi32, #tpu.memory_space<hbm>>
        tpu.wait_dma2 semaphore(%arg20 : memref<!tpu.dma_semaphore, #tpu.memory_space<semaphore_mem>>) src(%dma_wait3A_112 : memref<128xi32, #tpu.memory_space<hbm>>) dst(%arg13 : memref<128xi32, #tpu.memory_space<vmem>>)
        %add3A_113 = arith.constant 128 : i32
        %add3A_114 = arith.addi %add3A_84, %add3A_113 : i32
        %dma_start3A_115 = tpu.memref_slice %arg7[%add3A_114] : memref<323712xi32, #tpu.memory_space<hbm>> -> memref<128xi32, #tpu.memory_space<hbm>>
        %dma_start3A_116 = tpu.memref_slice %arg7[%add3A_114] : memref<323712xi32, #tpu.memory_space<hbm>> -> memref<128xi32, #tpu.memory_space<hbm>>
        tpu.enqueue_dma source(%dma_start3A_116 : memref<128xi32, #tpu.memory_space<hbm>>) target(%arg14 : memref<128xi32, #tpu.memory_space<vmem>>) target_semaphore(%arg21 : memref<!tpu.dma_semaphore, #tpu.memory_space<semaphore_mem>>)
        %run_scoped3A_117 = arith.constant 0 : i32
        "tpu.region"() ({
          %run_scoped3A_153 = tpu.sem_alloc : memref<!tpu.dma_semaphore, #tpu.memory_space<semaphore_mem>>
          %dma_start3A_154 = arith.constant 0 : i32
          %dma_start3A_155 = arith.constant 0 : i32
          %dma_start3A_156 = tpu.memref_slice %arg15[%run_scoped3A_117, %dma_start3A_154, %dma_start3A_155] : memref<2x128x128xf32, #tpu.memory_space<vmem>> -> memref<1x128x128xf32, #tpu.memory_space<vmem>>
          %dma_start3A_157 = tpu.memref_squeeze %dma_start3A_156 : memref<1x128x128xf32, #tpu.memory_space<vmem>> -> memref<128x128xf32, #tpu.memory_space<vmem>>
          %dma_start3A_158 = arith.constant 0 : i32
          %dma_start3A_159 = arith.constant 0 : i32
          %dma_start3A_160 = tpu.memref_slice %arg10[%dma_start3A_158, %dma_start3A_159] : memref<10240x128xf32, #tpu.memory_space<vmem_shared>> -> memref<10240x128xf32, #tpu.memory_space<vmem_shared>>
          tpu.enqueue_indirect_dma source(%dma_start3A_157 : memref<128x128xf32, #tpu.memory_space<vmem>>) target(%dma_start3A_160 : memref<10240x128xf32, #tpu.memory_space<vmem_shared>>) offsets(%arg13 : memref<128xi32, #tpu.memory_space<vmem>>) semaphore(%run_scoped3A_153 : memref<!tpu.dma_semaphore, #tpu.memory_space<semaphore_mem>>) {add = true}
          %dma_wait3A_161 = arith.constant 0 : i32
          %dma_wait3A_162 = arith.constant 0 : i32
          %dma_wait3A_163 = tpu.memref_slice %arg15[%run_scoped3A_117, %dma_wait3A_161, %dma_wait3A_162] : memref<2x128x128xf32, #tpu.memory_space<vmem>> -> memref<1x128x128xf32, #tpu.memory_space<vmem>>
          %dma_wait3A_164 = tpu.memref_squeeze %dma_wait3A_163 : memref<1x128x128xf32, #tpu.memory_space<vmem>> -> memref<128x128xf32, #tpu.memory_space<vmem>>
          %dma_wait3A_165 = arith.constant 0 : i32
          %dma_wait3A_166 = arith.constant 0 : i32
          %dma_wait3A_167 = tpu.memref_slice %arg10[%dma_wait3A_165, %dma_wait3A_166] : memref<10240x128xf32, #tpu.memory_space<vmem_shared>> -> memref<10240x128xf32, #tpu.memory_space<vmem_shared>>
          tpu.wait_indirect_dma semaphore(%run_scoped3A_153 : memref<!tpu.dma_semaphore, #tpu.memory_space<semaphore_mem>>) src(%dma_wait3A_164 : memref<128x128xf32, #tpu.memory_space<vmem>>) dst(%dma_wait3A_167 : memref<10240x128xf32, #tpu.memory_space<vmem_shared>>)
          tpu.yield
        }) : () -> ()
        %add3A_118 = arith.constant 128 : i32
        %add3A_119 = arith.addi %add3A_84, %add3A_118 : i32
        %dma_wait3A_120 = arith.constant 0 : i32
        %dma_wait3A_121 = tpu.memref_slice %arg6[%dma_wait3A_120] : memref<323840xi32, #tpu.memory_space<hbm>> -> memref<128xi32, #tpu.memory_space<hbm>>
        %dma_wait3A_122 = arith.constant 0 : i32
        %dma_wait3A_123 = tpu.memref_slice %arg6[%dma_wait3A_122] : memref<323840xi32, #tpu.memory_space<hbm>> -> memref<128xi32, #tpu.memory_space<hbm>>
        tpu.wait_dma2 semaphore(%arg18 : memref<!tpu.dma_semaphore, #tpu.memory_space<semaphore_mem>>) src(%dma_wait3A_123 : memref<128xi32, #tpu.memory_space<hbm>>) dst(%arg11 : memref<128xi32, #tpu.memory_space<vmem>>)
        %dma_wait3A_124 = arith.constant 1 : i32
        %dma_wait3A_125 = arith.constant 0 : i32
        %dma_wait3A_126 = arith.constant 0 : i32
        %dma_wait3A_127 = tpu.memref_slice %arg15[%dma_wait3A_124, %dma_wait3A_125, %dma_wait3A_126] : memref<2x128x128xf32, #tpu.memory_space<vmem>> -> memref<1x128x128xf32, #tpu.memory_space<vmem>>
        %dma_wait3A_128 = tpu.memref_squeeze %dma_wait3A_127 : memref<1x128x128xf32, #tpu.memory_space<vmem>> -> memref<128x128xf32, #tpu.memory_space<vmem>>
        %dma_wait3A_129 = arith.constant 0 : i32
        %dma_wait3A_130 = arith.constant 0 : i32
        %dma_wait3A_131 = tpu.memref_slice %arg3[%dma_wait3A_129, %dma_wait3A_130] : memref<10008x128xf32, #tpu.memory_space<hbm>> -> memref<10008x128xf32, #tpu.memory_space<hbm>>
        tpu.wait_indirect_dma semaphore(%arg17 : memref<!tpu.dma_semaphore, #tpu.memory_space<semaphore_mem>>) src(%dma_wait3A_131 : memref<10008x128xf32, #tpu.memory_space<hbm>>) dst(%dma_wait3A_128 : memref<128x128xf32, #tpu.memory_space<vmem>>)
        %dma_start3A_132 = arith.constant 0 : i32
        %dma_start3A_133 = arith.constant 0 : i32
        %dma_start3A_134 = arith.constant 0 : i32
        %dma_start3A_135 = tpu.memref_slice %arg15[%dma_start3A_132, %dma_start3A_133, %dma_start3A_134] : memref<2x128x128xf32, #tpu.memory_space<vmem>> -> memref<1x128x128xf32, #tpu.memory_space<vmem>>
        %dma_start3A_136 = tpu.memref_squeeze %dma_start3A_135 : memref<1x128x128xf32, #tpu.memory_space<vmem>> -> memref<128x128xf32, #tpu.memory_space<vmem>>
        %dma_start3A_137 = arith.constant 0 : i32
        %dma_start3A_138 = arith.constant 0 : i32
        %dma_start3A_139 = tpu.memref_slice %arg3[%dma_start3A_137, %dma_start3A_138] : memref<10008x128xf32, #tpu.memory_space<hbm>> -> memref<10008x128xf32, #tpu.memory_space<hbm>>
        tpu.enqueue_indirect_dma source(%dma_start3A_139 : memref<10008x128xf32, #tpu.memory_space<hbm>>) target(%dma_start3A_136 : memref<128x128xf32, #tpu.memory_space<vmem>>) offsets(%arg11 : memref<128xi32, #tpu.memory_space<vmem>>) semaphore(%arg16 : memref<!tpu.dma_semaphore, #tpu.memory_space<semaphore_mem>>)
        %add3A_140 = arith.constant 256 : i32
        %add3A_141 = arith.addi %add3A_119, %add3A_140 : i32
        %dma_start3A_142 = tpu.memref_slice %arg6[%add3A_141] : memref<323840xi32, #tpu.memory_space<hbm>> -> memref<128xi32, #tpu.memory_space<hbm>>
        %dma_start3A_143 = tpu.memref_slice %arg6[%add3A_141] : memref<323840xi32, #tpu.memory_space<hbm>> -> memref<128xi32, #tpu.memory_space<hbm>>
        tpu.enqueue_dma source(%dma_start3A_143 : memref<128xi32, #tpu.memory_space<hbm>>) target(%arg12 : memref<128xi32, #tpu.memory_space<vmem>>) target_semaphore(%arg19 : memref<!tpu.dma_semaphore, #tpu.memory_space<semaphore_mem>>)
        %dma_wait3A_144 = arith.constant 0 : i32
        %dma_wait3A_145 = tpu.memref_slice %arg7[%dma_wait3A_144] : memref<323712xi32, #tpu.memory_space<hbm>> -> memref<128xi32, #tpu.memory_space<hbm>>
        %dma_wait3A_146 = arith.constant 0 : i32
        %dma_wait3A_147 = tpu.memref_slice %arg7[%dma_wait3A_146] : memref<323712xi32, #tpu.memory_space<hbm>> -> memref<128xi32, #tpu.memory_space<hbm>>
        tpu.wait_dma2 semaphore(%arg21 : memref<!tpu.dma_semaphore, #tpu.memory_space<semaphore_mem>>) src(%dma_wait3A_147 : memref<128xi32, #tpu.memory_space<hbm>>) dst(%arg14 : memref<128xi32, #tpu.memory_space<vmem>>)
        %add3A_148 = arith.constant 128 : i32
        %add3A_149 = arith.addi %add3A_119, %add3A_148 : i32
        %dma_start3A_150 = tpu.memref_slice %arg7[%add3A_149] : memref<323712xi32, #tpu.memory_space<hbm>> -> memref<128xi32, #tpu.memory_space<hbm>>
        %dma_start3A_151 = tpu.memref_slice %arg7[%add3A_149] : memref<323712xi32, #tpu.memory_space<hbm>> -> memref<128xi32, #tpu.memory_space<hbm>>
        tpu.enqueue_dma source(%dma_start3A_151 : memref<128xi32, #tpu.memory_space<hbm>>) target(%arg13 : memref<128xi32, #tpu.memory_space<vmem>>) target_semaphore(%arg20 : memref<!tpu.dma_semaphore, #tpu.memory_space<semaphore_mem>>)
        %run_scoped3A_152 = arith.constant 1 : i32
        "tpu.region"() ({
          %run_scoped3A_153 = tpu.sem_alloc : memref<!tpu.dma_semaphore, #tpu.memory_space<semaphore_mem>>
          %dma_start3A_154 = arith.constant 0 : i32
          %dma_start3A_155 = arith.constant 0 : i32
          %dma_start3A_156 = tpu.memref_slice %arg15[%run_scoped3A_152, %dma_start3A_154, %dma_start3A_155] : memref<2x128x128xf32, #tpu.memory_space<vmem>> -> memref<1x128x128xf32, #tpu.memory_space<vmem>>
          %dma_start3A_157 = tpu.memref_squeeze %dma_start3A_156 : memref<1x128x128xf32, #tpu.memory_space<vmem>> -> memref<128x128xf32, #tpu.memory_space<vmem>>
          %dma_start3A_158 = arith.constant 0 : i32
          %dma_start3A_159 = arith.constant 0 : i32
          %dma_start3A_160 = tpu.memref_slice %arg10[%dma_start3A_158, %dma_start3A_159] : memref<10240x128xf32, #tpu.memory_space<vmem_shared>> -> memref<10240x128xf32, #tpu.memory_space<vmem_shared>>
          tpu.enqueue_indirect_dma source(%dma_start3A_157 : memref<128x128xf32, #tpu.memory_space<vmem>>) target(%dma_start3A_160 : memref<10240x128xf32, #tpu.memory_space<vmem_shared>>) offsets(%arg14 : memref<128xi32, #tpu.memory_space<vmem>>) semaphore(%run_scoped3A_153 : memref<!tpu.dma_semaphore, #tpu.memory_space<semaphore_mem>>) {add = true}
          %dma_wait3A_161 = arith.constant 0 : i32
          %dma_wait3A_162 = arith.constant 0 : i32
          %dma_wait3A_163 = tpu.memref_slice %arg15[%run_scoped3A_152, %dma_wait3A_161, %dma_wait3A_162] : memref<2x128x128xf32, #tpu.memory_space<vmem>> -> memref<1x128x128xf32, #tpu.memory_space<vmem>>
          %dma_wait3A_164 = tpu.memref_squeeze %dma_wait3A_163 : memref<1x128x128xf32, #tpu.memory_space<vmem>> -> memref<128x128xf32, #tpu.memory_space<vmem>>
          %dma_wait3A_165 = arith.constant 0 : i32
          %dma_wait3A_166 = arith.constant 0 : i32
          %dma_wait3A_167 = tpu.memref_slice %arg10[%dma_wait3A_165, %dma_wait3A_166] : memref<10240x128xf32, #tpu.memory_space<vmem_shared>> -> memref<10240x128xf32, #tpu.memory_space<vmem_shared>>
          tpu.wait_indirect_dma semaphore(%run_scoped3A_153 : memref<!tpu.dma_semaphore, #tpu.memory_space<semaphore_mem>>) src(%dma_wait3A_164 : memref<128x128xf32, #tpu.memory_space<vmem>>) dst(%dma_wait3A_167 : memref<10240x128xf32, #tpu.memory_space<vmem_shared>>)
          tpu.yield
        }) : () -> ()
      }
      %scan3A_63 = arith.constant 79 : i32
      %dma_wait3A = arith.constant 0 : i32
      %dma_wait3A_64 = arith.constant 0 : i32
      %dma_wait3A_65 = arith.constant 0 : i32
      %dma_wait3A_66 = tpu.memref_slice %arg15[%dma_wait3A, %dma_wait3A_64, %dma_wait3A_65] : memref<2x128x128xf32, #tpu.memory_space<vmem>> -> memref<1x128x128xf32, #tpu.memory_space<vmem>>
      %dma_wait3A_67 = tpu.memref_squeeze %dma_wait3A_66 : memref<1x128x128xf32, #tpu.memory_space<vmem>> -> memref<128x128xf32, #tpu.memory_space<vmem>>
      %dma_wait3A_68 = arith.constant 0 : i32
      %dma_wait3A_69 = arith.constant 0 : i32
      %dma_wait3A_70 = tpu.memref_slice %arg3[%dma_wait3A_68, %dma_wait3A_69] : memref<10008x128xf32, #tpu.memory_space<hbm>> -> memref<10008x128xf32, #tpu.memory_space<hbm>>
      tpu.wait_indirect_dma semaphore(%arg16 : memref<!tpu.dma_semaphore, #tpu.memory_space<semaphore_mem>>) src(%dma_wait3A_70 : memref<10008x128xf32, #tpu.memory_space<hbm>>) dst(%dma_wait3A_67 : memref<128x128xf32, #tpu.memory_space<vmem>>)
      %dma_wait3A_71 = arith.constant 0 : i32
      %dma_wait3A_72 = tpu.memref_slice %arg6[%dma_wait3A_71] : memref<323840xi32, #tpu.memory_space<hbm>> -> memref<128xi32, #tpu.memory_space<hbm>>
      %dma_wait3A_73 = arith.constant 0 : i32
      %dma_wait3A_74 = tpu.memref_slice %arg6[%dma_wait3A_73] : memref<323840xi32, #tpu.memory_space<hbm>> -> memref<128xi32, #tpu.memory_space<hbm>>
      tpu.wait_dma2 semaphore(%arg19 : memref<!tpu.dma_semaphore, #tpu.memory_space<semaphore_mem>>) src(%dma_wait3A_74 : memref<128xi32, #tpu.memory_space<hbm>>) dst(%arg12 : memref<128xi32, #tpu.memory_space<vmem>>)
      %dma_wait3A_75 = arith.constant 0 : i32
      %dma_wait3A_76 = tpu.memref_slice %arg7[%dma_wait3A_75] : memref<323712xi32, #tpu.memory_space<hbm>> -> memref<128xi32, #tpu.memory_space<hbm>>
      %dma_wait3A_77 = arith.constant 0 : i32
      %dma_wait3A_78 = tpu.memref_slice %arg7[%dma_wait3A_77] : memref<323712xi32, #tpu.memory_space<hbm>> -> memref<128xi32, #tpu.memory_space<hbm>>
      tpu.wait_dma2 semaphore(%arg20 : memref<!tpu.dma_semaphore, #tpu.memory_space<semaphore_mem>>) src(%dma_wait3A_78 : memref<128xi32, #tpu.memory_space<hbm>>) dst(%arg13 : memref<128xi32, #tpu.memory_space<vmem>>)
    } else {
    }
    %barrier3A_34 = arith.constant 0 : index
    tpu.barrier barrier_id(%barrier3A_34)
    %eq3A_35 = arith.constant 0 : i32
    %eq3A_36 = arith.cmpi eq, %arg0, %eq3A_35 : i32
    %convert_element_type3A_37 = arith.extui %eq3A_36 : i1 to i32
    %cond3A_38 = arith.constant 0 : i32
    %cond3A_39 = arith.cmpi ne, %convert_element_type3A_37, %cond3A_38 : i32
    scf.if %cond3A_39 {
      %add3A_45 = arith.constant 0 : i32
      %add3A_46 = arith.addi %mul3A_0, %add3A_45 : i32
      %run_scoped3A_47 = arith.constant 0 : i32
      "tpu.region"() ({
        %run_scoped3A_75 = tpu.sem_alloc : memref<!tpu.dma_semaphore, #tpu.memory_space<semaphore_mem>>
        %dma_start3A = arith.constant 0 : i32
        %dma_start3A_76 = arith.constant 0 : i32
        %dma_start3A_77 = tpu.memref_slice %arg15[%run_scoped3A_47, %dma_start3A, %dma_start3A_76] : memref<2x128x128xf32, #tpu.memory_space<vmem>> -> memref<1x128x128xf32, #tpu.memory_space<vmem>>
        %dma_start3A_78 = tpu.memref_squeeze %dma_start3A_77 : memref<1x128x128xf32, #tpu.memory_space<vmem>> -> memref<128x128xf32, #tpu.memory_space<vmem>>
        %dma_start3A_79 = arith.constant 0 : i32
        %dma_start3A_80 = tpu.memref_slice %arg10[%add3A_46, %dma_start3A_79] : memref<10240x128xf32, #tpu.memory_space<vmem_shared>> -> memref<128x128xf32, #tpu.memory_space<vmem_shared>>
        %dma_start3A_81 = arith.constant 0 : i32
        %dma_start3A_82 = arith.constant 0 : i32
        %dma_start3A_83 = tpu.memref_slice %arg15[%run_scoped3A_47, %dma_start3A_81, %dma_start3A_82] : memref<2x128x128xf32, #tpu.memory_space<vmem>> -> memref<1x128x128xf32, #tpu.memory_space<vmem>>
        %dma_start3A_84 = tpu.memref_squeeze %dma_start3A_83 : memref<1x128x128xf32, #tpu.memory_space<vmem>> -> memref<128x128xf32, #tpu.memory_space<vmem>>
        %dma_start3A_85 = arith.constant 0 : i32
        %dma_start3A_86 = tpu.memref_slice %arg10[%add3A_46, %dma_start3A_85] : memref<10240x128xf32, #tpu.memory_space<vmem_shared>> -> memref<128x128xf32, #tpu.memory_space<vmem_shared>>
        tpu.enqueue_dma source(%dma_start3A_86 : memref<128x128xf32, #tpu.memory_space<vmem_shared>>) target(%dma_start3A_84 : memref<128x128xf32, #tpu.memory_space<vmem>>) target_semaphore(%run_scoped3A_75 : memref<!tpu.dma_semaphore, #tpu.memory_space<semaphore_mem>>)
        %dma_wait3A = arith.constant 0 : i32
        %dma_wait3A_87 = arith.constant 0 : i32
        %dma_wait3A_88 = tpu.memref_slice %arg15[%run_scoped3A_47, %dma_wait3A, %dma_wait3A_87] : memref<2x128x128xf32, #tpu.memory_space<vmem>> -> memref<1x128x128xf32, #tpu.memory_space<vmem>>
        %dma_wait3A_89 = tpu.memref_squeeze %dma_wait3A_88 : memref<1x128x128xf32, #tpu.memory_space<vmem>> -> memref<128x128xf32, #tpu.memory_space<vmem>>
        %dma_wait3A_90 = arith.constant 0 : i32
        %dma_wait3A_91 = tpu.memref_slice %arg10[%add3A_46, %dma_wait3A_90] : memref<10240x128xf32, #tpu.memory_space<vmem_shared>> -> memref<128x128xf32, #tpu.memory_space<vmem_shared>>
        %dma_wait3A_92 = arith.constant 0 : i32
        %dma_wait3A_93 = arith.constant 0 : i32
        %dma_wait3A_94 = tpu.memref_slice %arg15[%run_scoped3A_47, %dma_wait3A_92, %dma_wait3A_93] : memref<2x128x128xf32, #tpu.memory_space<vmem>> -> memref<1x128x128xf32, #tpu.memory_space<vmem>>
        %dma_wait3A_95 = tpu.memref_squeeze %dma_wait3A_94 : memref<1x128x128xf32, #tpu.memory_space<vmem>> -> memref<128x128xf32, #tpu.memory_space<vmem>>
        %dma_wait3A_96 = arith.constant 0 : i32
        %dma_wait3A_97 = tpu.memref_slice %arg10[%add3A_46, %dma_wait3A_96] : memref<10240x128xf32, #tpu.memory_space<vmem_shared>> -> memref<128x128xf32, #tpu.memory_space<vmem_shared>>
        tpu.wait_dma2 semaphore(%run_scoped3A_75 : memref<!tpu.dma_semaphore, #tpu.memory_space<semaphore_mem>>) src(%dma_wait3A_97 : memref<128x128xf32, #tpu.memory_space<vmem_shared>>) dst(%dma_wait3A_95 : memref<128x128xf32, #tpu.memory_space<vmem>>)
        tpu.yield
      }) : () -> ()
      %add3A_48 = arith.constant 0 : i32
      %add3A_49 = arith.addi %mul3A_0, %add3A_48 : i32
      %run_scoped3A_50 = arith.constant 0 : i32
      "tpu.region"() ({
        %run_scoped3A_75 = tpu.sem_alloc : memref<!tpu.dma_semaphore, #tpu.memory_space<semaphore_mem>>
        %dma_start3A = arith.constant 0 : i32
        %dma_start3A_76 = arith.constant 0 : i32
        %dma_start3A_77 = tpu.memref_slice %arg15[%run_scoped3A_50, %dma_start3A, %dma_start3A_76] : memref<2x128x128xf32, #tpu.memory_space<vmem>> -> memref<1x128x128xf32, #tpu.memory_space<vmem>>
        %dma_start3A_78 = tpu.memref_squeeze %dma_start3A_77 : memref<1x128x128xf32, #tpu.memory_space<vmem>> -> memref<128x128xf32, #tpu.memory_space<vmem>>
        %dma_start3A_79 = arith.constant 0 : i32
        %dma_start3A_80 = tpu.memref_slice %arg8[%add3A_49, %dma_start3A_79] : memref<10240x128xf32, #tpu.memory_space<hbm>> -> memref<128x128xf32, #tpu.memory_space<hbm>>
        %dma_start3A_81 = arith.constant 0 : i32
        %dma_start3A_82 = tpu.memref_slice %arg8[%add3A_49, %dma_start3A_81] : memref<10240x128xf32, #tpu.memory_space<hbm>> -> memref<128x128xf32, #tpu.memory_space<hbm>>
        %dma_start3A_83 = arith.constant 0 : i32
        %dma_start3A_84 = arith.constant 0 : i32
        %dma_start3A_85 = tpu.memref_slice %arg15[%run_scoped3A_50, %dma_start3A_83, %dma_start3A_84] : memref<2x128x128xf32, #tpu.memory_space<vmem>> -> memref<1x128x128xf32, #tpu.memory_space<vmem>>
        %dma_start3A_86 = tpu.memref_squeeze %dma_start3A_85 : memref<1x128x128xf32, #tpu.memory_space<vmem>> -> memref<128x128xf32, #tpu.memory_space<vmem>>
        tpu.enqueue_dma source(%dma_start3A_86 : memref<128x128xf32, #tpu.memory_space<vmem>>) target(%dma_start3A_82 : memref<128x128xf32, #tpu.memory_space<hbm>>) target_semaphore(%run_scoped3A_75 : memref<!tpu.dma_semaphore, #tpu.memory_space<semaphore_mem>>)
        %dma_wait3A = arith.constant 0 : i32
        %dma_wait3A_87 = arith.constant 0 : i32
        %dma_wait3A_88 = tpu.memref_slice %arg15[%run_scoped3A_50, %dma_wait3A, %dma_wait3A_87] : memref<2x128x128xf32, #tpu.memory_space<vmem>> -> memref<1x128x128xf32, #tpu.memory_space<vmem>>
        %dma_wait3A_89 = tpu.memref_squeeze %dma_wait3A_88 : memref<1x128x128xf32, #tpu.memory_space<vmem>> -> memref<128x128xf32, #tpu.memory_space<vmem>>
        %dma_wait3A_90 = arith.constant 0 : i32
        %dma_wait3A_91 = tpu.memref_slice %arg8[%add3A_49, %dma_wait3A_90] : memref<10240x128xf32, #tpu.memory_space<hbm>> -> memref<128x128xf32, #tpu.memory_space<hbm>>
        %dma_wait3A_92 = arith.constant 0 : i32
        %dma_wait3A_93 = tpu.memref_slice %arg8[%add3A_49, %dma_wait3A_92] : memref<10240x128xf32, #tpu.memory_space<hbm>> -> memref<128x128xf32, #tpu.memory_space<hbm>>
        %dma_wait3A_94 = arith.constant 0 : i32
        %dma_wait3A_95 = arith.constant 0 : i32
        %dma_wait3A_96 = tpu.memref_slice %arg15[%run_scoped3A_50, %dma_wait3A_94, %dma_wait3A_95] : memref<2x128x128xf32, #tpu.memory_space<vmem>> -> memref<1x128x128xf32, #tpu.memory_space<vmem>>
        %dma_wait3A_97 = tpu.memref_squeeze %dma_wait3A_96 : memref<1x128x128xf32, #tpu.memory_space<vmem>> -> memref<128x128xf32, #tpu.memory_space<vmem>>
        tpu.wait_dma2 semaphore(%run_scoped3A_75 : memref<!tpu.dma_semaphore, #tpu.memory_space<semaphore_mem>>) src(%dma_wait3A_97 : memref<128x128xf32, #tpu.memory_space<vmem>>) dst(%dma_wait3A_93 : memref<128x128xf32, #tpu.memory_space<hbm>>)
        tpu.yield
      }) : () -> ()
      %add3A_51 = arith.constant 128 : i32
      %add3A_52 = arith.addi %mul3A_0, %add3A_51 : i32
      %run_scoped3A_53 = arith.constant 0 : i32
      "tpu.region"() ({
        %run_scoped3A_75 = tpu.sem_alloc : memref<!tpu.dma_semaphore, #tpu.memory_space<semaphore_mem>>
        %dma_start3A = arith.constant 0 : i32
        %dma_start3A_76 = arith.constant 0 : i32
        %dma_start3A_77 = tpu.memref_slice %arg15[%run_scoped3A_53, %dma_start3A, %dma_start3A_76] : memref<2x128x128xf32, #tpu.memory_space<vmem>> -> memref<1x128x128xf32, #tpu.memory_space<vmem>>
        %dma_start3A_78 = tpu.memref_squeeze %dma_start3A_77 : memref<1x128x128xf32, #tpu.memory_space<vmem>> -> memref<128x128xf32, #tpu.memory_space<vmem>>
        %dma_start3A_79 = arith.constant 0 : i32
        %dma_start3A_80 = tpu.memref_slice %arg10[%add3A_52, %dma_start3A_79] : memref<10240x128xf32, #tpu.memory_space<vmem_shared>> -> memref<128x128xf32, #tpu.memory_space<vmem_shared>>
        %dma_start3A_81 = arith.constant 0 : i32
        %dma_start3A_82 = arith.constant 0 : i32
        %dma_start3A_83 = tpu.memref_slice %arg15[%run_scoped3A_53, %dma_start3A_81, %dma_start3A_82] : memref<2x128x128xf32, #tpu.memory_space<vmem>> -> memref<1x128x128xf32, #tpu.memory_space<vmem>>
        %dma_start3A_84 = tpu.memref_squeeze %dma_start3A_83 : memref<1x128x128xf32, #tpu.memory_space<vmem>> -> memref<128x128xf32, #tpu.memory_space<vmem>>
        %dma_start3A_85 = arith.constant 0 : i32
        %dma_start3A_86 = tpu.memref_slice %arg10[%add3A_52, %dma_start3A_85] : memref<10240x128xf32, #tpu.memory_space<vmem_shared>> -> memref<128x128xf32, #tpu.memory_space<vmem_shared>>
        tpu.enqueue_dma source(%dma_start3A_86 : memref<128x128xf32, #tpu.memory_space<vmem_shared>>) target(%dma_start3A_84 : memref<128x128xf32, #tpu.memory_space<vmem>>) target_semaphore(%run_scoped3A_75 : memref<!tpu.dma_semaphore, #tpu.memory_space<semaphore_mem>>)
        %dma_wait3A = arith.constant 0 : i32
        %dma_wait3A_87 = arith.constant 0 : i32
        %dma_wait3A_88 = tpu.memref_slice %arg15[%run_scoped3A_53, %dma_wait3A, %dma_wait3A_87] : memref<2x128x128xf32, #tpu.memory_space<vmem>> -> memref<1x128x128xf32, #tpu.memory_space<vmem>>
        %dma_wait3A_89 = tpu.memref_squeeze %dma_wait3A_88 : memref<1x128x128xf32, #tpu.memory_space<vmem>> -> memref<128x128xf32, #tpu.memory_space<vmem>>
        %dma_wait3A_90 = arith.constant 0 : i32
        %dma_wait3A_91 = tpu.memref_slice %arg10[%add3A_52, %dma_wait3A_90] : memref<10240x128xf32, #tpu.memory_space<vmem_shared>> -> memref<128x128xf32, #tpu.memory_space<vmem_shared>>
        %dma_wait3A_92 = arith.constant 0 : i32
        %dma_wait3A_93 = arith.constant 0 : i32
        %dma_wait3A_94 = tpu.memref_slice %arg15[%run_scoped3A_53, %dma_wait3A_92, %dma_wait3A_93] : memref<2x128x128xf32, #tpu.memory_space<vmem>> -> memref<1x128x128xf32, #tpu.memory_space<vmem>>
        %dma_wait3A_95 = tpu.memref_squeeze %dma_wait3A_94 : memref<1x128x128xf32, #tpu.memory_space<vmem>> -> memref<128x128xf32, #tpu.memory_space<vmem>>
        %dma_wait3A_96 = arith.constant 0 : i32
        %dma_wait3A_97 = tpu.memref_slice %arg10[%add3A_52, %dma_wait3A_96] : memref<10240x128xf32, #tpu.memory_space<vmem_shared>> -> memref<128x128xf32, #tpu.memory_space<vmem_shared>>
        tpu.wait_dma2 semaphore(%run_scoped3A_75 : memref<!tpu.dma_semaphore, #tpu.memory_space<semaphore_mem>>) src(%dma_wait3A_97 : memref<128x128xf32, #tpu.memory_space<vmem_shared>>) dst(%dma_wait3A_95 : memref<128x128xf32, #tpu.memory_space<vmem>>)
        tpu.yield
      }) : () -> ()
      %add3A_54 = arith.constant 128 : i32
      %add3A_55 = arith.addi %mul3A_0, %add3A_54 : i32
      %run_scoped3A_56 = arith.constant 0 : i32
      "tpu.region"() ({
        %run_scoped3A_75 = tpu.sem_alloc : memref<!tpu.dma_semaphore, #tpu.memory_space<semaphore_mem>>
        %dma_start3A = arith.constant 0 : i32
        %dma_start3A_76 = arith.constant 0 : i32
        %dma_start3A_77 = tpu.memref_slice %arg15[%run_scoped3A_56, %dma_start3A, %dma_start3A_76] : memref<2x128x128xf32, #tpu.memory_space<vmem>> -> memref<1x128x128xf32, #tpu.memory_space<vmem>>
        %dma_start3A_78 = tpu.memref_squeeze %dma_start3A_77 : memref<1x128x128xf32, #tpu.memory_space<vmem>> -> memref<128x128xf32, #tpu.memory_space<vmem>>
        %dma_start3A_79 = arith.constant 0 : i32
        %dma_start3A_80 = tpu.memref_slice %arg8[%add3A_55, %dma_start3A_79] : memref<10240x128xf32, #tpu.memory_space<hbm>> -> memref<128x128xf32, #tpu.memory_space<hbm>>
        %dma_start3A_81 = arith.constant 0 : i32
        %dma_start3A_82 = tpu.memref_slice %arg8[%add3A_55, %dma_start3A_81] : memref<10240x128xf32, #tpu.memory_space<hbm>> -> memref<128x128xf32, #tpu.memory_space<hbm>>
        %dma_start3A_83 = arith.constant 0 : i32
        %dma_start3A_84 = arith.constant 0 : i32
        %dma_start3A_85 = tpu.memref_slice %arg15[%run_scoped3A_56, %dma_start3A_83, %dma_start3A_84] : memref<2x128x128xf32, #tpu.memory_space<vmem>> -> memref<1x128x128xf32, #tpu.memory_space<vmem>>
        %dma_start3A_86 = tpu.memref_squeeze %dma_start3A_85 : memref<1x128x128xf32, #tpu.memory_space<vmem>> -> memref<128x128xf32, #tpu.memory_space<vmem>>
        tpu.enqueue_dma source(%dma_start3A_86 : memref<128x128xf32, #tpu.memory_space<vmem>>) target(%dma_start3A_82 : memref<128x128xf32, #tpu.memory_space<hbm>>) target_semaphore(%run_scoped3A_75 : memref<!tpu.dma_semaphore, #tpu.memory_space<semaphore_mem>>)
        %dma_wait3A = arith.constant 0 : i32
        %dma_wait3A_87 = arith.constant 0 : i32
        %dma_wait3A_88 = tpu.memref_slice %arg15[%run_scoped3A_56, %dma_wait3A, %dma_wait3A_87] : memref<2x128x128xf32, #tpu.memory_space<vmem>> -> memref<1x128x128xf32, #tpu.memory_space<vmem>>
        %dma_wait3A_89 = tpu.memref_squeeze %dma_wait3A_88 : memref<1x128x128xf32, #tpu.memory_space<vmem>> -> memref<128x128xf32, #tpu.memory_space<vmem>>
        %dma_wait3A_90 = arith.constant 0 : i32
        %dma_wait3A_91 = tpu.memref_slice %arg8[%add3A_55, %dma_wait3A_90] : memref<10240x128xf32, #tpu.memory_space<hbm>> -> memref<128x128xf32, #tpu.memory_space<hbm>>
        %dma_wait3A_92 = arith.constant 0 : i32
        %dma_wait3A_93 = tpu.memref_slice %arg8[%add3A_55, %dma_wait3A_92] : memref<10240x128xf32, #tpu.memory_space<hbm>> -> memref<128x128xf32, #tpu.memory_space<hbm>>
        %dma_wait3A_94 = arith.constant 0 : i32
        %dma_wait3A_95 = arith.constant 0 : i32
        %dma_wait3A_96 = tpu.memref_slice %arg15[%run_scoped3A_56, %dma_wait3A_94, %dma_wait3A_95] : memref<2x128x128xf32, #tpu.memory_space<vmem>> -> memref<1x128x128xf32, #tpu.memory_space<vmem>>
        %dma_wait3A_97 = tpu.memref_squeeze %dma_wait3A_96 : memref<1x128x128xf32, #tpu.memory_space<vmem>> -> memref<128x128xf32, #tpu.memory_space<vmem>>
        tpu.wait_dma2 semaphore(%run_scoped3A_75 : memref<!tpu.dma_semaphore, #tpu.memory_space<semaphore_mem>>) src(%dma_wait3A_97 : memref<128x128xf32, #tpu.memory_space<vmem>>) dst(%dma_wait3A_93 : memref<128x128xf32, #tpu.memory_space<hbm>>)
        tpu.yield
      }) : () -> ()
      %add3A_57 = arith.constant 256 : i32
      %add3A_58 = arith.addi %mul3A_0, %add3A_57 : i32
      %run_scoped3A_59 = arith.constant 0 : i32
      "tpu.region"() ({
        %run_scoped3A_75 = tpu.sem_alloc : memref<!tpu.dma_semaphore, #tpu.memory_space<semaphore_mem>>
        %dma_start3A = arith.constant 0 : i32
        %dma_start3A_76 = arith.constant 0 : i32
        %dma_start3A_77 = tpu.memref_slice %arg15[%run_scoped3A_59, %dma_start3A, %dma_start3A_76] : memref<2x128x128xf32, #tpu.memory_space<vmem>> -> memref<1x128x128xf32, #tpu.memory_space<vmem>>
        %dma_start3A_78 = tpu.memref_squeeze %dma_start3A_77 : memref<1x128x128xf32, #tpu.memory_space<vmem>> -> memref<128x128xf32, #tpu.memory_space<vmem>>
        %dma_start3A_79 = arith.constant 0 : i32
        %dma_start3A_80 = tpu.memref_slice %arg10[%add3A_58, %dma_start3A_79] : memref<10240x128xf32, #tpu.memory_space<vmem_shared>> -> memref<128x128xf32, #tpu.memory_space<vmem_shared>>
        %dma_start3A_81 = arith.constant 0 : i32
        %dma_start3A_82 = arith.constant 0 : i32
        %dma_start3A_83 = tpu.memref_slice %arg15[%run_scoped3A_59, %dma_start3A_81, %dma_start3A_82] : memref<2x128x128xf32, #tpu.memory_space<vmem>> -> memref<1x128x128xf32, #tpu.memory_space<vmem>>
        %dma_start3A_84 = tpu.memref_squeeze %dma_start3A_83 : memref<1x128x128xf32, #tpu.memory_space<vmem>> -> memref<128x128xf32, #tpu.memory_space<vmem>>
        %dma_start3A_85 = arith.constant 0 : i32
        %dma_start3A_86 = tpu.memref_slice %arg10[%add3A_58, %dma_start3A_85] : memref<10240x128xf32, #tpu.memory_space<vmem_shared>> -> memref<128x128xf32, #tpu.memory_space<vmem_shared>>
        tpu.enqueue_dma source(%dma_start3A_86 : memref<128x128xf32, #tpu.memory_space<vmem_shared>>) target(%dma_start3A_84 : memref<128x128xf32, #tpu.memory_space<vmem>>) target_semaphore(%run_scoped3A_75 : memref<!tpu.dma_semaphore, #tpu.memory_space<semaphore_mem>>)
        %dma_wait3A = arith.constant 0 : i32
        %dma_wait3A_87 = arith.constant 0 : i32
        %dma_wait3A_88 = tpu.memref_slice %arg15[%run_scoped3A_59, %dma_wait3A, %dma_wait3A_87] : memref<2x128x128xf32, #tpu.memory_space<vmem>> -> memref<1x128x128xf32, #tpu.memory_space<vmem>>
        %dma_wait3A_89 = tpu.memref_squeeze %dma_wait3A_88 : memref<1x128x128xf32, #tpu.memory_space<vmem>> -> memref<128x128xf32, #tpu.memory_space<vmem>>
        %dma_wait3A_90 = arith.constant 0 : i32
        %dma_wait3A_91 = tpu.memref_slice %arg10[%add3A_58, %dma_wait3A_90] : memref<10240x128xf32, #tpu.memory_space<vmem_shared>> -> memref<128x128xf32, #tpu.memory_space<vmem_shared>>
        %dma_wait3A_92 = arith.constant 0 : i32
        %dma_wait3A_93 = arith.constant 0 : i32
        %dma_wait3A_94 = tpu.memref_slice %arg15[%run_scoped3A_59, %dma_wait3A_92, %dma_wait3A_93] : memref<2x128x128xf32, #tpu.memory_space<vmem>> -> memref<1x128x128xf32, #tpu.memory_space<vmem>>
        %dma_wait3A_95 = tpu.memref_squeeze %dma_wait3A_94 : memref<1x128x128xf32, #tpu.memory_space<vmem>> -> memref<128x128xf32, #tpu.memory_space<vmem>>
        %dma_wait3A_96 = arith.constant 0 : i32
        %dma_wait3A_97 = tpu.memref_slice %arg10[%add3A_58, %dma_wait3A_96] : memref<10240x128xf32, #tpu.memory_space<vmem_shared>> -> memref<128x128xf32, #tpu.memory_space<vmem_shared>>
        tpu.wait_dma2 semaphore(%run_scoped3A_75 : memref<!tpu.dma_semaphore, #tpu.memory_space<semaphore_mem>>) src(%dma_wait3A_97 : memref<128x128xf32, #tpu.memory_space<vmem_shared>>) dst(%dma_wait3A_95 : memref<128x128xf32, #tpu.memory_space<vmem>>)
        tpu.yield
      }) : () -> ()
      %add3A_60 = arith.constant 256 : i32
      %add3A_61 = arith.addi %mul3A_0, %add3A_60 : i32
      %run_scoped3A_62 = arith.constant 0 : i32
      "tpu.region"() ({
        %run_scoped3A_75 = tpu.sem_alloc : memref<!tpu.dma_semaphore, #tpu.memory_space<semaphore_mem>>
        %dma_start3A = arith.constant 0 : i32
        %dma_start3A_76 = arith.constant 0 : i32
        %dma_start3A_77 = tpu.memref_slice %arg15[%run_scoped3A_62, %dma_start3A, %dma_start3A_76] : memref<2x128x128xf32, #tpu.memory_space<vmem>> -> memref<1x128x128xf32, #tpu.memory_space<vmem>>
        %dma_start3A_78 = tpu.memref_squeeze %dma_start3A_77 : memref<1x128x128xf32, #tpu.memory_space<vmem>> -> memref<128x128xf32, #tpu.memory_space<vmem>>
        %dma_start3A_79 = arith.constant 0 : i32
        %dma_start3A_80 = tpu.memref_slice %arg8[%add3A_61, %dma_start3A_79] : memref<10240x128xf32, #tpu.memory_space<hbm>> -> memref<128x128xf32, #tpu.memory_space<hbm>>
        %dma_start3A_81 = arith.constant 0 : i32
        %dma_start3A_82 = tpu.memref_slice %arg8[%add3A_61, %dma_start3A_81] : memref<10240x128xf32, #tpu.memory_space<hbm>> -> memref<128x128xf32, #tpu.memory_space<hbm>>
        %dma_start3A_83 = arith.constant 0 : i32
        %dma_start3A_84 = arith.constant 0 : i32
        %dma_start3A_85 = tpu.memref_slice %arg15[%run_scoped3A_62, %dma_start3A_83, %dma_start3A_84] : memref<2x128x128xf32, #tpu.memory_space<vmem>> -> memref<1x128x128xf32, #tpu.memory_space<vmem>>
        %dma_start3A_86 = tpu.memref_squeeze %dma_start3A_85 : memref<1x128x128xf32, #tpu.memory_space<vmem>> -> memref<128x128xf32, #tpu.memory_space<vmem>>
        tpu.enqueue_dma source(%dma_start3A_86 : memref<128x128xf32, #tpu.memory_space<vmem>>) target(%dma_start3A_82 : memref<128x128xf32, #tpu.memory_space<hbm>>) target_semaphore(%run_scoped3A_75 : memref<!tpu.dma_semaphore, #tpu.memory_space<semaphore_mem>>)
        %dma_wait3A = arith.constant 0 : i32
        %dma_wait3A_87 = arith.constant 0 : i32
        %dma_wait3A_88 = tpu.memref_slice %arg15[%run_scoped3A_62, %dma_wait3A, %dma_wait3A_87] : memref<2x128x128xf32, #tpu.memory_space<vmem>> -> memref<1x128x128xf32, #tpu.memory_space<vmem>>
        %dma_wait3A_89 = tpu.memref_squeeze %dma_wait3A_88 : memref<1x128x128xf32, #tpu.memory_space<vmem>> -> memref<128x128xf32, #tpu.memory_space<vmem>>
        %dma_wait3A_90 = arith.constant 0 : i32
        %dma_wait3A_91 = tpu.memref_slice %arg8[%add3A_61, %dma_wait3A_90] : memref<10240x128xf32, #tpu.memory_space<hbm>> -> memref<128x128xf32, #tpu.memory_space<hbm>>
        %dma_wait3A_92 = arith.constant 0 : i32
        %dma_wait3A_93 = tpu.memref_slice %arg8[%add3A_61, %dma_wait3A_92] : memref<10240x128xf32, #tpu.memory_space<hbm>> -> memref<128x128xf32, #tpu.memory_space<hbm>>
        %dma_wait3A_94 = arith.constant 0 : i32
        %dma_wait3A_95 = arith.constant 0 : i32
        %dma_wait3A_96 = tpu.memref_slice %arg15[%run_scoped3A_62, %dma_wait3A_94, %dma_wait3A_95] : memref<2x128x128xf32, #tpu.memory_space<vmem>> -> memref<1x128x128xf32, #tpu.memory_space<vmem>>
        %dma_wait3A_97 = tpu.memref_squeeze %dma_wait3A_96 : memref<1x128x128xf32, #tpu.memory_space<vmem>> -> memref<128x128xf32, #tpu.memory_space<vmem>>
        tpu.wait_dma2 semaphore(%run_scoped3A_75 : memref<!tpu.dma_semaphore, #tpu.memory_space<semaphore_mem>>) src(%dma_wait3A_97 : memref<128x128xf32, #tpu.memory_space<vmem>>) dst(%dma_wait3A_93 : memref<128x128xf32, #tpu.memory_space<hbm>>)
        tpu.yield
      }) : () -> ()
      %add3A_63 = arith.constant 384 : i32
      %add3A_64 = arith.addi %mul3A_0, %add3A_63 : i32
      %run_scoped3A_65 = arith.constant 0 : i32
      "tpu.region"() ({
        %run_scoped3A_75 = tpu.sem_alloc : memref<!tpu.dma_semaphore, #tpu.memory_space<semaphore_mem>>
        %dma_start3A = arith.constant 0 : i32
        %dma_start3A_76 = arith.constant 0 : i32
        %dma_start3A_77 = tpu.memref_slice %arg15[%run_scoped3A_65, %dma_start3A, %dma_start3A_76] : memref<2x128x128xf32, #tpu.memory_space<vmem>> -> memref<1x128x128xf32, #tpu.memory_space<vmem>>
        %dma_start3A_78 = tpu.memref_squeeze %dma_start3A_77 : memref<1x128x128xf32, #tpu.memory_space<vmem>> -> memref<128x128xf32, #tpu.memory_space<vmem>>
        %dma_start3A_79 = arith.constant 0 : i32
        %dma_start3A_80 = tpu.memref_slice %arg10[%add3A_64, %dma_start3A_79] : memref<10240x128xf32, #tpu.memory_space<vmem_shared>> -> memref<128x128xf32, #tpu.memory_space<vmem_shared>>
        %dma_start3A_81 = arith.constant 0 : i32
        %dma_start3A_82 = arith.constant 0 : i32
        %dma_start3A_83 = tpu.memref_slice %arg15[%run_scoped3A_65, %dma_start3A_81, %dma_start3A_82] : memref<2x128x128xf32, #tpu.memory_space<vmem>> -> memref<1x128x128xf32, #tpu.memory_space<vmem>>
        %dma_start3A_84 = tpu.memref_squeeze %dma_start3A_83 : memref<1x128x128xf32, #tpu.memory_space<vmem>> -> memref<128x128xf32, #tpu.memory_space<vmem>>
        %dma_start3A_85 = arith.constant 0 : i32
        %dma_start3A_86 = tpu.memref_slice %arg10[%add3A_64, %dma_start3A_85] : memref<10240x128xf32, #tpu.memory_space<vmem_shared>> -> memref<128x128xf32, #tpu.memory_space<vmem_shared>>
        tpu.enqueue_dma source(%dma_start3A_86 : memref<128x128xf32, #tpu.memory_space<vmem_shared>>) target(%dma_start3A_84 : memref<128x128xf32, #tpu.memory_space<vmem>>) target_semaphore(%run_scoped3A_75 : memref<!tpu.dma_semaphore, #tpu.memory_space<semaphore_mem>>)
        %dma_wait3A = arith.constant 0 : i32
        %dma_wait3A_87 = arith.constant 0 : i32
        %dma_wait3A_88 = tpu.memref_slice %arg15[%run_scoped3A_65, %dma_wait3A, %dma_wait3A_87] : memref<2x128x128xf32, #tpu.memory_space<vmem>> -> memref<1x128x128xf32, #tpu.memory_space<vmem>>
        %dma_wait3A_89 = tpu.memref_squeeze %dma_wait3A_88 : memref<1x128x128xf32, #tpu.memory_space<vmem>> -> memref<128x128xf32, #tpu.memory_space<vmem>>
        %dma_wait3A_90 = arith.constant 0 : i32
        %dma_wait3A_91 = tpu.memref_slice %arg10[%add3A_64, %dma_wait3A_90] : memref<10240x128xf32, #tpu.memory_space<vmem_shared>> -> memref<128x128xf32, #tpu.memory_space<vmem_shared>>
        %dma_wait3A_92 = arith.constant 0 : i32
        %dma_wait3A_93 = arith.constant 0 : i32
        %dma_wait3A_94 = tpu.memref_slice %arg15[%run_scoped3A_65, %dma_wait3A_92, %dma_wait3A_93] : memref<2x128x128xf32, #tpu.memory_space<vmem>> -> memref<1x128x128xf32, #tpu.memory_space<vmem>>
        %dma_wait3A_95 = tpu.memref_squeeze %dma_wait3A_94 : memref<1x128x128xf32, #tpu.memory_space<vmem>> -> memref<128x128xf32, #tpu.memory_space<vmem>>
        %dma_wait3A_96 = arith.constant 0 : i32
        %dma_wait3A_97 = tpu.memref_slice %arg10[%add3A_64, %dma_wait3A_96] : memref<10240x128xf32, #tpu.memory_space<vmem_shared>> -> memref<128x128xf32, #tpu.memory_space<vmem_shared>>
        tpu.wait_dma2 semaphore(%run_scoped3A_75 : memref<!tpu.dma_semaphore, #tpu.memory_space<semaphore_mem>>) src(%dma_wait3A_97 : memref<128x128xf32, #tpu.memory_space<vmem_shared>>) dst(%dma_wait3A_95 : memref<128x128xf32, #tpu.memory_space<vmem>>)
        tpu.yield
      }) : () -> ()
      %add3A_66 = arith.constant 384 : i32
      %add3A_67 = arith.addi %mul3A_0, %add3A_66 : i32
      %run_scoped3A_68 = arith.constant 0 : i32
      "tpu.region"() ({
        %run_scoped3A_75 = tpu.sem_alloc : memref<!tpu.dma_semaphore, #tpu.memory_space<semaphore_mem>>
        %dma_start3A = arith.constant 0 : i32
        %dma_start3A_76 = arith.constant 0 : i32
        %dma_start3A_77 = tpu.memref_slice %arg15[%run_scoped3A_68, %dma_start3A, %dma_start3A_76] : memref<2x128x128xf32, #tpu.memory_space<vmem>> -> memref<1x128x128xf32, #tpu.memory_space<vmem>>
        %dma_start3A_78 = tpu.memref_squeeze %dma_start3A_77 : memref<1x128x128xf32, #tpu.memory_space<vmem>> -> memref<128x128xf32, #tpu.memory_space<vmem>>
        %dma_start3A_79 = arith.constant 0 : i32
        %dma_start3A_80 = tpu.memref_slice %arg8[%add3A_67, %dma_start3A_79] : memref<10240x128xf32, #tpu.memory_space<hbm>> -> memref<128x128xf32, #tpu.memory_space<hbm>>
        %dma_start3A_81 = arith.constant 0 : i32
        %dma_start3A_82 = tpu.memref_slice %arg8[%add3A_67, %dma_start3A_81] : memref<10240x128xf32, #tpu.memory_space<hbm>> -> memref<128x128xf32, #tpu.memory_space<hbm>>
        %dma_start3A_83 = arith.constant 0 : i32
        %dma_start3A_84 = arith.constant 0 : i32
        %dma_start3A_85 = tpu.memref_slice %arg15[%run_scoped3A_68, %dma_start3A_83, %dma_start3A_84] : memref<2x128x128xf32, #tpu.memory_space<vmem>> -> memref<1x128x128xf32, #tpu.memory_space<vmem>>
        %dma_start3A_86 = tpu.memref_squeeze %dma_start3A_85 : memref<1x128x128xf32, #tpu.memory_space<vmem>> -> memref<128x128xf32, #tpu.memory_space<vmem>>
        tpu.enqueue_dma source(%dma_start3A_86 : memref<128x128xf32, #tpu.memory_space<vmem>>) target(%dma_start3A_82 : memref<128x128xf32, #tpu.memory_space<hbm>>) target_semaphore(%run_scoped3A_75 : memref<!tpu.dma_semaphore, #tpu.memory_space<semaphore_mem>>)
        %dma_wait3A = arith.constant 0 : i32
        %dma_wait3A_87 = arith.constant 0 : i32
        %dma_wait3A_88 = tpu.memref_slice %arg15[%run_scoped3A_68, %dma_wait3A, %dma_wait3A_87] : memref<2x128x128xf32, #tpu.memory_space<vmem>> -> memref<1x128x128xf32, #tpu.memory_space<vmem>>
        %dma_wait3A_89 = tpu.memref_squeeze %dma_wait3A_88 : memref<1x128x128xf32, #tpu.memory_space<vmem>> -> memref<128x128xf32, #tpu.memory_space<vmem>>
        %dma_wait3A_90 = arith.constant 0 : i32
        %dma_wait3A_91 = tpu.memref_slice %arg8[%add3A_67, %dma_wait3A_90] : memref<10240x128xf32, #tpu.memory_space<hbm>> -> memref<128x128xf32, #tpu.memory_space<hbm>>
        %dma_wait3A_92 = arith.constant 0 : i32
        %dma_wait3A_93 = tpu.memref_slice %arg8[%add3A_67, %dma_wait3A_92] : memref<10240x128xf32, #tpu.memory_space<hbm>> -> memref<128x128xf32, #tpu.memory_space<hbm>>
        %dma_wait3A_94 = arith.constant 0 : i32
        %dma_wait3A_95 = arith.constant 0 : i32
        %dma_wait3A_96 = tpu.memref_slice %arg15[%run_scoped3A_68, %dma_wait3A_94, %dma_wait3A_95] : memref<2x128x128xf32, #tpu.memory_space<vmem>> -> memref<1x128x128xf32, #tpu.memory_space<vmem>>
        %dma_wait3A_97 = tpu.memref_squeeze %dma_wait3A_96 : memref<1x128x128xf32, #tpu.memory_space<vmem>> -> memref<128x128xf32, #tpu.memory_space<vmem>>
        tpu.wait_dma2 semaphore(%run_scoped3A_75 : memref<!tpu.dma_semaphore, #tpu.memory_space<semaphore_mem>>) src(%dma_wait3A_97 : memref<128x128xf32, #tpu.memory_space<vmem>>) dst(%dma_wait3A_93 : memref<128x128xf32, #tpu.memory_space<hbm>>)
        tpu.yield
      }) : () -> ()
      %add3A_69 = arith.constant 512 : i32
      %add3A_70 = arith.addi %mul3A_0, %add3A_69 : i32
      %run_scoped3A_71 = arith.constant 0 : i32
      "tpu.region"() ({
        %run_scoped3A_75 = tpu.sem_alloc : memref<!tpu.dma_semaphore, #tpu.memory_space<semaphore_mem>>
        %dma_start3A = arith.constant 0 : i32
        %dma_start3A_76 = arith.constant 0 : i32
        %dma_start3A_77 = tpu.memref_slice %arg15[%run_scoped3A_71, %dma_start3A, %dma_start3A_76] : memref<2x128x128xf32, #tpu.memory_space<vmem>> -> memref<1x128x128xf32, #tpu.memory_space<vmem>>
        %dma_start3A_78 = tpu.memref_squeeze %dma_start3A_77 : memref<1x128x128xf32, #tpu.memory_space<vmem>> -> memref<128x128xf32, #tpu.memory_space<vmem>>
        %dma_start3A_79 = arith.constant 0 : i32
        %dma_start3A_80 = tpu.memref_slice %arg10[%add3A_70, %dma_start3A_79] : memref<10240x128xf32, #tpu.memory_space<vmem_shared>> -> memref<128x128xf32, #tpu.memory_space<vmem_shared>>
        %dma_start3A_81 = arith.constant 0 : i32
        %dma_start3A_82 = arith.constant 0 : i32
        %dma_start3A_83 = tpu.memref_slice %arg15[%run_scoped3A_71, %dma_start3A_81, %dma_start3A_82] : memref<2x128x128xf32, #tpu.memory_space<vmem>> -> memref<1x128x128xf32, #tpu.memory_space<vmem>>
        %dma_start3A_84 = tpu.memref_squeeze %dma_start3A_83 : memref<1x128x128xf32, #tpu.memory_space<vmem>> -> memref<128x128xf32, #tpu.memory_space<vmem>>
        %dma_start3A_85 = arith.constant 0 : i32
        %dma_start3A_86 = tpu.memref_slice %arg10[%add3A_70, %dma_start3A_85] : memref<10240x128xf32, #tpu.memory_space<vmem_shared>> -> memref<128x128xf32, #tpu.memory_space<vmem_shared>>
        tpu.enqueue_dma source(%dma_start3A_86 : memref<128x128xf32, #tpu.memory_space<vmem_shared>>) target(%dma_start3A_84 : memref<128x128xf32, #tpu.memory_space<vmem>>) target_semaphore(%run_scoped3A_75 : memref<!tpu.dma_semaphore, #tpu.memory_space<semaphore_mem>>)
        %dma_wait3A = arith.constant 0 : i32
        %dma_wait3A_87 = arith.constant 0 : i32
        %dma_wait3A_88 = tpu.memref_slice %arg15[%run_scoped3A_71, %dma_wait3A, %dma_wait3A_87] : memref<2x128x128xf32, #tpu.memory_space<vmem>> -> memref<1x128x128xf32, #tpu.memory_space<vmem>>
        %dma_wait3A_89 = tpu.memref_squeeze %dma_wait3A_88 : memref<1x128x128xf32, #tpu.memory_space<vmem>> -> memref<128x128xf32, #tpu.memory_space<vmem>>
        %dma_wait3A_90 = arith.constant 0 : i32
        %dma_wait3A_91 = tpu.memref_slice %arg10[%add3A_70, %dma_wait3A_90] : memref<10240x128xf32, #tpu.memory_space<vmem_shared>> -> memref<128x128xf32, #tpu.memory_space<vmem_shared>>
        %dma_wait3A_92 = arith.constant 0 : i32
        %dma_wait3A_93 = arith.constant 0 : i32
        %dma_wait3A_94 = tpu.memref_slice %arg15[%run_scoped3A_71, %dma_wait3A_92, %dma_wait3A_93] : memref<2x128x128xf32, #tpu.memory_space<vmem>> -> memref<1x128x128xf32, #tpu.memory_space<vmem>>
        %dma_wait3A_95 = tpu.memref_squeeze %dma_wait3A_94 : memref<1x128x128xf32, #tpu.memory_space<vmem>> -> memref<128x128xf32, #tpu.memory_space<vmem>>
        %dma_wait3A_96 = arith.constant 0 : i32
        %dma_wait3A_97 = tpu.memref_slice %arg10[%add3A_70, %dma_wait3A_96] : memref<10240x128xf32, #tpu.memory_space<vmem_shared>> -> memref<128x128xf32, #tpu.memory_space<vmem_shared>>
        tpu.wait_dma2 semaphore(%run_scoped3A_75 : memref<!tpu.dma_semaphore, #tpu.memory_space<semaphore_mem>>) src(%dma_wait3A_97 : memref<128x128xf32, #tpu.memory_space<vmem_shared>>) dst(%dma_wait3A_95 : memref<128x128xf32, #tpu.memory_space<vmem>>)
        tpu.yield
      }) : () -> ()
      %add3A_72 = arith.constant 512 : i32
      %add3A_73 = arith.addi %mul3A_0, %add3A_72 : i32
      %run_scoped3A_74 = arith.constant 0 : i32
      "tpu.region"() ({
        %run_scoped3A_75 = tpu.sem_alloc : memref<!tpu.dma_semaphore, #tpu.memory_space<semaphore_mem>>
        %dma_start3A = arith.constant 0 : i32
        %dma_start3A_76 = arith.constant 0 : i32
        %dma_start3A_77 = tpu.memref_slice %arg15[%run_scoped3A_74, %dma_start3A, %dma_start3A_76] : memref<2x128x128xf32, #tpu.memory_space<vmem>> -> memref<1x128x128xf32, #tpu.memory_space<vmem>>
        %dma_start3A_78 = tpu.memref_squeeze %dma_start3A_77 : memref<1x128x128xf32, #tpu.memory_space<vmem>> -> memref<128x128xf32, #tpu.memory_space<vmem>>
        %dma_start3A_79 = arith.constant 0 : i32
        %dma_start3A_80 = tpu.memref_slice %arg8[%add3A_73, %dma_start3A_79] : memref<10240x128xf32, #tpu.memory_space<hbm>> -> memref<128x128xf32, #tpu.memory_space<hbm>>
        %dma_start3A_81 = arith.constant 0 : i32
        %dma_start3A_82 = tpu.memref_slice %arg8[%add3A_73, %dma_start3A_81] : memref<10240x128xf32, #tpu.memory_space<hbm>> -> memref<128x128xf32, #tpu.memory_space<hbm>>
        %dma_start3A_83 = arith.constant 0 : i32
        %dma_start3A_84 = arith.constant 0 : i32
        %dma_start3A_85 = tpu.memref_slice %arg15[%run_scoped3A_74, %dma_start3A_83, %dma_start3A_84] : memref<2x128x128xf32, #tpu.memory_space<vmem>> -> memref<1x128x128xf32, #tpu.memory_space<vmem>>
        %dma_start3A_86 = tpu.memref_squeeze %dma_start3A_85 : memref<1x128x128xf32, #tpu.memory_space<vmem>> -> memref<128x128xf32, #tpu.memory_space<vmem>>
        tpu.enqueue_dma source(%dma_start3A_86 : memref<128x128xf32, #tpu.memory_space<vmem>>) target(%dma_start3A_82 : memref<128x128xf32, #tpu.memory_space<hbm>>) target_semaphore(%run_scoped3A_75 : memref<!tpu.dma_semaphore, #tpu.memory_space<semaphore_mem>>)
        %dma_wait3A = arith.constant 0 : i32
        %dma_wait3A_87 = arith.constant 0 : i32
        %dma_wait3A_88 = tpu.memref_slice %arg15[%run_scoped3A_74, %dma_wait3A, %dma_wait3A_87] : memref<2x128x128xf32, #tpu.memory_space<vmem>> -> memref<1x128x128xf32, #tpu.memory_space<vmem>>
        %dma_wait3A_89 = tpu.memref_squeeze %dma_wait3A_88 : memref<1x128x128xf32, #tpu.memory_space<vmem>> -> memref<128x128xf32, #tpu.memory_space<vmem>>
        %dma_wait3A_90 = arith.constant 0 : i32
        %dma_wait3A_91 = tpu.memref_slice %arg8[%add3A_73, %dma_wait3A_90] : memref<10240x128xf32, #tpu.memory_space<hbm>> -> memref<128x128xf32, #tpu.memory_space<hbm>>
        %dma_wait3A_92 = arith.constant 0 : i32
        %dma_wait3A_93 = tpu.memref_slice %arg8[%add3A_73, %dma_wait3A_92] : memref<10240x128xf32, #tpu.memory_space<hbm>> -> memref<128x128xf32, #tpu.memory_space<hbm>>
        %dma_wait3A_94 = arith.constant 0 : i32
        %dma_wait3A_95 = arith.constant 0 : i32
        %dma_wait3A_96 = tpu.memref_slice %arg15[%run_scoped3A_74, %dma_wait3A_94, %dma_wait3A_95] : memref<2x128x128xf32, #tpu.memory_space<vmem>> -> memref<1x128x128xf32, #tpu.memory_space<vmem>>
        %dma_wait3A_97 = tpu.memref_squeeze %dma_wait3A_96 : memref<1x128x128xf32, #tpu.memory_space<vmem>> -> memref<128x128xf32, #tpu.memory_space<vmem>>
        tpu.wait_dma2 semaphore(%run_scoped3A_75 : memref<!tpu.dma_semaphore, #tpu.memory_space<semaphore_mem>>) src(%dma_wait3A_97 : memref<128x128xf32, #tpu.memory_space<vmem>>) dst(%dma_wait3A_93 : memref<128x128xf32, #tpu.memory_space<hbm>>)
        tpu.yield
      }) : () -> ()
    } else {
    }
    %eq3A_40 = arith.constant 1 : i32
    %eq3A_41 = arith.cmpi eq, %arg0, %eq3A_40 : i32
    %convert_element_type3A_42 = arith.extui %eq3A_41 : i1 to i32
    %cond3A_43 = arith.constant 0 : i32
    %cond3A_44 = arith.cmpi ne, %convert_element_type3A_42, %cond3A_43 : i32
    scf.if %cond3A_44 {
      %add3A_45 = arith.constant 0 : i32
      %add3A_46 = arith.addi %mul3A_0, %add3A_45 : i32
      %run_scoped3A_47 = arith.constant 0 : i32
      "tpu.region"() ({
        %run_scoped3A_75 = tpu.sem_alloc : memref<!tpu.dma_semaphore, #tpu.memory_space<semaphore_mem>>
        %dma_start3A = arith.constant 0 : i32
        %dma_start3A_76 = arith.constant 0 : i32
        %dma_start3A_77 = tpu.memref_slice %arg15[%run_scoped3A_47, %dma_start3A, %dma_start3A_76] : memref<2x128x128xf32, #tpu.memory_space<vmem>> -> memref<1x128x128xf32, #tpu.memory_space<vmem>>
        %dma_start3A_78 = tpu.memref_squeeze %dma_start3A_77 : memref<1x128x128xf32, #tpu.memory_space<vmem>> -> memref<128x128xf32, #tpu.memory_space<vmem>>
        %dma_start3A_79 = arith.constant 0 : i32
        %dma_start3A_80 = tpu.memref_slice %arg10[%add3A_46, %dma_start3A_79] : memref<10240x128xf32, #tpu.memory_space<vmem_shared>> -> memref<128x128xf32, #tpu.memory_space<vmem_shared>>
        %dma_start3A_81 = arith.constant 0 : i32
        %dma_start3A_82 = arith.constant 0 : i32
        %dma_start3A_83 = tpu.memref_slice %arg15[%run_scoped3A_47, %dma_start3A_81, %dma_start3A_82] : memref<2x128x128xf32, #tpu.memory_space<vmem>> -> memref<1x128x128xf32, #tpu.memory_space<vmem>>
        %dma_start3A_84 = tpu.memref_squeeze %dma_start3A_83 : memref<1x128x128xf32, #tpu.memory_space<vmem>> -> memref<128x128xf32, #tpu.memory_space<vmem>>
        %dma_start3A_85 = arith.constant 0 : i32
        %dma_start3A_86 = tpu.memref_slice %arg10[%add3A_46, %dma_start3A_85] : memref<10240x128xf32, #tpu.memory_space<vmem_shared>> -> memref<128x128xf32, #tpu.memory_space<vmem_shared>>
        tpu.enqueue_dma source(%dma_start3A_86 : memref<128x128xf32, #tpu.memory_space<vmem_shared>>) target(%dma_start3A_84 : memref<128x128xf32, #tpu.memory_space<vmem>>) target_semaphore(%run_scoped3A_75 : memref<!tpu.dma_semaphore, #tpu.memory_space<semaphore_mem>>)
        %dma_wait3A = arith.constant 0 : i32
        %dma_wait3A_87 = arith.constant 0 : i32
        %dma_wait3A_88 = tpu.memref_slice %arg15[%run_scoped3A_47, %dma_wait3A, %dma_wait3A_87] : memref<2x128x128xf32, #tpu.memory_space<vmem>> -> memref<1x128x128xf32, #tpu.memory_space<vmem>>
        %dma_wait3A_89 = tpu.memref_squeeze %dma_wait3A_88 : memref<1x128x128xf32, #tpu.memory_space<vmem>> -> memref<128x128xf32, #tpu.memory_space<vmem>>
        %dma_wait3A_90 = arith.constant 0 : i32
        %dma_wait3A_91 = tpu.memref_slice %arg10[%add3A_46, %dma_wait3A_90] : memref<10240x128xf32, #tpu.memory_space<vmem_shared>> -> memref<128x128xf32, #tpu.memory_space<vmem_shared>>
        %dma_wait3A_92 = arith.constant 0 : i32
        %dma_wait3A_93 = arith.constant 0 : i32
        %dma_wait3A_94 = tpu.memref_slice %arg15[%run_scoped3A_47, %dma_wait3A_92, %dma_wait3A_93] : memref<2x128x128xf32, #tpu.memory_space<vmem>> -> memref<1x128x128xf32, #tpu.memory_space<vmem>>
        %dma_wait3A_95 = tpu.memref_squeeze %dma_wait3A_94 : memref<1x128x128xf32, #tpu.memory_space<vmem>> -> memref<128x128xf32, #tpu.memory_space<vmem>>
        %dma_wait3A_96 = arith.constant 0 : i32
        %dma_wait3A_97 = tpu.memref_slice %arg10[%add3A_46, %dma_wait3A_96] : memref<10240x128xf32, #tpu.memory_space<vmem_shared>> -> memref<128x128xf32, #tpu.memory_space<vmem_shared>>
        tpu.wait_dma2 semaphore(%run_scoped3A_75 : memref<!tpu.dma_semaphore, #tpu.memory_space<semaphore_mem>>) src(%dma_wait3A_97 : memref<128x128xf32, #tpu.memory_space<vmem_shared>>) dst(%dma_wait3A_95 : memref<128x128xf32, #tpu.memory_space<vmem>>)
        tpu.yield
      }) : () -> ()
      %add3A_48 = arith.constant 0 : i32
      %add3A_49 = arith.addi %mul3A_0, %add3A_48 : i32
      %run_scoped3A_50 = arith.constant 0 : i32
      "tpu.region"() ({
        %run_scoped3A_75 = tpu.sem_alloc : memref<!tpu.dma_semaphore, #tpu.memory_space<semaphore_mem>>
        %dma_start3A = arith.constant 0 : i32
        %dma_start3A_76 = arith.constant 0 : i32
        %dma_start3A_77 = tpu.memref_slice %arg15[%run_scoped3A_50, %dma_start3A, %dma_start3A_76] : memref<2x128x128xf32, #tpu.memory_space<vmem>> -> memref<1x128x128xf32, #tpu.memory_space<vmem>>
        %dma_start3A_78 = tpu.memref_squeeze %dma_start3A_77 : memref<1x128x128xf32, #tpu.memory_space<vmem>> -> memref<128x128xf32, #tpu.memory_space<vmem>>
        %dma_start3A_79 = arith.constant 0 : i32
        %dma_start3A_80 = tpu.memref_slice %arg9[%add3A_49, %dma_start3A_79] : memref<10240x128xf32, #tpu.memory_space<hbm>> -> memref<128x128xf32, #tpu.memory_space<hbm>>
        %dma_start3A_81 = arith.constant 0 : i32
        %dma_start3A_82 = tpu.memref_slice %arg9[%add3A_49, %dma_start3A_81] : memref<10240x128xf32, #tpu.memory_space<hbm>> -> memref<128x128xf32, #tpu.memory_space<hbm>>
        %dma_start3A_83 = arith.constant 0 : i32
        %dma_start3A_84 = arith.constant 0 : i32
        %dma_start3A_85 = tpu.memref_slice %arg15[%run_scoped3A_50, %dma_start3A_83, %dma_start3A_84] : memref<2x128x128xf32, #tpu.memory_space<vmem>> -> memref<1x128x128xf32, #tpu.memory_space<vmem>>
        %dma_start3A_86 = tpu.memref_squeeze %dma_start3A_85 : memref<1x128x128xf32, #tpu.memory_space<vmem>> -> memref<128x128xf32, #tpu.memory_space<vmem>>
        tpu.enqueue_dma source(%dma_start3A_86 : memref<128x128xf32, #tpu.memory_space<vmem>>) target(%dma_start3A_82 : memref<128x128xf32, #tpu.memory_space<hbm>>) target_semaphore(%run_scoped3A_75 : memref<!tpu.dma_semaphore, #tpu.memory_space<semaphore_mem>>)
        %dma_wait3A = arith.constant 0 : i32
        %dma_wait3A_87 = arith.constant 0 : i32
        %dma_wait3A_88 = tpu.memref_slice %arg15[%run_scoped3A_50, %dma_wait3A, %dma_wait3A_87] : memref<2x128x128xf32, #tpu.memory_space<vmem>> -> memref<1x128x128xf32, #tpu.memory_space<vmem>>
        %dma_wait3A_89 = tpu.memref_squeeze %dma_wait3A_88 : memref<1x128x128xf32, #tpu.memory_space<vmem>> -> memref<128x128xf32, #tpu.memory_space<vmem>>
        %dma_wait3A_90 = arith.constant 0 : i32
        %dma_wait3A_91 = tpu.memref_slice %arg9[%add3A_49, %dma_wait3A_90] : memref<10240x128xf32, #tpu.memory_space<hbm>> -> memref<128x128xf32, #tpu.memory_space<hbm>>
        %dma_wait3A_92 = arith.constant 0 : i32
        %dma_wait3A_93 = tpu.memref_slice %arg9[%add3A_49, %dma_wait3A_92] : memref<10240x128xf32, #tpu.memory_space<hbm>> -> memref<128x128xf32, #tpu.memory_space<hbm>>
        %dma_wait3A_94 = arith.constant 0 : i32
        %dma_wait3A_95 = arith.constant 0 : i32
        %dma_wait3A_96 = tpu.memref_slice %arg15[%run_scoped3A_50, %dma_wait3A_94, %dma_wait3A_95] : memref<2x128x128xf32, #tpu.memory_space<vmem>> -> memref<1x128x128xf32, #tpu.memory_space<vmem>>
        %dma_wait3A_97 = tpu.memref_squeeze %dma_wait3A_96 : memref<1x128x128xf32, #tpu.memory_space<vmem>> -> memref<128x128xf32, #tpu.memory_space<vmem>>
        tpu.wait_dma2 semaphore(%run_scoped3A_75 : memref<!tpu.dma_semaphore, #tpu.memory_space<semaphore_mem>>) src(%dma_wait3A_97 : memref<128x128xf32, #tpu.memory_space<vmem>>) dst(%dma_wait3A_93 : memref<128x128xf32, #tpu.memory_space<hbm>>)
        tpu.yield
      }) : () -> ()
      %add3A_51 = arith.constant 128 : i32
      %add3A_52 = arith.addi %mul3A_0, %add3A_51 : i32
      %run_scoped3A_53 = arith.constant 0 : i32
      "tpu.region"() ({
        %run_scoped3A_75 = tpu.sem_alloc : memref<!tpu.dma_semaphore, #tpu.memory_space<semaphore_mem>>
        %dma_start3A = arith.constant 0 : i32
        %dma_start3A_76 = arith.constant 0 : i32
        %dma_start3A_77 = tpu.memref_slice %arg15[%run_scoped3A_53, %dma_start3A, %dma_start3A_76] : memref<2x128x128xf32, #tpu.memory_space<vmem>> -> memref<1x128x128xf32, #tpu.memory_space<vmem>>
        %dma_start3A_78 = tpu.memref_squeeze %dma_start3A_77 : memref<1x128x128xf32, #tpu.memory_space<vmem>> -> memref<128x128xf32, #tpu.memory_space<vmem>>
        %dma_start3A_79 = arith.constant 0 : i32
        %dma_start3A_80 = tpu.memref_slice %arg10[%add3A_52, %dma_start3A_79] : memref<10240x128xf32, #tpu.memory_space<vmem_shared>> -> memref<128x128xf32, #tpu.memory_space<vmem_shared>>
        %dma_start3A_81 = arith.constant 0 : i32
        %dma_start3A_82 = arith.constant 0 : i32
        %dma_start3A_83 = tpu.memref_slice %arg15[%run_scoped3A_53, %dma_start3A_81, %dma_start3A_82] : memref<2x128x128xf32, #tpu.memory_space<vmem>> -> memref<1x128x128xf32, #tpu.memory_space<vmem>>
        %dma_start3A_84 = tpu.memref_squeeze %dma_start3A_83 : memref<1x128x128xf32, #tpu.memory_space<vmem>> -> memref<128x128xf32, #tpu.memory_space<vmem>>
        %dma_start3A_85 = arith.constant 0 : i32
        %dma_start3A_86 = tpu.memref_slice %arg10[%add3A_52, %dma_start3A_85] : memref<10240x128xf32, #tpu.memory_space<vmem_shared>> -> memref<128x128xf32, #tpu.memory_space<vmem_shared>>
        tpu.enqueue_dma source(%dma_start3A_86 : memref<128x128xf32, #tpu.memory_space<vmem_shared>>) target(%dma_start3A_84 : memref<128x128xf32, #tpu.memory_space<vmem>>) target_semaphore(%run_scoped3A_75 : memref<!tpu.dma_semaphore, #tpu.memory_space<semaphore_mem>>)
        %dma_wait3A = arith.constant 0 : i32
        %dma_wait3A_87 = arith.constant 0 : i32
        %dma_wait3A_88 = tpu.memref_slice %arg15[%run_scoped3A_53, %dma_wait3A, %dma_wait3A_87] : memref<2x128x128xf32, #tpu.memory_space<vmem>> -> memref<1x128x128xf32, #tpu.memory_space<vmem>>
        %dma_wait3A_89 = tpu.memref_squeeze %dma_wait3A_88 : memref<1x128x128xf32, #tpu.memory_space<vmem>> -> memref<128x128xf32, #tpu.memory_space<vmem>>
        %dma_wait3A_90 = arith.constant 0 : i32
        %dma_wait3A_91 = tpu.memref_slice %arg10[%add3A_52, %dma_wait3A_90] : memref<10240x128xf32, #tpu.memory_space<vmem_shared>> -> memref<128x128xf32, #tpu.memory_space<vmem_shared>>
        %dma_wait3A_92 = arith.constant 0 : i32
        %dma_wait3A_93 = arith.constant 0 : i32
        %dma_wait3A_94 = tpu.memref_slice %arg15[%run_scoped3A_53, %dma_wait3A_92, %dma_wait3A_93] : memref<2x128x128xf32, #tpu.memory_space<vmem>> -> memref<1x128x128xf32, #tpu.memory_space<vmem>>
        %dma_wait3A_95 = tpu.memref_squeeze %dma_wait3A_94 : memref<1x128x128xf32, #tpu.memory_space<vmem>> -> memref<128x128xf32, #tpu.memory_space<vmem>>
        %dma_wait3A_96 = arith.constant 0 : i32
        %dma_wait3A_97 = tpu.memref_slice %arg10[%add3A_52, %dma_wait3A_96] : memref<10240x128xf32, #tpu.memory_space<vmem_shared>> -> memref<128x128xf32, #tpu.memory_space<vmem_shared>>
        tpu.wait_dma2 semaphore(%run_scoped3A_75 : memref<!tpu.dma_semaphore, #tpu.memory_space<semaphore_mem>>) src(%dma_wait3A_97 : memref<128x128xf32, #tpu.memory_space<vmem_shared>>) dst(%dma_wait3A_95 : memref<128x128xf32, #tpu.memory_space<vmem>>)
        tpu.yield
      }) : () -> ()
      %add3A_54 = arith.constant 128 : i32
      %add3A_55 = arith.addi %mul3A_0, %add3A_54 : i32
      %run_scoped3A_56 = arith.constant 0 : i32
      "tpu.region"() ({
        %run_scoped3A_75 = tpu.sem_alloc : memref<!tpu.dma_semaphore, #tpu.memory_space<semaphore_mem>>
        %dma_start3A = arith.constant 0 : i32
        %dma_start3A_76 = arith.constant 0 : i32
        %dma_start3A_77 = tpu.memref_slice %arg15[%run_scoped3A_56, %dma_start3A, %dma_start3A_76] : memref<2x128x128xf32, #tpu.memory_space<vmem>> -> memref<1x128x128xf32, #tpu.memory_space<vmem>>
        %dma_start3A_78 = tpu.memref_squeeze %dma_start3A_77 : memref<1x128x128xf32, #tpu.memory_space<vmem>> -> memref<128x128xf32, #tpu.memory_space<vmem>>
        %dma_start3A_79 = arith.constant 0 : i32
        %dma_start3A_80 = tpu.memref_slice %arg9[%add3A_55, %dma_start3A_79] : memref<10240x128xf32, #tpu.memory_space<hbm>> -> memref<128x128xf32, #tpu.memory_space<hbm>>
        %dma_start3A_81 = arith.constant 0 : i32
        %dma_start3A_82 = tpu.memref_slice %arg9[%add3A_55, %dma_start3A_81] : memref<10240x128xf32, #tpu.memory_space<hbm>> -> memref<128x128xf32, #tpu.memory_space<hbm>>
        %dma_start3A_83 = arith.constant 0 : i32
        %dma_start3A_84 = arith.constant 0 : i32
        %dma_start3A_85 = tpu.memref_slice %arg15[%run_scoped3A_56, %dma_start3A_83, %dma_start3A_84] : memref<2x128x128xf32, #tpu.memory_space<vmem>> -> memref<1x128x128xf32, #tpu.memory_space<vmem>>
        %dma_start3A_86 = tpu.memref_squeeze %dma_start3A_85 : memref<1x128x128xf32, #tpu.memory_space<vmem>> -> memref<128x128xf32, #tpu.memory_space<vmem>>
        tpu.enqueue_dma source(%dma_start3A_86 : memref<128x128xf32, #tpu.memory_space<vmem>>) target(%dma_start3A_82 : memref<128x128xf32, #tpu.memory_space<hbm>>) target_semaphore(%run_scoped3A_75 : memref<!tpu.dma_semaphore, #tpu.memory_space<semaphore_mem>>)
        %dma_wait3A = arith.constant 0 : i32
        %dma_wait3A_87 = arith.constant 0 : i32
        %dma_wait3A_88 = tpu.memref_slice %arg15[%run_scoped3A_56, %dma_wait3A, %dma_wait3A_87] : memref<2x128x128xf32, #tpu.memory_space<vmem>> -> memref<1x128x128xf32, #tpu.memory_space<vmem>>
        %dma_wait3A_89 = tpu.memref_squeeze %dma_wait3A_88 : memref<1x128x128xf32, #tpu.memory_space<vmem>> -> memref<128x128xf32, #tpu.memory_space<vmem>>
        %dma_wait3A_90 = arith.constant 0 : i32
        %dma_wait3A_91 = tpu.memref_slice %arg9[%add3A_55, %dma_wait3A_90] : memref<10240x128xf32, #tpu.memory_space<hbm>> -> memref<128x128xf32, #tpu.memory_space<hbm>>
        %dma_wait3A_92 = arith.constant 0 : i32
        %dma_wait3A_93 = tpu.memref_slice %arg9[%add3A_55, %dma_wait3A_92] : memref<10240x128xf32, #tpu.memory_space<hbm>> -> memref<128x128xf32, #tpu.memory_space<hbm>>
        %dma_wait3A_94 = arith.constant 0 : i32
        %dma_wait3A_95 = arith.constant 0 : i32
        %dma_wait3A_96 = tpu.memref_slice %arg15[%run_scoped3A_56, %dma_wait3A_94, %dma_wait3A_95] : memref<2x128x128xf32, #tpu.memory_space<vmem>> -> memref<1x128x128xf32, #tpu.memory_space<vmem>>
        %dma_wait3A_97 = tpu.memref_squeeze %dma_wait3A_96 : memref<1x128x128xf32, #tpu.memory_space<vmem>> -> memref<128x128xf32, #tpu.memory_space<vmem>>
        tpu.wait_dma2 semaphore(%run_scoped3A_75 : memref<!tpu.dma_semaphore, #tpu.memory_space<semaphore_mem>>) src(%dma_wait3A_97 : memref<128x128xf32, #tpu.memory_space<vmem>>) dst(%dma_wait3A_93 : memref<128x128xf32, #tpu.memory_space<hbm>>)
        tpu.yield
      }) : () -> ()
      %add3A_57 = arith.constant 256 : i32
      %add3A_58 = arith.addi %mul3A_0, %add3A_57 : i32
      %run_scoped3A_59 = arith.constant 0 : i32
      "tpu.region"() ({
        %run_scoped3A_75 = tpu.sem_alloc : memref<!tpu.dma_semaphore, #tpu.memory_space<semaphore_mem>>
        %dma_start3A = arith.constant 0 : i32
        %dma_start3A_76 = arith.constant 0 : i32
        %dma_start3A_77 = tpu.memref_slice %arg15[%run_scoped3A_59, %dma_start3A, %dma_start3A_76] : memref<2x128x128xf32, #tpu.memory_space<vmem>> -> memref<1x128x128xf32, #tpu.memory_space<vmem>>
        %dma_start3A_78 = tpu.memref_squeeze %dma_start3A_77 : memref<1x128x128xf32, #tpu.memory_space<vmem>> -> memref<128x128xf32, #tpu.memory_space<vmem>>
        %dma_start3A_79 = arith.constant 0 : i32
        %dma_start3A_80 = tpu.memref_slice %arg10[%add3A_58, %dma_start3A_79] : memref<10240x128xf32, #tpu.memory_space<vmem_shared>> -> memref<128x128xf32, #tpu.memory_space<vmem_shared>>
        %dma_start3A_81 = arith.constant 0 : i32
        %dma_start3A_82 = arith.constant 0 : i32
        %dma_start3A_83 = tpu.memref_slice %arg15[%run_scoped3A_59, %dma_start3A_81, %dma_start3A_82] : memref<2x128x128xf32, #tpu.memory_space<vmem>> -> memref<1x128x128xf32, #tpu.memory_space<vmem>>
        %dma_start3A_84 = tpu.memref_squeeze %dma_start3A_83 : memref<1x128x128xf32, #tpu.memory_space<vmem>> -> memref<128x128xf32, #tpu.memory_space<vmem>>
        %dma_start3A_85 = arith.constant 0 : i32
        %dma_start3A_86 = tpu.memref_slice %arg10[%add3A_58, %dma_start3A_85] : memref<10240x128xf32, #tpu.memory_space<vmem_shared>> -> memref<128x128xf32, #tpu.memory_space<vmem_shared>>
        tpu.enqueue_dma source(%dma_start3A_86 : memref<128x128xf32, #tpu.memory_space<vmem_shared>>) target(%dma_start3A_84 : memref<128x128xf32, #tpu.memory_space<vmem>>) target_semaphore(%run_scoped3A_75 : memref<!tpu.dma_semaphore, #tpu.memory_space<semaphore_mem>>)
        %dma_wait3A = arith.constant 0 : i32
        %dma_wait3A_87 = arith.constant 0 : i32
        %dma_wait3A_88 = tpu.memref_slice %arg15[%run_scoped3A_59, %dma_wait3A, %dma_wait3A_87] : memref<2x128x128xf32, #tpu.memory_space<vmem>> -> memref<1x128x128xf32, #tpu.memory_space<vmem>>
        %dma_wait3A_89 = tpu.memref_squeeze %dma_wait3A_88 : memref<1x128x128xf32, #tpu.memory_space<vmem>> -> memref<128x128xf32, #tpu.memory_space<vmem>>
        %dma_wait3A_90 = arith.constant 0 : i32
        %dma_wait3A_91 = tpu.memref_slice %arg10[%add3A_58, %dma_wait3A_90] : memref<10240x128xf32, #tpu.memory_space<vmem_shared>> -> memref<128x128xf32, #tpu.memory_space<vmem_shared>>
        %dma_wait3A_92 = arith.constant 0 : i32
        %dma_wait3A_93 = arith.constant 0 : i32
        %dma_wait3A_94 = tpu.memref_slice %arg15[%run_scoped3A_59, %dma_wait3A_92, %dma_wait3A_93] : memref<2x128x128xf32, #tpu.memory_space<vmem>> -> memref<1x128x128xf32, #tpu.memory_space<vmem>>
        %dma_wait3A_95 = tpu.memref_squeeze %dma_wait3A_94 : memref<1x128x128xf32, #tpu.memory_space<vmem>> -> memref<128x128xf32, #tpu.memory_space<vmem>>
        %dma_wait3A_96 = arith.constant 0 : i32
        %dma_wait3A_97 = tpu.memref_slice %arg10[%add3A_58, %dma_wait3A_96] : memref<10240x128xf32, #tpu.memory_space<vmem_shared>> -> memref<128x128xf32, #tpu.memory_space<vmem_shared>>
        tpu.wait_dma2 semaphore(%run_scoped3A_75 : memref<!tpu.dma_semaphore, #tpu.memory_space<semaphore_mem>>) src(%dma_wait3A_97 : memref<128x128xf32, #tpu.memory_space<vmem_shared>>) dst(%dma_wait3A_95 : memref<128x128xf32, #tpu.memory_space<vmem>>)
        tpu.yield
      }) : () -> ()
      %add3A_60 = arith.constant 256 : i32
      %add3A_61 = arith.addi %mul3A_0, %add3A_60 : i32
      %run_scoped3A_62 = arith.constant 0 : i32
      "tpu.region"() ({
        %run_scoped3A_75 = tpu.sem_alloc : memref<!tpu.dma_semaphore, #tpu.memory_space<semaphore_mem>>
        %dma_start3A = arith.constant 0 : i32
        %dma_start3A_76 = arith.constant 0 : i32
        %dma_start3A_77 = tpu.memref_slice %arg15[%run_scoped3A_62, %dma_start3A, %dma_start3A_76] : memref<2x128x128xf32, #tpu.memory_space<vmem>> -> memref<1x128x128xf32, #tpu.memory_space<vmem>>
        %dma_start3A_78 = tpu.memref_squeeze %dma_start3A_77 : memref<1x128x128xf32, #tpu.memory_space<vmem>> -> memref<128x128xf32, #tpu.memory_space<vmem>>
        %dma_start3A_79 = arith.constant 0 : i32
        %dma_start3A_80 = tpu.memref_slice %arg9[%add3A_61, %dma_start3A_79] : memref<10240x128xf32, #tpu.memory_space<hbm>> -> memref<128x128xf32, #tpu.memory_space<hbm>>
        %dma_start3A_81 = arith.constant 0 : i32
        %dma_start3A_82 = tpu.memref_slice %arg9[%add3A_61, %dma_start3A_81] : memref<10240x128xf32, #tpu.memory_space<hbm>> -> memref<128x128xf32, #tpu.memory_space<hbm>>
        %dma_start3A_83 = arith.constant 0 : i32
        %dma_start3A_84 = arith.constant 0 : i32
        %dma_start3A_85 = tpu.memref_slice %arg15[%run_scoped3A_62, %dma_start3A_83, %dma_start3A_84] : memref<2x128x128xf32, #tpu.memory_space<vmem>> -> memref<1x128x128xf32, #tpu.memory_space<vmem>>
        %dma_start3A_86 = tpu.memref_squeeze %dma_start3A_85 : memref<1x128x128xf32, #tpu.memory_space<vmem>> -> memref<128x128xf32, #tpu.memory_space<vmem>>
        tpu.enqueue_dma source(%dma_start3A_86 : memref<128x128xf32, #tpu.memory_space<vmem>>) target(%dma_start3A_82 : memref<128x128xf32, #tpu.memory_space<hbm>>) target_semaphore(%run_scoped3A_75 : memref<!tpu.dma_semaphore, #tpu.memory_space<semaphore_mem>>)
        %dma_wait3A = arith.constant 0 : i32
        %dma_wait3A_87 = arith.constant 0 : i32
        %dma_wait3A_88 = tpu.memref_slice %arg15[%run_scoped3A_62, %dma_wait3A, %dma_wait3A_87] : memref<2x128x128xf32, #tpu.memory_space<vmem>> -> memref<1x128x128xf32, #tpu.memory_space<vmem>>
        %dma_wait3A_89 = tpu.memref_squeeze %dma_wait3A_88 : memref<1x128x128xf32, #tpu.memory_space<vmem>> -> memref<128x128xf32, #tpu.memory_space<vmem>>
        %dma_wait3A_90 = arith.constant 0 : i32
        %dma_wait3A_91 = tpu.memref_slice %arg9[%add3A_61, %dma_wait3A_90] : memref<10240x128xf32, #tpu.memory_space<hbm>> -> memref<128x128xf32, #tpu.memory_space<hbm>>
        %dma_wait3A_92 = arith.constant 0 : i32
        %dma_wait3A_93 = tpu.memref_slice %arg9[%add3A_61, %dma_wait3A_92] : memref<10240x128xf32, #tpu.memory_space<hbm>> -> memref<128x128xf32, #tpu.memory_space<hbm>>
        %dma_wait3A_94 = arith.constant 0 : i32
        %dma_wait3A_95 = arith.constant 0 : i32
        %dma_wait3A_96 = tpu.memref_slice %arg15[%run_scoped3A_62, %dma_wait3A_94, %dma_wait3A_95] : memref<2x128x128xf32, #tpu.memory_space<vmem>> -> memref<1x128x128xf32, #tpu.memory_space<vmem>>
        %dma_wait3A_97 = tpu.memref_squeeze %dma_wait3A_96 : memref<1x128x128xf32, #tpu.memory_space<vmem>> -> memref<128x128xf32, #tpu.memory_space<vmem>>
        tpu.wait_dma2 semaphore(%run_scoped3A_75 : memref<!tpu.dma_semaphore, #tpu.memory_space<semaphore_mem>>) src(%dma_wait3A_97 : memref<128x128xf32, #tpu.memory_space<vmem>>) dst(%dma_wait3A_93 : memref<128x128xf32, #tpu.memory_space<hbm>>)
        tpu.yield
      }) : () -> ()
      %add3A_63 = arith.constant 384 : i32
      %add3A_64 = arith.addi %mul3A_0, %add3A_63 : i32
      %run_scoped3A_65 = arith.constant 0 : i32
      "tpu.region"() ({
        %run_scoped3A_75 = tpu.sem_alloc : memref<!tpu.dma_semaphore, #tpu.memory_space<semaphore_mem>>
        %dma_start3A = arith.constant 0 : i32
        %dma_start3A_76 = arith.constant 0 : i32
        %dma_start3A_77 = tpu.memref_slice %arg15[%run_scoped3A_65, %dma_start3A, %dma_start3A_76] : memref<2x128x128xf32, #tpu.memory_space<vmem>> -> memref<1x128x128xf32, #tpu.memory_space<vmem>>
        %dma_start3A_78 = tpu.memref_squeeze %dma_start3A_77 : memref<1x128x128xf32, #tpu.memory_space<vmem>> -> memref<128x128xf32, #tpu.memory_space<vmem>>
        %dma_start3A_79 = arith.constant 0 : i32
        %dma_start3A_80 = tpu.memref_slice %arg10[%add3A_64, %dma_start3A_79] : memref<10240x128xf32, #tpu.memory_space<vmem_shared>> -> memref<128x128xf32, #tpu.memory_space<vmem_shared>>
        %dma_start3A_81 = arith.constant 0 : i32
        %dma_start3A_82 = arith.constant 0 : i32
        %dma_start3A_83 = tpu.memref_slice %arg15[%run_scoped3A_65, %dma_start3A_81, %dma_start3A_82] : memref<2x128x128xf32, #tpu.memory_space<vmem>> -> memref<1x128x128xf32, #tpu.memory_space<vmem>>
        %dma_start3A_84 = tpu.memref_squeeze %dma_start3A_83 : memref<1x128x128xf32, #tpu.memory_space<vmem>> -> memref<128x128xf32, #tpu.memory_space<vmem>>
        %dma_start3A_85 = arith.constant 0 : i32
        %dma_start3A_86 = tpu.memref_slice %arg10[%add3A_64, %dma_start3A_85] : memref<10240x128xf32, #tpu.memory_space<vmem_shared>> -> memref<128x128xf32, #tpu.memory_space<vmem_shared>>
        tpu.enqueue_dma source(%dma_start3A_86 : memref<128x128xf32, #tpu.memory_space<vmem_shared>>) target(%dma_start3A_84 : memref<128x128xf32, #tpu.memory_space<vmem>>) target_semaphore(%run_scoped3A_75 : memref<!tpu.dma_semaphore, #tpu.memory_space<semaphore_mem>>)
        %dma_wait3A = arith.constant 0 : i32
        %dma_wait3A_87 = arith.constant 0 : i32
        %dma_wait3A_88 = tpu.memref_slice %arg15[%run_scoped3A_65, %dma_wait3A, %dma_wait3A_87] : memref<2x128x128xf32, #tpu.memory_space<vmem>> -> memref<1x128x128xf32, #tpu.memory_space<vmem>>
        %dma_wait3A_89 = tpu.memref_squeeze %dma_wait3A_88 : memref<1x128x128xf32, #tpu.memory_space<vmem>> -> memref<128x128xf32, #tpu.memory_space<vmem>>
        %dma_wait3A_90 = arith.constant 0 : i32
        %dma_wait3A_91 = tpu.memref_slice %arg10[%add3A_64, %dma_wait3A_90] : memref<10240x128xf32, #tpu.memory_space<vmem_shared>> -> memref<128x128xf32, #tpu.memory_space<vmem_shared>>
        %dma_wait3A_92 = arith.constant 0 : i32
        %dma_wait3A_93 = arith.constant 0 : i32
        %dma_wait3A_94 = tpu.memref_slice %arg15[%run_scoped3A_65, %dma_wait3A_92, %dma_wait3A_93] : memref<2x128x128xf32, #tpu.memory_space<vmem>> -> memref<1x128x128xf32, #tpu.memory_space<vmem>>
        %dma_wait3A_95 = tpu.memref_squeeze %dma_wait3A_94 : memref<1x128x128xf32, #tpu.memory_space<vmem>> -> memref<128x128xf32, #tpu.memory_space<vmem>>
        %dma_wait3A_96 = arith.constant 0 : i32
        %dma_wait3A_97 = tpu.memref_slice %arg10[%add3A_64, %dma_wait3A_96] : memref<10240x128xf32, #tpu.memory_space<vmem_shared>> -> memref<128x128xf32, #tpu.memory_space<vmem_shared>>
        tpu.wait_dma2 semaphore(%run_scoped3A_75 : memref<!tpu.dma_semaphore, #tpu.memory_space<semaphore_mem>>) src(%dma_wait3A_97 : memref<128x128xf32, #tpu.memory_space<vmem_shared>>) dst(%dma_wait3A_95 : memref<128x128xf32, #tpu.memory_space<vmem>>)
        tpu.yield
      }) : () -> ()
      %add3A_66 = arith.constant 384 : i32
      %add3A_67 = arith.addi %mul3A_0, %add3A_66 : i32
      %run_scoped3A_68 = arith.constant 0 : i32
      "tpu.region"() ({
        %run_scoped3A_75 = tpu.sem_alloc : memref<!tpu.dma_semaphore, #tpu.memory_space<semaphore_mem>>
        %dma_start3A = arith.constant 0 : i32
        %dma_start3A_76 = arith.constant 0 : i32
        %dma_start3A_77 = tpu.memref_slice %arg15[%run_scoped3A_68, %dma_start3A, %dma_start3A_76] : memref<2x128x128xf32, #tpu.memory_space<vmem>> -> memref<1x128x128xf32, #tpu.memory_space<vmem>>
        %dma_start3A_78 = tpu.memref_squeeze %dma_start3A_77 : memref<1x128x128xf32, #tpu.memory_space<vmem>> -> memref<128x128xf32, #tpu.memory_space<vmem>>
        %dma_start3A_79 = arith.constant 0 : i32
        %dma_start3A_80 = tpu.memref_slice %arg9[%add3A_67, %dma_start3A_79] : memref<10240x128xf32, #tpu.memory_space<hbm>> -> memref<128x128xf32, #tpu.memory_space<hbm>>
        %dma_start3A_81 = arith.constant 0 : i32
        %dma_start3A_82 = tpu.memref_slice %arg9[%add3A_67, %dma_start3A_81] : memref<10240x128xf32, #tpu.memory_space<hbm>> -> memref<128x128xf32, #tpu.memory_space<hbm>>
        %dma_start3A_83 = arith.constant 0 : i32
        %dma_start3A_84 = arith.constant 0 : i32
        %dma_start3A_85 = tpu.memref_slice %arg15[%run_scoped3A_68, %dma_start3A_83, %dma_start3A_84] : memref<2x128x128xf32, #tpu.memory_space<vmem>> -> memref<1x128x128xf32, #tpu.memory_space<vmem>>
        %dma_start3A_86 = tpu.memref_squeeze %dma_start3A_85 : memref<1x128x128xf32, #tpu.memory_space<vmem>> -> memref<128x128xf32, #tpu.memory_space<vmem>>
        tpu.enqueue_dma source(%dma_start3A_86 : memref<128x128xf32, #tpu.memory_space<vmem>>) target(%dma_start3A_82 : memref<128x128xf32, #tpu.memory_space<hbm>>) target_semaphore(%run_scoped3A_75 : memref<!tpu.dma_semaphore, #tpu.memory_space<semaphore_mem>>)
        %dma_wait3A = arith.constant 0 : i32
        %dma_wait3A_87 = arith.constant 0 : i32
        %dma_wait3A_88 = tpu.memref_slice %arg15[%run_scoped3A_68, %dma_wait3A, %dma_wait3A_87] : memref<2x128x128xf32, #tpu.memory_space<vmem>> -> memref<1x128x128xf32, #tpu.memory_space<vmem>>
        %dma_wait3A_89 = tpu.memref_squeeze %dma_wait3A_88 : memref<1x128x128xf32, #tpu.memory_space<vmem>> -> memref<128x128xf32, #tpu.memory_space<vmem>>
        %dma_wait3A_90 = arith.constant 0 : i32
        %dma_wait3A_91 = tpu.memref_slice %arg9[%add3A_67, %dma_wait3A_90] : memref<10240x128xf32, #tpu.memory_space<hbm>> -> memref<128x128xf32, #tpu.memory_space<hbm>>
        %dma_wait3A_92 = arith.constant 0 : i32
        %dma_wait3A_93 = tpu.memref_slice %arg9[%add3A_67, %dma_wait3A_92] : memref<10240x128xf32, #tpu.memory_space<hbm>> -> memref<128x128xf32, #tpu.memory_space<hbm>>
        %dma_wait3A_94 = arith.constant 0 : i32
        %dma_wait3A_95 = arith.constant 0 : i32
        %dma_wait3A_96 = tpu.memref_slice %arg15[%run_scoped3A_68, %dma_wait3A_94, %dma_wait3A_95] : memref<2x128x128xf32, #tpu.memory_space<vmem>> -> memref<1x128x128xf32, #tpu.memory_space<vmem>>
        %dma_wait3A_97 = tpu.memref_squeeze %dma_wait3A_96 : memref<1x128x128xf32, #tpu.memory_space<vmem>> -> memref<128x128xf32, #tpu.memory_space<vmem>>
        tpu.wait_dma2 semaphore(%run_scoped3A_75 : memref<!tpu.dma_semaphore, #tpu.memory_space<semaphore_mem>>) src(%dma_wait3A_97 : memref<128x128xf32, #tpu.memory_space<vmem>>) dst(%dma_wait3A_93 : memref<128x128xf32, #tpu.memory_space<hbm>>)
        tpu.yield
      }) : () -> ()
      %add3A_69 = arith.constant 512 : i32
      %add3A_70 = arith.addi %mul3A_0, %add3A_69 : i32
      %run_scoped3A_71 = arith.constant 0 : i32
      "tpu.region"() ({
        %run_scoped3A_75 = tpu.sem_alloc : memref<!tpu.dma_semaphore, #tpu.memory_space<semaphore_mem>>
        %dma_start3A = arith.constant 0 : i32
        %dma_start3A_76 = arith.constant 0 : i32
        %dma_start3A_77 = tpu.memref_slice %arg15[%run_scoped3A_71, %dma_start3A, %dma_start3A_76] : memref<2x128x128xf32, #tpu.memory_space<vmem>> -> memref<1x128x128xf32, #tpu.memory_space<vmem>>
        %dma_start3A_78 = tpu.memref_squeeze %dma_start3A_77 : memref<1x128x128xf32, #tpu.memory_space<vmem>> -> memref<128x128xf32, #tpu.memory_space<vmem>>
        %dma_start3A_79 = arith.constant 0 : i32
        %dma_start3A_80 = tpu.memref_slice %arg10[%add3A_70, %dma_start3A_79] : memref<10240x128xf32, #tpu.memory_space<vmem_shared>> -> memref<128x128xf32, #tpu.memory_space<vmem_shared>>
        %dma_start3A_81 = arith.constant 0 : i32
        %dma_start3A_82 = arith.constant 0 : i32
        %dma_start3A_83 = tpu.memref_slice %arg15[%run_scoped3A_71, %dma_start3A_81, %dma_start3A_82] : memref<2x128x128xf32, #tpu.memory_space<vmem>> -> memref<1x128x128xf32, #tpu.memory_space<vmem>>
        %dma_start3A_84 = tpu.memref_squeeze %dma_start3A_83 : memref<1x128x128xf32, #tpu.memory_space<vmem>> -> memref<128x128xf32, #tpu.memory_space<vmem>>
        %dma_start3A_85 = arith.constant 0 : i32
        %dma_start3A_86 = tpu.memref_slice %arg10[%add3A_70, %dma_start3A_85] : memref<10240x128xf32, #tpu.memory_space<vmem_shared>> -> memref<128x128xf32, #tpu.memory_space<vmem_shared>>
        tpu.enqueue_dma source(%dma_start3A_86 : memref<128x128xf32, #tpu.memory_space<vmem_shared>>) target(%dma_start3A_84 : memref<128x128xf32, #tpu.memory_space<vmem>>) target_semaphore(%run_scoped3A_75 : memref<!tpu.dma_semaphore, #tpu.memory_space<semaphore_mem>>)
        %dma_wait3A = arith.constant 0 : i32
        %dma_wait3A_87 = arith.constant 0 : i32
        %dma_wait3A_88 = tpu.memref_slice %arg15[%run_scoped3A_71, %dma_wait3A, %dma_wait3A_87] : memref<2x128x128xf32, #tpu.memory_space<vmem>> -> memref<1x128x128xf32, #tpu.memory_space<vmem>>
        %dma_wait3A_89 = tpu.memref_squeeze %dma_wait3A_88 : memref<1x128x128xf32, #tpu.memory_space<vmem>> -> memref<128x128xf32, #tpu.memory_space<vmem>>
        %dma_wait3A_90 = arith.constant 0 : i32
        %dma_wait3A_91 = tpu.memref_slice %arg10[%add3A_70, %dma_wait3A_90] : memref<10240x128xf32, #tpu.memory_space<vmem_shared>> -> memref<128x128xf32, #tpu.memory_space<vmem_shared>>
        %dma_wait3A_92 = arith.constant 0 : i32
        %dma_wait3A_93 = arith.constant 0 : i32
        %dma_wait3A_94 = tpu.memref_slice %arg15[%run_scoped3A_71, %dma_wait3A_92, %dma_wait3A_93] : memref<2x128x128xf32, #tpu.memory_space<vmem>> -> memref<1x128x128xf32, #tpu.memory_space<vmem>>
        %dma_wait3A_95 = tpu.memref_squeeze %dma_wait3A_94 : memref<1x128x128xf32, #tpu.memory_space<vmem>> -> memref<128x128xf32, #tpu.memory_space<vmem>>
        %dma_wait3A_96 = arith.constant 0 : i32
        %dma_wait3A_97 = tpu.memref_slice %arg10[%add3A_70, %dma_wait3A_96] : memref<10240x128xf32, #tpu.memory_space<vmem_shared>> -> memref<128x128xf32, #tpu.memory_space<vmem_shared>>
        tpu.wait_dma2 semaphore(%run_scoped3A_75 : memref<!tpu.dma_semaphore, #tpu.memory_space<semaphore_mem>>) src(%dma_wait3A_97 : memref<128x128xf32, #tpu.memory_space<vmem_shared>>) dst(%dma_wait3A_95 : memref<128x128xf32, #tpu.memory_space<vmem>>)
        tpu.yield
      }) : () -> ()
      %add3A_72 = arith.constant 512 : i32
      %add3A_73 = arith.addi %mul3A_0, %add3A_72 : i32
      %run_scoped3A_74 = arith.constant 0 : i32
      "tpu.region"() ({
        %run_scoped3A_75 = tpu.sem_alloc : memref<!tpu.dma_semaphore, #tpu.memory_space<semaphore_mem>>
        %dma_start3A = arith.constant 0 : i32
        %dma_start3A_76 = arith.constant 0 : i32
        %dma_start3A_77 = tpu.memref_slice %arg15[%run_scoped3A_74, %dma_start3A, %dma_start3A_76] : memref<2x128x128xf32, #tpu.memory_space<vmem>> -> memref<1x128x128xf32, #tpu.memory_space<vmem>>
        %dma_start3A_78 = tpu.memref_squeeze %dma_start3A_77 : memref<1x128x128xf32, #tpu.memory_space<vmem>> -> memref<128x128xf32, #tpu.memory_space<vmem>>
        %dma_start3A_79 = arith.constant 0 : i32
        %dma_start3A_80 = tpu.memref_slice %arg9[%add3A_73, %dma_start3A_79] : memref<10240x128xf32, #tpu.memory_space<hbm>> -> memref<128x128xf32, #tpu.memory_space<hbm>>
        %dma_start3A_81 = arith.constant 0 : i32
        %dma_start3A_82 = tpu.memref_slice %arg9[%add3A_73, %dma_start3A_81] : memref<10240x128xf32, #tpu.memory_space<hbm>> -> memref<128x128xf32, #tpu.memory_space<hbm>>
        %dma_start3A_83 = arith.constant 0 : i32
        %dma_start3A_84 = arith.constant 0 : i32
        %dma_start3A_85 = tpu.memref_slice %arg15[%run_scoped3A_74, %dma_start3A_83, %dma_start3A_84] : memref<2x128x128xf32, #tpu.memory_space<vmem>> -> memref<1x128x128xf32, #tpu.memory_space<vmem>>
        %dma_start3A_86 = tpu.memref_squeeze %dma_start3A_85 : memref<1x128x128xf32, #tpu.memory_space<vmem>> -> memref<128x128xf32, #tpu.memory_space<vmem>>
        tpu.enqueue_dma source(%dma_start3A_86 : memref<128x128xf32, #tpu.memory_space<vmem>>) target(%dma_start3A_82 : memref<128x128xf32, #tpu.memory_space<hbm>>) target_semaphore(%run_scoped3A_75 : memref<!tpu.dma_semaphore, #tpu.memory_space<semaphore_mem>>)
        %dma_wait3A = arith.constant 0 : i32
        %dma_wait3A_87 = arith.constant 0 : i32
        %dma_wait3A_88 = tpu.memref_slice %arg15[%run_scoped3A_74, %dma_wait3A, %dma_wait3A_87] : memref<2x128x128xf32, #tpu.memory_space<vmem>> -> memref<1x128x128xf32, #tpu.memory_space<vmem>>
        %dma_wait3A_89 = tpu.memref_squeeze %dma_wait3A_88 : memref<1x128x128xf32, #tpu.memory_space<vmem>> -> memref<128x128xf32, #tpu.memory_space<vmem>>
        %dma_wait3A_90 = arith.constant 0 : i32
        %dma_wait3A_91 = tpu.memref_slice %arg9[%add3A_73, %dma_wait3A_90] : memref<10240x128xf32, #tpu.memory_space<hbm>> -> memref<128x128xf32, #tpu.memory_space<hbm>>
        %dma_wait3A_92 = arith.constant 0 : i32
        %dma_wait3A_93 = tpu.memref_slice %arg9[%add3A_73, %dma_wait3A_92] : memref<10240x128xf32, #tpu.memory_space<hbm>> -> memref<128x128xf32, #tpu.memory_space<hbm>>
        %dma_wait3A_94 = arith.constant 0 : i32
        %dma_wait3A_95 = arith.constant 0 : i32
        %dma_wait3A_96 = tpu.memref_slice %arg15[%run_scoped3A_74, %dma_wait3A_94, %dma_wait3A_95] : memref<2x128x128xf32, #tpu.memory_space<vmem>> -> memref<1x128x128xf32, #tpu.memory_space<vmem>>
        %dma_wait3A_97 = tpu.memref_squeeze %dma_wait3A_96 : memref<1x128x128xf32, #tpu.memory_space<vmem>> -> memref<128x128xf32, #tpu.memory_space<vmem>>
        tpu.wait_dma2 semaphore(%run_scoped3A_75 : memref<!tpu.dma_semaphore, #tpu.memory_space<semaphore_mem>>) src(%dma_wait3A_97 : memref<128x128xf32, #tpu.memory_space<vmem>>) dst(%dma_wait3A_93 : memref<128x128xf32, #tpu.memory_space<hbm>>)
        tpu.yield
      }) : () -> ()
    } else {
    }
    return
  }
}

module attributes {stable_mosaic.version = 14 : i64} {
  func.func @body(%arg0: memref<10240x128xf32, #tpu.memory_space<vmem>>, %arg1: memref<16x10240xf32, #tpu.memory_space<vmem>>, %arg2: memref<10000x128xf32, #tpu.memory_space<vmem>>, %arg3: memref<128x128xf32, #tpu.memory_space<vmem>>, %arg4: memref<1x128xf32, #tpu.memory_space<vmem>>, %arg5: memref<128x128xf32, #tpu.memory_space<vmem>>, %arg6: memref<1x128xf32, #tpu.memory_space<vmem>>, %arg7: memref<1x128xf32, #tpu.memory_space<vmem>>, %arg8: memref<10240x128xf32, #tpu.memory_space<vmem>>, %arg9: memref<16x10240xf32, #tpu.memory_space<vmem>>, %arg10: memref<10000x128xf32, #tpu.memory_space<vmem>>, %arg11: memref<128x128xf32, #tpu.memory_space<vmem>>, %arg12: memref<1x128xf32, #tpu.memory_space<vmem>>, %arg13: memref<128x128xf32, #tpu.memory_space<vmem>>, %arg14: memref<1x128xf32, #tpu.memory_space<vmem>>, %arg15: memref<1x128xf32, #tpu.memory_space<vmem>>, %arg16: memref<10008x128xf32, #tpu.memory_space<vmem>>, %arg17: memref<10008x128xf32, #tpu.memory_space<vmem>>) attributes {dimension_semantics = [], scalar_prefetch = 0 : i64, scratch_operands = 0 : i64, tpu.core_type = #tpu.core_type<tc>} {
    %get3A = arith.constant 0 : index
    %get3A_0 = arith.constant 0 : index
    %get3A_1 = vector.load %arg1[%get3A, %get3A_0] : memref<16x10240xf32, #tpu.memory_space<vmem>>, vector<16x10240xf32>
    %reduce_sum3A = arith.constant dense<0.000000e+00> : vector<10240xf32>
    %reduce_sum3A_2 = vector.multi_reduction <add>, %get3A_1, %reduce_sum3A [0] : vector<16x10240xf32> to vector<10240xf32>
    %reshape3A = vector.shape_cast %reduce_sum3A_2 : vector<10240xf32> to vector<10240x1xf32>
    %slice3A = vector.extract_strided_slice %reshape3A {offsets = [0, 0], sizes = [10000, 1], strides = [1, 1]} : vector<10240x1xf32> to vector<10000x1xf32>
    %max3A = arith.constant 1.000000e+00 : f32
    %max3A_3 = vector.broadcast %max3A : f32 to vector<10000x1xf32>
    %max3A_4 = arith.maximumf %slice3A, %max3A_3 : vector<10000x1xf32>
    %get3A_5 = arith.constant 0 : index
    %get3A_6 = arith.constant 0 : index
    %get3A_7 = vector.load %arg0[%get3A_5, %get3A_6] : memref<10240x128xf32, #tpu.memory_space<vmem>>, vector<10000x128xf32>
    %div3A = vector.broadcast %max3A_4 : vector<10000x1xf32> to vector<10000x128xf32>
    %div3A_8 = arith.divf %get3A_7, %div3A : vector<10000x128xf32>
    %get3A_9 = arith.constant 0 : index
    %get3A_10 = arith.constant 0 : index
    %get3A_11 = vector.load %arg3[%get3A_9, %get3A_10] : memref<128x128xf32, #tpu.memory_space<vmem>>, vector<128x128xf32>
    %dot_general3A = arith.constant dense<0.000000e+00> : vector<10000x128xf32>
    %dot_general3A_12 = tpu.matmul %div3A_8, %get3A_11, %dot_general3A {dimension_numbers = #tpu.dot_dimension_numbers<[1], [0], [0], [1], [0, 0, 1, 1], [], []>, transpose_lhs_hint = false} : vector<10000x128xf32>, vector<128x128xf32>, vector<10000x128xf32> -> vector<10000x128xf32>
    %get3A_13 = arith.constant 0 : index
    %get3A_14 = arith.constant 0 : index
    %get3A_15 = vector.load %arg4[%get3A_13, %get3A_14] : memref<1x128xf32, #tpu.memory_space<vmem>>, vector<1x128xf32>
    %add3A = vector.broadcast %get3A_15 : vector<1x128xf32> to vector<10000x128xf32>
    %add3A_16 = arith.addf %dot_general3A_12, %add3A : vector<10000x128xf32>
    %get3A_17 = arith.constant 0 : index
    %get3A_18 = arith.constant 0 : index
    %get3A_19 = vector.load %arg2[%get3A_17, %get3A_18] : memref<10000x128xf32, #tpu.memory_space<vmem>>, vector<10000x128xf32>
    %get3A_20 = arith.constant 0 : index
    %get3A_21 = arith.constant 0 : index
    %get3A_22 = vector.load %arg5[%get3A_20, %get3A_21] : memref<128x128xf32, #tpu.memory_space<vmem>>, vector<128x128xf32>
    %dot_general3A_23 = arith.constant dense<0.000000e+00> : vector<10000x128xf32>
    %dot_general3A_24 = tpu.matmul %get3A_19, %get3A_22, %dot_general3A_23 {dimension_numbers = #tpu.dot_dimension_numbers<[1], [0], [0], [1], [0, 0, 1, 1], [], []>, transpose_lhs_hint = false} : vector<10000x128xf32>, vector<128x128xf32>, vector<10000x128xf32> -> vector<10000x128xf32>
    %add3A_25 = arith.addf %add3A_16, %dot_general3A_24 : vector<10000x128xf32>
    %reduce_sum3A_26 = arith.constant dense<0.000000e+00> : vector<128xf32>
    %reduce_sum3A_27 = vector.multi_reduction <add>, %add3A_25, %reduce_sum3A_26 [0] : vector<10000x128xf32> to vector<128xf32>
    %broadcast_in_dim3A = vector.shape_cast %reduce_sum3A_27 : vector<128xf32> to vector<1x128xf32>
    %div3A_28 = arith.constant 1.000000e+04 : f32
    %div3A_29 = vector.broadcast %div3A_28 : f32 to vector<1x128xf32>
    %div3A_30 = arith.divf %broadcast_in_dim3A, %div3A_29 : vector<1x128xf32>
    %sub3A = vector.broadcast %div3A_30 : vector<1x128xf32> to vector<10000x128xf32>
    %sub3A_31 = arith.subf %add3A_25, %sub3A : vector<10000x128xf32>
    %square3A = arith.mulf %sub3A_31, %sub3A_31 : vector<10000x128xf32>
    %reduce_sum3A_32 = arith.constant dense<0.000000e+00> : vector<128xf32>
    %reduce_sum3A_33 = vector.multi_reduction <add>, %square3A, %reduce_sum3A_32 [0] : vector<10000x128xf32> to vector<128xf32>
    %broadcast_in_dim3A_34 = vector.shape_cast %reduce_sum3A_33 : vector<128xf32> to vector<1x128xf32>
    %div3A_35 = arith.constant 1.000000e+04 : f32
    %div3A_36 = vector.broadcast %div3A_35 : f32 to vector<1x128xf32>
    %div3A_37 = arith.divf %broadcast_in_dim3A_34, %div3A_36 : vector<1x128xf32>
    %sub3A_38 = vector.broadcast %div3A_30 : vector<1x128xf32> to vector<10000x128xf32>
    %sub3A_39 = arith.subf %add3A_25, %sub3A_38 : vector<10000x128xf32>
    %add3A_40 = arith.constant 9.99999974E-6 : f32
    %add3A_41 = vector.broadcast %add3A_40 : f32 to vector<1x128xf32>
    %add3A_42 = arith.addf %div3A_37, %add3A_41 : vector<1x128xf32>
    %rsqrt3A = math.rsqrt %add3A_42 : vector<1x128xf32>
    %mul3A = vector.broadcast %rsqrt3A : vector<1x128xf32> to vector<10000x128xf32>
    %mul3A_43 = arith.mulf %sub3A_39, %mul3A : vector<10000x128xf32>
    %get3A_44 = arith.constant 0 : index
    %get3A_45 = arith.constant 0 : index
    %get3A_46 = vector.load %arg6[%get3A_44, %get3A_45] : memref<1x128xf32, #tpu.memory_space<vmem>>, vector<1x128xf32>
    %mul3A_47 = vector.broadcast %get3A_46 : vector<1x128xf32> to vector<10000x128xf32>
    %mul3A_48 = arith.mulf %mul3A_43, %mul3A_47 : vector<10000x128xf32>
    %get3A_49 = arith.constant 0 : index
    %get3A_50 = arith.constant 0 : index
    %get3A_51 = vector.load %arg7[%get3A_49, %get3A_50] : memref<1x128xf32, #tpu.memory_space<vmem>>, vector<1x128xf32>
    %add3A_52 = vector.broadcast %get3A_51 : vector<1x128xf32> to vector<10000x128xf32>
    %add3A_53 = arith.addf %mul3A_48, %add3A_52 : vector<10000x128xf32>
    %gt3A = arith.constant 0.000000e+00 : f32
    %gt3A_54 = vector.broadcast %gt3A : f32 to vector<10000x128xf32>
    %gt3A_55 = arith.cmpf ogt, %add3A_53, %gt3A_54 : vector<10000x128xf32>
    %min3A = arith.constant 0.000000e+00 : f32
    %min3A_56 = vector.broadcast %min3A : f32 to vector<10000x128xf32>
    %min3A_57 = arith.minimumf %add3A_53, %min3A_56 : vector<10000x128xf32>
    %exp3A = math.exp %min3A_57 : vector<10000x128xf32>
    %sub3A_58 = arith.constant 1.000000e+00 : f32
    %sub3A_59 = vector.broadcast %sub3A_58 : f32 to vector<10000x128xf32>
    %sub3A_60 = arith.subf %exp3A, %sub3A_59 : vector<10000x128xf32>
    %select_n3A = arith.select %gt3A_55, %add3A_53, %sub3A_60 : vector<10000x128xi1>, vector<10000x128xf32>
    %swap3A = arith.constant 0 : index
    %swap3A_61 = arith.constant 0 : index
    %swap3A_62 = vector.load %arg16[%swap3A, %swap3A_61] : memref<10008x128xf32, #tpu.memory_space<vmem>>, vector<10000x128xf32>
    tpu.vector_store %arg16[%swap3A, %swap3A_61], %select_n3A {strides = array<i32>} : memref<10008x128xf32, #tpu.memory_space<vmem>>, vector<10000x128xf32>,
    %broadcast_in_dim3A_63 = arith.constant 0.000000e+00 : f32
    %broadcast_in_dim3A_64 = vector.broadcast %broadcast_in_dim3A_63 : f32 to vector<8x128xf32>
    %swap3A_65 = arith.constant 10000 : index
    %swap3A_66 = arith.constant 0 : index
    %swap3A_67 = vector.load %arg16[%swap3A_65, %swap3A_66] : memref<10008x128xf32, #tpu.memory_space<vmem>>, vector<8x128xf32>
    tpu.vector_store %arg16[%swap3A_65, %swap3A_66], %broadcast_in_dim3A_64 {strides = array<i32>} : memref<10008x128xf32, #tpu.memory_space<vmem>>, vector<8x128xf32>,
    %get3A_68 = arith.constant 0 : index
    %get3A_69 = arith.constant 0 : index
    %get3A_70 = vector.load %arg9[%get3A_68, %get3A_69] : memref<16x10240xf32, #tpu.memory_space<vmem>>, vector<16x10240xf32>
    %reduce_sum3A_71 = arith.constant dense<0.000000e+00> : vector<10240xf32>
    %reduce_sum3A_72 = vector.multi_reduction <add>, %get3A_70, %reduce_sum3A_71 [0] : vector<16x10240xf32> to vector<10240xf32>
    %reshape3A_73 = vector.shape_cast %reduce_sum3A_72 : vector<10240xf32> to vector<10240x1xf32>
    %slice3A_74 = vector.extract_strided_slice %reshape3A_73 {offsets = [0, 0], sizes = [10000, 1], strides = [1, 1]} : vector<10240x1xf32> to vector<10000x1xf32>
    %max3A_75 = arith.constant 1.000000e+00 : f32
    %max3A_76 = vector.broadcast %max3A_75 : f32 to vector<10000x1xf32>
    %max3A_77 = arith.maximumf %slice3A_74, %max3A_76 : vector<10000x1xf32>
    %get3A_78 = arith.constant 0 : index
    %get3A_79 = arith.constant 0 : index
    %get3A_80 = vector.load %arg8[%get3A_78, %get3A_79] : memref<10240x128xf32, #tpu.memory_space<vmem>>, vector<10000x128xf32>
    %div3A_81 = vector.broadcast %max3A_77 : vector<10000x1xf32> to vector<10000x128xf32>
    %div3A_82 = arith.divf %get3A_80, %div3A_81 : vector<10000x128xf32>
    %get3A_83 = arith.constant 0 : index
    %get3A_84 = arith.constant 0 : index
    %get3A_85 = vector.load %arg11[%get3A_83, %get3A_84] : memref<128x128xf32, #tpu.memory_space<vmem>>, vector<128x128xf32>
    %dot_general3A_86 = arith.constant dense<0.000000e+00> : vector<10000x128xf32>
    %dot_general3A_87 = tpu.matmul %div3A_82, %get3A_85, %dot_general3A_86 {dimension_numbers = #tpu.dot_dimension_numbers<[1], [0], [0], [1], [0, 0, 1, 1], [], []>, transpose_lhs_hint = false} : vector<10000x128xf32>, vector<128x128xf32>, vector<10000x128xf32> -> vector<10000x128xf32>
    %get3A_88 = arith.constant 0 : index
    %get3A_89 = arith.constant 0 : index
    %get3A_90 = vector.load %arg12[%get3A_88, %get3A_89] : memref<1x128xf32, #tpu.memory_space<vmem>>, vector<1x128xf32>
    %add3A_91 = vector.broadcast %get3A_90 : vector<1x128xf32> to vector<10000x128xf32>
    %add3A_92 = arith.addf %dot_general3A_87, %add3A_91 : vector<10000x128xf32>
    %get3A_93 = arith.constant 0 : index
    %get3A_94 = arith.constant 0 : index
    %get3A_95 = vector.load %arg10[%get3A_93, %get3A_94] : memref<10000x128xf32, #tpu.memory_space<vmem>>, vector<10000x128xf32>
    %get3A_96 = arith.constant 0 : index
    %get3A_97 = arith.constant 0 : index
    %get3A_98 = vector.load %arg13[%get3A_96, %get3A_97] : memref<128x128xf32, #tpu.memory_space<vmem>>, vector<128x128xf32>
    %dot_general3A_99 = arith.constant dense<0.000000e+00> : vector<10000x128xf32>
    %dot_general3A_100 = tpu.matmul %get3A_95, %get3A_98, %dot_general3A_99 {dimension_numbers = #tpu.dot_dimension_numbers<[1], [0], [0], [1], [0, 0, 1, 1], [], []>, transpose_lhs_hint = false} : vector<10000x128xf32>, vector<128x128xf32>, vector<10000x128xf32> -> vector<10000x128xf32>
    %add3A_101 = arith.addf %add3A_92, %dot_general3A_100 : vector<10000x128xf32>
    %reduce_sum3A_102 = arith.constant dense<0.000000e+00> : vector<128xf32>
    %reduce_sum3A_103 = vector.multi_reduction <add>, %add3A_101, %reduce_sum3A_102 [0] : vector<10000x128xf32> to vector<128xf32>
    %broadcast_in_dim3A_104 = vector.shape_cast %reduce_sum3A_103 : vector<128xf32> to vector<1x128xf32>
    %div3A_105 = arith.constant 1.000000e+04 : f32
    %div3A_106 = vector.broadcast %div3A_105 : f32 to vector<1x128xf32>
    %div3A_107 = arith.divf %broadcast_in_dim3A_104, %div3A_106 : vector<1x128xf32>
    %sub3A_108 = vector.broadcast %div3A_107 : vector<1x128xf32> to vector<10000x128xf32>
    %sub3A_109 = arith.subf %add3A_101, %sub3A_108 : vector<10000x128xf32>
    %square3A_110 = arith.mulf %sub3A_109, %sub3A_109 : vector<10000x128xf32>
    %reduce_sum3A_111 = arith.constant dense<0.000000e+00> : vector<128xf32>
    %reduce_sum3A_112 = vector.multi_reduction <add>, %square3A_110, %reduce_sum3A_111 [0] : vector<10000x128xf32> to vector<128xf32>
    %broadcast_in_dim3A_113 = vector.shape_cast %reduce_sum3A_112 : vector<128xf32> to vector<1x128xf32>
    %div3A_114 = arith.constant 1.000000e+04 : f32
    %div3A_115 = vector.broadcast %div3A_114 : f32 to vector<1x128xf32>
    %div3A_116 = arith.divf %broadcast_in_dim3A_113, %div3A_115 : vector<1x128xf32>
    %sub3A_117 = vector.broadcast %div3A_107 : vector<1x128xf32> to vector<10000x128xf32>
    %sub3A_118 = arith.subf %add3A_101, %sub3A_117 : vector<10000x128xf32>
    %add3A_119 = arith.constant 9.99999974E-6 : f32
    %add3A_120 = vector.broadcast %add3A_119 : f32 to vector<1x128xf32>
    %add3A_121 = arith.addf %div3A_116, %add3A_120 : vector<1x128xf32>
    %rsqrt3A_122 = math.rsqrt %add3A_121 : vector<1x128xf32>
    %mul3A_123 = vector.broadcast %rsqrt3A_122 : vector<1x128xf32> to vector<10000x128xf32>
    %mul3A_124 = arith.mulf %sub3A_118, %mul3A_123 : vector<10000x128xf32>
    %get3A_125 = arith.constant 0 : index
    %get3A_126 = arith.constant 0 : index
    %get3A_127 = vector.load %arg14[%get3A_125, %get3A_126] : memref<1x128xf32, #tpu.memory_space<vmem>>, vector<1x128xf32>
    %mul3A_128 = vector.broadcast %get3A_127 : vector<1x128xf32> to vector<10000x128xf32>
    %mul3A_129 = arith.mulf %mul3A_124, %mul3A_128 : vector<10000x128xf32>
    %get3A_130 = arith.constant 0 : index
    %get3A_131 = arith.constant 0 : index
    %get3A_132 = vector.load %arg15[%get3A_130, %get3A_131] : memref<1x128xf32, #tpu.memory_space<vmem>>, vector<1x128xf32>
    %add3A_133 = vector.broadcast %get3A_132 : vector<1x128xf32> to vector<10000x128xf32>
    %add3A_134 = arith.addf %mul3A_129, %add3A_133 : vector<10000x128xf32>
    %gt3A_135 = arith.constant 0.000000e+00 : f32
    %gt3A_136 = vector.broadcast %gt3A_135 : f32 to vector<10000x128xf32>
    %gt3A_137 = arith.cmpf ogt, %add3A_134, %gt3A_136 : vector<10000x128xf32>
    %min3A_138 = arith.constant 0.000000e+00 : f32
    %min3A_139 = vector.broadcast %min3A_138 : f32 to vector<10000x128xf32>
    %min3A_140 = arith.minimumf %add3A_134, %min3A_139 : vector<10000x128xf32>
    %exp3A_141 = math.exp %min3A_140 : vector<10000x128xf32>
    %sub3A_142 = arith.constant 1.000000e+00 : f32
    %sub3A_143 = vector.broadcast %sub3A_142 : f32 to vector<10000x128xf32>
    %sub3A_144 = arith.subf %exp3A_141, %sub3A_143 : vector<10000x128xf32>
    %select_n3A_145 = arith.select %gt3A_137, %add3A_134, %sub3A_144 : vector<10000x128xi1>, vector<10000x128xf32>
    %swap3A_146 = arith.constant 0 : index
    %swap3A_147 = arith.constant 0 : index
    %swap3A_148 = vector.load %arg17[%swap3A_146, %swap3A_147] : memref<10008x128xf32, #tpu.memory_space<vmem>>, vector<10000x128xf32>
    tpu.vector_store %arg17[%swap3A_146, %swap3A_147], %select_n3A_145 {strides = array<i32>} : memref<10008x128xf32, #tpu.memory_space<vmem>>, vector<10000x128xf32>,
    %broadcast_in_dim3A_149 = arith.constant 0.000000e+00 : f32
    %broadcast_in_dim3A_150 = vector.broadcast %broadcast_in_dim3A_149 : f32 to vector<8x128xf32>
    %swap3A_151 = arith.constant 10000 : index
    %swap3A_152 = arith.constant 0 : index
    %swap3A_153 = vector.load %arg17[%swap3A_151, %swap3A_152] : memref<10008x128xf32, #tpu.memory_space<vmem>>, vector<8x128xf32>
    tpu.vector_store %arg17[%swap3A_151, %swap3A_152], %broadcast_in_dim3A_150 {strides = array<i32>} : memref<10008x128xf32, #tpu.memory_space<vmem>>, vector<8x128xf32>,
    return
  }
}

module attributes {stable_mosaic.version = 14 : i64} {
  func.func @body(%arg0: memref<10240x128xf32, #tpu.memory_space<vmem>>, %arg1: memref<16x10240xf32, #tpu.memory_space<vmem>>, %arg2: memref<10000x128xf32, #tpu.memory_space<vmem>>, %arg3: memref<128x128xf32, #tpu.memory_space<vmem>>, %arg4: memref<1x128xf32, #tpu.memory_space<vmem>>, %arg5: memref<128x128xf32, #tpu.memory_space<vmem>>, %arg6: memref<1x128xf32, #tpu.memory_space<vmem>>, %arg7: memref<1x128xf32, #tpu.memory_space<vmem>>, %arg8: memref<10240x128xf32, #tpu.memory_space<vmem>>, %arg9: memref<16x10240xf32, #tpu.memory_space<vmem>>, %arg10: memref<10000x128xf32, #tpu.memory_space<vmem>>, %arg11: memref<128x128xf32, #tpu.memory_space<vmem>>, %arg12: memref<1x128xf32, #tpu.memory_space<vmem>>, %arg13: memref<128x128xf32, #tpu.memory_space<vmem>>, %arg14: memref<1x128xf32, #tpu.memory_space<vmem>>, %arg15: memref<1x128xf32, #tpu.memory_space<vmem>>, %arg16: memref<10000x128xf32, #tpu.memory_space<vmem>>, %arg17: memref<10000x128xf32, #tpu.memory_space<vmem>>) attributes {dimension_semantics = [], scalar_prefetch = 0 : i64, scratch_operands = 0 : i64, tpu.core_type = #tpu.core_type<tc>} {
    %get3A = arith.constant 0 : index
    %get3A_0 = arith.constant 0 : index
    %get3A_1 = vector.load %arg1[%get3A, %get3A_0] : memref<16x10240xf32, #tpu.memory_space<vmem>>, vector<16x10240xf32>
    %reduce_sum3A = arith.constant dense<0.000000e+00> : vector<10240xf32>
    %reduce_sum3A_2 = vector.multi_reduction <add>, %get3A_1, %reduce_sum3A [0] : vector<16x10240xf32> to vector<10240xf32>
    %reshape3A = vector.shape_cast %reduce_sum3A_2 : vector<10240xf32> to vector<10240x1xf32>
    %slice3A = vector.extract_strided_slice %reshape3A {offsets = [0, 0], sizes = [10000, 1], strides = [1, 1]} : vector<10240x1xf32> to vector<10000x1xf32>
    %max3A = arith.constant 1.000000e+00 : f32
    %max3A_3 = vector.broadcast %max3A : f32 to vector<10000x1xf32>
    %max3A_4 = arith.maximumf %slice3A, %max3A_3 : vector<10000x1xf32>
    %get3A_5 = arith.constant 0 : index
    %get3A_6 = arith.constant 0 : index
    %get3A_7 = vector.load %arg0[%get3A_5, %get3A_6] : memref<10240x128xf32, #tpu.memory_space<vmem>>, vector<10000x128xf32>
    %div3A = vector.broadcast %max3A_4 : vector<10000x1xf32> to vector<10000x128xf32>
    %div3A_8 = arith.divf %get3A_7, %div3A : vector<10000x128xf32>
    %get3A_9 = arith.constant 0 : index
    %get3A_10 = arith.constant 0 : index
    %get3A_11 = vector.load %arg3[%get3A_9, %get3A_10] : memref<128x128xf32, #tpu.memory_space<vmem>>, vector<128x128xf32>
    %dot_general3A = arith.constant dense<0.000000e+00> : vector<10000x128xf32>
    %dot_general3A_12 = tpu.matmul %div3A_8, %get3A_11, %dot_general3A {dimension_numbers = #tpu.dot_dimension_numbers<[1], [0], [0], [1], [0, 0, 1, 1], [], []>, transpose_lhs_hint = false} : vector<10000x128xf32>, vector<128x128xf32>, vector<10000x128xf32> -> vector<10000x128xf32>
    %get3A_13 = arith.constant 0 : index
    %get3A_14 = arith.constant 0 : index
    %get3A_15 = vector.load %arg4[%get3A_13, %get3A_14] : memref<1x128xf32, #tpu.memory_space<vmem>>, vector<1x128xf32>
    %add3A = vector.broadcast %get3A_15 : vector<1x128xf32> to vector<10000x128xf32>
    %add3A_16 = arith.addf %dot_general3A_12, %add3A : vector<10000x128xf32>
    %get3A_17 = arith.constant 0 : index
    %get3A_18 = arith.constant 0 : index
    %get3A_19 = vector.load %arg2[%get3A_17, %get3A_18] : memref<10000x128xf32, #tpu.memory_space<vmem>>, vector<10000x128xf32>
    %get3A_20 = arith.constant 0 : index
    %get3A_21 = arith.constant 0 : index
    %get3A_22 = vector.load %arg5[%get3A_20, %get3A_21] : memref<128x128xf32, #tpu.memory_space<vmem>>, vector<128x128xf32>
    %dot_general3A_23 = arith.constant dense<0.000000e+00> : vector<10000x128xf32>
    %dot_general3A_24 = tpu.matmul %get3A_19, %get3A_22, %dot_general3A_23 {dimension_numbers = #tpu.dot_dimension_numbers<[1], [0], [0], [1], [0, 0, 1, 1], [], []>, transpose_lhs_hint = false} : vector<10000x128xf32>, vector<128x128xf32>, vector<10000x128xf32> -> vector<10000x128xf32>
    %add3A_25 = arith.addf %add3A_16, %dot_general3A_24 : vector<10000x128xf32>
    %reduce_sum3A_26 = arith.constant dense<0.000000e+00> : vector<128xf32>
    %reduce_sum3A_27 = vector.multi_reduction <add>, %add3A_25, %reduce_sum3A_26 [0] : vector<10000x128xf32> to vector<128xf32>
    %broadcast_in_dim3A = vector.shape_cast %reduce_sum3A_27 : vector<128xf32> to vector<1x128xf32>
    %div3A_28 = arith.constant 1.000000e+04 : f32
    %div3A_29 = vector.broadcast %div3A_28 : f32 to vector<1x128xf32>
    %div3A_30 = arith.divf %broadcast_in_dim3A, %div3A_29 : vector<1x128xf32>
    %sub3A = vector.broadcast %div3A_30 : vector<1x128xf32> to vector<10000x128xf32>
    %sub3A_31 = arith.subf %add3A_25, %sub3A : vector<10000x128xf32>
    %square3A = arith.mulf %sub3A_31, %sub3A_31 : vector<10000x128xf32>
    %reduce_sum3A_32 = arith.constant dense<0.000000e+00> : vector<128xf32>
    %reduce_sum3A_33 = vector.multi_reduction <add>, %square3A, %reduce_sum3A_32 [0] : vector<10000x128xf32> to vector<128xf32>
    %broadcast_in_dim3A_34 = vector.shape_cast %reduce_sum3A_33 : vector<128xf32> to vector<1x128xf32>
    %div3A_35 = arith.constant 1.000000e+04 : f32
    %div3A_36 = vector.broadcast %div3A_35 : f32 to vector<1x128xf32>
    %div3A_37 = arith.divf %broadcast_in_dim3A_34, %div3A_36 : vector<1x128xf32>
    %sub3A_38 = vector.broadcast %div3A_30 : vector<1x128xf32> to vector<10000x128xf32>
    %sub3A_39 = arith.subf %add3A_25, %sub3A_38 : vector<10000x128xf32>
    %add3A_40 = arith.constant 9.99999974E-6 : f32
    %add3A_41 = vector.broadcast %add3A_40 : f32 to vector<1x128xf32>
    %add3A_42 = arith.addf %div3A_37, %add3A_41 : vector<1x128xf32>
    %rsqrt3A = math.rsqrt %add3A_42 : vector<1x128xf32>
    %mul3A = vector.broadcast %rsqrt3A : vector<1x128xf32> to vector<10000x128xf32>
    %mul3A_43 = arith.mulf %sub3A_39, %mul3A : vector<10000x128xf32>
    %get3A_44 = arith.constant 0 : index
    %get3A_45 = arith.constant 0 : index
    %get3A_46 = vector.load %arg6[%get3A_44, %get3A_45] : memref<1x128xf32, #tpu.memory_space<vmem>>, vector<1x128xf32>
    %mul3A_47 = vector.broadcast %get3A_46 : vector<1x128xf32> to vector<10000x128xf32>
    %mul3A_48 = arith.mulf %mul3A_43, %mul3A_47 : vector<10000x128xf32>
    %get3A_49 = arith.constant 0 : index
    %get3A_50 = arith.constant 0 : index
    %get3A_51 = vector.load %arg7[%get3A_49, %get3A_50] : memref<1x128xf32, #tpu.memory_space<vmem>>, vector<1x128xf32>
    %add3A_52 = vector.broadcast %get3A_51 : vector<1x128xf32> to vector<10000x128xf32>
    %add3A_53 = arith.addf %mul3A_48, %add3A_52 : vector<10000x128xf32>
    %gt3A = arith.constant 0.000000e+00 : f32
    %gt3A_54 = vector.broadcast %gt3A : f32 to vector<10000x128xf32>
    %gt3A_55 = arith.cmpf ogt, %add3A_53, %gt3A_54 : vector<10000x128xf32>
    %min3A = arith.constant 0.000000e+00 : f32
    %min3A_56 = vector.broadcast %min3A : f32 to vector<10000x128xf32>
    %min3A_57 = arith.minimumf %add3A_53, %min3A_56 : vector<10000x128xf32>
    %exp3A = math.exp %min3A_57 : vector<10000x128xf32>
    %sub3A_58 = arith.constant 1.000000e+00 : f32
    %sub3A_59 = vector.broadcast %sub3A_58 : f32 to vector<10000x128xf32>
    %sub3A_60 = arith.subf %exp3A, %sub3A_59 : vector<10000x128xf32>
    %select_n3A = arith.select %gt3A_55, %add3A_53, %sub3A_60 : vector<10000x128xi1>, vector<10000x128xf32>
    %swap3A = arith.constant 0 : index
    %swap3A_61 = arith.constant 0 : index
    %swap3A_62 = vector.load %arg16[%swap3A, %swap3A_61] : memref<10000x128xf32, #tpu.memory_space<vmem>>, vector<10000x128xf32>
    tpu.vector_store %arg16[%swap3A, %swap3A_61], %select_n3A {strides = array<i32>} : memref<10000x128xf32, #tpu.memory_space<vmem>>, vector<10000x128xf32>,
    %get3A_63 = arith.constant 0 : index
    %get3A_64 = arith.constant 0 : index
    %get3A_65 = vector.load %arg9[%get3A_63, %get3A_64] : memref<16x10240xf32, #tpu.memory_space<vmem>>, vector<16x10240xf32>
    %reduce_sum3A_66 = arith.constant dense<0.000000e+00> : vector<10240xf32>
    %reduce_sum3A_67 = vector.multi_reduction <add>, %get3A_65, %reduce_sum3A_66 [0] : vector<16x10240xf32> to vector<10240xf32>
    %reshape3A_68 = vector.shape_cast %reduce_sum3A_67 : vector<10240xf32> to vector<10240x1xf32>
    %slice3A_69 = vector.extract_strided_slice %reshape3A_68 {offsets = [0, 0], sizes = [10000, 1], strides = [1, 1]} : vector<10240x1xf32> to vector<10000x1xf32>
    %max3A_70 = arith.constant 1.000000e+00 : f32
    %max3A_71 = vector.broadcast %max3A_70 : f32 to vector<10000x1xf32>
    %max3A_72 = arith.maximumf %slice3A_69, %max3A_71 : vector<10000x1xf32>
    %get3A_73 = arith.constant 0 : index
    %get3A_74 = arith.constant 0 : index
    %get3A_75 = vector.load %arg8[%get3A_73, %get3A_74] : memref<10240x128xf32, #tpu.memory_space<vmem>>, vector<10000x128xf32>
    %div3A_76 = vector.broadcast %max3A_72 : vector<10000x1xf32> to vector<10000x128xf32>
    %div3A_77 = arith.divf %get3A_75, %div3A_76 : vector<10000x128xf32>
    %get3A_78 = arith.constant 0 : index
    %get3A_79 = arith.constant 0 : index
    %get3A_80 = vector.load %arg11[%get3A_78, %get3A_79] : memref<128x128xf32, #tpu.memory_space<vmem>>, vector<128x128xf32>
    %dot_general3A_81 = arith.constant dense<0.000000e+00> : vector<10000x128xf32>
    %dot_general3A_82 = tpu.matmul %div3A_77, %get3A_80, %dot_general3A_81 {dimension_numbers = #tpu.dot_dimension_numbers<[1], [0], [0], [1], [0, 0, 1, 1], [], []>, transpose_lhs_hint = false} : vector<10000x128xf32>, vector<128x128xf32>, vector<10000x128xf32> -> vector<10000x128xf32>
    %get3A_83 = arith.constant 0 : index
    %get3A_84 = arith.constant 0 : index
    %get3A_85 = vector.load %arg12[%get3A_83, %get3A_84] : memref<1x128xf32, #tpu.memory_space<vmem>>, vector<1x128xf32>
    %add3A_86 = vector.broadcast %get3A_85 : vector<1x128xf32> to vector<10000x128xf32>
    %add3A_87 = arith.addf %dot_general3A_82, %add3A_86 : vector<10000x128xf32>
    %get3A_88 = arith.constant 0 : index
    %get3A_89 = arith.constant 0 : index
    %get3A_90 = vector.load %arg10[%get3A_88, %get3A_89] : memref<10000x128xf32, #tpu.memory_space<vmem>>, vector<10000x128xf32>
    %get3A_91 = arith.constant 0 : index
    %get3A_92 = arith.constant 0 : index
    %get3A_93 = vector.load %arg13[%get3A_91, %get3A_92] : memref<128x128xf32, #tpu.memory_space<vmem>>, vector<128x128xf32>
    %dot_general3A_94 = arith.constant dense<0.000000e+00> : vector<10000x128xf32>
    %dot_general3A_95 = tpu.matmul %get3A_90, %get3A_93, %dot_general3A_94 {dimension_numbers = #tpu.dot_dimension_numbers<[1], [0], [0], [1], [0, 0, 1, 1], [], []>, transpose_lhs_hint = false} : vector<10000x128xf32>, vector<128x128xf32>, vector<10000x128xf32> -> vector<10000x128xf32>
    %add3A_96 = arith.addf %add3A_87, %dot_general3A_95 : vector<10000x128xf32>
    %reduce_sum3A_97 = arith.constant dense<0.000000e+00> : vector<128xf32>
    %reduce_sum3A_98 = vector.multi_reduction <add>, %add3A_96, %reduce_sum3A_97 [0] : vector<10000x128xf32> to vector<128xf32>
    %broadcast_in_dim3A_99 = vector.shape_cast %reduce_sum3A_98 : vector<128xf32> to vector<1x128xf32>
    %div3A_100 = arith.constant 1.000000e+04 : f32
    %div3A_101 = vector.broadcast %div3A_100 : f32 to vector<1x128xf32>
    %div3A_102 = arith.divf %broadcast_in_dim3A_99, %div3A_101 : vector<1x128xf32>
    %sub3A_103 = vector.broadcast %div3A_102 : vector<1x128xf32> to vector<10000x128xf32>
    %sub3A_104 = arith.subf %add3A_96, %sub3A_103 : vector<10000x128xf32>
    %square3A_105 = arith.mulf %sub3A_104, %sub3A_104 : vector<10000x128xf32>
    %reduce_sum3A_106 = arith.constant dense<0.000000e+00> : vector<128xf32>
    %reduce_sum3A_107 = vector.multi_reduction <add>, %square3A_105, %reduce_sum3A_106 [0] : vector<10000x128xf32> to vector<128xf32>
    %broadcast_in_dim3A_108 = vector.shape_cast %reduce_sum3A_107 : vector<128xf32> to vector<1x128xf32>
    %div3A_109 = arith.constant 1.000000e+04 : f32
    %div3A_110 = vector.broadcast %div3A_109 : f32 to vector<1x128xf32>
    %div3A_111 = arith.divf %broadcast_in_dim3A_108, %div3A_110 : vector<1x128xf32>
    %sub3A_112 = vector.broadcast %div3A_102 : vector<1x128xf32> to vector<10000x128xf32>
    %sub3A_113 = arith.subf %add3A_96, %sub3A_112 : vector<10000x128xf32>
    %add3A_114 = arith.constant 9.99999974E-6 : f32
    %add3A_115 = vector.broadcast %add3A_114 : f32 to vector<1x128xf32>
    %add3A_116 = arith.addf %div3A_111, %add3A_115 : vector<1x128xf32>
    %rsqrt3A_117 = math.rsqrt %add3A_116 : vector<1x128xf32>
    %mul3A_118 = vector.broadcast %rsqrt3A_117 : vector<1x128xf32> to vector<10000x128xf32>
    %mul3A_119 = arith.mulf %sub3A_113, %mul3A_118 : vector<10000x128xf32>
    %get3A_120 = arith.constant 0 : index
    %get3A_121 = arith.constant 0 : index
    %get3A_122 = vector.load %arg14[%get3A_120, %get3A_121] : memref<1x128xf32, #tpu.memory_space<vmem>>, vector<1x128xf32>
    %mul3A_123 = vector.broadcast %get3A_122 : vector<1x128xf32> to vector<10000x128xf32>
    %mul3A_124 = arith.mulf %mul3A_119, %mul3A_123 : vector<10000x128xf32>
    %get3A_125 = arith.constant 0 : index
    %get3A_126 = arith.constant 0 : index
    %get3A_127 = vector.load %arg15[%get3A_125, %get3A_126] : memref<1x128xf32, #tpu.memory_space<vmem>>, vector<1x128xf32>
    %add3A_128 = vector.broadcast %get3A_127 : vector<1x128xf32> to vector<10000x128xf32>
    %add3A_129 = arith.addf %mul3A_124, %add3A_128 : vector<10000x128xf32>
    %gt3A_130 = arith.constant 0.000000e+00 : f32
    %gt3A_131 = vector.broadcast %gt3A_130 : f32 to vector<10000x128xf32>
    %gt3A_132 = arith.cmpf ogt, %add3A_129, %gt3A_131 : vector<10000x128xf32>
    %min3A_133 = arith.constant 0.000000e+00 : f32
    %min3A_134 = vector.broadcast %min3A_133 : f32 to vector<10000x128xf32>
    %min3A_135 = arith.minimumf %add3A_129, %min3A_134 : vector<10000x128xf32>
    %exp3A_136 = math.exp %min3A_135 : vector<10000x128xf32>
    %sub3A_137 = arith.constant 1.000000e+00 : f32
    %sub3A_138 = vector.broadcast %sub3A_137 : f32 to vector<10000x128xf32>
    %sub3A_139 = arith.subf %exp3A_136, %sub3A_138 : vector<10000x128xf32>
    %select_n3A_140 = arith.select %gt3A_132, %add3A_129, %sub3A_139 : vector<10000x128xi1>, vector<10000x128xf32>
    %swap3A_141 = arith.constant 0 : index
    %swap3A_142 = arith.constant 0 : index
    %swap3A_143 = vector.load %arg17[%swap3A_141, %swap3A_142] : memref<10000x128xf32, #tpu.memory_space<vmem>>, vector<10000x128xf32>
    tpu.vector_store %arg17[%swap3A_141, %swap3A_142], %select_n3A_140 {strides = array<i32>} : memref<10000x128xf32, #tpu.memory_space<vmem>>, vector<10000x128xf32>,
    return
  }
}

</mosaic_0001>

<sc_bundles>
// kernel: kernel.6.cloned.1.call-start
scs
__scs_entry_jumppad:
0x0: {  	(pc) =	sbr.rel $0x88, $3  }
0x1: {  	(tag) =	ssettag $0x0;
	lr =	simm.s32 $0x1  }
0x2: {  	[smem:$0x3F89] =	sst lr;
	_ =	strace $0xD0000000  }
0x3: {  	_ = 	snop  }
0x4: {  	_ = 	snop  }
0x5: {  	_ = 	snop  }
0x6: {  	_ = 	snop  }
0x7: {  	_ = 	snop  }
__scs_overlays_trampoline_lowered:
0x8: {  	[smem:$0x3F98] =	sst s0  }
0x9: {  	[smem:$0x3F99] =	sst s1  }
0xa: {  	[smem:$0x3F9A] =	sst s2  }
0xb: {  	[smem:$0x3F9B] =	sst s3  }
0xc: {  	[smem:$0x3F9C] =	sst s4  }
0xd: {  	[smem:$0x3F9D] =	sst s5  }
0xe: {  	[smem:$0x3F9E] =	sst s6  }
0xf: {  	[smem:$0x3F9F] =	sst s7  }
0x10: {  	[smem:$0x3FA0] =	sst s8  }
0x11: {  	[smem:$0x3FA1] =	sst s9;
	s0 =	simm.s32 @!p0 $0x0  }
0x12: {  	s1 =	sld [smem:$0x3F87];
	s0 =	simm.s32 @p0 $0x1  }
0x13: {  	[smem:$0x3FA2] =	sst s0;
	s0 =	simm.s32 @!p1 $0x0  }
0x14: {  	s2 =	sld [smem:$0x3F86];
	s0 =	simm.s32 @p1 $0x1  }
0x15: {  	[smem:$0x3FA3] =	sst s0;
	s0 =	simm.s32 @!p2 $0x0  }
0x16: {  	s3 =	sld [smem:$0x3FDB];
	s0 =	simm.s32 @p2 $0x1  }
0x17: {  	s4 =	simm.s32 $0x1BF5;
	[smem:$0x3FA5] =	sst s0  }
0x18: {  	s0 =	sld [smem:$0x3F88];
	_ =	swait.ge [sflag:s4], $0x0  }
0x19: {  	s7 =	sld [smem:$0x3F89]  }
0x1a: {  	s8 =	sadd.s32 $0xFFFFE003, lr  }
0x1b: {  	s9 =	sadd.s32 $0xFFFFFEF7, lr;
	s5 =	simm.s32 $0xFFFFFFFF;
	p2 =	slt.u32 s8, $0xFFFFF086  }
0x1c: {  	p1 =	slt.u32 s9, $0xF7A;
	s5 =	simm.s32 @!p2 $0x0  }
0x1d: {  	s5 =	simm.s32 @p1 $0x1;
	p0 =	seq.s32 s7, s2  }
0x1e: {  	s7 =	smul.u32 @!p0 $0xF7A, s2;
	p2 =	seq.s32 @!p0 s5, $0x0  }
0x1f: {  	s9 =	smul.u32 $0xF7A, s1;
	s8 =	simm.s32 @!p0 $0x1BF5;
	p2 =	por !p2, p0  }
0x20: {  	[sflag:s8] =	ssyncset.s32 @!p0 $0xFFFFF086;
	s6 =	sadd.s32 @!p0 s3, s7;
	s7 =	simm.s32 @!p0 $0x108  }
0x21: {  	s3 =	sadd.s32 s3, s9;
	s6 =	sadd.s32 @!p0 $0x88, s6;
	s7 =	simm.s32 @p2 $0x1082  }
0x22: {  	[simem:s7], [sflag:s8] =	dma.local @!p0 [hbm:s6], $0xF7A  }
0x23: {  	s9 =	sor.u32 $0xD0000000, s2;
	s6 =	simm.s32 $0x108;
	_ =	swait.ge @!p0 [sflag:s8], $0x0  }
0x24: {  	s3 =	sadd.s32 $0x88, s3;
	s6 =	simm.s32 @!p1 $0x1082;
	[sflag:s4] =	ssyncset.s32 $0xFFFFF086  }
0x25: {  	[simem:s6], [sflag:s4] =	dma.local [hbm:s3], $0xF7A  }
0x26: {  	[smem:$0x3F89] =	sst s1;
	(tag) =	ssettag s2;
	_ =	strace s9  }
0x27: {  	s1 =	sld [smem:$0x3F99]  }
0x28: {  	s2 =	sld [smem:$0x3F9A]  }
0x29: {  	s4 =	sld [smem:$0x3F9C]  }
0x2a: {  	p0 =	seq.s32 s5, $0x0;
	s5 =	sld [smem:$0x3F9D]  }
0x2b: {  	s6 =	sld [smem:$0x3F9E]  }
0x2c: {  	s7 =	sld [smem:$0x3F9F]  }
0x2d: {  	s3 =	simm.s32 $0x108;
	s8 =	sld [smem:$0x3FA0]  }
0x2e: {  	s3 =	simm.s32 @!p0 $0x1082;
	s9 =	sld [smem:$0x3FA1]  }
0x2f: {  	lr =	sadd.s32 s0, s3;
	s0 =	sld [smem:$0x3F98]  }
0x30: {  	s3 =	sld [smem:$0x3F9B]  }
0x31: {  	[smem:$0x3FA4] =	sst s10  }
0x32: {  	s10 =	sld [smem:$0x3FA2];
	_ =	sdelay $0x3  }
0x33: {  	p0 =	seq.s32 s10, $0x1;
	s10 =	sld [smem:$0x3FA4];
	_ =	sdelay $0x3  }
0x34: {  	[smem:$0x3FA4] =	sst s10  }
0x35: {  	s10 =	sld [smem:$0x3FA3];
	_ =	sdelay $0x3  }
0x36: {  	p1 =	seq.s32 s10, $0x1;
	s10 =	sld [smem:$0x3FA4];
	_ =	sdelay $0x3  }
0x37: {  	[smem:$0x3FA4] =	sst s10  }
0x38: {  	s10 =	sld [smem:$0x3FA5]  }
0x39: {  	_ = 	snop;
	(pc) =	sbr.ind lr, $3  }
0x3a: {  	_ = 	snop  }
0x3b: {  	_ = 	snop  }
0x3c: {  	p2 =	seq.s32 s10, $0x1;
	s10 =	sld [smem:$0x3FA4]  }
0x3d: {  	_ =	shalt  }
0x3e: {  	_ =	shalt  }
0x3f: {  	_ =	shalt  }
0x40: {  	_ =	shalt  }
0x41: {  	_ =	shalt  }
0x42: {  	_ =	shalt  }
0x43: {  	_ =	shalt  }
0x44: {  	_ =	shalt  }
0x45: {  	_ =	shalt  }
0x46: {  	_ =	shalt  }
0x47: {  	_ =	shalt  }
0x48: {  	_ =	shalt  }
0x49: {  	_ =	shalt  }
0x4a: {  	_ =	shalt  }
0x4b: {  	_ =	shalt  }
0x4c: {  	_ =	shalt  }
0x4d: {  	_ =	shalt  }
0x4e: {  	_ =	shalt  }
0x4f: {  	_ =	shalt  }
0x50: {  	_ =	shalt  }
0x51: {  	_ =	shalt  }
0x52: {  	_ =	shalt  }
0x53: {  	_ =	shalt  }
0x54: {  	_ =	shalt  }
0x55: {  	_ =	shalt  }
0x56: {  	_ =	shalt  }
0x57: {  	_ =	shalt  }
0x58: {  	_ =	shalt  }
0x59: {  	_ =	shalt  }
0x5a: {  	_ =	shalt  }
0x5b: {  	_ =	shalt  }
0x5c: {  	_ =	shalt  }
0x5d: {  	_ =	shalt  }
0x5e: {  	_ =	shalt  }
0x5f: {  	_ =	shalt  }
0x60: {  	_ =	shalt  }
0x61: {  	_ =	shalt  }
0x62: {  	_ =	shalt  }
0x63: {  	_ =	shalt  }
0x64: {  	_ =	shalt  }
0x65: {  	_ =	shalt  }
0x66: {  	_ =	shalt  }
0x67: {  	_ =	shalt  }
0x68: {  	_ =	shalt  }
0x69: {  	_ =	shalt  }
0x6a: {  	_ =	shalt  }
0x6b: {  	_ =	shalt  }
0x6c: {  	_ =	shalt  }
0x6d: {  	_ =	shalt  }
0x6e: {  	_ =	shalt  }
0x6f: {  	_ =	shalt  }
0x70: {  	_ =	shalt  }
0x71: {  	_ =	shalt  }
0x72: {  	_ =	shalt  }
0x73: {  	_ =	shalt  }
0x74: {  	_ =	shalt  }
0x75: {  	_ =	shalt  }
0x76: {  	_ =	shalt  }
0x77: {  	_ =	shalt  }
0x78: {  	_ =	shalt  }
0x79: {  	_ =	shalt  }
0x7a: {  	_ =	shalt  }
0x7b: {  	_ =	shalt  }
0x7c: {  	_ =	shalt  }
0x7d: {  	_ =	shalt  }
0x7e: {  	_ =	shalt  }
0x7f: {  	_ =	shalt  }
0x80: {  	_ =	shalt  }
0x81: {  	_ =	shalt  }
0x82: {  	_ =	shalt  }
0x83: {  	_ =	shalt  }
0x84: {  	_ =	shalt  }
0x85: {  	_ =	shalt  }
0x86: {  	_ =	shalt  }
0x87: {  	_ =	shalt  }
.Lfunc_end0:
.L_simem_size_0:
called_computation_lowered:
.L_overlay_start_0:
0x88: {  	s2 =	sld [smem:$0x3FD9]  }
0x89: {  	s3 =	sld [smem:$0x3FFE];
	_ =	sdelay $0x1  }
0x8a: {  	s1 =	srdreg.scid  }
0x8b: {  	s0 =	sand.u32 $0x1, s1  }
0x8c: {  	s14 =	sshll.u32 s0, $0xA;
	s2 =	sadd.s32 s3, s2  }
0x8d: {  	s2 =	sadd.s32 s2, s14  }
0x8e: {  	[smem:$0x3FB0] =	sst s2  }
0x8f: {  	_ = 	snop  }
0x90: {  	s2 =	sld [smem:$0x3FD0];
	_ =	sdelay $0x2  }
0x91: {  	s15 =	simm.s32 $0xA;
	s4 =	simm.s32 $0x10  }
0x92: {  	[smem:s4], [sflag:s15] =	dma.local [hbm:s2], $0x1  }
0x93: {  	_ =	swait.eq [sflag:s15], $0x1  }
0x94: {  	s16 =	sld [smem:$0x10]  }
0x95: {  	s17 =	sld [smem:$0x11];
	[sflag:s15] =	ssyncset.done $0x0  }
0x96: {  	s5 =	sld [smem:$0x14];
	[sflag:s15] =	ssyncadd.s32 $0xFFFFFFFF  }
0x97: {  	s18 =	sld [smem:$0x15];
	(tm) =	ssettm $0x1  }
0x98: {  	s6 =	sld [smem:$0x3FFB];
	_ =	sdelay $0x3  }
0x99: {  	_ =	strace s6  }
0x9a: {  	s6 =	sld [smem:$0x3FFC];
	_ =	sdelay $0x3  }
0x9b: {  	_ =	strace s6  }
0x9c: {  	s6 =	sld [smem:$0x3FFD];
	_ =	sdelay $0x3  }
0x9d: {  	_ =	strace s6  }
0x9e: {  	_ =	strace $0x8FFFFFFF  }
0x9f: {  	s19 =	sld [smem:$0x3FDB];
	_ =	sdelay $0x1  }
0xa0: {  	s7 =	simm.s32 $_scs_section_size  }
0xa1: {  	s8 =	simm.s32 $_size__tile_overlayer_lowered;
	s9 =	simm.s32 $_tile_overlayer_lowered  }
0xa2: {  	s22 =	simm.s32 $0x1BFF;
	s21 =	sshll.u32 s9, $0x1;
	s6 =	sadd.s32 s7, s19  }
0xa3: {  	s10 =	simm.s32 $0x0;
	s20 =	sshll.u32 s8, $0x1;
	s8 =	sadd.s32 s21, s6  }
0xa4: {  	[timem:s10], [sflag:s22] =	dma.local [hbm:s8], s20  }
0xa5: {  	_ =	swait.ge [sflag:s22], s20  }
0xa6: {  	s7 =	ssub.s32 $0x0, s20;
	[sflag:s22] =	ssyncset.done $0x0  }
0xa7: {  	[sflag:s22] =	ssyncadd.s32 s7;
	_ =	sdelay $0x1  }
0xa8: {  	s23 =	simm.s32 $0x1B8B  }
0xa9: {  	_ =	swait.ge [sflag:s23], $0x1  }
0xaa: {  	[sflag:s23] =	ssyncset.done $0x0  }
0xab: {  	s25 =	simm.s32 $0x1B8E;
	s24 =	sld [smem:$0x3FFE];
	[sflag:s23] =	ssyncadd.s32 $0xFFFFFFFF  }
0xac: {  	s26 =	simm.s32 $execute0_lowered;
	[smem:$0x3FD2] =	sst s25  }
0xad: {  	s8 =	sshll.u32 s26, $0x1;
	_ =	strace $0x80000046;
	[dreg:$0x1] =	wrdreg $0xFFFFFFFF  }
0xae: {  	s28 =	simm.s32 $_size_execute0_lowered;
	s6 =	sadd.s32 s6, s8;
	[dreg:$0x0] =	wrdreg $0x0  }
0xaf: {  	s8 =	sshll.u32 s28, $0x1;
	[dreg:$0x2] =	wrdreg s6  }
0xb0: {  	[dreg:$0x3] =	wrdreg s8  }
0xb1: {  	[dreg:$0x4] =	wrdreg $0xC0  }
0xb2: {  	_ =	task [dreg:s10], $0x5FFFF  }
0xb3: {  	[dreg:$0x1] =	wrdreg $0xFFFFFFFF  }
0xb4: {  	[dreg:$0x0] =	wrdreg $0x60  }
0xb5: {  	[dreg:$0x2] =	wrdreg s24  }
0xb6: {  	[dreg:$0x3] =	wrdreg s5  }
0xb7: {  	[dreg:$0x4] =	wrdreg s18  }
0xb8: {  	[dreg:$0x5] =	wrdreg s17  }
0xb9: {  	[dreg:$0x6] =	wrdreg s16  }
0xba: {  	[dreg:$0x7] =	wrdreg $0x0  }
0xbb: {  	[dreg:$0x8] =	wrdreg $0x9  }
0xbc: {  	_ =	task.clear_ibuf [dreg:s10], $0x9FFFF;
	_ =	strace $0x90000046  }
0xbd: {  	s29 =	simm.s32 $0x9;
	_ =	strace $0x80000048  }
0xbe: {  	_ =	swait.ge [sflag:s29], $0x1  }
0xbf: {  	[sflag:s29] =	ssyncadd.s32 $0xFFFFFFFF  }
0xc0: {  	_ =	strace $0x90000048  }
0xc1: {  	_ =	sfence  }
0xc2: {  	s30 =	sld [smem:$0x0];
	_ =	sdelay $0x2  }
0xc3: {  	s31 =	sshll.u32 s1, $0xD;
	s1 =	sshrl.u32 s1, $0x2  }
0xc4: {  	s3 =	sand.u32 $0x4000, s31;
	s1 =	sadd.s32 s1, s30  }
0xc5: {  	s0 =	sor.u32 s3, s0;
	s1 =	sshll.u32 s1, $0x11  }
0xc6: {  	s0 =	sor.u32 s1, s0  }
0xc7: {  	s0 =	sadd.s32 $0x8F2B, s0  }
0xc8: {  	[sflag:s0] =	ssyncadd.remote.s32 $0x1  }
0xc9: {  	_ =	sfence.sel $0xFFFF  }
0xca: {  	[dreg:$0x0] =	wrdreg $0xFFFFFFFF;
	(pc) =	sbr.abs _section_cstart, $3  }
0xcb: {  	[dreg:$0x1] =	wrdreg $0xFFFFFFFF  }
0xcc: {  	_ =	task.clear_ibuf [dreg:s10], $0x2FFFF;
	_ =	strace $0x9FFFFFFF  }
0xcd: {  	(tm) =	ssettm $0x7FFFFFFF  }
tec
execute0_lowered:
.L_overlay_start_1:
0x0: {  	(tag) =	ssettag $0x1  }
0x1: {  	s0 =	rddreg [dreg:$0x0]  }
0x2: {  	s3 =	rddreg [dreg:$0x1]  }
0x3: {  	s6 =	rddreg [dreg:$0x2]  }
0x4: {  	s7 =	rddreg [dreg:$0x3]  }
0x5: {  	s8 =	rddreg [dreg:$0x4]  }
0x6: {  	s1 =	rddreg [dreg:$0x5]  }
0x7: {  	s2 =	simm.s32 $0x0;
	s9 =	srdreg.scid;
	s23 =	stileid.u32  }
0x8: {  	s30 =	simm.s32 $0x5;
	s28 =	simm.s32 $0x0;
	[smem:$0x7FF] =	sst s2  }
0x9: {  	s4 =	sadd.s32 $0x5400, s0;
	s5 =	sadd.s32 $0x2C600, s0;
	s9 =	sand.u32 $0x1, s9  }
0xa: {  	s10 =	sadd.s32 $0x53800, s0;
	s12 =	smul.u32 $0x280, s23;
	s11 =	sadd.s32 $0x7B800, s0  }
0xb: {  	s13 =	smul.u32 $0x50000, s23;
	_ =	strace $0x80000047;
	[dreg:$0x7] =	wrdreg s10  }
0xc: {  	s14 =	sadd.s32 $0xA3800, s0;
	s0 =	sadd.s32 $0xA8800, s0;
	[dreg:$0x8] =	wrdreg s11  }
0xd: {  	s19 =	smul.u32 $0x4F00, s23;
	s15 =	sshrl.u32 s23, $0x3;
	[dreg:$0x9] =	wrdreg s14  }
0xe: {  	s16 =	sshll.u32 s23, $0x7;
	s17 =	ssub.s32 $0x2, s9;
	[dreg:$0xa] =	wrdreg s0  }
0xf: {  	s15 =	smul.u32 $0x14000, s15;
	s16 =	sand.u32 $0x380, s16;
	p0 =	sne.s32 s9, $0x0  }
0x10: {  	s9 =	simm.s32 $0x14200;
	s18 =	sshrl.u32 s17, $0x1;
	s20 =	sshrl.u32 s13, $0x2  }
0x11: {  	s13 =	sadd.s32 $0x80, s12;
	s14 =	sshrl.u32 s19, $0x3;
	s19 =	smul.u32 $0x9E0, s23  }
0x12: {  	s24 =	sadd.s32 $0x100, s12;
	s25 =	sadd.s32 $0x180, s12;
	s26 =	sadd.s32 $0x200, s12  }
0x13: {  	s0 =	ssub.s32 s17, s18;
	s10 =	sadd.s32 s20, s1;
	s21 =	sshll.u32 s13, $0x7  }
0x14: {  	s22 =	sadd.s32 s8, s14;
	s15 =	sor.u32 s16, s15;
	s11 =	sadd.s32 s3, s14  }
0x15: {  	s29 =	sshll.u32 s24, $0x7;
	s31 =	sshll.u32 s25, $0x7;
	s12 =	sshll.u32 s26, $0x7  }
0x16: {  	s13 =	sshll.u32 s13, $0x4;
	[dreg:$0xb] =	wrdreg s10;
	s20 =	sadd.s32 s21, s1  }
0x17: {  	s10 =	sadd.s32 s7, s14;
	[dreg:$0xd] =	wrdreg s22;
	s14 =	sadd.s32 s6, s14  }
0x18: {  	s16 =	sadd.s32 s19, s8;
	s17 =	sadd.s32 s19, s7;
	[dreg:$0x11] =	wrdreg s13  }
0x19: {  	s18 =	sadd.s32 s19, s6;
	s19 =	sadd.s32 s19, s3;
	[dreg:$0xe] =	wrdreg s11  }
0x1a: {  	s8 =	sadd.s32 s29, s1;
	s21 =	sadd.s32 s31, s1;
	[dreg:$0xf] =	wrdreg s14  }
0x1b: {  	s22 =	sadd.s32 s12, s1;
	s3 =	sshll.u32 s24, $0x4;
	[dreg:$0x10] =	wrdreg s8  }
0x1c: {  	s24 =	sshll.u32 s26, $0x4;
	s0 =	smax.u32 s0, $0x1;
	[dreg:$0x12] =	wrdreg s3  }
0x1d: {  	s29 =	smul.u32 $0x2800, s23;
	s31 =	sadd.s32 $0x10, s11;
	[dreg:$0x14] =	wrdreg s24  }
0x1e: {  	s6 =	simm.s32 $0x7;
	s7 =	simm.s32 $0x14000;
	[dreg:$0x16] =	wrdreg s0  }
0x1f: {  	s13 =	simm.s32 $0x14080;
	s12 =	simm.s32 $0x4;
	[dreg:$0xc] =	wrdreg s10  }
0x20: {  	s23 =	simm.s32 $0x1C200;
	s14 =	sshll.u32 s25, $0x4;
	[dreg:$0x19] =	wrdreg s31  }
.Ltmp0:
0x21: {  	s25 =	sshrl.u32 s15, $0x3;
	[dreg:$0x13] =	wrdreg s14;
	(pc) =	sbr.rel .LBB2_1-.Ltmp0, $4  }
0x22: {  	s26 =	sadd.s32 $0x10, s10;
	s3 =	simm.s32 $0x18200;
	[dreg:$0x15] =	wrdreg s25  }
0x23: {  	s8 =	simm.s32 $0x80;
	s15 =	simm.s32 $0x14100;
	[dreg:$0x17] =	wrdreg s26  }
0x24: {  	s0 =	simm.s32 $0x14180;
	s24 =	simm.s32 $0x3;
	[dreg:$0x18] =	wrdreg s29  }
0x25: {  	v0 =	vimm.f32 $0.0e+00;
	v1 =	vimm.f32 $1.000000000e+00;
	s14 =	simm.s32 $0x1;
	s25 =	simm.s32 $0x2;
	s26 =	simm.s32 $0x6  }
.LBB2_12:
0x26: {  	_ =	swait.ge [sflag:s14], $0x4000  }
0x27: {  	[sflag:s14] =	ssyncset.done $0x0  }
0x28: {  	[sflag:s14] =	ssyncadd.s32 $0xFFFFC000  }
0x29: {  	_ =	swait.ge [sflag:s12], $0x80  }
0x2a: {  	[sflag:s12] =	ssyncset.done $0x0  }
0x2b: {  	[sflag:s12] =	ssyncadd.s32 $0xFFFFFF80  }
0x2c: {  	_ =	swait.ge [sflag:s30], $0x80  }
0x2d: {  	[sflag:s30] =	ssyncset.done $0x0  }
0x2e: {  	[sflag:s30] =	ssyncadd.s32 $0xFFFFFF80  }
0x2f: {  	[bflag:$0x0] =	sbarrier.arrive $0xFFFF  }
0x30: {  	s10 =	rddreg [dreg:$0xb]  }
0x31: {  	[tilespmem:s9], [sflag:$0x7] =	stream.linear.gather [spmem:s10], $0x4000, $0x38;
	[tilespmem:$0x1EA00] =	vst v63  }
0x32: {  	_ =	swait.ge [sflag:s6], $0x4000  }
0x33: {  	[sflag:s6] =	ssyncset.done $0x0;
	s11 =	rddreg [dreg:$0x18]  }
0x34: {  	s10 =	sadd.s32 s31, s11;
	[sflag:s6] =	ssyncadd.s32 $0xFFFFC000  }
0x35: {  	[hbm4b:s10+s2] =	stream.linear.scatter [tilespmem:s9], [sflag:$0x7], $0x4000, $0x38;
	[tilespmem:$0x1EA00] =	vst v63  }
0x36: {  	_ =	swait.ge [sflag:s6], $0x4000  }
0x37: {  	[sflag:s6] =	ssyncset.done $0x0  }
0x38: {  	[sflag:s6] =	ssyncadd.s32 $0xFFFFC000  }
0x39: {  	[tilespmem:s9], [sflag:$0x7] =	stream.linear.gather [spmem:s20], $0x4000, $0x38;
	[tilespmem:$0x1EA00] =	vst v63  }
0x3a: {  	_ =	swait.ge [sflag:s6], $0x4000  }
0x3b: {  	[sflag:s6] =	ssyncset.done $0x0;
	s11 =	rddreg [dreg:$0x11]  }
0x3c: {  	s10 =	sadd.s32 s31, s11;
	[sflag:s6] =	ssyncadd.s32 $0xFFFFC000  }
0x3d: {  	[hbm4b:s10+s2] =	stream.linear.scatter [tilespmem:s9], [sflag:$0x7], $0x4000, $0x38;
	[tilespmem:$0x1EA00] =	vst v63  }
0x3e: {  	_ =	swait.ge [sflag:s6], $0x4000  }
0x3f: {  	[sflag:s6] =	ssyncset.done $0x0  }
0x40: {  	s11 =	rddreg [dreg:$0x10];
	[sflag:s6] =	ssyncadd.s32 $0xFFFFC000  }
0x41: {  	[tilespmem:s9], [sflag:$0x7] =	stream.linear.gather [spmem:s11], $0x4000, $0x38;
	[tilespmem:$0x1EA00] =	vst v63  }
0x42: {  	_ =	swait.ge [sflag:s6], $0x4000  }
0x43: {  	[sflag:s6] =	ssyncset.done $0x0;
	s11 =	rddreg [dreg:$0x12]  }
0x44: {  	s10 =	sadd.s32 s31, s11;
	[sflag:s6] =	ssyncadd.s32 $0xFFFFC000  }
0x45: {  	[hbm4b:s10+s2] =	stream.linear.scatter [tilespmem:s9], [sflag:$0x7], $0x4000, $0x38;
	[tilespmem:$0x1EA00] =	vst v63  }
0x46: {  	_ =	swait.ge [sflag:s6], $0x4000  }
0x47: {  	[sflag:s6] =	ssyncset.done $0x0  }
0x48: {  	[sflag:s6] =	ssyncadd.s32 $0xFFFFC000  }
0x49: {  	[tilespmem:s9], [sflag:$0x7] =	stream.linear.gather [spmem:s21], $0x4000, $0x38;
	[tilespmem:$0x1EA00] =	vst v63  }
0x4a: {  	_ =	swait.ge [sflag:s6], $0x4000  }
0x4b: {  	[sflag:s6] =	ssyncset.done $0x0;
	s11 =	rddreg [dreg:$0x13]  }
0x4c: {  	s10 =	sadd.s32 s31, s11;
	[sflag:s6] =	ssyncadd.s32 $0xFFFFC000  }
0x4d: {  	[hbm4b:s10+s2] =	stream.linear.scatter [tilespmem:s9], [sflag:$0x7], $0x4000, $0x38;
	[tilespmem:$0x1EA00] =	vst v63  }
0x4e: {  	_ =	swait.ge [sflag:s6], $0x4000  }
0x4f: {  	[sflag:s6] =	ssyncset.done $0x0  }
0x50: {  	[sflag:s6] =	ssyncadd.s32 $0xFFFFC000  }
0x51: {  	[tilespmem:s9], [sflag:$0x7] =	stream.linear.gather [spmem:s22], $0x4000, $0x38;
	[tilespmem:$0x1EA00] =	vst v63  }
0x52: {  	_ =	swait.ge [sflag:s6], $0x4000  }
0x53: {  	[sflag:s6] =	ssyncset.done $0x0;
	s11 =	rddreg [dreg:$0x14]  }
0x54: {  	s10 =	sadd.s32 s31, s11;
	[sflag:s6] =	ssyncadd.s32 $0xFFFFC000  }
0x55: {  	[hbm4b:s10+s2] =	stream.linear.scatter [tilespmem:s9], [sflag:$0x7], $0x4000, $0x38;
	[tilespmem:$0x1EA00] =	vst v63  }
0x56: {  	_ =	swait.ge [sflag:s6], $0x4000  }
0x57: {  	[sflag:s6] =	ssyncset.done $0x0;
	s11 =	rddreg [dreg:$0x15]  }
0x58: {  	s10 =	sadd.s32 s29, s11;
	[sflag:s6] =	ssyncadd.s32 $0xFFFFC000;
	s11 =	simm.s32 $0x400  }
0x59: {  	[hbm4b:s10+s8] =	stream.strided.scatter [tilespmem:s23], [sflag:$0x7], $0x2800, s11, s8, $0x38;
	[tilespmem:$0x1EA00] =	vst v63  }
0x5a: {  	_ =	swait.ge [sflag:s6], $0x2800  }
0x5b: {  	s28 =	sadd.s32 $0x1, s28;
	s31 =	rddreg [dreg:$0x16]  }
0x5c: {  	p1 =	sne.s32 s28, s31  }
.Ltmp1:
0x5d: {  	_ = 	snop;
	(pc) =	sbr.rel @!p1 .LBB2_13-.Ltmp1, $3  }
0x5e: {  	_ =	sdelay $0x1  }
0x5f: {  	[sflag:s6] =	ssyncset.done $0x0  }
0x60: {  	[sflag:s6] =	ssyncadd.s32 $0xFFFFD800  }
.LBB2_1:
0x61: {  	s29 =	simm.s32 $0x0;
	s31 =	simm.s32 $0x200  }
.LBB2_2:
0x62: {  	p1 =	sne.s32 s31, $0xFE00;
	[tilespmem:s29+$0x18270] =	vst v0  }
0x63: {  	[tilespmem:s29+$0x18200] =	vst v0  }
0x64: {  	[tilespmem:s29+$0x18210] =	vst v0  }
.Ltmp2:
0x65: {  	[tilespmem:s29+$0x18220] =	vst v0;
	(pc) =	sbr.rel @p1 .LBB2_2-.Ltmp2, $4  }
0x66: {  	[tilespmem:s29+$0x18230] =	vst v0  }
0x67: {  	[tilespmem:s29+$0x18240] =	vst v0  }
0x68: {  	[tilespmem:s29+$0x18250] =	vst v0  }
0x69: {  	[tilespmem:s29+$0x18260] =	vst v0;
	s29 =	sshra.s32 s31, $0x2;
	s31 =	sadd.s32 $0x200, s31  }
0x6a: {  	[tilespmem:s29+$0x18270] =	vst v0  }
0x6b: {  	[tilespmem:s29+$0x18200] =	vst v0  }
0x6c: {  	[tilespmem:s29+$0x18210] =	vst v0  }
0x6d: {  	[tilespmem:s29+$0x18220] =	vst v0  }
0x6e: {  	[tilespmem:s29+$0x18230] =	vst v0  }
0x6f: {  	[tilespmem:s29+$0x18240] =	vst v0  }
0x70: {  	[tilespmem:s29+$0x18250] =	vst v0  }
0x71: {  	[tilespmem:s29+$0x18260] =	vst v0;
	s10 =	rddreg [dreg:$0xb]  }
0x72: {  	[spmem:s10] =	stream.linear.scatter [tilespmem:s3], [sflag:$0x7], $0x4000, $0x38;
	[tilespmem:$0x1EA00] =	vst v63  }
0x73: {  	_ =	swait.ge [sflag:s6], $0x4000  }
0x74: {  	[sflag:s6] =	ssyncset.done $0x0  }
0x75: {  	[sflag:s6] =	ssyncadd.s32 $0xFFFFC000  }
0x76: {  	[spmem:s20] =	stream.linear.scatter [tilespmem:s3], [sflag:$0x7], $0x4000, $0x38;
	[tilespmem:$0x1EA00] =	vst v63  }
0x77: {  	_ =	swait.ge [sflag:s6], $0x4000  }
0x78: {  	[sflag:s6] =	ssyncset.done $0x0  }
0x79: {  	s11 =	rddreg [dreg:$0x10];
	[sflag:s6] =	ssyncadd.s32 $0xFFFFC000  }
0x7a: {  	[spmem:s11] =	stream.linear.scatter [tilespmem:s3], [sflag:$0x7], $0x4000, $0x38;
	[tilespmem:$0x1EA00] =	vst v63  }
0x7b: {  	_ =	swait.ge [sflag:s6], $0x4000  }
0x7c: {  	[sflag:s6] =	ssyncset.done $0x0  }
0x7d: {  	[sflag:s6] =	ssyncadd.s32 $0xFFFFC000  }
0x7e: {  	[spmem:s21] =	stream.linear.scatter [tilespmem:s3], [sflag:$0x7], $0x4000, $0x38;
	[tilespmem:$0x1EA00] =	vst v63  }
0x7f: {  	_ =	swait.ge [sflag:s6], $0x4000  }
0x80: {  	[sflag:s6] =	ssyncset.done $0x0  }
0x81: {  	[sflag:s6] =	ssyncadd.s32 $0xFFFFC000  }
0x82: {  	[spmem:s22] =	stream.linear.scatter [tilespmem:s3], [sflag:$0x7], $0x4000, $0x38;
	[tilespmem:$0x1EA00] =	vst v63  }
0x83: {  	_ =	swait.ge [sflag:s6], $0x4000  }
0x84: {  	[sflag:s6] =	ssyncset.done $0x0  }
0x85: {  	s29 =	simm.s32 $0x40;
	s31 =	simm.s32 $0x0;
	[sflag:s6] =	ssyncadd.s32 $0xFFFFC000  }
.LBB2_4:
0x86: {  	p1 =	sne.s32 s29, $0x9FC0;
	[tilespmem:s31+$0x1C200] =	vst v0;
	s31 =	smov.u32 s29;
	s29 =	sadd.s32 $0x40, s29  }
.Ltmp3:
0x87: {  	(pc) =	sbr.rel @p1 .LBB2_4-.Ltmp3, $2  }
0x88: {  	_ =	sdelay $0x2  }
0x89: {  	s31 =	sshra.s32 s31, $0x2  }
.Ltmp4:
0x8a: {  	(pc) =	sbr.rel @p0 .LBB2_9-.Ltmp4, $3  }
0x8b: {  	_ = 	snop  }
0x8c: {  	[tilespmem:s31+$0x1C200] =	vst v0  }
0x8d: {  	[bflag:$0x0] =	sbarrier.arrive $0xFFFF;
	_ =	sdelay $0x1  }
0x8e: {  	s10 =	rddreg [dreg:$0xe]  }
0x8f: {  	[tilespmem:s7], [sflag:$0x7] =	stream.linear.gather [hbm4b:s10+s2], $0x80, $0x38;
	[tilespmem:$0x1EA00] =	vst v63  }
0x90: {  	_ =	swait.ge [sflag:s6], $0x80  }
0x91: {  	[sflag:s6] =	ssyncset.done $0x0  }
0x92: {  	[sflag:s6] =	ssyncadd.s32 $0xFFFFFF80  }
0x93: {  	[tilespmem:s9], [sflag:$0x1] =	stream.indirect.gather [hbm4b:s4+s8], $0x80, s7, s8, $0xb8;
	[tilespmem:$0x1EA00] =	vst v63  }
0x94: {  	s11 =	rddreg [dreg:$0x19]  }
0x95: {  	[tilespmem:s13], [sflag:$0x4] =	stream.linear.gather [hbm4b:s11+s2], $0x80, $0x38;
	[tilespmem:$0x1EA00] =	vst v63  }
0x96: {  	s29 =	simm.s32 $0xFFFFF620;
	s31 =	rddreg [dreg:$0xf]  }
0x97: {  	[tilespmem:s15], [sflag:$0x5] =	stream.linear.gather [hbm4b:s31+s2], $0x80, $0x38;
	[tilespmem:$0x1EA00] =	vst v63  }
.LBB2_7:
0x98: {  	_ =	swait.ge [sflag:s12], $0x80  }
0x99: {  	[sflag:s12] =	ssyncset.done $0x0  }
0x9a: {  	[sflag:s12] =	ssyncadd.s32 $0xFFFFFF80  }
0x9b: {  	_ =	swait.ge [sflag:s14], $0x4000  }
0x9c: {  	[sflag:s14] =	ssyncset.done $0x0  }
0x9d: {  	s31 =	sadd.s32 s29, s19;
	[sflag:s14] =	ssyncadd.s32 $0xFFFFC000  }
0x9e: {  	[tilespmem:s3], [sflag:$0x2] =	stream.indirect.gather [hbm4b:s4+s8], $0x80, s13, s8, $0xb8;
	[tilespmem:$0x1EA00] =	vst v63  }
0x9f: {  	s10 =	sadd.s32 $0xA00, s31  }
0xa0: {  	[tilespmem:s7], [sflag:$0x3] =	stream.linear.gather [hbm4b:s10+s2], $0x80, $0x38;
	[tilespmem:$0x1EA00] =	vst v63  }
0xa1: {  	_ =	swait.ge [sflag:s30], $0x80  }
0xa2: {  	s10 =	sadd.s32 s29, s18;
	[sflag:s30] =	ssyncset.done $0x0  }
0xa3: {  	s11 =	sadd.s32 $0x9F0, s10;
	[sflag:s30] =	ssyncadd.s32 $0xFFFFFF80  }
0xa4: {  	[tilespmem:s0], [sflag:$0x6] =	stream.linear.gather [hbm4b:s11+s2], $0x80, $0x38;
	[tilespmem:$0x1EA00] =	vst v63  }
0xa5: {  	_ = 	snop  }
0xa6: {  	[spmem:s1] =	stream.indirect.scatter.add.f32 [tilespmem:s9], [sflag:$0x7], $0x80, s15, s8, $0xb8;
	[tilespmem:$0x1EA00] =	vst v63  }
0xa7: {  	_ =	swait.ge [sflag:s6], $0x4000  }
0xa8: {  	[sflag:s6] =	ssyncset.done $0x0  }
0xa9: {  	[sflag:s6] =	ssyncadd.s32 $0xFFFFC000  }
0xaa: {  	v2 =	vld [tilespmem:$0x14100];
	_ =	sdelay $0x7  }
0xab: {  	[tilespmem:v2+s23+$0x0] =	vst.idx.add.f32.msk $0xffff, v1  }
0xac: {  	v2 =	vld [tilespmem:$0x14110];
	_ =	sdelay $0x7  }
0xad: {  	[tilespmem:v2+s23+$0x0] =	vst.idx.add.f32.msk $0xffff, v1  }
0xae: {  	v2 =	vld [tilespmem:$0x14120];
	_ =	sdelay $0x7  }
0xaf: {  	[tilespmem:v2+s23+$0x0] =	vst.idx.add.f32.msk $0xffff, v1  }
0xb0: {  	v2 =	vld [tilespmem:$0x14130];
	_ =	sdelay $0x7  }
0xb1: {  	[tilespmem:v2+s23+$0x0] =	vst.idx.add.f32.msk $0xffff, v1  }
0xb2: {  	v2 =	vld [tilespmem:$0x14140];
	_ =	sdelay $0x7  }
0xb3: {  	[tilespmem:v2+s23+$0x0] =	vst.idx.add.f32.msk $0xffff, v1  }
0xb4: {  	v2 =	vld [tilespmem:$0x14150];
	_ =	sdelay $0x7  }
0xb5: {  	[tilespmem:v2+s23+$0x0] =	vst.idx.add.f32.msk $0xffff, v1  }
0xb6: {  	v2 =	vld [tilespmem:$0x14160];
	_ =	sdelay $0x7  }
0xb7: {  	[tilespmem:v2+s23+$0x0] =	vst.idx.add.f32.msk $0xffff, v1  }
0xb8: {  	v2 =	vld [tilespmem:$0x14170];
	_ =	sdelay $0x7  }
0xb9: {  	[tilespmem:v2+s23+$0x0] =	vst.idx.add.f32.msk $0xffff, v1  }
0xba: {  	_ =	swait.ge [sflag:s24], $0x80  }
0xbb: {  	[sflag:s24] =	ssyncset.done $0x0  }
0xbc: {  	[sflag:s24] =	ssyncadd.s32 $0xFFFFFF80  }
0xbd: {  	_ =	swait.ge [sflag:s25], $0x4000  }
0xbe: {  	[sflag:s25] =	ssyncset.done $0x0  }
0xbf: {  	[sflag:s25] =	ssyncadd.s32 $0xFFFFC000  }
0xc0: {  	[tilespmem:s9], [sflag:$0x1] =	stream.indirect.gather [hbm4b:s4+s8], $0x80, s7, s8, $0xb8;
	[tilespmem:$0x1EA00] =	vst v63  }
0xc1: {  	s31 =	sadd.s32 $0xA10, s31  }
0xc2: {  	[tilespmem:s13], [sflag:$0x4] =	stream.linear.gather [hbm4b:s31+s2], $0x80, $0x38;
	[tilespmem:$0x1EA00] =	vst v63  }
0xc3: {  	_ =	swait.ge [sflag:s26], $0x80  }
0xc4: {  	[sflag:s26] =	ssyncset.done $0x0  }
0xc5: {  	s10 =	sadd.s32 $0xA00, s10;
	[sflag:s26] =	ssyncadd.s32 $0xFFFFFF80  }
0xc6: {  	[tilespmem:s15], [sflag:$0x5] =	stream.linear.gather [hbm4b:s10+s2], $0x80, $0x38;
	[tilespmem:$0x1EA00] =	vst v63  }
0xc7: {  	_ = 	snop  }
0xc8: {  	[spmem:s1] =	stream.indirect.scatter.add.f32 [tilespmem:s3], [sflag:$0x7], $0x80, s0, s8, $0xb8;
	[tilespmem:$0x1EA00] =	vst v63  }
0xc9: {  	_ =	swait.ge [sflag:s6], $0x4000  }
0xca: {  	[sflag:s6] =	ssyncset.done $0x0  }
0xcb: {  	[sflag:s6] =	ssyncadd.s32 $0xFFFFC000  }
0xcc: {  	v2 =	vld [tilespmem:$0x14180];
	_ =	sdelay $0x7  }
0xcd: {  	[tilespmem:v2+s23+$0x0] =	vst.idx.add.f32.msk $0xffff, v1  }
0xce: {  	v2 =	vld [tilespmem:$0x14190];
	_ =	sdelay $0x7  }
0xcf: {  	[tilespmem:v2+s23+$0x0] =	vst.idx.add.f32.msk $0xffff, v1  }
0xd0: {  	v2 =	vld [tilespmem:$0x141A0];
	_ =	sdelay $0x7  }
0xd1: {  	[tilespmem:v2+s23+$0x0] =	vst.idx.add.f32.msk $0xffff, v1  }
0xd2: {  	v2 =	vld [tilespmem:$0x141B0];
	_ =	sdelay $0x7  }
0xd3: {  	[tilespmem:v2+s23+$0x0] =	vst.idx.add.f32.msk $0xffff, v1  }
0xd4: {  	v2 =	vld [tilespmem:$0x141C0];
	_ =	sdelay $0x7  }
0xd5: {  	[tilespmem:v2+s23+$0x0] =	vst.idx.add.f32.msk $0xffff, v1  }
0xd6: {  	v2 =	vld [tilespmem:$0x141D0];
	_ =	sdelay $0x7  }
0xd7: {  	[tilespmem:v2+s23+$0x0] =	vst.idx.add.f32.msk $0xffff, v1  }
0xd8: {  	v2 =	vld [tilespmem:$0x141E0];
	_ =	sdelay $0x7  }
0xd9: {  	[tilespmem:v2+s23+$0x0] =	vst.idx.add.f32.msk $0xffff, v1  }
0xda: {  	v2 =	vld [tilespmem:$0x141F0];
	_ =	sdelay $0x2  }
0xdb: {  	p1 =	seq.s32 s29, $0xFFFFFFE0  }
.Ltmp5:
0xdc: {  	_ = 	snop;
	(pc) =	sbr.rel @!p1 .LBB2_7-.Ltmp5, $2  }
0xdd: {  	_ =	sdelay $0x2  }
0xde: {  	s29 =	sadd.s32 $0x20, s29;
	[tilespmem:v2+s23+$0x0] =	vst.idx.add.f32.msk $0xffff, v1  }
.Ltmp6:
0xdf: {  	(pc) =	sbr.rel .LBB2_12-.Ltmp6, $3  }
0xe0: {  	_ =	sdelay $0x1  }
0xe1: {  	s31 =	rddreg [dreg:$0x7]  }
0xe2: {  	s29 =	rddreg [dreg:$0x9]  }
.LBB2_9:
0xe3: {  	s10 =	rddreg [dreg:$0xc]  }
0xe4: {  	[tilespmem:s7], [sflag:$0x7] =	stream.linear.gather [hbm4b:s10+s2], $0x80, $0x38;
	[tilespmem:$0x1EA00] =	vst v63  }
0xe5: {  	_ =	swait.ge [sflag:s6], $0x80  }
0xe6: {  	[sflag:s6] =	ssyncset.done $0x0  }
0xe7: {  	[sflag:s6] =	ssyncadd.s32 $0xFFFFFF80  }
0xe8: {  	[tilespmem:s9], [sflag:$0x1] =	stream.indirect.gather [hbm4b:s5+s8], $0x80, s7, s8, $0xb8;
	[tilespmem:$0x1EA00] =	vst v63  }
0xe9: {  	s11 =	rddreg [dreg:$0x17]  }
0xea: {  	[tilespmem:s13], [sflag:$0x4] =	stream.linear.gather [hbm4b:s11+s2], $0x80, $0x38;
	[tilespmem:$0x1EA00] =	vst v63  }
0xeb: {  	s29 =	simm.s32 $0xFFFFF620;
	s31 =	rddreg [dreg:$0xd]  }
0xec: {  	[tilespmem:s15], [sflag:$0x5] =	stream.linear.gather [hbm4b:s31+s2], $0x80, $0x38;
	[tilespmem:$0x1EA00] =	vst v63  }
.LBB2_10:
0xed: {  	_ =	swait.ge [sflag:s12], $0x80  }
0xee: {  	[sflag:s12] =	ssyncset.done $0x0  }
0xef: {  	[sflag:s12] =	ssyncadd.s32 $0xFFFFFF80  }
0xf0: {  	_ =	swait.ge [sflag:s14], $0x4000  }
0xf1: {  	[sflag:s14] =	ssyncset.done $0x0  }
0xf2: {  	s10 =	sadd.s32 s29, s17;
	[sflag:s14] =	ssyncadd.s32 $0xFFFFC000  }
0xf3: {  	[tilespmem:s3], [sflag:$0x2] =	stream.indirect.gather [hbm4b:s5+s8], $0x80, s13, s8, $0xb8;
	[tilespmem:$0x1EA00] =	vst v63  }
0xf4: {  	s11 =	sadd.s32 $0xA00, s10  }
0xf5: {  	[tilespmem:s7], [sflag:$0x3] =	stream.linear.gather [hbm4b:s11+s2], $0x80, $0x38;
	[tilespmem:$0x1EA00] =	vst v63  }
0xf6: {  	_ =	swait.ge [sflag:s30], $0x80  }
0xf7: {  	s11 =	sadd.s32 s29, s16;
	[sflag:s30] =	ssyncset.done $0x0  }
0xf8: {  	s31 =	sadd.s32 $0x9F0, s11;
	[sflag:s30] =	ssyncadd.s32 $0xFFFFFF80  }
0xf9: {  	[tilespmem:s0], [sflag:$0x6] =	stream.linear.gather [hbm4b:s31+s2], $0x80, $0x38;
	[tilespmem:$0x1EA00] =	vst v63  }
0xfa: {  	_ = 	snop  }
0xfb: {  	[spmem:s1] =	stream.indirect.scatter.add.f32 [tilespmem:s9], [sflag:$0x7], $0x80, s15, s8, $0xb8;
	[tilespmem:$0x1EA00] =	vst v63  }
0xfc: {  	_ =	swait.ge [sflag:s6], $0x4000  }
0xfd: {  	[sflag:s6] =	ssyncset.done $0x0  }
0xfe: {  	[sflag:s6] =	ssyncadd.s32 $0xFFFFC000  }
0xff: {  	v2 =	vld [tilespmem:$0x14100];
	_ =	sdelay $0x7  }
0x100: {  	[tilespmem:v2+s23+$0x0] =	vst.idx.add.f32.msk $0xffff, v1  }
0x101: {  	v2 =	vld [tilespmem:$0x14110];
	_ =	sdelay $0x7  }
0x102: {  	[tilespmem:v2+s23+$0x0] =	vst.idx.add.f32.msk $0xffff, v1  }
0x103: {  	v2 =	vld [tilespmem:$0x14120];
	_ =	sdelay $0x7  }
0x104: {  	[tilespmem:v2+s23+$0x0] =	vst.idx.add.f32.msk $0xffff, v1  }
0x105: {  	v2 =	vld [tilespmem:$0x14130];
	_ =	sdelay $0x7  }
0x106: {  	[tilespmem:v2+s23+$0x0] =	vst.idx.add.f32.msk $0xffff, v1  }
0x107: {  	v2 =	vld [tilespmem:$0x14140];
	_ =	sdelay $0x7  }
0x108: {  	[tilespmem:v2+s23+$0x0] =	vst.idx.add.f32.msk $0xffff, v1  }
0x109: {  	v2 =	vld [tilespmem:$0x14150];
	_ =	sdelay $0x7  }
0x10a: {  	[tilespmem:v2+s23+$0x0] =	vst.idx.add.f32.msk $0xffff, v1  }
0x10b: {  	v2 =	vld [tilespmem:$0x14160];
	_ =	sdelay $0x7  }
0x10c: {  	[tilespmem:v2+s23+$0x0] =	vst.idx.add.f32.msk $0xffff, v1  }
0x10d: {  	v2 =	vld [tilespmem:$0x14170];
	_ =	sdelay $0x7  }
0x10e: {  	[tilespmem:v2+s23+$0x0] =	vst.idx.add.f32.msk $0xffff, v1  }
0x10f: {  	_ =	swait.ge [sflag:s24], $0x80  }
0x110: {  	[sflag:s24] =	ssyncset.done $0x0  }
0x111: {  	[sflag:s24] =	ssyncadd.s32 $0xFFFFFF80  }
0x112: {  	_ =	swait.ge [sflag:s25], $0x4000  }
0x113: {  	[sflag:s25] =	ssyncset.done $0x0  }
0x114: {  	[sflag:s25] =	ssyncadd.s32 $0xFFFFC000  }
0x115: {  	[tilespmem:s9], [sflag:$0x1] =	stream.indirect.gather [hbm4b:s5+s8], $0x80, s7, s8, $0xb8;
	[tilespmem:$0x1EA00] =	vst v63  }
0x116: {  	s10 =	sadd.s32 $0xA10, s10  }
0x117: {  	[tilespmem:s13], [sflag:$0x4] =	stream.linear.gather [hbm4b:s10+s2], $0x80, $0x38;
	[tilespmem:$0x1EA00] =	vst v63  }
0x118: {  	_ =	swait.ge [sflag:s26], $0x80  }
0x119: {  	[sflag:s26] =	ssyncset.done $0x0  }
0x11a: {  	s31 =	sadd.s32 $0xA00, s11;
	[sflag:s26] =	ssyncadd.s32 $0xFFFFFF80  }
0x11b: {  	[tilespmem:s15], [sflag:$0x5] =	stream.linear.gather [hbm4b:s31+s2], $0x80, $0x38;
	[tilespmem:$0x1EA00] =	vst v63  }
0x11c: {  	_ = 	snop  }
0x11d: {  	[spmem:s1] =	stream.indirect.scatter.add.f32 [tilespmem:s3], [sflag:$0x7], $0x80, s0, s8, $0xb8;
	[tilespmem:$0x1EA00] =	vst v63  }
0x11e: {  	_ =	swait.ge [sflag:s6], $0x4000  }
0x11f: {  	[sflag:s6] =	ssyncset.done $0x0  }
0x120: {  	[sflag:s6] =	ssyncadd.s32 $0xFFFFC000  }
0x121: {  	v2 =	vld [tilespmem:$0x14180];
	_ =	sdelay $0x7  }
0x122: {  	[tilespmem:v2+s23+$0x0] =	vst.idx.add.f32.msk $0xffff, v1  }
0x123: {  	v2 =	vld [tilespmem:$0x14190];
	_ =	sdelay $0x7  }
0x124: {  	[tilespmem:v2+s23+$0x0] =	vst.idx.add.f32.msk $0xffff, v1  }
0x125: {  	v2 =	vld [tilespmem:$0x141A0];
	_ =	sdelay $0x7  }
0x126: {  	[tilespmem:v2+s23+$0x0] =	vst.idx.add.f32.msk $0xffff, v1  }
0x127: {  	v2 =	vld [tilespmem:$0x141B0];
	_ =	sdelay $0x7  }
0x128: {  	[tilespmem:v2+s23+$0x0] =	vst.idx.add.f32.msk $0xffff, v1  }
0x129: {  	v2 =	vld [tilespmem:$0x141C0];
	_ =	sdelay $0x7  }
0x12a: {  	[tilespmem:v2+s23+$0x0] =	vst.idx.add.f32.msk $0xffff, v1  }
0x12b: {  	v2 =	vld [tilespmem:$0x141D0];
	_ =	sdelay $0x7  }
0x12c: {  	[tilespmem:v2+s23+$0x0] =	vst.idx.add.f32.msk $0xffff, v1  }
0x12d: {  	v2 =	vld [tilespmem:$0x141E0];
	_ =	sdelay $0x7  }
0x12e: {  	[tilespmem:v2+s23+$0x0] =	vst.idx.add.f32.msk $0xffff, v1  }
0x12f: {  	v2 =	vld [tilespmem:$0x141F0];
	_ =	sdelay $0x2  }
0x130: {  	p1 =	sne.s32 s29, $0xFFFFFFE0  }
.Ltmp7:
0x131: {  	_ = 	snop;
	(pc) =	sbr.rel @p1 .LBB2_10-.Ltmp7, $2  }
0x132: {  	_ =	sdelay $0x2  }
0x133: {  	s29 =	sadd.s32 $0x20, s29;
	[tilespmem:v2+s23+$0x0] =	vst.idx.add.f32.msk $0xffff, v1  }
.Ltmp8:
0x134: {  	(pc) =	sbr.rel .LBB2_12-.Ltmp8, $3  }
0x135: {  	_ =	sdelay $0x1  }
0x136: {  	s31 =	rddreg [dreg:$0x8]  }
0x137: {  	s29 =	rddreg [dreg:$0xa]  }
.LBB2_13:
0x138: {  	_ =	sfence.sel $0x180000  }
0x139: {  	[bflag:$0x0] =	sbarrier.arrive $0xFFFF  }
0x13a: {  	_ =	strace $0x90000047  }
0x13b: {  	s0 =	stileid.u32;
	[bflag:$0x2] =	sbarrier.arrive $0xFFFF  }
0x13c: {  	p0 =	sne.s32 s0, $0x0;
	s0 =	rddreg [dreg:$0x6]  }
0x13d: {  	s0 =	sadd.s32 @!p0 $0x100000, s0  }
0x13e: {  	[sflag:s0] =	ssyncadd.tile.s32 @!p0 $0x1;
	_ =	shalt  }
.Lfunc_end2:
_tile_overlayer_lowered:
.L_overlay_start_2:
0x13f: {  	(tag) =	ssettag $0x2  }
0x140: {  	s0 =	rddreg [dreg:$0x0];
	s2 =	stileid.u32  }
0x141: {  	s1 =	rddreg [dreg:$0x1];
	p0 =	sne.s32 s2, $0x0  }
0x142: {  	s3 =	rddreg [dreg:$0x2];
	[bflag:$0x3] =	sbarrier.arrive $0xFFFF;
	s2 =	simm.s32 @!p0 $0x1C07  }
0x143: {  	[timem:s3], [sflag:s2] =	dma.local @!p0 [hbm:s0], s1  }
0x144: {  	s0 =	simm.s32 @!p0 $0x7  }
0x145: {  	_ =	swait.ge @!p0 [sflag:s0], s1  }
0x146: {  	s1 =	ssub.s32 @!p0 $0x0, s1;
	[sflag:s0] =	ssyncset.done @!p0 $0x0  }
0x147: {  	[sflag:s0] =	ssyncadd.s32 @!p0 s1  }
0x148: {  	[bflag:$0x3] =	sbarrier.arrive $0xFFFF  }
0x149: {  	_ =	shalt  }

// kernel: kernel.9.cloned.1.call-start
scs
__scs_entry_jumppad:
0x0: {  	(pc) =	sbr.rel $0x88, $3  }
0x1: {  	(tag) =	ssettag $0x0;
	lr =	simm.s32 $0x1  }
0x2: {  	[smem:$0x3F89] =	sst lr;
	_ =	strace $0xD0000000  }
0x3: {  	_ = 	snop  }
0x4: {  	_ = 	snop  }
0x5: {  	_ = 	snop  }
0x6: {  	_ = 	snop  }
0x7: {  	_ = 	snop  }
__scs_overlays_trampoline_lowered:
0x8: {  	[smem:$0x3F98] =	sst s0  }
0x9: {  	[smem:$0x3F99] =	sst s1  }
0xa: {  	[smem:$0x3F9A] =	sst s2  }
0xb: {  	[smem:$0x3F9B] =	sst s3  }
0xc: {  	[smem:$0x3F9C] =	sst s4  }
0xd: {  	[smem:$0x3F9D] =	sst s5  }
0xe: {  	[smem:$0x3F9E] =	sst s6  }
0xf: {  	[smem:$0x3F9F] =	sst s7  }
0x10: {  	[smem:$0x3FA0] =	sst s8  }
0x11: {  	[smem:$0x3FA1] =	sst s9;
	s0 =	simm.s32 @!p0 $0x0  }
0x12: {  	s1 =	sld [smem:$0x3F87];
	s0 =	simm.s32 @p0 $0x1  }
0x13: {  	[smem:$0x3FA2] =	sst s0;
	s0 =	simm.s32 @!p1 $0x0  }
0x14: {  	s2 =	sld [smem:$0x3F86];
	s0 =	simm.s32 @p1 $0x1  }
0x15: {  	[smem:$0x3FA3] =	sst s0;
	s0 =	simm.s32 @!p2 $0x0  }
0x16: {  	s3 =	sld [smem:$0x3FDB];
	s0 =	simm.s32 @p2 $0x1  }
0x17: {  	s4 =	simm.s32 $0x1BF5;
	[smem:$0x3FA5] =	sst s0  }
0x18: {  	s0 =	sld [smem:$0x3F88];
	_ =	swait.ge [sflag:s4], $0x0  }
0x19: {  	s7 =	sld [smem:$0x3F89]  }
0x1a: {  	s8 =	sadd.s32 $0xFFFFE003, lr  }
0x1b: {  	s9 =	sadd.s32 $0xFFFFFEF7, lr;
	s5 =	simm.s32 $0xFFFFFFFF;
	p2 =	slt.u32 s8, $0xFFFFF086  }
0x1c: {  	p1 =	slt.u32 s9, $0xF7A;
	s5 =	simm.s32 @!p2 $0x0  }
0x1d: {  	s5 =	simm.s32 @p1 $0x1;
	p0 =	seq.s32 s7, s2  }
0x1e: {  	s7 =	smul.u32 @!p0 $0xF7A, s2;
	p2 =	seq.s32 @!p0 s5, $0x0  }
0x1f: {  	s9 =	smul.u32 $0xF7A, s1;
	s8 =	simm.s32 @!p0 $0x1BF5;
	p2 =	por !p2, p0  }
0x20: {  	[sflag:s8] =	ssyncset.s32 @!p0 $0xFFFFF086;
	s6 =	sadd.s32 @!p0 s3, s7;
	s7 =	simm.s32 @!p0 $0x108  }
0x21: {  	s3 =	sadd.s32 s3, s9;
	s6 =	sadd.s32 @!p0 $0x88, s6;
	s7 =	simm.s32 @p2 $0x1082  }
0x22: {  	[simem:s7], [sflag:s8] =	dma.local @!p0 [hbm:s6], $0xF7A  }
0x23: {  	s9 =	sor.u32 $0xD0000000, s2;
	s6 =	simm.s32 $0x108;
	_ =	swait.ge @!p0 [sflag:s8], $0x0  }
0x24: {  	s3 =	sadd.s32 $0x88, s3;
	s6 =	simm.s32 @!p1 $0x1082;
	[sflag:s4] =	ssyncset.s32 $0xFFFFF086  }
0x25: {  	[simem:s6], [sflag:s4] =	dma.local [hbm:s3], $0xF7A  }
0x26: {  	[smem:$0x3F89] =	sst s1;
	(tag) =	ssettag s2;
	_ =	strace s9  }
0x27: {  	s1 =	sld [smem:$0x3F99]  }
0x28: {  	s2 =	sld [smem:$0x3F9A]  }
0x29: {  	s4 =	sld [smem:$0x3F9C]  }
0x2a: {  	p0 =	seq.s32 s5, $0x0;
	s5 =	sld [smem:$0x3F9D]  }
0x2b: {  	s6 =	sld [smem:$0x3F9E]  }
0x2c: {  	s7 =	sld [smem:$0x3F9F]  }
0x2d: {  	s3 =	simm.s32 $0x108;
	s8 =	sld [smem:$0x3FA0]  }
0x2e: {  	s3 =	simm.s32 @!p0 $0x1082;
	s9 =	sld [smem:$0x3FA1]  }
0x2f: {  	lr =	sadd.s32 s0, s3;
	s0 =	sld [smem:$0x3F98]  }
0x30: {  	s3 =	sld [smem:$0x3F9B]  }
0x31: {  	[smem:$0x3FA4] =	sst s10  }
0x32: {  	s10 =	sld [smem:$0x3FA2];
	_ =	sdelay $0x3  }
0x33: {  	p0 =	seq.s32 s10, $0x1;
	s10 =	sld [smem:$0x3FA4];
	_ =	sdelay $0x3  }
0x34: {  	[smem:$0x3FA4] =	sst s10  }
0x35: {  	s10 =	sld [smem:$0x3FA3];
	_ =	sdelay $0x3  }
0x36: {  	p1 =	seq.s32 s10, $0x1;
	s10 =	sld [smem:$0x3FA4];
	_ =	sdelay $0x3  }
0x37: {  	[smem:$0x3FA4] =	sst s10  }
0x38: {  	s10 =	sld [smem:$0x3FA5]  }
0x39: {  	_ = 	snop;
	(pc) =	sbr.ind lr, $3  }
0x3a: {  	_ = 	snop  }
0x3b: {  	_ = 	snop  }
0x3c: {  	p2 =	seq.s32 s10, $0x1;
	s10 =	sld [smem:$0x3FA4]  }
0x3d: {  	_ =	shalt  }
0x3e: {  	_ =	shalt  }
0x3f: {  	_ =	shalt  }
0x40: {  	_ =	shalt  }
0x41: {  	_ =	shalt  }
0x42: {  	_ =	shalt  }
0x43: {  	_ =	shalt  }
0x44: {  	_ =	shalt  }
0x45: {  	_ =	shalt  }
0x46: {  	_ =	shalt  }
0x47: {  	_ =	shalt  }
0x48: {  	_ =	shalt  }
0x49: {  	_ =	shalt  }
0x4a: {  	_ =	shalt  }
0x4b: {  	_ =	shalt  }
0x4c: {  	_ =	shalt  }
0x4d: {  	_ =	shalt  }
0x4e: {  	_ =	shalt  }
0x4f: {  	_ =	shalt  }
0x50: {  	_ =	shalt  }
0x51: {  	_ =	shalt  }
0x52: {  	_ =	shalt  }
0x53: {  	_ =	shalt  }
0x54: {  	_ =	shalt  }
0x55: {  	_ =	shalt  }
0x56: {  	_ =	shalt  }
0x57: {  	_ =	shalt  }
0x58: {  	_ =	shalt  }
0x59: {  	_ =	shalt  }
0x5a: {  	_ =	shalt  }
0x5b: {  	_ =	shalt  }
0x5c: {  	_ =	shalt  }
0x5d: {  	_ =	shalt  }
0x5e: {  	_ =	shalt  }
0x5f: {  	_ =	shalt  }
0x60: {  	_ =	shalt  }
0x61: {  	_ =	shalt  }
0x62: {  	_ =	shalt  }
0x63: {  	_ =	shalt  }
0x64: {  	_ =	shalt  }
0x65: {  	_ =	shalt  }
0x66: {  	_ =	shalt  }
0x67: {  	_ =	shalt  }
0x68: {  	_ =	shalt  }
0x69: {  	_ =	shalt  }
0x6a: {  	_ =	shalt  }
0x6b: {  	_ =	shalt  }
0x6c: {  	_ =	shalt  }
0x6d: {  	_ =	shalt  }
0x6e: {  	_ =	shalt  }
0x6f: {  	_ =	shalt  }
0x70: {  	_ =	shalt  }
0x71: {  	_ =	shalt  }
0x72: {  	_ =	shalt  }
0x73: {  	_ =	shalt  }
0x74: {  	_ =	shalt  }
0x75: {  	_ =	shalt  }
0x76: {  	_ =	shalt  }
0x77: {  	_ =	shalt  }
0x78: {  	_ =	shalt  }
0x79: {  	_ =	shalt  }
0x7a: {  	_ =	shalt  }
0x7b: {  	_ =	shalt  }
0x7c: {  	_ =	shalt  }
0x7d: {  	_ =	shalt  }
0x7e: {  	_ =	shalt  }
0x7f: {  	_ =	shalt  }
0x80: {  	_ =	shalt  }
0x81: {  	_ =	shalt  }
0x82: {  	_ =	shalt  }
0x83: {  	_ =	shalt  }
0x84: {  	_ =	shalt  }
0x85: {  	_ =	shalt  }
0x86: {  	_ =	shalt  }
0x87: {  	_ =	shalt  }
.Lfunc_end0:
.L_simem_size_0:
called_computation.1_lowered:
.L_overlay_start_0:
0x88: {  	s2 =	sld [smem:$0x3FD9]  }
0x89: {  	s3 =	sld [smem:$0x3FFE];
	_ =	sdelay $0x1  }
0x8a: {  	s1 =	srdreg.scid  }
0x8b: {  	s0 =	sand.u32 $0x1, s1  }
0x8c: {  	s14 =	sshll.u32 s0, $0xA;
	s2 =	sadd.s32 s3, s2  }
0x8d: {  	s2 =	sadd.s32 s2, s14  }
0x8e: {  	[smem:$0x3FB0] =	sst s2  }
0x8f: {  	_ = 	snop  }
0x90: {  	s2 =	sld [smem:$0x3FD0];
	_ =	sdelay $0x2  }
0x91: {  	s15 =	simm.s32 $0xA;
	s4 =	simm.s32 $0x10  }
0x92: {  	[smem:s4], [sflag:s15] =	dma.local [hbm:s2], $0x1  }
0x93: {  	_ =	swait.eq [sflag:s15], $0x1  }
0x94: {  	s16 =	sld [smem:$0x10]  }
0x95: {  	s17 =	sld [smem:$0x11];
	[sflag:s15] =	ssyncset.done $0x0  }
0x96: {  	s5 =	sld [smem:$0x14];
	[sflag:s15] =	ssyncadd.s32 $0xFFFFFFFF  }
0x97: {  	s18 =	sld [smem:$0x15];
	(tm) =	ssettm $0x1  }
0x98: {  	s6 =	sld [smem:$0x3FFB];
	_ =	sdelay $0x3  }
0x99: {  	_ =	strace s6  }
0x9a: {  	s6 =	sld [smem:$0x3FFC];
	_ =	sdelay $0x3  }
0x9b: {  	_ =	strace s6  }
0x9c: {  	s6 =	sld [smem:$0x3FFD];
	_ =	sdelay $0x3  }
0x9d: {  	_ =	strace s6  }
0x9e: {  	_ =	strace $0x8FFFFFFF  }
0x9f: {  	s19 =	sld [smem:$0x3FDB];
	_ =	sdelay $0x1  }
0xa0: {  	s7 =	simm.s32 $_scs_section_size  }
0xa1: {  	s8 =	simm.s32 $_size__tile_overlayer_lowered;
	s9 =	simm.s32 $_tile_overlayer_lowered  }
0xa2: {  	s22 =	simm.s32 $0x1BFF;
	s21 =	sshll.u32 s9, $0x1;
	s6 =	sadd.s32 s7, s19  }
0xa3: {  	s10 =	simm.s32 $0x0;
	s20 =	sshll.u32 s8, $0x1;
	s8 =	sadd.s32 s21, s6  }
0xa4: {  	[timem:s10], [sflag:s22] =	dma.local [hbm:s8], s20  }
0xa5: {  	_ =	swait.ge [sflag:s22], s20  }
0xa6: {  	s7 =	ssub.s32 $0x0, s20;
	[sflag:s22] =	ssyncset.done $0x0  }
0xa7: {  	[sflag:s22] =	ssyncadd.s32 s7;
	_ =	sdelay $0x1  }
0xa8: {  	s23 =	simm.s32 $0x1B8B  }
0xa9: {  	_ =	swait.ge [sflag:s23], $0x1  }
0xaa: {  	[sflag:s23] =	ssyncset.done $0x0  }
0xab: {  	s25 =	simm.s32 $0x1B8E;
	s24 =	sld [smem:$0x3FFE];
	[sflag:s23] =	ssyncadd.s32 $0xFFFFFFFF  }
0xac: {  	s26 =	simm.s32 $execute0_lowered;
	[smem:$0x3FD2] =	sst s25  }
0xad: {  	s8 =	sshll.u32 s26, $0x1;
	_ =	strace $0x80000049;
	[dreg:$0x1] =	wrdreg $0xFFFFFFFF  }
0xae: {  	s28 =	simm.s32 $_size_execute0_lowered;
	s6 =	sadd.s32 s6, s8;
	[dreg:$0x0] =	wrdreg $0x0  }
0xaf: {  	s8 =	sshll.u32 s28, $0x1;
	[dreg:$0x2] =	wrdreg s6  }
0xb0: {  	[dreg:$0x3] =	wrdreg s8  }
0xb1: {  	[dreg:$0x4] =	wrdreg $0xC0  }
0xb2: {  	_ =	task [dreg:s10], $0x5FFFF  }
0xb3: {  	[dreg:$0x1] =	wrdreg $0xFFFFFFFF  }
0xb4: {  	[dreg:$0x0] =	wrdreg $0x60  }
0xb5: {  	[dreg:$0x2] =	wrdreg s24  }
0xb6: {  	[dreg:$0x3] =	wrdreg s5  }
0xb7: {  	[dreg:$0x4] =	wrdreg s18  }
0xb8: {  	[dreg:$0x5] =	wrdreg s17  }
0xb9: {  	[dreg:$0x6] =	wrdreg s16  }
0xba: {  	[dreg:$0x7] =	wrdreg $0x0  }
0xbb: {  	[dreg:$0x8] =	wrdreg $0x9  }
0xbc: {  	_ =	task.clear_ibuf [dreg:s10], $0x9FFFF;
	_ =	strace $0x90000049  }
0xbd: {  	s29 =	simm.s32 $0x9;
	_ =	strace $0x8000004B  }
0xbe: {  	_ =	swait.ge [sflag:s29], $0x1  }
0xbf: {  	[sflag:s29] =	ssyncadd.s32 $0xFFFFFFFF  }
0xc0: {  	_ =	strace $0x9000004B  }
0xc1: {  	_ =	sfence  }
0xc2: {  	s30 =	sld [smem:$0x0];
	_ =	sdelay $0x2  }
0xc3: {  	s31 =	sshll.u32 s1, $0xD;
	s1 =	sshrl.u32 s1, $0x2  }
0xc4: {  	s3 =	sand.u32 $0x4000, s31;
	s1 =	sadd.s32 s1, s30  }
0xc5: {  	s0 =	sor.u32 s3, s0;
	s1 =	sshll.u32 s1, $0x11  }
0xc6: {  	s0 =	sor.u32 s1, s0  }
0xc7: {  	s0 =	sadd.s32 $0x8F2B, s0  }
0xc8: {  	[sflag:s0] =	ssyncadd.remote.s32 $0x1  }
0xc9: {  	_ =	sfence.sel $0xFFFF  }
0xca: {  	[dreg:$0x0] =	wrdreg $0xFFFFFFFF;
	(pc) =	sbr.abs _section_cstart, $3  }
0xcb: {  	[dreg:$0x1] =	wrdreg $0xFFFFFFFF  }
0xcc: {  	_ =	task.clear_ibuf [dreg:s10], $0x2FFFF;
	_ =	strace $0x9FFFFFFF  }
0xcd: {  	(tm) =	ssettm $0x7FFFFFFF  }
tec
execute0_lowered:
.L_overlay_start_1:
0x0: {  	(tag) =	ssettag $0x1  }
0x1: {  	s0 =	rddreg [dreg:$0x0]  }
0x2: {  	s3 =	rddreg [dreg:$0x1]  }
0x3: {  	s6 =	rddreg [dreg:$0x2]  }
0x4: {  	s7 =	rddreg [dreg:$0x3]  }
0x5: {  	s11 =	rddreg [dreg:$0x4]  }
0x6: {  	s1 =	rddreg [dreg:$0x5];
	s2 =	simm.s32 $0x0;
	s5 =	srdreg.scid  }
0x7: {  	s24 =	stileid.u32;
	s30 =	simm.s32 $0x18200;
	s31 =	simm.s32 $0x7  }
0x8: {  	s29 =	simm.s32 $0x5;
	[smem:$0x7FF] =	sst s2;
	s4 =	sadd.s32 $0x5400, s0  }
0x9: {  	s12 =	sand.u32 $0x1, s5;
	s5 =	sadd.s32 $0x2C600, s0;
	s13 =	smul.u32 $0x280, s24  }
0xa: {  	s9 =	sadd.s32 $0x53800, s0;
	s10 =	smul.u32 $0x50000, s24;
	s0 =	sadd.s32 $0x7B800, s0  }
0xb: {  	s14 =	smul.u32 $0x4F00, s24;
	_ =	strace $0x8000004A;
	[dreg:$0x7] =	wrdreg s9  }
0xc: {  	s8 =	ssub.s32 $0x2, s12;
	[dreg:$0x8] =	wrdreg s0;
	p0 =	sne.s32 s12, $0x0  }
0xd: {  	s17 =	sshrl.u32 s8, $0x1;
	s18 =	sshrl.u32 s10, $0x2;
	s21 =	sadd.s32 $0x80, s13  }
0xe: {  	s22 =	sadd.s32 $0x100, s13;
	s14 =	sshrl.u32 s14, $0x3;
	s0 =	ssub.s32 s8, s17  }
0xf: {  	s28 =	sadd.s32 s18, s1;
	s19 =	sshll.u32 s21, $0x7;
	s20 =	sshll.u32 s22, $0x7  }
0x10: {  	s8 =	sadd.s32 s7, s14;
	s18 =	smul.u32 $0x9E0, s24;
	s25 =	sadd.s32 s11, s14  }
0x11: {  	s26 =	sadd.s32 s3, s14;
	s14 =	sadd.s32 s6, s14;
	[dreg:$0xb] =	wrdreg s25  }
0x12: {  	s23 =	sadd.s32 s19, s1;
	s10 =	sadd.s32 s20, s1;
	[dreg:$0xd] =	wrdreg s14  }
0x13: {  	s14 =	sshll.u32 s22, $0x4;
	s0 =	smax.u32 s0, $0x1;
	[dreg:$0xa] =	wrdreg s8  }
0x14: {  	s25 =	smul.u32 $0x2800, s24;
	[dreg:$0xc] =	wrdreg s26;
	s26 =	sadd.s32 $0x10, s26  }
0x15: {  	[dreg:$0x9] =	wrdreg s23;
	s23 =	sadd.s32 $0x180, s13;
	s15 =	sadd.s32 s18, s11  }
0x16: {  	s16 =	sadd.s32 s18, s7;
	s17 =	sadd.s32 s18, s6;
	[dreg:$0xf] =	wrdreg s14  }
0x17: {  	s18 =	sadd.s32 s18, s3;
	s11 =	sadd.s32 $0x200, s13;
	[dreg:$0x12] =	wrdreg s0  }
0x18: {  	s13 =	sshll.u32 s21, $0x4;
	[dreg:$0x15] =	wrdreg s26;
	s0 =	simm.s32 $0x14000  }
0x19: {  	s3 =	simm.s32 $0x80;
	s6 =	simm.s32 $0x14200;
	s14 =	simm.s32 $0x4  }
0x1a: {  	s26 =	simm.s32 $0x1;
	s7 =	sshll.u32 s23, $0x7;
	s12 =	sshll.u32 s11, $0x7  }
0x1b: {  	[dreg:$0xe] =	wrdreg s13;
	s21 =	sshll.u32 s23, $0x4;
	s22 =	sshll.u32 s11, $0x4  }
.Ltmp0:
0x1c: {  	s23 =	sadd.s32 $0x10, s8;
	[dreg:$0x14] =	wrdreg s25;
	(pc) =	sbr.rel .LBB2_1-.Ltmp0, $4  }
0x1d: {  	s11 =	simm.s32 $0x14180;
	s13 =	simm.s32 $0x3;
	[dreg:$0x10] =	wrdreg s21  }
0x1e: {  	s19 =	sadd.s32 s7, s1;
	s20 =	sadd.s32 s12, s1;
	[dreg:$0x11] =	wrdreg s22  }
0x1f: {  	[dreg:$0x13] =	wrdreg s23;
	s7 =	simm.s32 $0x14080;
	s12 =	simm.s32 $0x14100  }
0x20: {  	v0 =	vimm.f32 $0.0e+00;
	s21 =	simm.s32 $0x2;
	s22 =	simm.s32 $0x6;
	s23 =	simm.s32 $0x0  }
.LBB2_9:
0x21: {  	[sflag:s31] =	ssyncadd.s32 $0xFFFFC000;
	s24 =	rddreg [dreg:$0x8];
	s28 =	smov.u32 s9  }
.LBB2_10:
0x22: {  	_ =	swait.ge [sflag:s26], $0x4000  }
0x23: {  	[sflag:s26] =	ssyncset.done $0x0  }
0x24: {  	[sflag:s26] =	ssyncadd.s32 $0xFFFFC000  }
0x25: {  	_ =	swait.ge [sflag:s14], $0x80  }
0x26: {  	[sflag:s14] =	ssyncset.done $0x0  }
0x27: {  	[sflag:s14] =	ssyncadd.s32 $0xFFFFFF80  }
0x28: {  	_ =	swait.ge [sflag:s29], $0x80  }
0x29: {  	[sflag:s29] =	ssyncset.done $0x0  }
0x2a: {  	[sflag:s29] =	ssyncadd.s32 $0xFFFFFF80  }
0x2b: {  	[bflag:$0x0] =	sbarrier.arrive $0xFFFF  }
0x2c: {  	[tilespmem:s6], [sflag:$0x7] =	stream.linear.gather [spmem:s28], $0x4000, $0x38;
	[tilespmem:$0x1C200] =	vst v63  }
0x2d: {  	_ =	swait.ge [sflag:s31], $0x4000  }
0x2e: {  	[sflag:s31] =	ssyncset.done $0x0;
	s8 =	rddreg [dreg:$0x14]  }
0x2f: {  	s8 =	sadd.s32 s24, s8;
	[sflag:s31] =	ssyncadd.s32 $0xFFFFC000  }
0x30: {  	[hbm4b:s8+s2] =	stream.linear.scatter [tilespmem:s6], [sflag:$0x7], $0x4000, $0x38;
	[tilespmem:$0x1C200] =	vst v63  }
0x31: {  	_ =	swait.ge [sflag:s31], $0x4000  }
0x32: {  	[sflag:s31] =	ssyncset.done $0x0  }
0x33: {  	s9 =	rddreg [dreg:$0x9];
	[sflag:s31] =	ssyncadd.s32 $0xFFFFC000  }
0x34: {  	[tilespmem:s6], [sflag:$0x7] =	stream.linear.gather [spmem:s9], $0x4000, $0x38;
	[tilespmem:$0x1C200] =	vst v63  }
0x35: {  	_ =	swait.ge [sflag:s31], $0x4000  }
0x36: {  	[sflag:s31] =	ssyncset.done $0x0;
	s25 =	rddreg [dreg:$0xe]  }
0x37: {  	s8 =	sadd.s32 s24, s25;
	[sflag:s31] =	ssyncadd.s32 $0xFFFFC000  }
0x38: {  	[hbm4b:s8+s2] =	stream.linear.scatter [tilespmem:s6], [sflag:$0x7], $0x4000, $0x38;
	[tilespmem:$0x1C200] =	vst v63  }
0x39: {  	_ =	swait.ge [sflag:s31], $0x4000  }
0x3a: {  	[sflag:s31] =	ssyncset.done $0x0  }
0x3b: {  	[sflag:s31] =	ssyncadd.s32 $0xFFFFC000  }
0x3c: {  	[tilespmem:s6], [sflag:$0x7] =	stream.linear.gather [spmem:s10], $0x4000, $0x38;
	[tilespmem:$0x1C200] =	vst v63  }
0x3d: {  	_ =	swait.ge [sflag:s31], $0x4000  }
0x3e: {  	[sflag:s31] =	ssyncset.done $0x0;
	s9 =	rddreg [dreg:$0xf]  }
0x3f: {  	s8 =	sadd.s32 s24, s9;
	[sflag:s31] =	ssyncadd.s32 $0xFFFFC000  }
0x40: {  	[hbm4b:s8+s2] =	stream.linear.scatter [tilespmem:s6], [sflag:$0x7], $0x4000, $0x38;
	[tilespmem:$0x1C200] =	vst v63  }
0x41: {  	_ =	swait.ge [sflag:s31], $0x4000  }
0x42: {  	[sflag:s31] =	ssyncset.done $0x0  }
0x43: {  	[sflag:s31] =	ssyncadd.s32 $0xFFFFC000  }
0x44: {  	[tilespmem:s6], [sflag:$0x7] =	stream.linear.gather [spmem:s19], $0x4000, $0x38;
	[tilespmem:$0x1C200] =	vst v63  }
0x45: {  	_ =	swait.ge [sflag:s31], $0x4000  }
0x46: {  	[sflag:s31] =	ssyncset.done $0x0;
	s25 =	rddreg [dreg:$0x10]  }
0x47: {  	s8 =	sadd.s32 s24, s25;
	[sflag:s31] =	ssyncadd.s32 $0xFFFFC000  }
0x48: {  	[hbm4b:s8+s2] =	stream.linear.scatter [tilespmem:s6], [sflag:$0x7], $0x4000, $0x38;
	[tilespmem:$0x1C200] =	vst v63  }
0x49: {  	_ =	swait.ge [sflag:s31], $0x4000  }
0x4a: {  	[sflag:s31] =	ssyncset.done $0x0  }
0x4b: {  	[sflag:s31] =	ssyncadd.s32 $0xFFFFC000  }
0x4c: {  	[tilespmem:s6], [sflag:$0x7] =	stream.linear.gather [spmem:s20], $0x4000, $0x38;
	[tilespmem:$0x1C200] =	vst v63  }
0x4d: {  	_ =	swait.ge [sflag:s31], $0x4000  }
0x4e: {  	[sflag:s31] =	ssyncset.done $0x0;
	s9 =	rddreg [dreg:$0x11]  }
0x4f: {  	s8 =	sadd.s32 s24, s9;
	[sflag:s31] =	ssyncadd.s32 $0xFFFFC000  }
0x50: {  	[hbm4b:s8+s2] =	stream.linear.scatter [tilespmem:s6], [sflag:$0x7], $0x4000, $0x38;
	[tilespmem:$0x1C200] =	vst v63  }
0x51: {  	_ =	swait.ge [sflag:s31], $0x4000  }
0x52: {  	s23 =	sadd.s32 $0x1, s23;
	s25 =	rddreg [dreg:$0x12]  }
0x53: {  	p1 =	sne.s32 s23, s25  }
.Ltmp1:
0x54: {  	_ = 	snop;
	(pc) =	sbr.rel @!p1 .LBB2_11-.Ltmp1, $3  }
0x55: {  	_ =	sdelay $0x1  }
0x56: {  	[sflag:s31] =	ssyncset.done $0x0  }
0x57: {  	[sflag:s31] =	ssyncadd.s32 $0xFFFFC000  }
.LBB2_1:
0x58: {  	s24 =	simm.s32 $0x0;
	s25 =	simm.s32 $0x200  }
.LBB2_2:
0x59: {  	p1 =	sne.s32 s25, $0xFE00;
	[tilespmem:s24+$0x18270] =	vst v0  }
0x5a: {  	[tilespmem:s24+$0x18200] =	vst v0  }
0x5b: {  	[tilespmem:s24+$0x18210] =	vst v0  }
.Ltmp2:
0x5c: {  	[tilespmem:s24+$0x18220] =	vst v0;
	(pc) =	sbr.rel @p1 .LBB2_2-.Ltmp2, $4  }
0x5d: {  	[tilespmem:s24+$0x18230] =	vst v0  }
0x5e: {  	[tilespmem:s24+$0x18240] =	vst v0  }
0x5f: {  	[tilespmem:s24+$0x18250] =	vst v0  }
0x60: {  	[tilespmem:s24+$0x18260] =	vst v0;
	s24 =	sshra.s32 s25, $0x2;
	s25 =	sadd.s32 $0x200, s25  }
0x61: {  	[tilespmem:s24+$0x18270] =	vst v0  }
0x62: {  	[tilespmem:s24+$0x18200] =	vst v0  }
0x63: {  	[tilespmem:s24+$0x18210] =	vst v0  }
0x64: {  	[tilespmem:s24+$0x18220] =	vst v0  }
0x65: {  	[tilespmem:s24+$0x18230] =	vst v0  }
0x66: {  	[tilespmem:s24+$0x18240] =	vst v0  }
0x67: {  	[tilespmem:s24+$0x18250] =	vst v0  }
0x68: {  	[tilespmem:s24+$0x18260] =	vst v0  }
0x69: {  	[spmem:s28] =	stream.linear.scatter [tilespmem:s30], [sflag:$0x7], $0x4000, $0x38;
	[tilespmem:$0x1C200] =	vst v63  }
0x6a: {  	_ =	swait.ge [sflag:s31], $0x4000  }
0x6b: {  	[sflag:s31] =	ssyncset.done $0x0  }
0x6c: {  	s8 =	rddreg [dreg:$0x9];
	[sflag:s31] =	ssyncadd.s32 $0xFFFFC000  }
0x6d: {  	[spmem:s8] =	stream.linear.scatter [tilespmem:s30], [sflag:$0x7], $0x4000, $0x38;
	[tilespmem:$0x1C200] =	vst v63  }
0x6e: {  	_ =	swait.ge [sflag:s31], $0x4000  }
0x6f: {  	[sflag:s31] =	ssyncset.done $0x0  }
0x70: {  	[sflag:s31] =	ssyncadd.s32 $0xFFFFC000  }
0x71: {  	[spmem:s10] =	stream.linear.scatter [tilespmem:s30], [sflag:$0x7], $0x4000, $0x38;
	[tilespmem:$0x1C200] =	vst v63  }
0x72: {  	_ =	swait.ge [sflag:s31], $0x4000  }
0x73: {  	[sflag:s31] =	ssyncset.done $0x0  }
0x74: {  	[sflag:s31] =	ssyncadd.s32 $0xFFFFC000  }
0x75: {  	[spmem:s19] =	stream.linear.scatter [tilespmem:s30], [sflag:$0x7], $0x4000, $0x38;
	[tilespmem:$0x1C200] =	vst v63  }
0x76: {  	_ =	swait.ge [sflag:s31], $0x4000  }
0x77: {  	[sflag:s31] =	ssyncset.done $0x0  }
0x78: {  	[sflag:s31] =	ssyncadd.s32 $0xFFFFC000  }
0x79: {  	[spmem:s20] =	stream.linear.scatter [tilespmem:s30], [sflag:$0x7], $0x4000, $0x38;
	[tilespmem:$0x1C200] =	vst v63  }
.Ltmp3:
0x7a: {  	_ =	swait.ge [sflag:s31], $0x4000;
	(pc) =	sbr.rel @p0 .LBB2_7-.Ltmp3, $4  }
0x7b: {  	[sflag:s31] =	ssyncset.done $0x0  }
0x7c: {  	[sflag:s31] =	ssyncadd.s32 $0xFFFFC000  }
0x7d: {  	[bflag:$0x0] =	sbarrier.arrive $0xFFFF  }
0x7e: {  	s9 =	smov.u32 s28  }
0x7f: {  	s8 =	rddreg [dreg:$0xc]  }
0x80: {  	[tilespmem:s0], [sflag:$0x7] =	stream.linear.gather [hbm4b:s8+s2], $0x80, $0x38;
	[tilespmem:$0x1C200] =	vst v63  }
0x81: {  	_ =	swait.ge [sflag:s31], $0x80  }
0x82: {  	[sflag:s31] =	ssyncset.done $0x0  }
0x83: {  	[sflag:s31] =	ssyncadd.s32 $0xFFFFFF80  }
0x84: {  	[tilespmem:s6], [sflag:$0x1] =	stream.indirect.gather [hbm4b:s4+s3], $0x80, s0, s3, $0xb8;
	[tilespmem:$0x1C200] =	vst v63  }
0x85: {  	s25 =	rddreg [dreg:$0x15]  }
0x86: {  	[tilespmem:s7], [sflag:$0x4] =	stream.linear.gather [hbm4b:s25+s2], $0x80, $0x38;
	[tilespmem:$0x1C200] =	vst v63  }
0x87: {  	s28 =	rddreg [dreg:$0xd]  }
0x88: {  	[tilespmem:s12], [sflag:$0x5] =	stream.linear.gather [hbm4b:s28+s2], $0x80, $0x38;
	[tilespmem:$0x1C200] =	vst v63  }
0x89: {  	_ =	swait.ge [sflag:s14], $0x80  }
0x8a: {  	[sflag:s14] =	ssyncset.done $0x0  }
0x8b: {  	[sflag:s14] =	ssyncadd.s32 $0xFFFFFF80  }
0x8c: {  	_ =	swait.ge [sflag:s26], $0x4000  }
0x8d: {  	[sflag:s26] =	ssyncset.done $0x0  }
0x8e: {  	s24 =	sadd.s32 $0xFFFFF620, s18;
	[sflag:s26] =	ssyncadd.s32 $0xFFFFC000  }
0x8f: {  	[tilespmem:s30], [sflag:$0x2] =	stream.indirect.gather [hbm4b:s4+s3], $0x80, s7, s3, $0xb8;
	[tilespmem:$0x1C200] =	vst v63  }
0x90: {  	s25 =	sadd.s32 $0xA00, s24  }
0x91: {  	[tilespmem:s0], [sflag:$0x3] =	stream.linear.gather [hbm4b:s25+s2], $0x80, $0x38;
	[tilespmem:$0x1C200] =	vst v63  }
0x92: {  	_ =	swait.ge [sflag:s29], $0x80  }
0x93: {  	s8 =	sadd.s32 $0xFFFFF620, s17;
	[sflag:s29] =	ssyncset.done $0x0  }
0x94: {  	s28 =	sadd.s32 $0x9F0, s8;
	[sflag:s29] =	ssyncadd.s32 $0xFFFFFF80  }
0x95: {  	[tilespmem:s11], [sflag:$0x6] =	stream.linear.gather [hbm4b:s28+s2], $0x80, $0x38;
	[tilespmem:$0x1C200] =	vst v63  }
0x96: {  	_ = 	snop  }
0x97: {  	[spmem:s1] =	stream.indirect.scatter.add.f32 [tilespmem:s6], [sflag:$0x7], $0x80, s12, s3, $0xb8;
	[tilespmem:$0x1C200] =	vst v63  }
0x98: {  	_ =	swait.ge [sflag:s31], $0x4000  }
0x99: {  	[sflag:s31] =	ssyncset.done $0x0  }
0x9a: {  	[sflag:s31] =	ssyncadd.s32 $0xFFFFC000  }
0x9b: {  	_ =	swait.ge [sflag:s13], $0x80  }
0x9c: {  	[sflag:s13] =	ssyncset.done $0x0  }
0x9d: {  	[sflag:s13] =	ssyncadd.s32 $0xFFFFFF80  }
0x9e: {  	_ =	swait.ge [sflag:s21], $0x4000  }
0x9f: {  	[sflag:s21] =	ssyncset.done $0x0  }
0xa0: {  	[sflag:s21] =	ssyncadd.s32 $0xFFFFC000  }
0xa1: {  	[tilespmem:s6], [sflag:$0x1] =	stream.indirect.gather [hbm4b:s4+s3], $0x80, s0, s3, $0xb8;
	[tilespmem:$0x1C200] =	vst v63  }
0xa2: {  	s24 =	sadd.s32 $0xA10, s24  }
0xa3: {  	[tilespmem:s7], [sflag:$0x4] =	stream.linear.gather [hbm4b:s24+s2], $0x80, $0x38;
	[tilespmem:$0x1C200] =	vst v63  }
0xa4: {  	_ =	swait.ge [sflag:s22], $0x80  }
0xa5: {  	[sflag:s22] =	ssyncset.done $0x0  }
0xa6: {  	s28 =	sadd.s32 $0xA00, s8;
	[sflag:s22] =	ssyncadd.s32 $0xFFFFFF80  }
0xa7: {  	[tilespmem:s12], [sflag:$0x5] =	stream.linear.gather [hbm4b:s28+s2], $0x80, $0x38;
	[tilespmem:$0x1C200] =	vst v63  }
0xa8: {  	_ = 	snop  }
0xa9: {  	[spmem:s1] =	stream.indirect.scatter.add.f32 [tilespmem:s30], [sflag:$0x7], $0x80, s11, s3, $0xb8;
	[tilespmem:$0x1C200] =	vst v63  }
0xaa: {  	_ =	swait.ge [sflag:s31], $0x4000  }
0xab: {  	s24 =	simm.s32 $0xFFFFF640;
	[sflag:s31] =	ssyncset.done $0x0  }
.LBB2_5:
0xac: {  	p1 =	seq.s32 s24, $0xFFFFFFE0  }
0xad: {  	[sflag:s31] =	ssyncadd.s32 $0xFFFFC000;
	s25 =	smov.u32 s24;
	s24 =	sadd.s32 $0x20, s24  }
0xae: {  	_ = 	snop  }
0xaf: {  	_ =	swait.ge [sflag:s14], $0x80  }
0xb0: {  	[sflag:s14] =	ssyncset.done $0x0  }
0xb1: {  	[sflag:s14] =	ssyncadd.s32 $0xFFFFFF80  }
0xb2: {  	_ =	swait.ge [sflag:s26], $0x4000  }
0xb3: {  	[sflag:s26] =	ssyncset.done $0x0  }
0xb4: {  	s28 =	sadd.s32 s25, s18;
	[sflag:s26] =	ssyncadd.s32 $0xFFFFC000  }
0xb5: {  	[tilespmem:s30], [sflag:$0x2] =	stream.indirect.gather [hbm4b:s4+s3], $0x80, s7, s3, $0xb8;
	[tilespmem:$0x1C200] =	vst v63  }
0xb6: {  	s8 =	sadd.s32 $0xA00, s28  }
0xb7: {  	[tilespmem:s0], [sflag:$0x3] =	stream.linear.gather [hbm4b:s8+s2], $0x80, $0x38;
	[tilespmem:$0x1C200] =	vst v63  }
0xb8: {  	_ =	swait.ge [sflag:s29], $0x80  }
0xb9: {  	s8 =	sadd.s32 s25, s17;
	[sflag:s29] =	ssyncset.done $0x0  }
0xba: {  	s25 =	sadd.s32 $0x9F0, s8;
	[sflag:s29] =	ssyncadd.s32 $0xFFFFFF80  }
0xbb: {  	[tilespmem:s11], [sflag:$0x6] =	stream.linear.gather [hbm4b:s25+s2], $0x80, $0x38;
	[tilespmem:$0x1C200] =	vst v63  }
0xbc: {  	_ = 	snop  }
0xbd: {  	[spmem:s1] =	stream.indirect.scatter.add.f32 [tilespmem:s6], [sflag:$0x7], $0x80, s12, s3, $0xb8;
	[tilespmem:$0x1C200] =	vst v63  }
0xbe: {  	_ =	swait.ge [sflag:s31], $0x4000  }
0xbf: {  	[sflag:s31] =	ssyncset.done $0x0  }
0xc0: {  	[sflag:s31] =	ssyncadd.s32 $0xFFFFC000  }
0xc1: {  	_ =	swait.ge [sflag:s13], $0x80  }
0xc2: {  	[sflag:s13] =	ssyncset.done $0x0  }
0xc3: {  	[sflag:s13] =	ssyncadd.s32 $0xFFFFFF80  }
0xc4: {  	_ =	swait.ge [sflag:s21], $0x4000  }
0xc5: {  	[sflag:s21] =	ssyncset.done $0x0  }
0xc6: {  	[sflag:s21] =	ssyncadd.s32 $0xFFFFC000  }
0xc7: {  	[tilespmem:s6], [sflag:$0x1] =	stream.indirect.gather [hbm4b:s4+s3], $0x80, s0, s3, $0xb8;
	[tilespmem:$0x1C200] =	vst v63  }
0xc8: {  	s25 =	sadd.s32 $0xA10, s28  }
0xc9: {  	[tilespmem:s7], [sflag:$0x4] =	stream.linear.gather [hbm4b:s25+s2], $0x80, $0x38;
	[tilespmem:$0x1C200] =	vst v63  }
0xca: {  	_ =	swait.ge [sflag:s22], $0x80  }
0xcb: {  	[sflag:s22] =	ssyncset.done $0x0  }
0xcc: {  	s8 =	sadd.s32 $0xA00, s8;
	[sflag:s22] =	ssyncadd.s32 $0xFFFFFF80  }
0xcd: {  	[tilespmem:s12], [sflag:$0x5] =	stream.linear.gather [hbm4b:s8+s2], $0x80, $0x38;
	[tilespmem:$0x1C200] =	vst v63  }
.Ltmp4:
0xce: {  	_ = 	snop;
	(pc) =	sbr.rel @!p1 .LBB2_5-.Ltmp4, $4  }
0xcf: {  	_ = 	snop  }
0xd0: {  	[spmem:s1] =	stream.indirect.scatter.add.f32 [tilespmem:s30], [sflag:$0x7], $0x80, s11, s3, $0xb8;
	[tilespmem:$0x1C200] =	vst v63  }
0xd1: {  	_ =	swait.ge [sflag:s31], $0x4000  }
0xd2: {  	[sflag:s31] =	ssyncset.done $0x0  }
.Ltmp5:
0xd3: {  	(pc) =	sbr.rel .LBB2_10-.Ltmp5, $2  }
0xd4: {  	_ =	sdelay $0x2  }
0xd5: {  	[sflag:s31] =	ssyncadd.s32 $0xFFFFC000;
	s24 =	rddreg [dreg:$0x7];
	s28 =	smov.u32 s9  }
.LBB2_7:
0xd6: {  	s8 =	rddreg [dreg:$0xa]  }
0xd7: {  	[tilespmem:s0], [sflag:$0x7] =	stream.linear.gather [hbm4b:s8+s2], $0x80, $0x38;
	[tilespmem:$0x1C200] =	vst v63  }
0xd8: {  	_ =	swait.ge [sflag:s31], $0x80  }
0xd9: {  	[sflag:s31] =	ssyncset.done $0x0  }
0xda: {  	[sflag:s31] =	ssyncadd.s32 $0xFFFFFF80  }
0xdb: {  	[tilespmem:s6], [sflag:$0x1] =	stream.indirect.gather [hbm4b:s5+s3], $0x80, s0, s3, $0xb8;
	[tilespmem:$0x1C200] =	vst v63  }
0xdc: {  	s24 =	rddreg [dreg:$0x13]  }
0xdd: {  	[tilespmem:s7], [sflag:$0x4] =	stream.linear.gather [hbm4b:s24+s2], $0x80, $0x38;
	[tilespmem:$0x1C200] =	vst v63  }
0xde: {  	s25 =	rddreg [dreg:$0xb]  }
0xdf: {  	[tilespmem:s12], [sflag:$0x5] =	stream.linear.gather [hbm4b:s25+s2], $0x80, $0x38;
	[tilespmem:$0x1C200] =	vst v63  }
0xe0: {  	_ =	swait.ge [sflag:s14], $0x80  }
0xe1: {  	[sflag:s14] =	ssyncset.done $0x0  }
0xe2: {  	[sflag:s14] =	ssyncadd.s32 $0xFFFFFF80  }
0xe3: {  	_ =	swait.ge [sflag:s26], $0x4000  }
0xe4: {  	[sflag:s26] =	ssyncset.done $0x0  }
0xe5: {  	s8 =	sadd.s32 $0xFFFFF620, s16;
	[sflag:s26] =	ssyncadd.s32 $0xFFFFC000  }
0xe6: {  	[tilespmem:s30], [sflag:$0x2] =	stream.indirect.gather [hbm4b:s5+s3], $0x80, s7, s3, $0xb8;
	[tilespmem:$0x1C200] =	vst v63  }
0xe7: {  	s24 =	sadd.s32 $0xA00, s8  }
0xe8: {  	[tilespmem:s0], [sflag:$0x3] =	stream.linear.gather [hbm4b:s24+s2], $0x80, $0x38;
	[tilespmem:$0x1C200] =	vst v63  }
0xe9: {  	_ =	swait.ge [sflag:s29], $0x80  }
0xea: {  	s28 =	sadd.s32 $0xFFFFF620, s15;
	[sflag:s29] =	ssyncset.done $0x0  }
0xeb: {  	s25 =	sadd.s32 $0x9F0, s28;
	[sflag:s29] =	ssyncadd.s32 $0xFFFFFF80  }
0xec: {  	[tilespmem:s11], [sflag:$0x6] =	stream.linear.gather [hbm4b:s25+s2], $0x80, $0x38;
	[tilespmem:$0x1C200] =	vst v63  }
0xed: {  	_ = 	snop  }
0xee: {  	[spmem:s1] =	stream.indirect.scatter.add.f32 [tilespmem:s6], [sflag:$0x7], $0x80, s12, s3, $0xb8;
	[tilespmem:$0x1C200] =	vst v63  }
0xef: {  	_ =	swait.ge [sflag:s31], $0x4000  }
0xf0: {  	[sflag:s31] =	ssyncset.done $0x0  }
0xf1: {  	[sflag:s31] =	ssyncadd.s32 $0xFFFFC000  }
0xf2: {  	_ =	swait.ge [sflag:s13], $0x80  }
0xf3: {  	[sflag:s13] =	ssyncset.done $0x0  }
0xf4: {  	[sflag:s13] =	ssyncadd.s32 $0xFFFFFF80  }
0xf5: {  	_ =	swait.ge [sflag:s21], $0x4000  }
0xf6: {  	[sflag:s21] =	ssyncset.done $0x0  }
0xf7: {  	[sflag:s21] =	ssyncadd.s32 $0xFFFFC000  }
0xf8: {  	[tilespmem:s6], [sflag:$0x1] =	stream.indirect.gather [hbm4b:s5+s3], $0x80, s0, s3, $0xb8;
	[tilespmem:$0x1C200] =	vst v63  }
0xf9: {  	s8 =	sadd.s32 $0xA10, s8  }
0xfa: {  	[tilespmem:s7], [sflag:$0x4] =	stream.linear.gather [hbm4b:s8+s2], $0x80, $0x38;
	[tilespmem:$0x1C200] =	vst v63  }
0xfb: {  	_ =	swait.ge [sflag:s22], $0x80  }
0xfc: {  	[sflag:s22] =	ssyncset.done $0x0  }
0xfd: {  	s28 =	sadd.s32 $0xA00, s28;
	[sflag:s22] =	ssyncadd.s32 $0xFFFFFF80  }
0xfe: {  	[tilespmem:s12], [sflag:$0x5] =	stream.linear.gather [hbm4b:s28+s2], $0x80, $0x38;
	[tilespmem:$0x1C200] =	vst v63  }
0xff: {  	_ = 	snop  }
0x100: {  	[spmem:s1] =	stream.indirect.scatter.add.f32 [tilespmem:s30], [sflag:$0x7], $0x80, s11, s3, $0xb8;
	[tilespmem:$0x1C200] =	vst v63  }
0x101: {  	_ =	swait.ge [sflag:s31], $0x4000  }
0x102: {  	s24 =	simm.s32 $0xFFFFF640;
	[sflag:s31] =	ssyncset.done $0x0  }
.LBB2_8:
0x103: {  	p1 =	sne.s32 s24, $0xFFFFFFE0  }
0x104: {  	[sflag:s31] =	ssyncadd.s32 $0xFFFFC000;
	s8 =	smov.u32 s24;
	s24 =	sadd.s32 $0x20, s24  }
0x105: {  	_ = 	snop  }
0x106: {  	_ =	swait.ge [sflag:s14], $0x80  }
0x107: {  	[sflag:s14] =	ssyncset.done $0x0  }
0x108: {  	[sflag:s14] =	ssyncadd.s32 $0xFFFFFF80  }
0x109: {  	_ =	swait.ge [sflag:s26], $0x4000  }
0x10a: {  	[sflag:s26] =	ssyncset.done $0x0  }
0x10b: {  	s25 =	sadd.s32 s8, s16;
	[sflag:s26] =	ssyncadd.s32 $0xFFFFC000  }
0x10c: {  	[tilespmem:s30], [sflag:$0x2] =	stream.indirect.gather [hbm4b:s5+s3], $0x80, s7, s3, $0xb8;
	[tilespmem:$0x1C200] =	vst v63  }
0x10d: {  	s28 =	sadd.s32 $0xA00, s25  }
0x10e: {  	[tilespmem:s0], [sflag:$0x3] =	stream.linear.gather [hbm4b:s28+s2], $0x80, $0x38;
	[tilespmem:$0x1C200] =	vst v63  }
0x10f: {  	_ =	swait.ge [sflag:s29], $0x80  }
0x110: {  	s8 =	sadd.s32 s8, s15;
	[sflag:s29] =	ssyncset.done $0x0  }
0x111: {  	s28 =	sadd.s32 $0x9F0, s8;
	[sflag:s29] =	ssyncadd.s32 $0xFFFFFF80  }
0x112: {  	[tilespmem:s11], [sflag:$0x6] =	stream.linear.gather [hbm4b:s28+s2], $0x80, $0x38;
	[tilespmem:$0x1C200] =	vst v63  }
0x113: {  	_ = 	snop  }
0x114: {  	[spmem:s1] =	stream.indirect.scatter.add.f32 [tilespmem:s6], [sflag:$0x7], $0x80, s12, s3, $0xb8;
	[tilespmem:$0x1C200] =	vst v63  }
0x115: {  	_ =	swait.ge [sflag:s31], $0x4000  }
0x116: {  	[sflag:s31] =	ssyncset.done $0x0  }
0x117: {  	[sflag:s31] =	ssyncadd.s32 $0xFFFFC000  }
0x118: {  	_ =	swait.ge [sflag:s13], $0x80  }
0x119: {  	[sflag:s13] =	ssyncset.done $0x0  }
0x11a: {  	[sflag:s13] =	ssyncadd.s32 $0xFFFFFF80  }
0x11b: {  	_ =	swait.ge [sflag:s21], $0x4000  }
0x11c: {  	[sflag:s21] =	ssyncset.done $0x0  }
0x11d: {  	[sflag:s21] =	ssyncadd.s32 $0xFFFFC000  }
0x11e: {  	[tilespmem:s6], [sflag:$0x1] =	stream.indirect.gather [hbm4b:s5+s3], $0x80, s0, s3, $0xb8;
	[tilespmem:$0x1C200] =	vst v63  }
0x11f: {  	s25 =	sadd.s32 $0xA10, s25  }
0x120: {  	[tilespmem:s7], [sflag:$0x4] =	stream.linear.gather [hbm4b:s25+s2], $0x80, $0x38;
	[tilespmem:$0x1C200] =	vst v63  }
0x121: {  	_ =	swait.ge [sflag:s22], $0x80  }
0x122: {  	[sflag:s22] =	ssyncset.done $0x0  }
0x123: {  	s8 =	sadd.s32 $0xA00, s8;
	[sflag:s22] =	ssyncadd.s32 $0xFFFFFF80  }
0x124: {  	[tilespmem:s12], [sflag:$0x5] =	stream.linear.gather [hbm4b:s8+s2], $0x80, $0x38;
	[tilespmem:$0x1C200] =	vst v63  }
.Ltmp6:
0x125: {  	_ = 	snop;
	(pc) =	sbr.rel @p1 .LBB2_8-.Ltmp6, $4  }
0x126: {  	_ = 	snop  }
0x127: {  	[spmem:s1] =	stream.indirect.scatter.add.f32 [tilespmem:s30], [sflag:$0x7], $0x80, s11, s3, $0xb8;
	[tilespmem:$0x1C200] =	vst v63  }
0x128: {  	_ =	swait.ge [sflag:s31], $0x4000  }
0x129: {  	[sflag:s31] =	ssyncset.done $0x0  }
.Ltmp7:
0x12a: {  	_ = 	snop;
	(pc) =	sbr.rel .LBB2_9-.Ltmp7, $1  }
0x12b: {  	_ =	sdelay $0x3  }
.LBB2_11:
0x12c: {  	_ =	sfence.sel $0x180000  }
0x12d: {  	[bflag:$0x0] =	sbarrier.arrive $0xFFFF  }
0x12e: {  	_ =	strace $0x9000004A  }
0x12f: {  	s0 =	stileid.u32;
	[bflag:$0x2] =	sbarrier.arrive $0xFFFF  }
0x130: {  	p0 =	sne.s32 s0, $0x0;
	s0 =	rddreg [dreg:$0x6]  }
0x131: {  	s0 =	sadd.s32 @!p0 $0x100000, s0  }
0x132: {  	[sflag:s0] =	ssyncadd.tile.s32 @!p0 $0x1;
	_ =	shalt  }
.Lfunc_end2:
_tile_overlayer_lowered:
.L_overlay_start_2:
0x133: {  	(tag) =	ssettag $0x2  }
0x134: {  	s0 =	rddreg [dreg:$0x0];
	s2 =	stileid.u32  }
0x135: {  	s1 =	rddreg [dreg:$0x1];
	p0 =	sne.s32 s2, $0x0  }
0x136: {  	s3 =	rddreg [dreg:$0x2];
	[bflag:$0x3] =	sbarrier.arrive $0xFFFF;
	s2 =	simm.s32 @!p0 $0x1C07  }
0x137: {  	[timem:s3], [sflag:s2] =	dma.local @!p0 [hbm:s0], s1  }
0x138: {  	s0 =	simm.s32 @!p0 $0x7  }
0x139: {  	_ =	swait.ge @!p0 [sflag:s0], s1  }
0x13a: {  	s1 =	ssub.s32 @!p0 $0x0, s1;
	[sflag:s0] =	ssyncset.done @!p0 $0x0  }
0x13b: {  	[sflag:s0] =	ssyncadd.s32 @!p0 s1  }
0x13c: {  	[bflag:$0x3] =	sbarrier.arrive $0xFFFF  }
0x13d: {  	_ =	shalt  }

</sc_bundles>
